<compile_context>
chip_gen: v7x
topology: tpu7x:2x2x1
jax: 0.10.2.dev20260603
libtpu: 0.0.44.dev20260713+nightly
codegen_flags: <defaults>
</compile_context>

<pallas_src>
import jax
import jax.numpy as jnp
from jax import lax
from jax.experimental import pallas as pl
from jax.experimental.pallas import tpu as pltpu
from jax.experimental.pallas import tpu_sc as plsc

N_NODES = 50000
N_LINKS = 1600000
NPAD = 50176
CHUNK = 2000
NCHUNKS = N_LINKS // CHUNK
PCHUNK = 1600
PNCHUNKS = N_LINKS // PCHUNK
NW = 32
STRIPE = NPAD // 16

WATER_DENSITY = 1000.0
ICE_DENSITY = 917.0
GRAVITY = 9.81
SEC_PER_A = 31556926.0
SHEET_CONDUCTIVITY = 0.01
CHANNEL_CONDUCTIVITY = 0.1
BEDROCK_STEP_HEIGHT = 0.1
CAVITY_SPACING = 2.0
CLOSURE_COEFF = 5e-25
HEAT_COEFF = -(7.5e-08 * 4220.0 * 1000.0)

f32 = jnp.float32
i32 = jnp.int32

_mesh = plsc.VectorSubcoreMesh(
    core_axis_name="c", subcore_axis_name="s", num_cores=2, num_subcores=16)

_sc_params = pltpu.CompilerParams(needs_layout_passes=False)


def _rsqrt(x):
    bits = plsc.bitcast(x, i32)
    y = plsc.bitcast(jnp.int32(0x5F3759DF) - lax.shift_right_arithmetic(bits, 1), f32)
    for _ in range(3):
        y = y * (1.5 - 0.5 * x * y * y)
    return y


def _rsqrt2(x):
    bits = plsc.bitcast(x, i32)
    y = plsc.bitcast(jnp.int32(0x5F3759DF) - lax.shift_right_arithmetic(bits, 1), f32)
    for _ in range(2):
        y = y * (1.5 - 0.5 * x * y * y)
    return y



def _phase1_body(head_hbm, tail_hbm, sl_hbm, bed_hbm,
                 dpart_hbm, spart_hbm, dbase_hbm,
                 base_v, idx2a, slba, val2a, sv2a, dbba,
                 idx2b, slbb, val2b, sv2b, dbbb, zb,
                 dsh, ssh, insem, outsem, scsem1, scsem2):
    cid = lax.axis_index("c")
    sid = lax.axis_index("s")
    wid = sid * 2 + cid

    pltpu.sync_copy(bed_hbm, base_v)

    def scale(i, carry):
        sl_ = pl.ds(i * 16, 16)
        base_v[sl_] = base_v[sl_] * (WATER_DENSITY * GRAVITY)
        return carry
    lax.fori_loop(0, NPAD // 16, scale, 0)

    def zero(i, carry):
        zb[pl.ds(i * 16, 16)] = jnp.zeros((16,), f32)
        return carry
    lax.fori_loop(0, STRIPE // 16, zero, 0)
    pltpu.sync_copy(zb, dsh.at[pl.ds(sid * STRIPE, STRIPE)])
    pltpu.sync_copy(zb, ssh.at[pl.ds(sid * STRIPE, STRIPE)])
    plsc.subcore_barrier()

    trip = (NCHUNKS - wid + NW - 1) // NW

    def issue_inputs(t, idx2, slb):
        l0 = (wid + t * NW) * CHUNK
        pltpu.async_copy(head_hbm.at[pl.ds(l0, CHUNK)], idx2.at[pl.ds(0, CHUNK)], insem)
        pltpu.async_copy(tail_hbm.at[pl.ds(l0, CHUNK)], idx2.at[pl.ds(CHUNK, CHUNK)], insem)
        pltpu.async_copy(sl_hbm.at[pl.ds(l0, CHUNK)], slb, insem)

    def drain_inputs(idx2, slb):
        pltpu.make_async_copy(head_hbm.at[pl.ds(0, CHUNK)], idx2.at[pl.ds(0, CHUNK)], insem).wait()
        pltpu.make_async_copy(tail_hbm.at[pl.ds(0, CHUNK)], idx2.at[pl.ds(CHUNK, CHUNK)], insem).wait()
        pltpu.make_async_copy(sl_hbm.at[pl.ds(0, CHUNK)], slb, insem).wait()

    def drain_outputs(idx2, val2, sv2, dbb):
        pltpu.make_async_copy(dbb, dbase_hbm.at[pl.ds(0, CHUNK)], outsem).wait()
        pltpu.make_async_copy(val2, dsh.at[idx2], scsem1).wait()
        pltpu.make_async_copy(sv2, ssh.at[idx2], scsem2).wait()

    def do_iter(t, cur, oth):
        idx2, slb, val2, sv2, dbb = cur
        l0 = (wid + t * NW) * CHUNK
        drain_inputs(idx2, slb)

        @plsc.parallel_loop(0, CHUNK, 16, unroll=8)
        def step(i):
            cs_ = pl.ds(i, 16)
            ct_ = pl.ds(CHUNK + i, 16)
            hh = idx2[cs_]
            tt = idx2[ct_]
            slv = slb[cs_]
            bh = plsc.load_gather(base_v, [hh])
            bt = plsc.load_gather(base_v, [tt])
            val2[cs_] = jnp.where(bt < bh, f32(4097.0), f32(1.0))
            val2[ct_] = jnp.where(bh < bt, f32(4097.0), f32(1.0))
            sv = jnp.abs(slv) * (1.0 / SEC_PER_A)
            sv2[cs_] = sv
            sv2[ct_] = sv
            dbb[cs_] = bh - bt

        @pl.when(t >= 1)
        def _():
            drain_outputs(oth[0], oth[2], oth[3], oth[4])
        pltpu.async_copy(dbb, dbase_hbm.at[pl.ds(l0, CHUNK)], outsem)
        pltpu.async_copy(val2, dsh.at[idx2], scsem1, add=True)
        pltpu.async_copy(sv2, ssh.at[idx2], scsem2, add=True)

        @pl.when(t + 1 < trip)
        def _():
            issue_inputs(t + 1, oth[0], oth[1])

    bufa = (idx2a, slba, val2a, sv2a, dbba)
    bufb = (idx2b, slbb, val2b, sv2b, dbbb)

    issue_inputs(0, idx2a, slba)

    def chunk(t, carry):
        even = lax.rem(t, 2) == 0

        @pl.when(even)
        def _():
            do_iter(t, bufa, bufb)

        @pl.when(jnp.logical_not(even))
        def _():
            do_iter(t, bufb, bufa)
        return carry
    lax.fori_loop(0, trip, chunk, 0)

    @pl.when(lax.rem(trip - 1, 2) == 0)
    def _():
        drain_outputs(idx2a, val2a, sv2a, dbba)

    @pl.when(lax.rem(trip - 1, 2) == 1)
    def _():
        drain_outputs(idx2b, val2b, sv2b, dbbb)

    plsc.subcore_barrier()

    @pl.when(sid == 0)
    def _():
        pltpu.sync_copy(dsh, dpart_hbm.at[cid])
        pltpu.sync_copy(ssh, spart_hbm.at[cid])


_phase1 = pl.kernel(
    _phase1_body,
    out_type=(
        jax.ShapeDtypeStruct((2, NPAD), f32),
        jax.ShapeDtypeStruct((2, NPAD), f32),
        jax.ShapeDtypeStruct((N_LINKS,), f32),
    ),
    mesh=_mesh,
    scratch_types=[
        pltpu.VMEM((NPAD,), f32),
        pltpu.VMEM((2 * CHUNK,), i32),
        pltpu.VMEM((CHUNK,), f32),
        pltpu.VMEM((2 * CHUNK,), f32),
        pltpu.VMEM((2 * CHUNK,), f32),
        pltpu.VMEM((CHUNK,), f32),
        pltpu.VMEM((2 * CHUNK,), i32),
        pltpu.VMEM((CHUNK,), f32),
        pltpu.VMEM((2 * CHUNK,), f32),
        pltpu.VMEM((2 * CHUNK,), f32),
        pltpu.VMEM((CHUNK,), f32),
        pltpu.VMEM((STRIPE,), f32),
        pltpu.VMEM_SHARED((NPAD,), f32),
        pltpu.VMEM_SHARED((NPAD,), f32),
        pltpu.SemaphoreType.DMA,
        pltpu.SemaphoreType.DMA,
        pltpu.SemaphoreType.DMA,
        pltpu.SemaphoreType.DMA,
    ],
    compiler_params=_sc_params,
)



def _phase2_body(d_ref, s_ref, p_ref, sh_ref, bed_ref, ice_ref, st_ref,
                 open_ref, scl_ref, ptag_ref, bpk_ref):
    D = d_ref[0] + d_ref[1]
    S = s_ref[0] + s_ref[1]
    inds = jnp.floor(D * (1.0 / 4096.0))
    counts = D - 4096.0 * inds
    p = p_ref[...]
    s = sh_ref[...]
    tag = jnp.logical_and(st_ref[...] > 0, D >= 4096.0)
    sliding_node = S / jnp.maximum(counts, 1.0)
    open_ref[...] = jnp.where(
        s < BEDROCK_STEP_HEIGHT,
        sliding_node * (BEDROCK_STEP_HEIGHT - s) * (1.0 / CAVITY_SPACING), 0.0)
    base = f32(WATER_DENSITY * GRAVITY) * bed_ref[...]
    ovb = base + f32(ICE_DENSITY * GRAVITY) * ice_ref[...]
    neff = ovb - p
    rn = jnp.maximum(neff, 0.0)
    scl_ref[...] = f32(CLOSURE_COEFF) * s * (rn * rn * rn)
    pbits = lax.bitcast_convert_type(p, i32)
    ptag_ref[...] = lax.bitcast_convert_type(
        (pbits & jnp.int32(-2)) | tag.astype(i32), f32)
    s16 = lax.bitcast_convert_type(s.astype(jnp.bfloat16), jnp.uint16).astype(i32)
    n16 = lax.bitcast_convert_type(neff.astype(jnp.bfloat16), jnp.uint16).astype(i32)
    bpk_ref[...] = lax.shift_left(n16, 16) | s16


_NSHAPE = (NPAD // 128, 128)


def _phase2(dpart, spart, p2, s2, bed2, ice2, st2):
    return pl.pallas_call(
        _phase2_body,
        out_shape=(
            jax.ShapeDtypeStruct(_NSHAPE, f32),
            jax.ShapeDtypeStruct(_NSHAPE, f32),
            jax.ShapeDtypeStruct(_NSHAPE, f32),
            jax.ShapeDtypeStruct(_NSHAPE, i32),
        ),
    )(dpart, spart, p2, s2, bed2, ice2, st2)



def _phase3_body(head_hbm, tail_hbm, cs_hbm, len_hbm, db_hbm, ptag_hbm, bpk_hbm,
                 diss_hbm, sens_hbm, ccl_hbm,
                 ptag_v, bpk_v,
                 headba, tailba, csba, lenba, dbba, doba, soba, coba,
                 headbb, tailbb, csbb, lenbb, dbbb, dobb, sobb, cobb,
                 insem, outsem):
    cid = lax.axis_index("c")
    sid = lax.axis_index("s")
    wid = sid * 2 + cid

    pltpu.sync_copy(ptag_hbm, ptag_v)
    pltpu.sync_copy(bpk_hbm, bpk_v)

    trip = (PNCHUNKS - wid + NW - 1) // NW

    def issue_ins(t, bufs):
        headb, tailb, csb, lenb, dbb = bufs[:5]
        l0 = (wid + t * NW) * PCHUNK
        pltpu.async_copy(head_hbm.at[pl.ds(l0, PCHUNK)], headb, insem)
        pltpu.async_copy(tail_hbm.at[pl.ds(l0, PCHUNK)], tailb, insem)
        pltpu.async_copy(cs_hbm.at[pl.ds(l0, PCHUNK)], csb, insem)
        pltpu.async_copy(len_hbm.at[pl.ds(l0, PCHUNK)], lenb, insem)
        pltpu.async_copy(db_hbm.at[pl.ds(l0, PCHUNK)], dbb, insem)

    def drain_ins(bufs):
        headb, tailb, csb, lenb, dbb = bufs[:5]
        pltpu.make_async_copy(head_hbm.at[pl.ds(0, PCHUNK)], headb, insem).wait()
        pltpu.make_async_copy(tail_hbm.at[pl.ds(0, PCHUNK)], tailb, insem).wait()
        pltpu.make_async_copy(cs_hbm.at[pl.ds(0, PCHUNK)], csb, insem).wait()
        pltpu.make_async_copy(len_hbm.at[pl.ds(0, PCHUNK)], lenb, insem).wait()
        pltpu.make_async_copy(db_hbm.at[pl.ds(0, PCHUNK)], dbb, insem).wait()

    def drain_outs(bufs):
        dob, sob, cob = bufs[5:]
        pltpu.make_async_copy(dob, diss_hbm.at[pl.ds(0, PCHUNK)], outsem).wait()
        pltpu.make_async_copy(sob, sens_hbm.at[pl.ds(0, PCHUNK)], outsem).wait()
        pltpu.make_async_copy(cob, ccl_hbm.at[pl.ds(0, PCHUNK)], outsem).wait()

    def do_iter(t, cur, oth):
        headb, tailb, csb, lenb, dbb, dob, sob, cob = cur
        l0 = (wid + t * NW) * PCHUNK
        drain_ins(cur)

        @plsc.parallel_loop(0, PCHUNK, 16, unroll=8)
        def step(i):
            cs_ = pl.ds(i, 16)
            hh = headb[cs_]
            tt = tailb[cs_]
            ph = plsc.load_gather(ptag_v, [hh])
            pt = plsc.load_gather(ptag_v, [tt])
            bh = plsc.load_gather(bpk_v, [hh])
            bt = plsc.load_gather(bpk_v, [tt])
            phb = plsc.bitcast(ph, i32)
            ptb = plsc.bitcast(pt, i32)
            okm = ((phb | ptb) & 1) == 0
            lenv = lenb[cs_]
            csv = csb[cs_]
            dbv = dbb[cs_]
            rl = 1.0 / lenv
            dp = ph - pt
            g = jnp.where(okm, dp * rl, f32(0.0))
            s_h = plsc.bitcast(lax.shift_left(bh, 16), f32)
            s_t = plsc.bitcast(lax.shift_left(bt, 16), f32)
            ne_h = plsc.bitcast(bh & jnp.int32(-65536), f32)
            ne_t = plsc.bitcast(bt & jnp.int32(-65536), f32)
            h = 0.5 * (s_h + s_t)
            absg = jnp.abs(g)
            rg = _rsqrt2(absg)
            rh = _rsqrt2(h)
            sqh = h * rh
            rq = _rsqrt2(sqh)
            h125 = h * (sqh * rq)
            sheet_q = ((-SHEET_CONDUCTIVITY) * h125 * rg) * g
            chan_q = ((-CHANNEL_CONDUCTIVITY) * (csv * csv * csv)) * g
            dob[cs_] = jnp.abs(CAVITY_SPACING * sheet_q * g) + jnp.abs(chan_q * g)
            pgrad = jnp.where(okm, (dp - dbv) * rl, f32(0.0))
            tq = jnp.where((csv > 0.0) | (pgrad * sheet_q > 0.0),
                           chan_q + CAVITY_SPACING, chan_q)
            sob[cs_] = HEAT_COEFF * tq * pgrad
            nl = jnp.maximum(0.5 * (ne_h + ne_t), 0.0)
            cob[cs_] = f32(CLOSURE_COEFF) * csv * (nl * nl * nl)

        @pl.when(t >= 1)
        def _():
            drain_outs(oth)
        pltpu.async_copy(dob, diss_hbm.at[pl.ds(l0, PCHUNK)], outsem)
        pltpu.async_copy(sob, sens_hbm.at[pl.ds(l0, PCHUNK)], outsem)
        pltpu.async_copy(cob, ccl_hbm.at[pl.ds(l0, PCHUNK)], outsem)

        @pl.when(t + 1 < trip)
        def _():
            issue_ins(t + 1, oth)

    bufa = (headba, tailba, csba, lenba, dbba, doba, soba, coba)
    bufb = (headbb, tailbb, csbb, lenbb, dbbb, dobb, sobb, cobb)

    issue_ins(0, bufa)

    def chunk(t, carry):
        even = lax.rem(t, 2) == 0

        @pl.when(even)
        def _():
            do_iter(t, bufa, bufb)

        @pl.when(jnp.logical_not(even))
        def _():
            do_iter(t, bufb, bufa)
        return carry
    lax.fori_loop(0, trip, chunk, 0)

    @pl.when(lax.rem(trip - 1, 2) == 0)
    def _():
        drain_outs(bufa)

    @pl.when(lax.rem(trip - 1, 2) == 1)
    def _():
        drain_outs(bufb)


_phase3 = pl.kernel(
    _phase3_body,
    out_type=(
        jax.ShapeDtypeStruct((N_LINKS,), f32),
        jax.ShapeDtypeStruct((N_LINKS,), f32),
        jax.ShapeDtypeStruct((N_LINKS,), f32),
    ),
    mesh=_mesh,
    scratch_types=[
        pltpu.VMEM((NPAD,), f32),
        pltpu.VMEM((NPAD,), i32),
        pltpu.VMEM((PCHUNK,), i32),
        pltpu.VMEM((PCHUNK,), i32),
        pltpu.VMEM((PCHUNK,), f32),
        pltpu.VMEM((PCHUNK,), f32),
        pltpu.VMEM((PCHUNK,), f32),
        pltpu.VMEM((PCHUNK,), f32),
        pltpu.VMEM((PCHUNK,), f32),
        pltpu.VMEM((PCHUNK,), f32),
        pltpu.VMEM((PCHUNK,), i32),
        pltpu.VMEM((PCHUNK,), i32),
        pltpu.VMEM((PCHUNK,), f32),
        pltpu.VMEM((PCHUNK,), f32),
        pltpu.VMEM((PCHUNK,), f32),
        pltpu.VMEM((PCHUNK,), f32),
        pltpu.VMEM((PCHUNK,), f32),
        pltpu.VMEM((PCHUNK,), f32),
        pltpu.SemaphoreType.DMA,
        pltpu.SemaphoreType.DMA,
    ],
    compiler_params=_sc_params,
)



def kernel(potential, sheet_thickness, channel_size, bedrock_elevation,
           ice_thickness, sliding_velocity, link_length,
           node_at_link_head, node_at_link_tail, status_at_node):
    head = node_at_link_head.astype(i32)
    tail = node_at_link_tail.astype(i32)

    pad = NPAD - N_NODES
    bedp = jnp.pad(bedrock_elevation, (0, pad))
    p2 = jnp.pad(potential, (0, pad)).reshape(_NSHAPE)
    s2 = jnp.pad(sheet_thickness, (0, pad)).reshape(_NSHAPE)
    bed2 = bedp.reshape(_NSHAPE)
    ice2 = jnp.pad(ice_thickness, (0, pad)).reshape(_NSHAPE)
    st2 = jnp.pad(status_at_node.astype(i32), (0, pad)).reshape(_NSHAPE)

    dpart, spart, dbase = _phase1(head, tail, sliding_velocity, bedp)

    dpart3 = dpart.reshape(2, NPAD // 128, 128)
    spart3 = spart.reshape(2, NPAD // 128, 128)
    opening, sheet_closure, ptag, bpk = _phase2(
        dpart3, spart3, p2, s2, bed2, ice2, st2)

    diss, sens, ccl = _phase3(
        head, tail, channel_size, link_length, dbase,
        ptag.reshape(NPAD), bpk.reshape(NPAD))

    return (diss, sens,
            opening.reshape(NPAD)[:N_NODES],
            sheet_closure.reshape(NPAD)[:N_NODES],
            ccl)

# --- scband reference (transcript-rebuilt; emitter-appended) ---
"""Pipeline reference for scband-subglacial-drainage-system-77781857730773 (READ-ONLY COPY).

The authoritative reference and input builder live on the scoring server;
editing this copy changes nothing except your own understanding.
"""

import jax, jax.numpy as jnp
import numpy as np

N_NODES = 50000
N_LINKS = 1600000

WATER_DENSITY = 1000.0
ICE_DENSITY = 917.0
GRAVITY = 9.81
SEC_PER_A = 31556926.0
SHEET_CONDUCTIVITY = 0.01
SHEET_FLOW_EXP = 1.25
CHANNEL_CONDUCTIVITY = 0.1
CHANNEL_FLOW_EXP = 3.0
BEDROCK_STEP_HEIGHT = 0.1
CAVITY_SPACING = 2.0
CLOSURE_COEFF = 5e-25
PRESSURE_MELT_COEFF = 7.5e-08
HEAT_CAPACITY = 4220.0
N_EXP = 3


def setup_inputs(seed: int = 0) -> dict:
    key = jax.random.key(seed)
    ks = jax.random.split(key, 10)
    potential = jax.random.uniform(ks[0], (N_NODES,), dtype=jnp.float32) * 1.0e7
    sheet_thickness = jax.random.uniform(ks[1], (N_NODES,), dtype=jnp.float32) * 0.2
    channel_size = jax.random.uniform(ks[2], (N_LINKS,), dtype=jnp.float32) * 1.0
    bedrock_elevation = jax.random.uniform(ks[3], (N_NODES,), dtype=jnp.float32) * 1000.0
    ice_thickness = jax.random.uniform(ks[4], (N_NODES,), dtype=jnp.float32) * 1000.0 + 100.0
    sliding_velocity = jax.random.normal(ks[5], (N_LINKS,), dtype=jnp.float32) * 50.0
    link_length = jax.random.uniform(ks[6], (N_LINKS,), dtype=jnp.float32) * 100.0 + 50.0
    node_at_link_head = jax.random.randint(ks[7], (N_LINKS,), 0, N_NODES, dtype=jnp.int64) if jax.config.jax_enable_x64 else jax.random.randint(ks[7], (N_LINKS,), 0, N_NODES).astype(jnp.int32)
    node_at_link_tail = jax.random.randint(ks[8], (N_LINKS,), 0, N_NODES).astype(node_at_link_head.dtype)
    status_at_node = jax.random.randint(ks[9], (N_NODES,), 0, 2).astype(jnp.int32)
    return {
        'potential': potential,
        'sheet_thickness': sheet_thickness,
        'channel_size': channel_size,
        'bedrock_elevation': bedrock_elevation,
        'ice_thickness': ice_thickness,
        'sliding_velocity': sliding_velocity,
        'link_length': link_length,
        'node_at_link_head': node_at_link_head,
        'node_at_link_tail': node_at_link_tail,
        'status_at_node': status_at_node,
    }


def reference(potential, sheet_thickness, channel_size, bedrock_elevation, ice_thickness,
              sliding_velocity, link_length, node_at_link_head, node_at_link_tail, status_at_node):
    head = node_at_link_head
    tail = node_at_link_tail

    base_potential = WATER_DENSITY * GRAVITY * bedrock_elevation
    overburden_potential = base_potential + ICE_DENSITY * GRAVITY * ice_thickness

    # set_inflow_outflow: min over adjacent nodes via scatter-min along links
    min_adj = jnp.full((N_NODES,), jnp.inf, dtype=potential.dtype)
    min_adj = min_adj.at[head].min(base_potential[tail])
    min_adj = min_adj.at[tail].min(base_potential[head])
    is_bnd = (status_at_node > 0).astype(jnp.int32)
    boundary_tags = jnp.where(base_potential <= min_adj, -1 * is_bnd, 1 * is_bnd)
    status_at_link = jnp.where((boundary_tags[head] == 1) | (boundary_tags[tail] == 1), 1, 0)

    def calc_grad_at_link(a):
        g = (a[head] - a[tail]) / link_length
        return jnp.where(status_at_link == 0, g, 0.0)

    def map_mean_of_link_nodes_to_link(a):
        return 0.5 * (a[head] + a[tail])

    gradient = calc_grad_at_link(potential)
    h_links = map_mean_of_link_nodes_to_link(sheet_thickness)
    safe_ag = jnp.where(gradient == 0, 1.0, jnp.abs(gradient))
    sheet_coeff = jnp.where(gradient == 0, 0.0,
                            -SHEET_CONDUCTIVITY * h_links ** SHEET_FLOW_EXP * safe_ag ** (-0.5))
    sheet_q = sheet_coeff * gradient
    chan_coeff = jnp.where(gradient == 0, 0.0,
                           -CHANNEL_CONDUCTIVITY * channel_size ** CHANNEL_FLOW_EXP)
    chan_q = chan_coeff * gradient

    # energy dissipation
    dissipation = jnp.abs(CAVITY_SPACING * sheet_q * gradient) + jnp.abs(chan_q * gradient)

    # sensible heat coefficient
    water_pressure = potential - base_potential
    pgrad = calc_grad_at_link(water_pressure)
    heat_coeff = -PRESSURE_MELT_COEFF * HEAT_CAPACITY * WATER_DENSITY
    total_q = jnp.where((channel_size > 0) | (pgrad * sheet_q > 0), chan_q + CAVITY_SPACING, chan_q)
    sensible = heat_coeff * total_q * pgrad

    # sheet opening: map |sliding| / sec_per_a from links to nodes (mean of incident links)
    ones = jnp.ones((N_LINKS,), dtype=potential.dtype)
    counts = jnp.zeros((N_NODES,), dtype=potential.dtype).at[head].add(ones).at[tail].add(ones)
    svals = jnp.abs(sliding_velocity) / SEC_PER_A
    ssum = jnp.zeros((N_NODES,), dtype=potential.dtype).at[head].add(svals).at[tail].add(svals)
    sliding_node = ssum / jnp.maximum(counts, 1.0)
    opening = jnp.where(sheet_thickness < BEDROCK_STEP_HEIGHT,
                        sliding_node * (BEDROCK_STEP_HEIGHT - sheet_thickness) / CAVITY_SPACING, 0.0)

    # closure rates
    Neff = overburden_potential - potential
    sheet_closure = CLOSURE_COEFF * sheet_thickness * jnp.where(Neff > 0, Neff, 0.0) ** N_EXP
    Neff_link = map_mean_of_link_nodes_to_link(Neff)
    channel_closure = CLOSURE_COEFF * channel_size * jnp.where(Neff_link > 0, Neff_link, 0.0) ** N_EXP

    return dissipation, sensible, opening, sheet_closure, channel_closure


if False:  # reference __main__ guard neutralized (emitter)
    out = reference(**setup_inputs())
    for o in out:
        print(o.shape, o.dtype)

if __name__ == "__main__":
    import jax
    _d = setup_inputs()
    print(jax.jit(kernel)(*tuple(_d.values())))

</pallas_src>

<mosaic_0001>
#map = affine_map<(d0, d1) -> (0)>
#map1 = affine_map<(d0, d1) -> (0, 0)>
module attributes {stable_mosaic.version = 14 : i64} {
  func.func @_phase1_body(%arg0: i32, %arg1: i32, %arg2: memref<1600000xi32, #tpu.memory_space<hbm>>, %arg3: memref<1600000xi32, #tpu.memory_space<hbm>>, %arg4: memref<1600000xf32, #tpu.memory_space<hbm>>, %arg5: memref<50176xf32, #tpu.memory_space<hbm>>, %arg6: memref<2x50176xf32, #tpu.memory_space<hbm>>, %arg7: memref<2x50176xf32, #tpu.memory_space<hbm>>, %arg8: memref<1600000xf32, #tpu.memory_space<hbm>>, %arg9: memref<50176xf32, #tpu.memory_space<vmem>>, %arg10: memref<4000xi32, #tpu.memory_space<vmem>>, %arg11: memref<2000xf32, #tpu.memory_space<vmem>>, %arg12: memref<4000xf32, #tpu.memory_space<vmem>>, %arg13: memref<4000xf32, #tpu.memory_space<vmem>>, %arg14: memref<2000xf32, #tpu.memory_space<vmem>>, %arg15: memref<4000xi32, #tpu.memory_space<vmem>>, %arg16: memref<2000xf32, #tpu.memory_space<vmem>>, %arg17: memref<4000xf32, #tpu.memory_space<vmem>>, %arg18: memref<4000xf32, #tpu.memory_space<vmem>>, %arg19: memref<2000xf32, #tpu.memory_space<vmem>>, %arg20: memref<3136xf32, #tpu.memory_space<vmem>>, %arg21: memref<50176xf32, #tpu.memory_space<vmem_shared>>, %arg22: memref<50176xf32, #tpu.memory_space<vmem_shared>>, %arg23: memref<!tpu.dma_semaphore, #tpu.memory_space<semaphore_mem>>, %arg24: memref<!tpu.dma_semaphore, #tpu.memory_space<semaphore_mem>>, %arg25: memref<!tpu.dma_semaphore, #tpu.memory_space<semaphore_mem>>, %arg26: memref<!tpu.dma_semaphore, #tpu.memory_space<semaphore_mem>>) attributes {dimension_semantics = [#tpu.dimension_semantics<core_parallel>, #tpu.dimension_semantics<subcore_parallel>], iteration_bounds = array<i64: 2, 16>, scalar_prefetch = 0 : i64, scratch_operands = 18 : i64, tpu.core_type = #tpu.core_type<sc_vector_subcore>, window_params = [{transform_indices = #map}, {transform_indices = #map}, {transform_indices = #map}, {transform_indices = #map}, {transform_indices = #map1}, {transform_indices = #map1}, {transform_indices = #map}]} {
    %mul3A = arith.constant 2 : i32
    %mul3A_0 = arith.muli %arg1, %mul3A : i32
    %add3A = arith.addi %mul3A_0, %arg0 : i32
    "tpu.region"() ({
      %run_scoped3A = tpu.sem_alloc : memref<!tpu.dma_semaphore, #tpu.memory_space<semaphore_mem>>
      tpu.enqueue_dma source(%arg5 : memref<50176xf32, #tpu.memory_space<hbm>>) target(%arg9 : memref<50176xf32, #tpu.memory_space<vmem>>) target_semaphore(%run_scoped3A : memref<!tpu.dma_semaphore, #tpu.memory_space<semaphore_mem>>)
      tpu.wait_dma2 semaphore(%run_scoped3A : memref<!tpu.dma_semaphore, #tpu.memory_space<semaphore_mem>>) src(%arg5 : memref<50176xf32, #tpu.memory_space<hbm>>) dst(%arg9 : memref<50176xf32, #tpu.memory_space<vmem>>)
      tpu.yield
    }) : () -> ()
    %scan3A = arith.constant 0 : i32
    %scan3A_1 = arith.constant 0 : i32
    %scan3A_2 = arith.constant 3136 : i32
    %scan3A_3 = arith.addi %scan3A_1, %scan3A_2 : i32
    %scan3A_4 = arith.constant 1 : i32
    scf.for %scan3A_85 = %scan3A_1 to %scan3A_3 step %scan3A_4  : i32 {
      %mul3A_86 = arith.constant 16 : i32
      %mul3A_87 = arith.muli %scan3A_85, %mul3A_86 : i32
      %get3A = arith.index_cast %mul3A_87 : i32 to index
      %get3A_88 = tpu.vector_load %arg9[%get3A] {strides = array<i32>} : memref<50176xf32, #tpu.memory_space<vmem>>, vector<16xf32>,
      %mul3A_89 = arith.constant 9.810000e+03 : f32
      %mul3A_90 = vector.broadcast %mul3A_89 : f32 to vector<16xf32>
      %mul3A_91 = arith.mulf %get3A_88, %mul3A_90 : vector<16xf32>
      %swap3A = arith.index_cast %mul3A_87 : i32 to index
      %swap3A_92 = tpu.vector_load %arg9[%swap3A] {strides = array<i32>} : memref<50176xf32, #tpu.memory_space<vmem>>, vector<16xf32>,
      tpu.vector_store %arg9[%swap3A], %mul3A_91 {strides = array<i32>} : memref<50176xf32, #tpu.memory_space<vmem>>, vector<16xf32>,
    }
    %scan3A_5 = arith.constant 3136 : i32
    %scan3A_6 = arith.constant 0 : i32
    %scan3A_7 = arith.constant 0 : i32
    %scan3A_8 = arith.constant 196 : i32
    %scan3A_9 = arith.addi %scan3A_7, %scan3A_8 : i32
    %scan3A_10 = arith.constant 1 : i32
    scf.for %scan3A_85 = %scan3A_7 to %scan3A_9 step %scan3A_10  : i32 {
      %broadcast_in_dim3A = arith.constant 0.000000e+00 : f32
      %broadcast_in_dim3A_86 = vector.broadcast %broadcast_in_dim3A : f32 to vector<16xf32>
      %mul3A_87 = arith.constant 16 : i32
      %mul3A_88 = arith.muli %scan3A_85, %mul3A_87 : i32
      %swap3A = arith.index_cast %mul3A_88 : i32 to index
      %swap3A_89 = tpu.vector_load %arg20[%swap3A] {strides = array<i32>} : memref<3136xf32, #tpu.memory_space<vmem>>, vector<16xf32>,
      tpu.vector_store %arg20[%swap3A], %broadcast_in_dim3A_86 {strides = array<i32>} : memref<3136xf32, #tpu.memory_space<vmem>>, vector<16xf32>,
    }
    %scan3A_11 = arith.constant 196 : i32
    %mul3A_12 = arith.constant 3136 : i32
    %mul3A_13 = arith.muli %arg1, %mul3A_12 : i32
    "tpu.region"() ({
      %run_scoped3A = tpu.sem_alloc : memref<!tpu.dma_semaphore, #tpu.memory_space<semaphore_mem>>
      %dma_start3A_85 = tpu.memref_slice %arg21[%mul3A_13] : memref<50176xf32, #tpu.memory_space<vmem_shared>> -> memref<3136xf32, #tpu.memory_space<vmem_shared>>
      %dma_start3A_86 = tpu.memref_slice %arg21[%mul3A_13] : memref<50176xf32, #tpu.memory_space<vmem_shared>> -> memref<3136xf32, #tpu.memory_space<vmem_shared>>
      tpu.enqueue_dma source(%arg20 : memref<3136xf32, #tpu.memory_space<vmem>>) target(%dma_start3A_86 : memref<3136xf32, #tpu.memory_space<vmem_shared>>) target_semaphore(%run_scoped3A : memref<!tpu.dma_semaphore, #tpu.memory_space<semaphore_mem>>)
      %dma_wait3A = tpu.memref_slice %arg21[%mul3A_13] : memref<50176xf32, #tpu.memory_space<vmem_shared>> -> memref<3136xf32, #tpu.memory_space<vmem_shared>>
      %dma_wait3A_87 = tpu.memref_slice %arg21[%mul3A_13] : memref<50176xf32, #tpu.memory_space<vmem_shared>> -> memref<3136xf32, #tpu.memory_space<vmem_shared>>
      tpu.wait_dma2 semaphore(%run_scoped3A : memref<!tpu.dma_semaphore, #tpu.memory_space<semaphore_mem>>) src(%arg20 : memref<3136xf32, #tpu.memory_space<vmem>>) dst(%dma_wait3A_87 : memref<3136xf32, #tpu.memory_space<vmem_shared>>)
      tpu.yield
    }) : () -> ()
    %mul3A_14 = arith.constant 3136 : i32
    %mul3A_15 = arith.muli %arg1, %mul3A_14 : i32
    "tpu.region"() ({
      %run_scoped3A = tpu.sem_alloc : memref<!tpu.dma_semaphore, #tpu.memory_space<semaphore_mem>>
      %dma_start3A_85 = tpu.memref_slice %arg22[%mul3A_15] : memref<50176xf32, #tpu.memory_space<vmem_shared>> -> memref<3136xf32, #tpu.memory_space<vmem_shared>>
      %dma_start3A_86 = tpu.memref_slice %arg22[%mul3A_15] : memref<50176xf32, #tpu.memory_space<vmem_shared>> -> memref<3136xf32, #tpu.memory_space<vmem_shared>>
      tpu.enqueue_dma source(%arg20 : memref<3136xf32, #tpu.memory_space<vmem>>) target(%dma_start3A_86 : memref<3136xf32, #tpu.memory_space<vmem_shared>>) target_semaphore(%run_scoped3A : memref<!tpu.dma_semaphore, #tpu.memory_space<semaphore_mem>>)
      %dma_wait3A = tpu.memref_slice %arg22[%mul3A_15] : memref<50176xf32, #tpu.memory_space<vmem_shared>> -> memref<3136xf32, #tpu.memory_space<vmem_shared>>
      %dma_wait3A_87 = tpu.memref_slice %arg22[%mul3A_15] : memref<50176xf32, #tpu.memory_space<vmem_shared>> -> memref<3136xf32, #tpu.memory_space<vmem_shared>>
      tpu.wait_dma2 semaphore(%run_scoped3A : memref<!tpu.dma_semaphore, #tpu.memory_space<semaphore_mem>>) src(%arg20 : memref<3136xf32, #tpu.memory_space<vmem>>) dst(%dma_wait3A_87 : memref<3136xf32, #tpu.memory_space<vmem_shared>>)
      tpu.yield
    }) : () -> ()
    %barrier3A = arith.constant 0 : index
    tpu.barrier barrier_id(%barrier3A)
    %sub3A = arith.constant 800 : i32
    %sub3A_16 = arith.subi %sub3A, %add3A : i32
    %add3A_17 = arith.constant 32 : i32
    %add3A_18 = arith.addi %sub3A_16, %add3A_17 : i32
    %sub3A_19 = arith.constant 1 : i32
    %sub3A_20 = arith.subi %add3A_18, %sub3A_19 : i32
    %jit3A = arith.constant 32 : i32
    %div3A = arith.divsi %sub3A_20, %jit3A : i32
    %sign3A = arith.constant 0 : i32
    %sign3A_21 = arith.cmpi sgt, %sub3A_20, %sign3A : i32
    %sign3A_22 = arith.extui %sign3A_21 : i1 to i32
    %sign3A_23 = arith.constant 0 : i32
    %sign3A_24 = arith.cmpi slt, %sub3A_20, %sign3A_23 : i32
    %sign3A_25 = arith.extui %sign3A_24 : i1 to i32
    %sign3A_26 = arith.subi %sign3A_22, %sign3A_25 : i32
    %sign3A_27 = arith.constant 0 : i32
    %sign3A_28 = arith.cmpi sgt, %jit3A, %sign3A_27 : i32
    %sign3A_29 = arith.extui %sign3A_28 : i1 to i32
    %sign3A_30 = arith.constant 0 : i32
    %sign3A_31 = arith.cmpi slt, %jit3A, %sign3A_30 : i32
    %sign3A_32 = arith.extui %sign3A_31 : i1 to i32
    %sign3A_33 = arith.subi %sign3A_29, %sign3A_32 : i32
    %ne3A = arith.cmpi ne, %sign3A_26, %sign3A_33 : i32
    %rem3A = arith.remsi %sub3A_20, %jit3A : i32
    %ne3A_34 = arith.constant 0 : i32
    %ne3A_35 = arith.cmpi ne, %rem3A, %ne3A_34 : i32
    %and3A = arith.andi %ne3A, %ne3A_35 : i1
    %sub3A_36 = arith.constant 1 : i32
    %sub3A_37 = arith.subi %div3A, %sub3A_36 : i32
    %select_n3A = arith.select %and3A, %sub3A_37, %div3A : i32
    %add3A_38 = arith.constant 0 : i32
    %add3A_39 = arith.addi %add3A, %add3A_38 : i32
    %mul3A_40 = arith.constant 2000 : i32
    %mul3A_41 = arith.muli %add3A_39, %mul3A_40 : i32
    %dma_start3A = arith.constant 0 : i32
    %dma_start3A_42 = tpu.memref_slice %arg10[%dma_start3A] : memref<4000xi32, #tpu.memory_space<vmem>> -> memref<2000xi32, #tpu.memory_space<vmem>>
    %dma_start3A_43 = tpu.memref_slice %arg2[%mul3A_41] : memref<1600000xi32, #tpu.memory_space<hbm>> -> memref<2000xi32, #tpu.memory_space<hbm>>
    %dma_start3A_44 = arith.constant 0 : i32
    %dma_start3A_45 = tpu.memref_slice %arg10[%dma_start3A_44] : memref<4000xi32, #tpu.memory_space<vmem>> -> memref<2000xi32, #tpu.memory_space<vmem>>
    %dma_start3A_46 = tpu.memref_slice %arg2[%mul3A_41] : memref<1600000xi32, #tpu.memory_space<hbm>> -> memref<2000xi32, #tpu.memory_space<hbm>>
    tpu.enqueue_dma source(%dma_start3A_46 : memref<2000xi32, #tpu.memory_space<hbm>>) target(%dma_start3A_45 : memref<2000xi32, #tpu.memory_space<vmem>>) target_semaphore(%arg23 : memref<!tpu.dma_semaphore, #tpu.memory_space<semaphore_mem>>)
    %dma_start3A_47 = arith.constant 2000 : i32
    %dma_start3A_48 = tpu.memref_slice %arg10[%dma_start3A_47] : memref<4000xi32, #tpu.memory_space<vmem>> -> memref<2000xi32, #tpu.memory_space<vmem>>
    %dma_start3A_49 = tpu.memref_slice %arg3[%mul3A_41] : memref<1600000xi32, #tpu.memory_space<hbm>> -> memref<2000xi32, #tpu.memory_space<hbm>>
    %dma_start3A_50 = arith.constant 2000 : i32
    %dma_start3A_51 = tpu.memref_slice %arg10[%dma_start3A_50] : memref<4000xi32, #tpu.memory_space<vmem>> -> memref<2000xi32, #tpu.memory_space<vmem>>
    %dma_start3A_52 = tpu.memref_slice %arg3[%mul3A_41] : memref<1600000xi32, #tpu.memory_space<hbm>> -> memref<2000xi32, #tpu.memory_space<hbm>>
    tpu.enqueue_dma source(%dma_start3A_52 : memref<2000xi32, #tpu.memory_space<hbm>>) target(%dma_start3A_51 : memref<2000xi32, #tpu.memory_space<vmem>>) target_semaphore(%arg23 : memref<!tpu.dma_semaphore, #tpu.memory_space<semaphore_mem>>)
    %dma_start3A_53 = tpu.memref_slice %arg4[%mul3A_41] : memref<1600000xf32, #tpu.memory_space<hbm>> -> memref<2000xf32, #tpu.memory_space<hbm>>
    %dma_start3A_54 = tpu.memref_slice %arg4[%mul3A_41] : memref<1600000xf32, #tpu.memory_space<hbm>> -> memref<2000xf32, #tpu.memory_space<hbm>>
    tpu.enqueue_dma source(%dma_start3A_54 : memref<2000xf32, #tpu.memory_space<hbm>>) target(%arg11 : memref<2000xf32, #tpu.memory_space<vmem>>) target_semaphore(%arg23 : memref<!tpu.dma_semaphore, #tpu.memory_space<semaphore_mem>>)
    %while3A = arith.constant 0 : i32
    %while3A_55 = arith.constant 0 : i32
    %while3A_56 = arith.subi %select_n3A, %while3A_55 : i32
    %while3A_57 = arith.addi %while3A_55, %while3A_56 : i32
    %while3A_58 = arith.constant 1 : i32
    %while3A_59 = arith.divsi %while3A_56, %while3A_58 : i32
    %while3A_60 = arith.muli %while3A_59, %while3A_58 : i32
    %while3A_61 = arith.addi %while3A_55, %while3A_60 : i32
    %while3A_62 = arith.constant 1 : i32
    scf.for %while3A_85 = %while3A_55 to %while3A_61 step %while3A_62  : i32 {
      %rem3A_86 = arith.constant 2 : i32
      %rem3A_87 = arith.remsi %while3A_85, %rem3A_86 : i32
      %eq3A_88 = arith.constant 0 : i32
      %eq3A_89 = arith.cmpi eq, %rem3A_87, %eq3A_88 : i32
      %convert_element_type3A_90 = arith.extui %eq3A_89 : i1 to i32
      %cond3A_91 = arith.constant 0 : i32
      %cond3A_92 = arith.cmpi ne, %convert_element_type3A_90, %cond3A_91 : i32
      scf.if %cond3A_92 {
        %mul3A_97 = arith.constant 32 : i32
        %mul3A_98 = arith.muli %while3A_85, %mul3A_97 : i32
        %add3A_99 = arith.addi %add3A, %mul3A_98 : i32
        %mul3A_100 = arith.constant 2000 : i32
        %mul3A_101 = arith.muli %add3A_99, %mul3A_100 : i32
        %dma_wait3A = arith.constant 0 : i32
        %dma_wait3A_102 = tpu.memref_slice %arg10[%dma_wait3A] : memref<4000xi32, #tpu.memory_space<vmem>> -> memref<2000xi32, #tpu.memory_space<vmem>>
        %dma_wait3A_103 = arith.constant 0 : i32
        %dma_wait3A_104 = tpu.memref_slice %arg2[%dma_wait3A_103] : memref<1600000xi32, #tpu.memory_space<hbm>> -> memref<2000xi32, #tpu.memory_space<hbm>>
        %dma_wait3A_105 = arith.constant 0 : i32
        %dma_wait3A_106 = tpu.memref_slice %arg10[%dma_wait3A_105] : memref<4000xi32, #tpu.memory_space<vmem>> -> memref<2000xi32, #tpu.memory_space<vmem>>
        %dma_wait3A_107 = arith.constant 0 : i32
        %dma_wait3A_108 = tpu.memref_slice %arg2[%dma_wait3A_107] : memref<1600000xi32, #tpu.memory_space<hbm>> -> memref<2000xi32, #tpu.memory_space<hbm>>
        tpu.wait_dma2 semaphore(%arg23 : memref<!tpu.dma_semaphore, #tpu.memory_space<semaphore_mem>>) src(%dma_wait3A_108 : memref<2000xi32, #tpu.memory_space<hbm>>) dst(%dma_wait3A_106 : memref<2000xi32, #tpu.memory_space<vmem>>)
        %dma_wait3A_109 = arith.constant 2000 : i32
        %dma_wait3A_110 = tpu.memref_slice %arg10[%dma_wait3A_109] : memref<4000xi32, #tpu.memory_space<vmem>> -> memref<2000xi32, #tpu.memory_space<vmem>>
        %dma_wait3A_111 = arith.constant 0 : i32
        %dma_wait3A_112 = tpu.memref_slice %arg3[%dma_wait3A_111] : memref<1600000xi32, #tpu.memory_space<hbm>> -> memref<2000xi32, #tpu.memory_space<hbm>>
        %dma_wait3A_113 = arith.constant 2000 : i32
        %dma_wait3A_114 = tpu.memref_slice %arg10[%dma_wait3A_113] : memref<4000xi32, #tpu.memory_space<vmem>> -> memref<2000xi32, #tpu.memory_space<vmem>>
        %dma_wait3A_115 = arith.constant 0 : i32
        %dma_wait3A_116 = tpu.memref_slice %arg3[%dma_wait3A_115] : memref<1600000xi32, #tpu.memory_space<hbm>> -> memref<2000xi32, #tpu.memory_space<hbm>>
        tpu.wait_dma2 semaphore(%arg23 : memref<!tpu.dma_semaphore, #tpu.memory_space<semaphore_mem>>) src(%dma_wait3A_116 : memref<2000xi32, #tpu.memory_space<hbm>>) dst(%dma_wait3A_114 : memref<2000xi32, #tpu.memory_space<vmem>>)
        %dma_wait3A_117 = arith.constant 0 : i32
        %dma_wait3A_118 = tpu.memref_slice %arg4[%dma_wait3A_117] : memref<1600000xf32, #tpu.memory_space<hbm>> -> memref<2000xf32, #tpu.memory_space<hbm>>
        %dma_wait3A_119 = arith.constant 0 : i32
        %dma_wait3A_120 = tpu.memref_slice %arg4[%dma_wait3A_119] : memref<1600000xf32, #tpu.memory_space<hbm>> -> memref<2000xf32, #tpu.memory_space<hbm>>
        tpu.wait_dma2 semaphore(%arg23 : memref<!tpu.dma_semaphore, #tpu.memory_space<semaphore_mem>>) src(%dma_wait3A_120 : memref<2000xf32, #tpu.memory_space<hbm>>) dst(%arg11 : memref<2000xf32, #tpu.memory_space<vmem>>)
        %parallel_loop3A = arith.constant 0 : i32
        %parallel_loop3A_121 = arith.constant 2000 : i32
        %parallel_loop3A_122 = arith.constant 16 : i32
        scf.for %parallel_loop3A_138 = %parallel_loop3A to %parallel_loop3A_121 step %parallel_loop3A_122  : i32 {
          %parallel_loop3A_139 = arith.constant 2000 : i32
          %parallel_loop3A_140 = arith.addi %parallel_loop3A_139, %parallel_loop3A_138 : i32
          %parallel_loop3A_141 = arith.index_cast %parallel_loop3A_138 : i32 to index
          %parallel_loop3A_142 = tpu.vector_load %arg10[%parallel_loop3A_141] {strides = array<i32>} : memref<4000xi32, #tpu.memory_space<vmem>>, vector<16xi32>,
          %parallel_loop3A_143 = arith.index_cast %parallel_loop3A_140 : i32 to index
          %parallel_loop3A_144 = tpu.vector_load %arg10[%parallel_loop3A_143] {strides = array<i32>} : memref<4000xi32, #tpu.memory_space<vmem>>, vector<16xi32>,
          %parallel_loop3A_145 = arith.index_cast %parallel_loop3A_138 : i32 to index
          %parallel_loop3A_146 = tpu.vector_load %arg11[%parallel_loop3A_145] {strides = array<i32>} : memref<2000xf32, #tpu.memory_space<vmem>>, vector<16xf32>,
          %parallel_loop3A_147 = tpu.vector_load_idx %arg9[%parallel_loop3A_142] : memref<50176xf32, #tpu.memory_space<vmem>>[vector<16xi32>], vector<16xf32>,
          %parallel_loop3A_148 = tpu.vector_load_idx %arg9[%parallel_loop3A_144] : memref<50176xf32, #tpu.memory_space<vmem>>[vector<16xi32>], vector<16xf32>,
          %parallel_loop3A_149 = arith.cmpf olt, %parallel_loop3A_148, %parallel_loop3A_147 : vector<16xf32>
          %parallel_loop3A_150 = arith.constant 4.097000e+03 : f32
          %parallel_loop3A_151 = arith.constant 1.000000e+00 : f32
          %parallel_loop3A_152 = vector.broadcast %parallel_loop3A_150 : f32 to vector<16xf32>
          %parallel_loop3A_153 = vector.broadcast %parallel_loop3A_151 : f32 to vector<16xf32>
          %parallel_loop3A_154 = arith.select %parallel_loop3A_149, %parallel_loop3A_152, %parallel_loop3A_153 : vector<16xi1>, vector<16xf32>
          %parallel_loop3A_155 = arith.index_cast %parallel_loop3A_138 : i32 to index
          %parallel_loop3A_156 = tpu.vector_load %arg12[%parallel_loop3A_155] {strides = array<i32>} : memref<4000xf32, #tpu.memory_space<vmem>>, vector<16xf32>,
          tpu.vector_store %arg12[%parallel_loop3A_155], %parallel_loop3A_154 {strides = array<i32>} : memref<4000xf32, #tpu.memory_space<vmem>>, vector<16xf32>,
          %parallel_loop3A_157 = arith.cmpf olt, %parallel_loop3A_147, %parallel_loop3A_148 : vector<16xf32>
          %parallel_loop3A_158 = arith.constant 4.097000e+03 : f32
          %parallel_loop3A_159 = arith.constant 1.000000e+00 : f32
          %parallel_loop3A_160 = vector.broadcast %parallel_loop3A_158 : f32 to vector<16xf32>
          %parallel_loop3A_161 = vector.broadcast %parallel_loop3A_159 : f32 to vector<16xf32>
          %parallel_loop3A_162 = arith.select %parallel_loop3A_157, %parallel_loop3A_160, %parallel_loop3A_161 : vector<16xi1>, vector<16xf32>
          %parallel_loop3A_163 = arith.index_cast %parallel_loop3A_140 : i32 to index
          %parallel_loop3A_164 = tpu.vector_load %arg12[%parallel_loop3A_163] {strides = array<i32>} : memref<4000xf32, #tpu.memory_space<vmem>>, vector<16xf32>,
          tpu.vector_store %arg12[%parallel_loop3A_163], %parallel_loop3A_162 {strides = array<i32>} : memref<4000xf32, #tpu.memory_space<vmem>>, vector<16xf32>,
          %parallel_loop3A_165 = math.absf %parallel_loop3A_146 : vector<16xf32>
          %parallel_loop3A_166 = arith.constant 3.16887636E-8 : f32
          %parallel_loop3A_167 = vector.broadcast %parallel_loop3A_166 : f32 to vector<16xf32>
          %parallel_loop3A_168 = arith.mulf %parallel_loop3A_165, %parallel_loop3A_167 : vector<16xf32>
          %parallel_loop3A_169 = arith.index_cast %parallel_loop3A_138 : i32 to index
          %parallel_loop3A_170 = tpu.vector_load %arg13[%parallel_loop3A_169] {strides = array<i32>} : memref<4000xf32, #tpu.memory_space<vmem>>, vector<16xf32>,
          tpu.vector_store %arg13[%parallel_loop3A_169], %parallel_loop3A_168 {strides = array<i32>} : memref<4000xf32, #tpu.memory_space<vmem>>, vector<16xf32>,
          %parallel_loop3A_171 = arith.index_cast %parallel_loop3A_140 : i32 to index
          %parallel_loop3A_172 = tpu.vector_load %arg13[%parallel_loop3A_171] {strides = array<i32>} : memref<4000xf32, #tpu.memory_space<vmem>>, vector<16xf32>,
          tpu.vector_store %arg13[%parallel_loop3A_171], %parallel_loop3A_168 {strides = array<i32>} : memref<4000xf32, #tpu.memory_space<vmem>>, vector<16xf32>,
          %parallel_loop3A_173 = arith.subf %parallel_loop3A_147, %parallel_loop3A_148 : vector<16xf32>
          %parallel_loop3A_174 = arith.index_cast %parallel_loop3A_138 : i32 to index
          %parallel_loop3A_175 = tpu.vector_load %arg14[%parallel_loop3A_174] {strides = array<i32>} : memref<2000xf32, #tpu.memory_space<vmem>>, vector<16xf32>,
          tpu.vector_store %arg14[%parallel_loop3A_174], %parallel_loop3A_173 {strides = array<i32>} : memref<2000xf32, #tpu.memory_space<vmem>>, vector<16xf32>,
        } {sc.loop_unroll_factor = 8 : i64, sc.parallel_access}
        %ge3A = arith.constant 1 : i32
        %ge3A_123 = arith.cmpi sge, %while3A_85, %ge3A : i32
        %convert_element_type3A_124 = arith.extui %ge3A_123 : i1 to i32
        %cond3A_125 = arith.constant 0 : i32
        %cond3A_126 = arith.cmpi ne, %convert_element_type3A_124, %cond3A_125 : i32
        scf.if %cond3A_126 {
          %dma_wait3A_138 = arith.constant 0 : i32
          %dma_wait3A_139 = tpu.memref_slice %arg8[%dma_wait3A_138] : memref<1600000xf32, #tpu.memory_space<hbm>> -> memref<2000xf32, #tpu.memory_space<hbm>>
          %dma_wait3A_140 = arith.constant 0 : i32
          %dma_wait3A_141 = tpu.memref_slice %arg8[%dma_wait3A_140] : memref<1600000xf32, #tpu.memory_space<hbm>> -> memref<2000xf32, #tpu.memory_space<hbm>>
          tpu.wait_dma2 semaphore(%arg24 : memref<!tpu.dma_semaphore, #tpu.memory_space<semaphore_mem>>) src(%arg19 : memref<2000xf32, #tpu.memory_space<vmem>>) dst(%dma_wait3A_141 : memref<2000xf32, #tpu.memory_space<hbm>>)
          %dma_wait3A_142 = arith.constant 0 : i32
          %dma_wait3A_143 = tpu.memref_slice %arg21[%dma_wait3A_142] : memref<50176xf32, #tpu.memory_space<vmem_shared>> -> memref<50176xf32, #tpu.memory_space<vmem_shared>>
          tpu.wait_indirect_dma semaphore(%arg25 : memref<!tpu.dma_semaphore, #tpu.memory_space<semaphore_mem>>) src(%arg17 : memref<4000xf32, #tpu.memory_space<vmem>>) dst(%dma_wait3A_143 : memref<50176xf32, #tpu.memory_space<vmem_shared>>)
          %dma_wait3A_144 = arith.constant 0 : i32
          %dma_wait3A_145 = tpu.memref_slice %arg22[%dma_wait3A_144] : memref<50176xf32, #tpu.memory_space<vmem_shared>> -> memref<50176xf32, #tpu.memory_space<vmem_shared>>
          tpu.wait_indirect_dma semaphore(%arg26 : memref<!tpu.dma_semaphore, #tpu.memory_space<semaphore_mem>>) src(%arg18 : memref<4000xf32, #tpu.memory_space<vmem>>) dst(%dma_wait3A_145 : memref<50176xf32, #tpu.memory_space<vmem_shared>>)
        } else {
        }
        %dma_start3A_127 = tpu.memref_slice %arg8[%mul3A_101] : memref<1600000xf32, #tpu.memory_space<hbm>> -> memref<2000xf32, #tpu.memory_space<hbm>>
        %dma_start3A_128 = tpu.memref_slice %arg8[%mul3A_101] : memref<1600000xf32, #tpu.memory_space<hbm>> -> memref<2000xf32, #tpu.memory_space<hbm>>
        tpu.enqueue_dma source(%arg14 : memref<2000xf32, #tpu.memory_space<vmem>>) target(%dma_start3A_128 : memref<2000xf32, #tpu.memory_space<hbm>>) target_semaphore(%arg24 : memref<!tpu.dma_semaphore, #tpu.memory_space<semaphore_mem>>)
        %dma_start3A_129 = arith.constant 0 : i32
        %dma_start3A_130 = tpu.memref_slice %arg21[%dma_start3A_129] : memref<50176xf32, #tpu.memory_space<vmem_shared>> -> memref<50176xf32, #tpu.memory_space<vmem_shared>>
        tpu.enqueue_indirect_dma source(%arg12 : memref<4000xf32, #tpu.memory_space<vmem>>) target(%dma_start3A_130 : memref<50176xf32, #tpu.memory_space<vmem_shared>>) offsets(%arg10 : memref<4000xi32, #tpu.memory_space<vmem>>) semaphore(%arg25 : memref<!tpu.dma_semaphore, #tpu.memory_space<semaphore_mem>>) {add = true}
        %dma_start3A_131 = arith.constant 0 : i32
        %dma_start3A_132 = tpu.memref_slice %arg22[%dma_start3A_131] : memref<50176xf32, #tpu.memory_space<vmem_shared>> -> memref<50176xf32, #tpu.memory_space<vmem_shared>>
        tpu.enqueue_indirect_dma source(%arg13 : memref<4000xf32, #tpu.memory_space<vmem>>) target(%dma_start3A_132 : memref<50176xf32, #tpu.memory_space<vmem_shared>>) offsets(%arg10 : memref<4000xi32, #tpu.memory_space<vmem>>) semaphore(%arg26 : memref<!tpu.dma_semaphore, #tpu.memory_space<semaphore_mem>>) {add = true}
        %add3A_133 = arith.constant 1 : i32
        %add3A_134 = arith.addi %while3A_85, %add3A_133 : i32
        %lt3A = arith.cmpi slt, %add3A_134, %select_n3A : i32
        %convert_element_type3A_135 = arith.extui %lt3A : i1 to i32
        %cond3A_136 = arith.constant 0 : i32
        %cond3A_137 = arith.cmpi ne, %convert_element_type3A_135, %cond3A_136 : i32
        scf.if %cond3A_137 {
          %add3A_138 = arith.constant 1 : i32
          %add3A_139 = arith.addi %while3A_85, %add3A_138 : i32
          %mul3A_140 = arith.constant 32 : i32
          %mul3A_141 = arith.muli %add3A_139, %mul3A_140 : i32
          %add3A_142 = arith.addi %add3A, %mul3A_141 : i32
          %mul3A_143 = arith.constant 2000 : i32
          %mul3A_144 = arith.muli %add3A_142, %mul3A_143 : i32
          %dma_start3A_145 = arith.constant 0 : i32
          %dma_start3A_146 = tpu.memref_slice %arg15[%dma_start3A_145] : memref<4000xi32, #tpu.memory_space<vmem>> -> memref<2000xi32, #tpu.memory_space<vmem>>
          %dma_start3A_147 = tpu.memref_slice %arg2[%mul3A_144] : memref<1600000xi32, #tpu.memory_space<hbm>> -> memref<2000xi32, #tpu.memory_space<hbm>>
          %dma_start3A_148 = arith.constant 0 : i32
          %dma_start3A_149 = tpu.memref_slice %arg15[%dma_start3A_148] : memref<4000xi32, #tpu.memory_space<vmem>> -> memref<2000xi32, #tpu.memory_space<vmem>>
          %dma_start3A_150 = tpu.memref_slice %arg2[%mul3A_144] : memref<1600000xi32, #tpu.memory_space<hbm>> -> memref<2000xi32, #tpu.memory_space<hbm>>
          tpu.enqueue_dma source(%dma_start3A_150 : memref<2000xi32, #tpu.memory_space<hbm>>) target(%dma_start3A_149 : memref<2000xi32, #tpu.memory_space<vmem>>) target_semaphore(%arg23 : memref<!tpu.dma_semaphore, #tpu.memory_space<semaphore_mem>>)
          %dma_start3A_151 = arith.constant 2000 : i32
          %dma_start3A_152 = tpu.memref_slice %arg15[%dma_start3A_151] : memref<4000xi32, #tpu.memory_space<vmem>> -> memref<2000xi32, #tpu.memory_space<vmem>>
          %dma_start3A_153 = tpu.memref_slice %arg3[%mul3A_144] : memref<1600000xi32, #tpu.memory_space<hbm>> -> memref<2000xi32, #tpu.memory_space<hbm>>
          %dma_start3A_154 = arith.constant 2000 : i32
          %dma_start3A_155 = tpu.memref_slice %arg15[%dma_start3A_154] : memref<4000xi32, #tpu.memory_space<vmem>> -> memref<2000xi32, #tpu.memory_space<vmem>>
          %dma_start3A_156 = tpu.memref_slice %arg3[%mul3A_144] : memref<1600000xi32, #tpu.memory_space<hbm>> -> memref<2000xi32, #tpu.memory_space<hbm>>
          tpu.enqueue_dma source(%dma_start3A_156 : memref<2000xi32, #tpu.memory_space<hbm>>) target(%dma_start3A_155 : memref<2000xi32, #tpu.memory_space<vmem>>) target_semaphore(%arg23 : memref<!tpu.dma_semaphore, #tpu.memory_space<semaphore_mem>>)
          %dma_start3A_157 = tpu.memref_slice %arg4[%mul3A_144] : memref<1600000xf32, #tpu.memory_space<hbm>> -> memref<2000xf32, #tpu.memory_space<hbm>>
          %dma_start3A_158 = tpu.memref_slice %arg4[%mul3A_144] : memref<1600000xf32, #tpu.memory_space<hbm>> -> memref<2000xf32, #tpu.memory_space<hbm>>
          tpu.enqueue_dma source(%dma_start3A_158 : memref<2000xf32, #tpu.memory_space<hbm>>) target(%arg16 : memref<2000xf32, #tpu.memory_space<vmem>>) target_semaphore(%arg23 : memref<!tpu.dma_semaphore, #tpu.memory_space<semaphore_mem>>)
        } else {
        }
      } else {
      }
      %not3A = arith.constant true
      %not3A_93 = arith.xori %eq3A_89, %not3A : i1
      %convert_element_type3A_94 = arith.extui %not3A_93 : i1 to i32
      %cond3A_95 = arith.constant 0 : i32
      %cond3A_96 = arith.cmpi ne, %convert_element_type3A_94, %cond3A_95 : i32
      scf.if %cond3A_96 {
        %mul3A_97 = arith.constant 32 : i32
        %mul3A_98 = arith.muli %while3A_85, %mul3A_97 : i32
        %add3A_99 = arith.addi %add3A, %mul3A_98 : i32
        %mul3A_100 = arith.constant 2000 : i32
        %mul3A_101 = arith.muli %add3A_99, %mul3A_100 : i32
        %dma_wait3A = arith.constant 0 : i32
        %dma_wait3A_102 = tpu.memref_slice %arg15[%dma_wait3A] : memref<4000xi32, #tpu.memory_space<vmem>> -> memref<2000xi32, #tpu.memory_space<vmem>>
        %dma_wait3A_103 = arith.constant 0 : i32
        %dma_wait3A_104 = tpu.memref_slice %arg2[%dma_wait3A_103] : memref<1600000xi32, #tpu.memory_space<hbm>> -> memref<2000xi32, #tpu.memory_space<hbm>>
        %dma_wait3A_105 = arith.constant 0 : i32
        %dma_wait3A_106 = tpu.memref_slice %arg15[%dma_wait3A_105] : memref<4000xi32, #tpu.memory_space<vmem>> -> memref<2000xi32, #tpu.memory_space<vmem>>
        %dma_wait3A_107 = arith.constant 0 : i32
        %dma_wait3A_108 = tpu.memref_slice %arg2[%dma_wait3A_107] : memref<1600000xi32, #tpu.memory_space<hbm>> -> memref<2000xi32, #tpu.memory_space<hbm>>
        tpu.wait_dma2 semaphore(%arg23 : memref<!tpu.dma_semaphore, #tpu.memory_space<semaphore_mem>>) src(%dma_wait3A_108 : memref<2000xi32, #tpu.memory_space<hbm>>) dst(%dma_wait3A_106 : memref<2000xi32, #tpu.memory_space<vmem>>)
        %dma_wait3A_109 = arith.constant 2000 : i32
        %dma_wait3A_110 = tpu.memref_slice %arg15[%dma_wait3A_109] : memref<4000xi32, #tpu.memory_space<vmem>> -> memref<2000xi32, #tpu.memory_space<vmem>>
        %dma_wait3A_111 = arith.constant 0 : i32
        %dma_wait3A_112 = tpu.memref_slice %arg3[%dma_wait3A_111] : memref<1600000xi32, #tpu.memory_space<hbm>> -> memref<2000xi32, #tpu.memory_space<hbm>>
        %dma_wait3A_113 = arith.constant 2000 : i32
        %dma_wait3A_114 = tpu.memref_slice %arg15[%dma_wait3A_113] : memref<4000xi32, #tpu.memory_space<vmem>> -> memref<2000xi32, #tpu.memory_space<vmem>>
        %dma_wait3A_115 = arith.constant 0 : i32
        %dma_wait3A_116 = tpu.memref_slice %arg3[%dma_wait3A_115] : memref<1600000xi32, #tpu.memory_space<hbm>> -> memref<2000xi32, #tpu.memory_space<hbm>>
        tpu.wait_dma2 semaphore(%arg23 : memref<!tpu.dma_semaphore, #tpu.memory_space<semaphore_mem>>) src(%dma_wait3A_116 : memref<2000xi32, #tpu.memory_space<hbm>>) dst(%dma_wait3A_114 : memref<2000xi32, #tpu.memory_space<vmem>>)
        %dma_wait3A_117 = arith.constant 0 : i32
        %dma_wait3A_118 = tpu.memref_slice %arg4[%dma_wait3A_117] : memref<1600000xf32, #tpu.memory_space<hbm>> -> memref<2000xf32, #tpu.memory_space<hbm>>
        %dma_wait3A_119 = arith.constant 0 : i32
        %dma_wait3A_120 = tpu.memref_slice %arg4[%dma_wait3A_119] : memref<1600000xf32, #tpu.memory_space<hbm>> -> memref<2000xf32, #tpu.memory_space<hbm>>
        tpu.wait_dma2 semaphore(%arg23 : memref<!tpu.dma_semaphore, #tpu.memory_space<semaphore_mem>>) src(%dma_wait3A_120 : memref<2000xf32, #tpu.memory_space<hbm>>) dst(%arg16 : memref<2000xf32, #tpu.memory_space<vmem>>)
        %parallel_loop3A = arith.constant 0 : i32
        %parallel_loop3A_121 = arith.constant 2000 : i32
        %parallel_loop3A_122 = arith.constant 16 : i32
        scf.for %parallel_loop3A_138 = %parallel_loop3A to %parallel_loop3A_121 step %parallel_loop3A_122  : i32 {
          %parallel_loop3A_139 = arith.constant 2000 : i32
          %parallel_loop3A_140 = arith.addi %parallel_loop3A_139, %parallel_loop3A_138 : i32
          %parallel_loop3A_141 = arith.index_cast %parallel_loop3A_138 : i32 to index
          %parallel_loop3A_142 = tpu.vector_load %arg15[%parallel_loop3A_141] {strides = array<i32>} : memref<4000xi32, #tpu.memory_space<vmem>>, vector<16xi32>,
          %parallel_loop3A_143 = arith.index_cast %parallel_loop3A_140 : i32 to index
          %parallel_loop3A_144 = tpu.vector_load %arg15[%parallel_loop3A_143] {strides = array<i32>} : memref<4000xi32, #tpu.memory_space<vmem>>, vector<16xi32>,
          %parallel_loop3A_145 = arith.index_cast %parallel_loop3A_138 : i32 to index
          %parallel_loop3A_146 = tpu.vector_load %arg16[%parallel_loop3A_145] {strides = array<i32>} : memref<2000xf32, #tpu.memory_space<vmem>>, vector<16xf32>,
          %parallel_loop3A_147 = tpu.vector_load_idx %arg9[%parallel_loop3A_142] : memref<50176xf32, #tpu.memory_space<vmem>>[vector<16xi32>], vector<16xf32>,
          %parallel_loop3A_148 = tpu.vector_load_idx %arg9[%parallel_loop3A_144] : memref<50176xf32, #tpu.memory_space<vmem>>[vector<16xi32>], vector<16xf32>,
          %parallel_loop3A_149 = arith.cmpf olt, %parallel_loop3A_148, %parallel_loop3A_147 : vector<16xf32>
          %parallel_loop3A_150 = arith.constant 4.097000e+03 : f32
          %parallel_loop3A_151 = arith.constant 1.000000e+00 : f32
          %parallel_loop3A_152 = vector.broadcast %parallel_loop3A_150 : f32 to vector<16xf32>
          %parallel_loop3A_153 = vector.broadcast %parallel_loop3A_151 : f32 to vector<16xf32>
          %parallel_loop3A_154 = arith.select %parallel_loop3A_149, %parallel_loop3A_152, %parallel_loop3A_153 : vector<16xi1>, vector<16xf32>
          %parallel_loop3A_155 = arith.index_cast %parallel_loop3A_138 : i32 to index
          %parallel_loop3A_156 = tpu.vector_load %arg17[%parallel_loop3A_155] {strides = array<i32>} : memref<4000xf32, #tpu.memory_space<vmem>>, vector<16xf32>,
          tpu.vector_store %arg17[%parallel_loop3A_155], %parallel_loop3A_154 {strides = array<i32>} : memref<4000xf32, #tpu.memory_space<vmem>>, vector<16xf32>,
          %parallel_loop3A_157 = arith.cmpf olt, %parallel_loop3A_147, %parallel_loop3A_148 : vector<16xf32>
          %parallel_loop3A_158 = arith.constant 4.097000e+03 : f32
          %parallel_loop3A_159 = arith.constant 1.000000e+00 : f32
          %parallel_loop3A_160 = vector.broadcast %parallel_loop3A_158 : f32 to vector<16xf32>
          %parallel_loop3A_161 = vector.broadcast %parallel_loop3A_159 : f32 to vector<16xf32>
          %parallel_loop3A_162 = arith.select %parallel_loop3A_157, %parallel_loop3A_160, %parallel_loop3A_161 : vector<16xi1>, vector<16xf32>
          %parallel_loop3A_163 = arith.index_cast %parallel_loop3A_140 : i32 to index
          %parallel_loop3A_164 = tpu.vector_load %arg17[%parallel_loop3A_163] {strides = array<i32>} : memref<4000xf32, #tpu.memory_space<vmem>>, vector<16xf32>,
          tpu.vector_store %arg17[%parallel_loop3A_163], %parallel_loop3A_162 {strides = array<i32>} : memref<4000xf32, #tpu.memory_space<vmem>>, vector<16xf32>,
          %parallel_loop3A_165 = math.absf %parallel_loop3A_146 : vector<16xf32>
          %parallel_loop3A_166 = arith.constant 3.16887636E-8 : f32
          %parallel_loop3A_167 = vector.broadcast %parallel_loop3A_166 : f32 to vector<16xf32>
          %parallel_loop3A_168 = arith.mulf %parallel_loop3A_165, %parallel_loop3A_167 : vector<16xf32>
          %parallel_loop3A_169 = arith.index_cast %parallel_loop3A_138 : i32 to index
          %parallel_loop3A_170 = tpu.vector_load %arg18[%parallel_loop3A_169] {strides = array<i32>} : memref<4000xf32, #tpu.memory_space<vmem>>, vector<16xf32>,
          tpu.vector_store %arg18[%parallel_loop3A_169], %parallel_loop3A_168 {strides = array<i32>} : memref<4000xf32, #tpu.memory_space<vmem>>, vector<16xf32>,
          %parallel_loop3A_171 = arith.index_cast %parallel_loop3A_140 : i32 to index
          %parallel_loop3A_172 = tpu.vector_load %arg18[%parallel_loop3A_171] {strides = array<i32>} : memref<4000xf32, #tpu.memory_space<vmem>>, vector<16xf32>,
          tpu.vector_store %arg18[%parallel_loop3A_171], %parallel_loop3A_168 {strides = array<i32>} : memref<4000xf32, #tpu.memory_space<vmem>>, vector<16xf32>,
          %parallel_loop3A_173 = arith.subf %parallel_loop3A_147, %parallel_loop3A_148 : vector<16xf32>
          %parallel_loop3A_174 = arith.index_cast %parallel_loop3A_138 : i32 to index
          %parallel_loop3A_175 = tpu.vector_load %arg19[%parallel_loop3A_174] {strides = array<i32>} : memref<2000xf32, #tpu.memory_space<vmem>>, vector<16xf32>,
          tpu.vector_store %arg19[%parallel_loop3A_174], %parallel_loop3A_173 {strides = array<i32>} : memref<2000xf32, #tpu.memory_space<vmem>>, vector<16xf32>,
        } {sc.loop_unroll_factor = 8 : i64, sc.parallel_access}
        %ge3A = arith.constant 1 : i32
        %ge3A_123 = arith.cmpi sge, %while3A_85, %ge3A : i32
        %convert_element_type3A_124 = arith.extui %ge3A_123 : i1 to i32
        %cond3A_125 = arith.constant 0 : i32
        %cond3A_126 = arith.cmpi ne, %convert_element_type3A_124, %cond3A_125 : i32
        scf.if %cond3A_126 {
          %dma_wait3A_138 = arith.constant 0 : i32
          %dma_wait3A_139 = tpu.memref_slice %arg8[%dma_wait3A_138] : memref<1600000xf32, #tpu.memory_space<hbm>> -> memref<2000xf32, #tpu.memory_space<hbm>>
          %dma_wait3A_140 = arith.constant 0 : i32
          %dma_wait3A_141 = tpu.memref_slice %arg8[%dma_wait3A_140] : memref<1600000xf32, #tpu.memory_space<hbm>> -> memref<2000xf32, #tpu.memory_space<hbm>>
          tpu.wait_dma2 semaphore(%arg24 : memref<!tpu.dma_semaphore, #tpu.memory_space<semaphore_mem>>) src(%arg14 : memref<2000xf32, #tpu.memory_space<vmem>>) dst(%dma_wait3A_141 : memref<2000xf32, #tpu.memory_space<hbm>>)
          %dma_wait3A_142 = arith.constant 0 : i32
          %dma_wait3A_143 = tpu.memref_slice %arg21[%dma_wait3A_142] : memref<50176xf32, #tpu.memory_space<vmem_shared>> -> memref<50176xf32, #tpu.memory_space<vmem_shared>>
          tpu.wait_indirect_dma semaphore(%arg25 : memref<!tpu.dma_semaphore, #tpu.memory_space<semaphore_mem>>) src(%arg12 : memref<4000xf32, #tpu.memory_space<vmem>>) dst(%dma_wait3A_143 : memref<50176xf32, #tpu.memory_space<vmem_shared>>)
          %dma_wait3A_144 = arith.constant 0 : i32
          %dma_wait3A_145 = tpu.memref_slice %arg22[%dma_wait3A_144] : memref<50176xf32, #tpu.memory_space<vmem_shared>> -> memref<50176xf32, #tpu.memory_space<vmem_shared>>
          tpu.wait_indirect_dma semaphore(%arg26 : memref<!tpu.dma_semaphore, #tpu.memory_space<semaphore_mem>>) src(%arg13 : memref<4000xf32, #tpu.memory_space<vmem>>) dst(%dma_wait3A_145 : memref<50176xf32, #tpu.memory_space<vmem_shared>>)
        } else {
        }
        %dma_start3A_127 = tpu.memref_slice %arg8[%mul3A_101] : memref<1600000xf32, #tpu.memory_space<hbm>> -> memref<2000xf32, #tpu.memory_space<hbm>>
        %dma_start3A_128 = tpu.memref_slice %arg8[%mul3A_101] : memref<1600000xf32, #tpu.memory_space<hbm>> -> memref<2000xf32, #tpu.memory_space<hbm>>
        tpu.enqueue_dma source(%arg19 : memref<2000xf32, #tpu.memory_space<vmem>>) target(%dma_start3A_128 : memref<2000xf32, #tpu.memory_space<hbm>>) target_semaphore(%arg24 : memref<!tpu.dma_semaphore, #tpu.memory_space<semaphore_mem>>)
        %dma_start3A_129 = arith.constant 0 : i32
        %dma_start3A_130 = tpu.memref_slice %arg21[%dma_start3A_129] : memref<50176xf32, #tpu.memory_space<vmem_shared>> -> memref<50176xf32, #tpu.memory_space<vmem_shared>>
        tpu.enqueue_indirect_dma source(%arg17 : memref<4000xf32, #tpu.memory_space<vmem>>) target(%dma_start3A_130 : memref<50176xf32, #tpu.memory_space<vmem_shared>>) offsets(%arg15 : memref<4000xi32, #tpu.memory_space<vmem>>) semaphore(%arg25 : memref<!tpu.dma_semaphore, #tpu.memory_space<semaphore_mem>>) {add = true}
        %dma_start3A_131 = arith.constant 0 : i32
        %dma_start3A_132 = tpu.memref_slice %arg22[%dma_start3A_131] : memref<50176xf32, #tpu.memory_space<vmem_shared>> -> memref<50176xf32, #tpu.memory_space<vmem_shared>>
        tpu.enqueue_indirect_dma source(%arg18 : memref<4000xf32, #tpu.memory_space<vmem>>) target(%dma_start3A_132 : memref<50176xf32, #tpu.memory_space<vmem_shared>>) offsets(%arg15 : memref<4000xi32, #tpu.memory_space<vmem>>) semaphore(%arg26 : memref<!tpu.dma_semaphore, #tpu.memory_space<semaphore_mem>>) {add = true}
        %add3A_133 = arith.constant 1 : i32
        %add3A_134 = arith.addi %while3A_85, %add3A_133 : i32
        %lt3A = arith.cmpi slt, %add3A_134, %select_n3A : i32
        %convert_element_type3A_135 = arith.extui %lt3A : i1 to i32
        %cond3A_136 = arith.constant 0 : i32
        %cond3A_137 = arith.cmpi ne, %convert_element_type3A_135, %cond3A_136 : i32
        scf.if %cond3A_137 {
          %add3A_138 = arith.constant 1 : i32
          %add3A_139 = arith.addi %while3A_85, %add3A_138 : i32
          %mul3A_140 = arith.constant 32 : i32
          %mul3A_141 = arith.muli %add3A_139, %mul3A_140 : i32
          %add3A_142 = arith.addi %add3A, %mul3A_141 : i32
          %mul3A_143 = arith.constant 2000 : i32
          %mul3A_144 = arith.muli %add3A_142, %mul3A_143 : i32
          %dma_start3A_145 = arith.constant 0 : i32
          %dma_start3A_146 = tpu.memref_slice %arg10[%dma_start3A_145] : memref<4000xi32, #tpu.memory_space<vmem>> -> memref<2000xi32, #tpu.memory_space<vmem>>
          %dma_start3A_147 = tpu.memref_slice %arg2[%mul3A_144] : memref<1600000xi32, #tpu.memory_space<hbm>> -> memref<2000xi32, #tpu.memory_space<hbm>>
          %dma_start3A_148 = arith.constant 0 : i32
          %dma_start3A_149 = tpu.memref_slice %arg10[%dma_start3A_148] : memref<4000xi32, #tpu.memory_space<vmem>> -> memref<2000xi32, #tpu.memory_space<vmem>>
          %dma_start3A_150 = tpu.memref_slice %arg2[%mul3A_144] : memref<1600000xi32, #tpu.memory_space<hbm>> -> memref<2000xi32, #tpu.memory_space<hbm>>
          tpu.enqueue_dma source(%dma_start3A_150 : memref<2000xi32, #tpu.memory_space<hbm>>) target(%dma_start3A_149 : memref<2000xi32, #tpu.memory_space<vmem>>) target_semaphore(%arg23 : memref<!tpu.dma_semaphore, #tpu.memory_space<semaphore_mem>>)
          %dma_start3A_151 = arith.constant 2000 : i32
          %dma_start3A_152 = tpu.memref_slice %arg10[%dma_start3A_151] : memref<4000xi32, #tpu.memory_space<vmem>> -> memref<2000xi32, #tpu.memory_space<vmem>>
          %dma_start3A_153 = tpu.memref_slice %arg3[%mul3A_144] : memref<1600000xi32, #tpu.memory_space<hbm>> -> memref<2000xi32, #tpu.memory_space<hbm>>
          %dma_start3A_154 = arith.constant 2000 : i32
          %dma_start3A_155 = tpu.memref_slice %arg10[%dma_start3A_154] : memref<4000xi32, #tpu.memory_space<vmem>> -> memref<2000xi32, #tpu.memory_space<vmem>>
          %dma_start3A_156 = tpu.memref_slice %arg3[%mul3A_144] : memref<1600000xi32, #tpu.memory_space<hbm>> -> memref<2000xi32, #tpu.memory_space<hbm>>
          tpu.enqueue_dma source(%dma_start3A_156 : memref<2000xi32, #tpu.memory_space<hbm>>) target(%dma_start3A_155 : memref<2000xi32, #tpu.memory_space<vmem>>) target_semaphore(%arg23 : memref<!tpu.dma_semaphore, #tpu.memory_space<semaphore_mem>>)
          %dma_start3A_157 = tpu.memref_slice %arg4[%mul3A_144] : memref<1600000xf32, #tpu.memory_space<hbm>> -> memref<2000xf32, #tpu.memory_space<hbm>>
          %dma_start3A_158 = tpu.memref_slice %arg4[%mul3A_144] : memref<1600000xf32, #tpu.memory_space<hbm>> -> memref<2000xf32, #tpu.memory_space<hbm>>
          tpu.enqueue_dma source(%dma_start3A_158 : memref<2000xf32, #tpu.memory_space<hbm>>) target(%arg11 : memref<2000xf32, #tpu.memory_space<vmem>>) target_semaphore(%arg23 : memref<!tpu.dma_semaphore, #tpu.memory_space<semaphore_mem>>)
        } else {
        }
      } else {
      }
    }
    %while3A_63 = arith.constant 1 : i32
    scf.for %while3A_85 = %while3A_61 to %while3A_57 step %while3A_63  : i32 {
      %rem3A_86 = arith.constant 2 : i32
      %rem3A_87 = arith.remsi %while3A_85, %rem3A_86 : i32
      %eq3A_88 = arith.constant 0 : i32
      %eq3A_89 = arith.cmpi eq, %rem3A_87, %eq3A_88 : i32
      %convert_element_type3A_90 = arith.extui %eq3A_89 : i1 to i32
      %cond3A_91 = arith.constant 0 : i32
      %cond3A_92 = arith.cmpi ne, %convert_element_type3A_90, %cond3A_91 : i32
      scf.if %cond3A_92 {
        %mul3A_97 = arith.constant 32 : i32
        %mul3A_98 = arith.muli %while3A_85, %mul3A_97 : i32
        %add3A_99 = arith.addi %add3A, %mul3A_98 : i32
        %mul3A_100 = arith.constant 2000 : i32
        %mul3A_101 = arith.muli %add3A_99, %mul3A_100 : i32
        %dma_wait3A = arith.constant 0 : i32
        %dma_wait3A_102 = tpu.memref_slice %arg10[%dma_wait3A] : memref<4000xi32, #tpu.memory_space<vmem>> -> memref<2000xi32, #tpu.memory_space<vmem>>
        %dma_wait3A_103 = arith.constant 0 : i32
        %dma_wait3A_104 = tpu.memref_slice %arg2[%dma_wait3A_103] : memref<1600000xi32, #tpu.memory_space<hbm>> -> memref<2000xi32, #tpu.memory_space<hbm>>
        %dma_wait3A_105 = arith.constant 0 : i32
        %dma_wait3A_106 = tpu.memref_slice %arg10[%dma_wait3A_105] : memref<4000xi32, #tpu.memory_space<vmem>> -> memref<2000xi32, #tpu.memory_space<vmem>>
        %dma_wait3A_107 = arith.constant 0 : i32
        %dma_wait3A_108 = tpu.memref_slice %arg2[%dma_wait3A_107] : memref<1600000xi32, #tpu.memory_space<hbm>> -> memref<2000xi32, #tpu.memory_space<hbm>>
        tpu.wait_dma2 semaphore(%arg23 : memref<!tpu.dma_semaphore, #tpu.memory_space<semaphore_mem>>) src(%dma_wait3A_108 : memref<2000xi32, #tpu.memory_space<hbm>>) dst(%dma_wait3A_106 : memref<2000xi32, #tpu.memory_space<vmem>>)
        %dma_wait3A_109 = arith.constant 2000 : i32
        %dma_wait3A_110 = tpu.memref_slice %arg10[%dma_wait3A_109] : memref<4000xi32, #tpu.memory_space<vmem>> -> memref<2000xi32, #tpu.memory_space<vmem>>
        %dma_wait3A_111 = arith.constant 0 : i32
        %dma_wait3A_112 = tpu.memref_slice %arg3[%dma_wait3A_111] : memref<1600000xi32, #tpu.memory_space<hbm>> -> memref<2000xi32, #tpu.memory_space<hbm>>
        %dma_wait3A_113 = arith.constant 2000 : i32
        %dma_wait3A_114 = tpu.memref_slice %arg10[%dma_wait3A_113] : memref<4000xi32, #tpu.memory_space<vmem>> -> memref<2000xi32, #tpu.memory_space<vmem>>
        %dma_wait3A_115 = arith.constant 0 : i32
        %dma_wait3A_116 = tpu.memref_slice %arg3[%dma_wait3A_115] : memref<1600000xi32, #tpu.memory_space<hbm>> -> memref<2000xi32, #tpu.memory_space<hbm>>
        tpu.wait_dma2 semaphore(%arg23 : memref<!tpu.dma_semaphore, #tpu.memory_space<semaphore_mem>>) src(%dma_wait3A_116 : memref<2000xi32, #tpu.memory_space<hbm>>) dst(%dma_wait3A_114 : memref<2000xi32, #tpu.memory_space<vmem>>)
        %dma_wait3A_117 = arith.constant 0 : i32
        %dma_wait3A_118 = tpu.memref_slice %arg4[%dma_wait3A_117] : memref<1600000xf32, #tpu.memory_space<hbm>> -> memref<2000xf32, #tpu.memory_space<hbm>>
        %dma_wait3A_119 = arith.constant 0 : i32
        %dma_wait3A_120 = tpu.memref_slice %arg4[%dma_wait3A_119] : memref<1600000xf32, #tpu.memory_space<hbm>> -> memref<2000xf32, #tpu.memory_space<hbm>>
        tpu.wait_dma2 semaphore(%arg23 : memref<!tpu.dma_semaphore, #tpu.memory_space<semaphore_mem>>) src(%dma_wait3A_120 : memref<2000xf32, #tpu.memory_space<hbm>>) dst(%arg11 : memref<2000xf32, #tpu.memory_space<vmem>>)
        %parallel_loop3A = arith.constant 0 : i32
        %parallel_loop3A_121 = arith.constant 2000 : i32
        %parallel_loop3A_122 = arith.constant 16 : i32
        scf.for %parallel_loop3A_138 = %parallel_loop3A to %parallel_loop3A_121 step %parallel_loop3A_122  : i32 {
          %parallel_loop3A_139 = arith.constant 2000 : i32
          %parallel_loop3A_140 = arith.addi %parallel_loop3A_139, %parallel_loop3A_138 : i32
          %parallel_loop3A_141 = arith.index_cast %parallel_loop3A_138 : i32 to index
          %parallel_loop3A_142 = tpu.vector_load %arg10[%parallel_loop3A_141] {strides = array<i32>} : memref<4000xi32, #tpu.memory_space<vmem>>, vector<16xi32>,
          %parallel_loop3A_143 = arith.index_cast %parallel_loop3A_140 : i32 to index
          %parallel_loop3A_144 = tpu.vector_load %arg10[%parallel_loop3A_143] {strides = array<i32>} : memref<4000xi32, #tpu.memory_space<vmem>>, vector<16xi32>,
          %parallel_loop3A_145 = arith.index_cast %parallel_loop3A_138 : i32 to index
          %parallel_loop3A_146 = tpu.vector_load %arg11[%parallel_loop3A_145] {strides = array<i32>} : memref<2000xf32, #tpu.memory_space<vmem>>, vector<16xf32>,
          %parallel_loop3A_147 = tpu.vector_load_idx %arg9[%parallel_loop3A_142] : memref<50176xf32, #tpu.memory_space<vmem>>[vector<16xi32>], vector<16xf32>,
          %parallel_loop3A_148 = tpu.vector_load_idx %arg9[%parallel_loop3A_144] : memref<50176xf32, #tpu.memory_space<vmem>>[vector<16xi32>], vector<16xf32>,
          %parallel_loop3A_149 = arith.cmpf olt, %parallel_loop3A_148, %parallel_loop3A_147 : vector<16xf32>
          %parallel_loop3A_150 = arith.constant 4.097000e+03 : f32
          %parallel_loop3A_151 = arith.constant 1.000000e+00 : f32
          %parallel_loop3A_152 = vector.broadcast %parallel_loop3A_150 : f32 to vector<16xf32>
          %parallel_loop3A_153 = vector.broadcast %parallel_loop3A_151 : f32 to vector<16xf32>
          %parallel_loop3A_154 = arith.select %parallel_loop3A_149, %parallel_loop3A_152, %parallel_loop3A_153 : vector<16xi1>, vector<16xf32>
          %parallel_loop3A_155 = arith.index_cast %parallel_loop3A_138 : i32 to index
          %parallel_loop3A_156 = tpu.vector_load %arg12[%parallel_loop3A_155] {strides = array<i32>} : memref<4000xf32, #tpu.memory_space<vmem>>, vector<16xf32>,
          tpu.vector_store %arg12[%parallel_loop3A_155], %parallel_loop3A_154 {strides = array<i32>} : memref<4000xf32, #tpu.memory_space<vmem>>, vector<16xf32>,
          %parallel_loop3A_157 = arith.cmpf olt, %parallel_loop3A_147, %parallel_loop3A_148 : vector<16xf32>
          %parallel_loop3A_158 = arith.constant 4.097000e+03 : f32
          %parallel_loop3A_159 = arith.constant 1.000000e+00 : f32
          %parallel_loop3A_160 = vector.broadcast %parallel_loop3A_158 : f32 to vector<16xf32>
          %parallel_loop3A_161 = vector.broadcast %parallel_loop3A_159 : f32 to vector<16xf32>
          %parallel_loop3A_162 = arith.select %parallel_loop3A_157, %parallel_loop3A_160, %parallel_loop3A_161 : vector<16xi1>, vector<16xf32>
          %parallel_loop3A_163 = arith.index_cast %parallel_loop3A_140 : i32 to index
          %parallel_loop3A_164 = tpu.vector_load %arg12[%parallel_loop3A_163] {strides = array<i32>} : memref<4000xf32, #tpu.memory_space<vmem>>, vector<16xf32>,
          tpu.vector_store %arg12[%parallel_loop3A_163], %parallel_loop3A_162 {strides = array<i32>} : memref<4000xf32, #tpu.memory_space<vmem>>, vector<16xf32>,
          %parallel_loop3A_165 = math.absf %parallel_loop3A_146 : vector<16xf32>
          %parallel_loop3A_166 = arith.constant 3.16887636E-8 : f32
          %parallel_loop3A_167 = vector.broadcast %parallel_loop3A_166 : f32 to vector<16xf32>
          %parallel_loop3A_168 = arith.mulf %parallel_loop3A_165, %parallel_loop3A_167 : vector<16xf32>
          %parallel_loop3A_169 = arith.index_cast %parallel_loop3A_138 : i32 to index
          %parallel_loop3A_170 = tpu.vector_load %arg13[%parallel_loop3A_169] {strides = array<i32>} : memref<4000xf32, #tpu.memory_space<vmem>>, vector<16xf32>,
          tpu.vector_store %arg13[%parallel_loop3A_169], %parallel_loop3A_168 {strides = array<i32>} : memref<4000xf32, #tpu.memory_space<vmem>>, vector<16xf32>,
          %parallel_loop3A_171 = arith.index_cast %parallel_loop3A_140 : i32 to index
          %parallel_loop3A_172 = tpu.vector_load %arg13[%parallel_loop3A_171] {strides = array<i32>} : memref<4000xf32, #tpu.memory_space<vmem>>, vector<16xf32>,
          tpu.vector_store %arg13[%parallel_loop3A_171], %parallel_loop3A_168 {strides = array<i32>} : memref<4000xf32, #tpu.memory_space<vmem>>, vector<16xf32>,
          %parallel_loop3A_173 = arith.subf %parallel_loop3A_147, %parallel_loop3A_148 : vector<16xf32>
          %parallel_loop3A_174 = arith.index_cast %parallel_loop3A_138 : i32 to index
          %parallel_loop3A_175 = tpu.vector_load %arg14[%parallel_loop3A_174] {strides = array<i32>} : memref<2000xf32, #tpu.memory_space<vmem>>, vector<16xf32>,
          tpu.vector_store %arg14[%parallel_loop3A_174], %parallel_loop3A_173 {strides = array<i32>} : memref<2000xf32, #tpu.memory_space<vmem>>, vector<16xf32>,
        } {sc.loop_unroll_factor = 8 : i64, sc.parallel_access}
        %ge3A = arith.constant 1 : i32
        %ge3A_123 = arith.cmpi sge, %while3A_85, %ge3A : i32
        %convert_element_type3A_124 = arith.extui %ge3A_123 : i1 to i32
        %cond3A_125 = arith.constant 0 : i32
        %cond3A_126 = arith.cmpi ne, %convert_element_type3A_124, %cond3A_125 : i32
        scf.if %cond3A_126 {
          %dma_wait3A_138 = arith.constant 0 : i32
          %dma_wait3A_139 = tpu.memref_slice %arg8[%dma_wait3A_138] : memref<1600000xf32, #tpu.memory_space<hbm>> -> memref<2000xf32, #tpu.memory_space<hbm>>
          %dma_wait3A_140 = arith.constant 0 : i32
          %dma_wait3A_141 = tpu.memref_slice %arg8[%dma_wait3A_140] : memref<1600000xf32, #tpu.memory_space<hbm>> -> memref<2000xf32, #tpu.memory_space<hbm>>
          tpu.wait_dma2 semaphore(%arg24 : memref<!tpu.dma_semaphore, #tpu.memory_space<semaphore_mem>>) src(%arg19 : memref<2000xf32, #tpu.memory_space<vmem>>) dst(%dma_wait3A_141 : memref<2000xf32, #tpu.memory_space<hbm>>)
          %dma_wait3A_142 = arith.constant 0 : i32
          %dma_wait3A_143 = tpu.memref_slice %arg21[%dma_wait3A_142] : memref<50176xf32, #tpu.memory_space<vmem_shared>> -> memref<50176xf32, #tpu.memory_space<vmem_shared>>
          tpu.wait_indirect_dma semaphore(%arg25 : memref<!tpu.dma_semaphore, #tpu.memory_space<semaphore_mem>>) src(%arg17 : memref<4000xf32, #tpu.memory_space<vmem>>) dst(%dma_wait3A_143 : memref<50176xf32, #tpu.memory_space<vmem_shared>>)
          %dma_wait3A_144 = arith.constant 0 : i32
          %dma_wait3A_145 = tpu.memref_slice %arg22[%dma_wait3A_144] : memref<50176xf32, #tpu.memory_space<vmem_shared>> -> memref<50176xf32, #tpu.memory_space<vmem_shared>>
          tpu.wait_indirect_dma semaphore(%arg26 : memref<!tpu.dma_semaphore, #tpu.memory_space<semaphore_mem>>) src(%arg18 : memref<4000xf32, #tpu.memory_space<vmem>>) dst(%dma_wait3A_145 : memref<50176xf32, #tpu.memory_space<vmem_shared>>)
        } else {
        }
        %dma_start3A_127 = tpu.memref_slice %arg8[%mul3A_101] : memref<1600000xf32, #tpu.memory_space<hbm>> -> memref<2000xf32, #tpu.memory_space<hbm>>
        %dma_start3A_128 = tpu.memref_slice %arg8[%mul3A_101] : memref<1600000xf32, #tpu.memory_space<hbm>> -> memref<2000xf32, #tpu.memory_space<hbm>>
        tpu.enqueue_dma source(%arg14 : memref<2000xf32, #tpu.memory_space<vmem>>) target(%dma_start3A_128 : memref<2000xf32, #tpu.memory_space<hbm>>) target_semaphore(%arg24 : memref<!tpu.dma_semaphore, #tpu.memory_space<semaphore_mem>>)
        %dma_start3A_129 = arith.constant 0 : i32
        %dma_start3A_130 = tpu.memref_slice %arg21[%dma_start3A_129] : memref<50176xf32, #tpu.memory_space<vmem_shared>> -> memref<50176xf32, #tpu.memory_space<vmem_shared>>
        tpu.enqueue_indirect_dma source(%arg12 : memref<4000xf32, #tpu.memory_space<vmem>>) target(%dma_start3A_130 : memref<50176xf32, #tpu.memory_space<vmem_shared>>) offsets(%arg10 : memref<4000xi32, #tpu.memory_space<vmem>>) semaphore(%arg25 : memref<!tpu.dma_semaphore, #tpu.memory_space<semaphore_mem>>) {add = true}
        %dma_start3A_131 = arith.constant 0 : i32
        %dma_start3A_132 = tpu.memref_slice %arg22[%dma_start3A_131] : memref<50176xf32, #tpu.memory_space<vmem_shared>> -> memref<50176xf32, #tpu.memory_space<vmem_shared>>
        tpu.enqueue_indirect_dma source(%arg13 : memref<4000xf32, #tpu.memory_space<vmem>>) target(%dma_start3A_132 : memref<50176xf32, #tpu.memory_space<vmem_shared>>) offsets(%arg10 : memref<4000xi32, #tpu.memory_space<vmem>>) semaphore(%arg26 : memref<!tpu.dma_semaphore, #tpu.memory_space<semaphore_mem>>) {add = true}
        %add3A_133 = arith.constant 1 : i32
        %add3A_134 = arith.addi %while3A_85, %add3A_133 : i32
        %lt3A = arith.cmpi slt, %add3A_134, %select_n3A : i32
        %convert_element_type3A_135 = arith.extui %lt3A : i1 to i32
        %cond3A_136 = arith.constant 0 : i32
        %cond3A_137 = arith.cmpi ne, %convert_element_type3A_135, %cond3A_136 : i32
        scf.if %cond3A_137 {
          %add3A_138 = arith.constant 1 : i32
          %add3A_139 = arith.addi %while3A_85, %add3A_138 : i32
          %mul3A_140 = arith.constant 32 : i32
          %mul3A_141 = arith.muli %add3A_139, %mul3A_140 : i32
          %add3A_142 = arith.addi %add3A, %mul3A_141 : i32
          %mul3A_143 = arith.constant 2000 : i32
          %mul3A_144 = arith.muli %add3A_142, %mul3A_143 : i32
          %dma_start3A_145 = arith.constant 0 : i32
          %dma_start3A_146 = tpu.memref_slice %arg15[%dma_start3A_145] : memref<4000xi32, #tpu.memory_space<vmem>> -> memref<2000xi32, #tpu.memory_space<vmem>>
          %dma_start3A_147 = tpu.memref_slice %arg2[%mul3A_144] : memref<1600000xi32, #tpu.memory_space<hbm>> -> memref<2000xi32, #tpu.memory_space<hbm>>
          %dma_start3A_148 = arith.constant 0 : i32
          %dma_start3A_149 = tpu.memref_slice %arg15[%dma_start3A_148] : memref<4000xi32, #tpu.memory_space<vmem>> -> memref<2000xi32, #tpu.memory_space<vmem>>
          %dma_start3A_150 = tpu.memref_slice %arg2[%mul3A_144] : memref<1600000xi32, #tpu.memory_space<hbm>> -> memref<2000xi32, #tpu.memory_space<hbm>>
          tpu.enqueue_dma source(%dma_start3A_150 : memref<2000xi32, #tpu.memory_space<hbm>>) target(%dma_start3A_149 : memref<2000xi32, #tpu.memory_space<vmem>>) target_semaphore(%arg23 : memref<!tpu.dma_semaphore, #tpu.memory_space<semaphore_mem>>)
          %dma_start3A_151 = arith.constant 2000 : i32
          %dma_start3A_152 = tpu.memref_slice %arg15[%dma_start3A_151] : memref<4000xi32, #tpu.memory_space<vmem>> -> memref<2000xi32, #tpu.memory_space<vmem>>
          %dma_start3A_153 = tpu.memref_slice %arg3[%mul3A_144] : memref<1600000xi32, #tpu.memory_space<hbm>> -> memref<2000xi32, #tpu.memory_space<hbm>>
          %dma_start3A_154 = arith.constant 2000 : i32
          %dma_start3A_155 = tpu.memref_slice %arg15[%dma_start3A_154] : memref<4000xi32, #tpu.memory_space<vmem>> -> memref<2000xi32, #tpu.memory_space<vmem>>
          %dma_start3A_156 = tpu.memref_slice %arg3[%mul3A_144] : memref<1600000xi32, #tpu.memory_space<hbm>> -> memref<2000xi32, #tpu.memory_space<hbm>>
          tpu.enqueue_dma source(%dma_start3A_156 : memref<2000xi32, #tpu.memory_space<hbm>>) target(%dma_start3A_155 : memref<2000xi32, #tpu.memory_space<vmem>>) target_semaphore(%arg23 : memref<!tpu.dma_semaphore, #tpu.memory_space<semaphore_mem>>)
          %dma_start3A_157 = tpu.memref_slice %arg4[%mul3A_144] : memref<1600000xf32, #tpu.memory_space<hbm>> -> memref<2000xf32, #tpu.memory_space<hbm>>
          %dma_start3A_158 = tpu.memref_slice %arg4[%mul3A_144] : memref<1600000xf32, #tpu.memory_space<hbm>> -> memref<2000xf32, #tpu.memory_space<hbm>>
          tpu.enqueue_dma source(%dma_start3A_158 : memref<2000xf32, #tpu.memory_space<hbm>>) target(%arg16 : memref<2000xf32, #tpu.memory_space<vmem>>) target_semaphore(%arg23 : memref<!tpu.dma_semaphore, #tpu.memory_space<semaphore_mem>>)
        } else {
        }
      } else {
      }
      %not3A = arith.constant true
      %not3A_93 = arith.xori %eq3A_89, %not3A : i1
      %convert_element_type3A_94 = arith.extui %not3A_93 : i1 to i32
      %cond3A_95 = arith.constant 0 : i32
      %cond3A_96 = arith.cmpi ne, %convert_element_type3A_94, %cond3A_95 : i32
      scf.if %cond3A_96 {
        %mul3A_97 = arith.constant 32 : i32
        %mul3A_98 = arith.muli %while3A_85, %mul3A_97 : i32
        %add3A_99 = arith.addi %add3A, %mul3A_98 : i32
        %mul3A_100 = arith.constant 2000 : i32
        %mul3A_101 = arith.muli %add3A_99, %mul3A_100 : i32
        %dma_wait3A = arith.constant 0 : i32
        %dma_wait3A_102 = tpu.memref_slice %arg15[%dma_wait3A] : memref<4000xi32, #tpu.memory_space<vmem>> -> memref<2000xi32, #tpu.memory_space<vmem>>
        %dma_wait3A_103 = arith.constant 0 : i32
        %dma_wait3A_104 = tpu.memref_slice %arg2[%dma_wait3A_103] : memref<1600000xi32, #tpu.memory_space<hbm>> -> memref<2000xi32, #tpu.memory_space<hbm>>
        %dma_wait3A_105 = arith.constant 0 : i32
        %dma_wait3A_106 = tpu.memref_slice %arg15[%dma_wait3A_105] : memref<4000xi32, #tpu.memory_space<vmem>> -> memref<2000xi32, #tpu.memory_space<vmem>>
        %dma_wait3A_107 = arith.constant 0 : i32
        %dma_wait3A_108 = tpu.memref_slice %arg2[%dma_wait3A_107] : memref<1600000xi32, #tpu.memory_space<hbm>> -> memref<2000xi32, #tpu.memory_space<hbm>>
        tpu.wait_dma2 semaphore(%arg23 : memref<!tpu.dma_semaphore, #tpu.memory_space<semaphore_mem>>) src(%dma_wait3A_108 : memref<2000xi32, #tpu.memory_space<hbm>>) dst(%dma_wait3A_106 : memref<2000xi32, #tpu.memory_space<vmem>>)
        %dma_wait3A_109 = arith.constant 2000 : i32
        %dma_wait3A_110 = tpu.memref_slice %arg15[%dma_wait3A_109] : memref<4000xi32, #tpu.memory_space<vmem>> -> memref<2000xi32, #tpu.memory_space<vmem>>
        %dma_wait3A_111 = arith.constant 0 : i32
        %dma_wait3A_112 = tpu.memref_slice %arg3[%dma_wait3A_111] : memref<1600000xi32, #tpu.memory_space<hbm>> -> memref<2000xi32, #tpu.memory_space<hbm>>
        %dma_wait3A_113 = arith.constant 2000 : i32
        %dma_wait3A_114 = tpu.memref_slice %arg15[%dma_wait3A_113] : memref<4000xi32, #tpu.memory_space<vmem>> -> memref<2000xi32, #tpu.memory_space<vmem>>
        %dma_wait3A_115 = arith.constant 0 : i32
        %dma_wait3A_116 = tpu.memref_slice %arg3[%dma_wait3A_115] : memref<1600000xi32, #tpu.memory_space<hbm>> -> memref<2000xi32, #tpu.memory_space<hbm>>
        tpu.wait_dma2 semaphore(%arg23 : memref<!tpu.dma_semaphore, #tpu.memory_space<semaphore_mem>>) src(%dma_wait3A_116 : memref<2000xi32, #tpu.memory_space<hbm>>) dst(%dma_wait3A_114 : memref<2000xi32, #tpu.memory_space<vmem>>)
        %dma_wait3A_117 = arith.constant 0 : i32
        %dma_wait3A_118 = tpu.memref_slice %arg4[%dma_wait3A_117] : memref<1600000xf32, #tpu.memory_space<hbm>> -> memref<2000xf32, #tpu.memory_space<hbm>>
        %dma_wait3A_119 = arith.constant 0 : i32
        %dma_wait3A_120 = tpu.memref_slice %arg4[%dma_wait3A_119] : memref<1600000xf32, #tpu.memory_space<hbm>> -> memref<2000xf32, #tpu.memory_space<hbm>>
        tpu.wait_dma2 semaphore(%arg23 : memref<!tpu.dma_semaphore, #tpu.memory_space<semaphore_mem>>) src(%dma_wait3A_120 : memref<2000xf32, #tpu.memory_space<hbm>>) dst(%arg16 : memref<2000xf32, #tpu.memory_space<vmem>>)
        %parallel_loop3A = arith.constant 0 : i32
        %parallel_loop3A_121 = arith.constant 2000 : i32
        %parallel_loop3A_122 = arith.constant 16 : i32
        scf.for %parallel_loop3A_138 = %parallel_loop3A to %parallel_loop3A_121 step %parallel_loop3A_122  : i32 {
          %parallel_loop3A_139 = arith.constant 2000 : i32
          %parallel_loop3A_140 = arith.addi %parallel_loop3A_139, %parallel_loop3A_138 : i32
          %parallel_loop3A_141 = arith.index_cast %parallel_loop3A_138 : i32 to index
          %parallel_loop3A_142 = tpu.vector_load %arg15[%parallel_loop3A_141] {strides = array<i32>} : memref<4000xi32, #tpu.memory_space<vmem>>, vector<16xi32>,
          %parallel_loop3A_143 = arith.index_cast %parallel_loop3A_140 : i32 to index
          %parallel_loop3A_144 = tpu.vector_load %arg15[%parallel_loop3A_143] {strides = array<i32>} : memref<4000xi32, #tpu.memory_space<vmem>>, vector<16xi32>,
          %parallel_loop3A_145 = arith.index_cast %parallel_loop3A_138 : i32 to index
          %parallel_loop3A_146 = tpu.vector_load %arg16[%parallel_loop3A_145] {strides = array<i32>} : memref<2000xf32, #tpu.memory_space<vmem>>, vector<16xf32>,
          %parallel_loop3A_147 = tpu.vector_load_idx %arg9[%parallel_loop3A_142] : memref<50176xf32, #tpu.memory_space<vmem>>[vector<16xi32>], vector<16xf32>,
          %parallel_loop3A_148 = tpu.vector_load_idx %arg9[%parallel_loop3A_144] : memref<50176xf32, #tpu.memory_space<vmem>>[vector<16xi32>], vector<16xf32>,
          %parallel_loop3A_149 = arith.cmpf olt, %parallel_loop3A_148, %parallel_loop3A_147 : vector<16xf32>
          %parallel_loop3A_150 = arith.constant 4.097000e+03 : f32
          %parallel_loop3A_151 = arith.constant 1.000000e+00 : f32
          %parallel_loop3A_152 = vector.broadcast %parallel_loop3A_150 : f32 to vector<16xf32>
          %parallel_loop3A_153 = vector.broadcast %parallel_loop3A_151 : f32 to vector<16xf32>
          %parallel_loop3A_154 = arith.select %parallel_loop3A_149, %parallel_loop3A_152, %parallel_loop3A_153 : vector<16xi1>, vector<16xf32>
          %parallel_loop3A_155 = arith.index_cast %parallel_loop3A_138 : i32 to index
          %parallel_loop3A_156 = tpu.vector_load %arg17[%parallel_loop3A_155] {strides = array<i32>} : memref<4000xf32, #tpu.memory_space<vmem>>, vector<16xf32>,
          tpu.vector_store %arg17[%parallel_loop3A_155], %parallel_loop3A_154 {strides = array<i32>} : memref<4000xf32, #tpu.memory_space<vmem>>, vector<16xf32>,
          %parallel_loop3A_157 = arith.cmpf olt, %parallel_loop3A_147, %parallel_loop3A_148 : vector<16xf32>
          %parallel_loop3A_158 = arith.constant 4.097000e+03 : f32
          %parallel_loop3A_159 = arith.constant 1.000000e+00 : f32
          %parallel_loop3A_160 = vector.broadcast %parallel_loop3A_158 : f32 to vector<16xf32>
          %parallel_loop3A_161 = vector.broadcast %parallel_loop3A_159 : f32 to vector<16xf32>
          %parallel_loop3A_162 = arith.select %parallel_loop3A_157, %parallel_loop3A_160, %parallel_loop3A_161 : vector<16xi1>, vector<16xf32>
          %parallel_loop3A_163 = arith.index_cast %parallel_loop3A_140 : i32 to index
          %parallel_loop3A_164 = tpu.vector_load %arg17[%parallel_loop3A_163] {strides = array<i32>} : memref<4000xf32, #tpu.memory_space<vmem>>, vector<16xf32>,
          tpu.vector_store %arg17[%parallel_loop3A_163], %parallel_loop3A_162 {strides = array<i32>} : memref<4000xf32, #tpu.memory_space<vmem>>, vector<16xf32>,
          %parallel_loop3A_165 = math.absf %parallel_loop3A_146 : vector<16xf32>
          %parallel_loop3A_166 = arith.constant 3.16887636E-8 : f32
          %parallel_loop3A_167 = vector.broadcast %parallel_loop3A_166 : f32 to vector<16xf32>
          %parallel_loop3A_168 = arith.mulf %parallel_loop3A_165, %parallel_loop3A_167 : vector<16xf32>
          %parallel_loop3A_169 = arith.index_cast %parallel_loop3A_138 : i32 to index
          %parallel_loop3A_170 = tpu.vector_load %arg18[%parallel_loop3A_169] {strides = array<i32>} : memref<4000xf32, #tpu.memory_space<vmem>>, vector<16xf32>,
          tpu.vector_store %arg18[%parallel_loop3A_169], %parallel_loop3A_168 {strides = array<i32>} : memref<4000xf32, #tpu.memory_space<vmem>>, vector<16xf32>,
          %parallel_loop3A_171 = arith.index_cast %parallel_loop3A_140 : i32 to index
          %parallel_loop3A_172 = tpu.vector_load %arg18[%parallel_loop3A_171] {strides = array<i32>} : memref<4000xf32, #tpu.memory_space<vmem>>, vector<16xf32>,
          tpu.vector_store %arg18[%parallel_loop3A_171], %parallel_loop3A_168 {strides = array<i32>} : memref<4000xf32, #tpu.memory_space<vmem>>, vector<16xf32>,
          %parallel_loop3A_173 = arith.subf %parallel_loop3A_147, %parallel_loop3A_148 : vector<16xf32>
          %parallel_loop3A_174 = arith.index_cast %parallel_loop3A_138 : i32 to index
          %parallel_loop3A_175 = tpu.vector_load %arg19[%parallel_loop3A_174] {strides = array<i32>} : memref<2000xf32, #tpu.memory_space<vmem>>, vector<16xf32>,
          tpu.vector_store %arg19[%parallel_loop3A_174], %parallel_loop3A_173 {strides = array<i32>} : memref<2000xf32, #tpu.memory_space<vmem>>, vector<16xf32>,
        } {sc.loop_unroll_factor = 8 : i64, sc.parallel_access}
        %ge3A = arith.constant 1 : i32
        %ge3A_123 = arith.cmpi sge, %while3A_85, %ge3A : i32
        %convert_element_type3A_124 = arith.extui %ge3A_123 : i1 to i32
        %cond3A_125 = arith.constant 0 : i32
        %cond3A_126 = arith.cmpi ne, %convert_element_type3A_124, %cond3A_125 : i32
        scf.if %cond3A_126 {
          %dma_wait3A_138 = arith.constant 0 : i32
          %dma_wait3A_139 = tpu.memref_slice %arg8[%dma_wait3A_138] : memref<1600000xf32, #tpu.memory_space<hbm>> -> memref<2000xf32, #tpu.memory_space<hbm>>
          %dma_wait3A_140 = arith.constant 0 : i32
          %dma_wait3A_141 = tpu.memref_slice %arg8[%dma_wait3A_140] : memref<1600000xf32, #tpu.memory_space<hbm>> -> memref<2000xf32, #tpu.memory_space<hbm>>
          tpu.wait_dma2 semaphore(%arg24 : memref<!tpu.dma_semaphore, #tpu.memory_space<semaphore_mem>>) src(%arg14 : memref<2000xf32, #tpu.memory_space<vmem>>) dst(%dma_wait3A_141 : memref<2000xf32, #tpu.memory_space<hbm>>)
          %dma_wait3A_142 = arith.constant 0 : i32
          %dma_wait3A_143 = tpu.memref_slice %arg21[%dma_wait3A_142] : memref<50176xf32, #tpu.memory_space<vmem_shared>> -> memref<50176xf32, #tpu.memory_space<vmem_shared>>
          tpu.wait_indirect_dma semaphore(%arg25 : memref<!tpu.dma_semaphore, #tpu.memory_space<semaphore_mem>>) src(%arg12 : memref<4000xf32, #tpu.memory_space<vmem>>) dst(%dma_wait3A_143 : memref<50176xf32, #tpu.memory_space<vmem_shared>>)
          %dma_wait3A_144 = arith.constant 0 : i32
          %dma_wait3A_145 = tpu.memref_slice %arg22[%dma_wait3A_144] : memref<50176xf32, #tpu.memory_space<vmem_shared>> -> memref<50176xf32, #tpu.memory_space<vmem_shared>>
          tpu.wait_indirect_dma semaphore(%arg26 : memref<!tpu.dma_semaphore, #tpu.memory_space<semaphore_mem>>) src(%arg13 : memref<4000xf32, #tpu.memory_space<vmem>>) dst(%dma_wait3A_145 : memref<50176xf32, #tpu.memory_space<vmem_shared>>)
        } else {
        }
        %dma_start3A_127 = tpu.memref_slice %arg8[%mul3A_101] : memref<1600000xf32, #tpu.memory_space<hbm>> -> memref<2000xf32, #tpu.memory_space<hbm>>
        %dma_start3A_128 = tpu.memref_slice %arg8[%mul3A_101] : memref<1600000xf32, #tpu.memory_space<hbm>> -> memref<2000xf32, #tpu.memory_space<hbm>>
        tpu.enqueue_dma source(%arg19 : memref<2000xf32, #tpu.memory_space<vmem>>) target(%dma_start3A_128 : memref<2000xf32, #tpu.memory_space<hbm>>) target_semaphore(%arg24 : memref<!tpu.dma_semaphore, #tpu.memory_space<semaphore_mem>>)
        %dma_start3A_129 = arith.constant 0 : i32
        %dma_start3A_130 = tpu.memref_slice %arg21[%dma_start3A_129] : memref<50176xf32, #tpu.memory_space<vmem_shared>> -> memref<50176xf32, #tpu.memory_space<vmem_shared>>
        tpu.enqueue_indirect_dma source(%arg17 : memref<4000xf32, #tpu.memory_space<vmem>>) target(%dma_start3A_130 : memref<50176xf32, #tpu.memory_space<vmem_shared>>) offsets(%arg15 : memref<4000xi32, #tpu.memory_space<vmem>>) semaphore(%arg25 : memref<!tpu.dma_semaphore, #tpu.memory_space<semaphore_mem>>) {add = true}
        %dma_start3A_131 = arith.constant 0 : i32
        %dma_start3A_132 = tpu.memref_slice %arg22[%dma_start3A_131] : memref<50176xf32, #tpu.memory_space<vmem_shared>> -> memref<50176xf32, #tpu.memory_space<vmem_shared>>
        tpu.enqueue_indirect_dma source(%arg18 : memref<4000xf32, #tpu.memory_space<vmem>>) target(%dma_start3A_132 : memref<50176xf32, #tpu.memory_space<vmem_shared>>) offsets(%arg15 : memref<4000xi32, #tpu.memory_space<vmem>>) semaphore(%arg26 : memref<!tpu.dma_semaphore, #tpu.memory_space<semaphore_mem>>) {add = true}
        %add3A_133 = arith.constant 1 : i32
        %add3A_134 = arith.addi %while3A_85, %add3A_133 : i32
        %lt3A = arith.cmpi slt, %add3A_134, %select_n3A : i32
        %convert_element_type3A_135 = arith.extui %lt3A : i1 to i32
        %cond3A_136 = arith.constant 0 : i32
        %cond3A_137 = arith.cmpi ne, %convert_element_type3A_135, %cond3A_136 : i32
        scf.if %cond3A_137 {
          %add3A_138 = arith.constant 1 : i32
          %add3A_139 = arith.addi %while3A_85, %add3A_138 : i32
          %mul3A_140 = arith.constant 32 : i32
          %mul3A_141 = arith.muli %add3A_139, %mul3A_140 : i32
          %add3A_142 = arith.addi %add3A, %mul3A_141 : i32
          %mul3A_143 = arith.constant 2000 : i32
          %mul3A_144 = arith.muli %add3A_142, %mul3A_143 : i32
          %dma_start3A_145 = arith.constant 0 : i32
          %dma_start3A_146 = tpu.memref_slice %arg10[%dma_start3A_145] : memref<4000xi32, #tpu.memory_space<vmem>> -> memref<2000xi32, #tpu.memory_space<vmem>>
          %dma_start3A_147 = tpu.memref_slice %arg2[%mul3A_144] : memref<1600000xi32, #tpu.memory_space<hbm>> -> memref<2000xi32, #tpu.memory_space<hbm>>
          %dma_start3A_148 = arith.constant 0 : i32
          %dma_start3A_149 = tpu.memref_slice %arg10[%dma_start3A_148] : memref<4000xi32, #tpu.memory_space<vmem>> -> memref<2000xi32, #tpu.memory_space<vmem>>
          %dma_start3A_150 = tpu.memref_slice %arg2[%mul3A_144] : memref<1600000xi32, #tpu.memory_space<hbm>> -> memref<2000xi32, #tpu.memory_space<hbm>>
          tpu.enqueue_dma source(%dma_start3A_150 : memref<2000xi32, #tpu.memory_space<hbm>>) target(%dma_start3A_149 : memref<2000xi32, #tpu.memory_space<vmem>>) target_semaphore(%arg23 : memref<!tpu.dma_semaphore, #tpu.memory_space<semaphore_mem>>)
          %dma_start3A_151 = arith.constant 2000 : i32
          %dma_start3A_152 = tpu.memref_slice %arg10[%dma_start3A_151] : memref<4000xi32, #tpu.memory_space<vmem>> -> memref<2000xi32, #tpu.memory_space<vmem>>
          %dma_start3A_153 = tpu.memref_slice %arg3[%mul3A_144] : memref<1600000xi32, #tpu.memory_space<hbm>> -> memref<2000xi32, #tpu.memory_space<hbm>>
          %dma_start3A_154 = arith.constant 2000 : i32
          %dma_start3A_155 = tpu.memref_slice %arg10[%dma_start3A_154] : memref<4000xi32, #tpu.memory_space<vmem>> -> memref<2000xi32, #tpu.memory_space<vmem>>
          %dma_start3A_156 = tpu.memref_slice %arg3[%mul3A_144] : memref<1600000xi32, #tpu.memory_space<hbm>> -> memref<2000xi32, #tpu.memory_space<hbm>>
          tpu.enqueue_dma source(%dma_start3A_156 : memref<2000xi32, #tpu.memory_space<hbm>>) target(%dma_start3A_155 : memref<2000xi32, #tpu.memory_space<vmem>>) target_semaphore(%arg23 : memref<!tpu.dma_semaphore, #tpu.memory_space<semaphore_mem>>)
          %dma_start3A_157 = tpu.memref_slice %arg4[%mul3A_144] : memref<1600000xf32, #tpu.memory_space<hbm>> -> memref<2000xf32, #tpu.memory_space<hbm>>
          %dma_start3A_158 = tpu.memref_slice %arg4[%mul3A_144] : memref<1600000xf32, #tpu.memory_space<hbm>> -> memref<2000xf32, #tpu.memory_space<hbm>>
          tpu.enqueue_dma source(%dma_start3A_158 : memref<2000xf32, #tpu.memory_space<hbm>>) target(%arg11 : memref<2000xf32, #tpu.memory_space<vmem>>) target_semaphore(%arg23 : memref<!tpu.dma_semaphore, #tpu.memory_space<semaphore_mem>>)
        } else {
        }
      } else {
      }
    }
    %sub3A_64 = arith.constant 1 : i32
    %sub3A_65 = arith.subi %select_n3A, %sub3A_64 : i32
    %rem3A_66 = arith.constant 2 : i32
    %rem3A_67 = arith.remsi %sub3A_65, %rem3A_66 : i32
    %eq3A = arith.constant 0 : i32
    %eq3A_68 = arith.cmpi eq, %rem3A_67, %eq3A : i32
    %convert_element_type3A = arith.extui %eq3A_68 : i1 to i32
    %cond3A = arith.constant 0 : i32
    %cond3A_69 = arith.cmpi ne, %convert_element_type3A, %cond3A : i32
    scf.if %cond3A_69 {
      %dma_wait3A = arith.constant 0 : i32
      %dma_wait3A_85 = tpu.memref_slice %arg8[%dma_wait3A] : memref<1600000xf32, #tpu.memory_space<hbm>> -> memref<2000xf32, #tpu.memory_space<hbm>>
      %dma_wait3A_86 = arith.constant 0 : i32
      %dma_wait3A_87 = tpu.memref_slice %arg8[%dma_wait3A_86] : memref<1600000xf32, #tpu.memory_space<hbm>> -> memref<2000xf32, #tpu.memory_space<hbm>>
      tpu.wait_dma2 semaphore(%arg24 : memref<!tpu.dma_semaphore, #tpu.memory_space<semaphore_mem>>) src(%arg14 : memref<2000xf32, #tpu.memory_space<vmem>>) dst(%dma_wait3A_87 : memref<2000xf32, #tpu.memory_space<hbm>>)
      %dma_wait3A_88 = arith.constant 0 : i32
      %dma_wait3A_89 = tpu.memref_slice %arg21[%dma_wait3A_88] : memref<50176xf32, #tpu.memory_space<vmem_shared>> -> memref<50176xf32, #tpu.memory_space<vmem_shared>>
      tpu.wait_indirect_dma semaphore(%arg25 : memref<!tpu.dma_semaphore, #tpu.memory_space<semaphore_mem>>) src(%arg12 : memref<4000xf32, #tpu.memory_space<vmem>>) dst(%dma_wait3A_89 : memref<50176xf32, #tpu.memory_space<vmem_shared>>)
      %dma_wait3A_90 = arith.constant 0 : i32
      %dma_wait3A_91 = tpu.memref_slice %arg22[%dma_wait3A_90] : memref<50176xf32, #tpu.memory_space<vmem_shared>> -> memref<50176xf32, #tpu.memory_space<vmem_shared>>
      tpu.wait_indirect_dma semaphore(%arg26 : memref<!tpu.dma_semaphore, #tpu.memory_space<semaphore_mem>>) src(%arg13 : memref<4000xf32, #tpu.memory_space<vmem>>) dst(%dma_wait3A_91 : memref<50176xf32, #tpu.memory_space<vmem_shared>>)
    } else {
    }
    %sub3A_70 = arith.constant 1 : i32
    %sub3A_71 = arith.subi %select_n3A, %sub3A_70 : i32
    %rem3A_72 = arith.constant 2 : i32
    %rem3A_73 = arith.remsi %sub3A_71, %rem3A_72 : i32
    %eq3A_74 = arith.constant 1 : i32
    %eq3A_75 = arith.cmpi eq, %rem3A_73, %eq3A_74 : i32
    %convert_element_type3A_76 = arith.extui %eq3A_75 : i1 to i32
    %cond3A_77 = arith.constant 0 : i32
    %cond3A_78 = arith.cmpi ne, %convert_element_type3A_76, %cond3A_77 : i32
    scf.if %cond3A_78 {
      %dma_wait3A = arith.constant 0 : i32
      %dma_wait3A_85 = tpu.memref_slice %arg8[%dma_wait3A] : memref<1600000xf32, #tpu.memory_space<hbm>> -> memref<2000xf32, #tpu.memory_space<hbm>>
      %dma_wait3A_86 = arith.constant 0 : i32
      %dma_wait3A_87 = tpu.memref_slice %arg8[%dma_wait3A_86] : memref<1600000xf32, #tpu.memory_space<hbm>> -> memref<2000xf32, #tpu.memory_space<hbm>>
      tpu.wait_dma2 semaphore(%arg24 : memref<!tpu.dma_semaphore, #tpu.memory_space<semaphore_mem>>) src(%arg19 : memref<2000xf32, #tpu.memory_space<vmem>>) dst(%dma_wait3A_87 : memref<2000xf32, #tpu.memory_space<hbm>>)
      %dma_wait3A_88 = arith.constant 0 : i32
      %dma_wait3A_89 = tpu.memref_slice %arg21[%dma_wait3A_88] : memref<50176xf32, #tpu.memory_space<vmem_shared>> -> memref<50176xf32, #tpu.memory_space<vmem_shared>>
      tpu.wait_indirect_dma semaphore(%arg25 : memref<!tpu.dma_semaphore, #tpu.memory_space<semaphore_mem>>) src(%arg17 : memref<4000xf32, #tpu.memory_space<vmem>>) dst(%dma_wait3A_89 : memref<50176xf32, #tpu.memory_space<vmem_shared>>)
      %dma_wait3A_90 = arith.constant 0 : i32
      %dma_wait3A_91 = tpu.memref_slice %arg22[%dma_wait3A_90] : memref<50176xf32, #tpu.memory_space<vmem_shared>> -> memref<50176xf32, #tpu.memory_space<vmem_shared>>
      tpu.wait_indirect_dma semaphore(%arg26 : memref<!tpu.dma_semaphore, #tpu.memory_space<semaphore_mem>>) src(%arg18 : memref<4000xf32, #tpu.memory_space<vmem>>) dst(%dma_wait3A_91 : memref<50176xf32, #tpu.memory_space<vmem_shared>>)
    } else {
    }
    %barrier3A_79 = arith.constant 0 : index
    tpu.barrier barrier_id(%barrier3A_79)
    %eq3A_80 = arith.constant 0 : i32
    %eq3A_81 = arith.cmpi eq, %arg1, %eq3A_80 : i32
    %convert_element_type3A_82 = arith.extui %eq3A_81 : i1 to i32
    %cond3A_83 = arith.constant 0 : i32
    %cond3A_84 = arith.cmpi ne, %convert_element_type3A_82, %cond3A_83 : i32
    scf.if %cond3A_84 {
      "tpu.region"() ({
        %run_scoped3A = tpu.sem_alloc : memref<!tpu.dma_semaphore, #tpu.memory_space<semaphore_mem>>
        %dma_start3A_85 = arith.constant 0 : i32
        %dma_start3A_86 = tpu.memref_slice %arg6[%arg0, %dma_start3A_85] : memref<2x50176xf32, #tpu.memory_space<hbm>> -> memref<1x50176xf32, #tpu.memory_space<hbm>>
        %dma_start3A_87 = tpu.memref_squeeze %dma_start3A_86 : memref<1x50176xf32, #tpu.memory_space<hbm>> -> memref<50176xf32, #tpu.memory_space<hbm>>
        tpu.enqueue_dma source(%arg21 : memref<50176xf32, #tpu.memory_space<vmem_shared>>) target(%dma_start3A_87 : memref<50176xf32, #tpu.memory_space<hbm>>) target_semaphore(%run_scoped3A : memref<!tpu.dma_semaphore, #tpu.memory_space<semaphore_mem>>)
        %dma_wait3A = arith.constant 0 : i32
        %dma_wait3A_88 = tpu.memref_slice %arg6[%arg0, %dma_wait3A] : memref<2x50176xf32, #tpu.memory_space<hbm>> -> memref<1x50176xf32, #tpu.memory_space<hbm>>
        %dma_wait3A_89 = tpu.memref_squeeze %dma_wait3A_88 : memref<1x50176xf32, #tpu.memory_space<hbm>> -> memref<50176xf32, #tpu.memory_space<hbm>>
        tpu.wait_dma2 semaphore(%run_scoped3A : memref<!tpu.dma_semaphore, #tpu.memory_space<semaphore_mem>>) src(%arg21 : memref<50176xf32, #tpu.memory_space<vmem_shared>>) dst(%dma_wait3A_89 : memref<50176xf32, #tpu.memory_space<hbm>>)
        tpu.yield
      }) : () -> ()
      "tpu.region"() ({
        %run_scoped3A = tpu.sem_alloc : memref<!tpu.dma_semaphore, #tpu.memory_space<semaphore_mem>>
        %dma_start3A_85 = arith.constant 0 : i32
        %dma_start3A_86 = tpu.memref_slice %arg7[%arg0, %dma_start3A_85] : memref<2x50176xf32, #tpu.memory_space<hbm>> -> memref<1x50176xf32, #tpu.memory_space<hbm>>
        %dma_start3A_87 = tpu.memref_squeeze %dma_start3A_86 : memref<1x50176xf32, #tpu.memory_space<hbm>> -> memref<50176xf32, #tpu.memory_space<hbm>>
        tpu.enqueue_dma source(%arg22 : memref<50176xf32, #tpu.memory_space<vmem_shared>>) target(%dma_start3A_87 : memref<50176xf32, #tpu.memory_space<hbm>>) target_semaphore(%run_scoped3A : memref<!tpu.dma_semaphore, #tpu.memory_space<semaphore_mem>>)
        %dma_wait3A = arith.constant 0 : i32
        %dma_wait3A_88 = tpu.memref_slice %arg7[%arg0, %dma_wait3A] : memref<2x50176xf32, #tpu.memory_space<hbm>> -> memref<1x50176xf32, #tpu.memory_space<hbm>>
        %dma_wait3A_89 = tpu.memref_squeeze %dma_wait3A_88 : memref<1x50176xf32, #tpu.memory_space<hbm>> -> memref<50176xf32, #tpu.memory_space<hbm>>
        tpu.wait_dma2 semaphore(%run_scoped3A : memref<!tpu.dma_semaphore, #tpu.memory_space<semaphore_mem>>) src(%arg22 : memref<50176xf32, #tpu.memory_space<vmem_shared>>) dst(%dma_wait3A_89 : memref<50176xf32, #tpu.memory_space<hbm>>)
        tpu.yield
      }) : () -> ()
    } else {
    }
    return
  }
}

#map = affine_map<(d0, d1) -> (0)>
module attributes {stable_mosaic.version = 14 : i64} {
  func.func @_phase3_body(%arg0: i32, %arg1: i32, %arg2: memref<1600000xi32, #tpu.memory_space<hbm>>, %arg3: memref<1600000xi32, #tpu.memory_space<hbm>>, %arg4: memref<1600000xf32, #tpu.memory_space<hbm>>, %arg5: memref<1600000xf32, #tpu.memory_space<hbm>>, %arg6: memref<1600000xf32, #tpu.memory_space<hbm>>, %arg7: memref<50176xf32, #tpu.memory_space<hbm>>, %arg8: memref<50176xi32, #tpu.memory_space<hbm>>, %arg9: memref<1600000xf32, #tpu.memory_space<hbm>>, %arg10: memref<1600000xf32, #tpu.memory_space<hbm>>, %arg11: memref<1600000xf32, #tpu.memory_space<hbm>>, %arg12: memref<50176xf32, #tpu.memory_space<vmem>>, %arg13: memref<50176xi32, #tpu.memory_space<vmem>>, %arg14: memref<1600xi32, #tpu.memory_space<vmem>>, %arg15: memref<1600xi32, #tpu.memory_space<vmem>>, %arg16: memref<1600xf32, #tpu.memory_space<vmem>>, %arg17: memref<1600xf32, #tpu.memory_space<vmem>>, %arg18: memref<1600xf32, #tpu.memory_space<vmem>>, %arg19: memref<1600xf32, #tpu.memory_space<vmem>>, %arg20: memref<1600xf32, #tpu.memory_space<vmem>>, %arg21: memref<1600xf32, #tpu.memory_space<vmem>>, %arg22: memref<1600xi32, #tpu.memory_space<vmem>>, %arg23: memref<1600xi32, #tpu.memory_space<vmem>>, %arg24: memref<1600xf32, #tpu.memory_space<vmem>>, %arg25: memref<1600xf32, #tpu.memory_space<vmem>>, %arg26: memref<1600xf32, #tpu.memory_space<vmem>>, %arg27: memref<1600xf32, #tpu.memory_space<vmem>>, %arg28: memref<1600xf32, #tpu.memory_space<vmem>>, %arg29: memref<1600xf32, #tpu.memory_space<vmem>>, %arg30: memref<!tpu.dma_semaphore, #tpu.memory_space<semaphore_mem>>, %arg31: memref<!tpu.dma_semaphore, #tpu.memory_space<semaphore_mem>>) attributes {dimension_semantics = [#tpu.dimension_semantics<core_parallel>, #tpu.dimension_semantics<subcore_parallel>], iteration_bounds = array<i64: 2, 16>, scalar_prefetch = 0 : i64, scratch_operands = 20 : i64, tpu.core_type = #tpu.core_type<sc_vector_subcore>, window_params = [{transform_indices = #map}, {transform_indices = #map}, {transform_indices = #map}, {transform_indices = #map}, {transform_indices = #map}, {transform_indices = #map}, {transform_indices = #map}, {transform_indices = #map}, {transform_indices = #map}, {transform_indices = #map}]} {
    %mul3A = arith.constant 2 : i32
    %mul3A_0 = arith.muli %arg1, %mul3A : i32
    %add3A = arith.addi %mul3A_0, %arg0 : i32
    "tpu.region"() ({
      %run_scoped3A = tpu.sem_alloc : memref<!tpu.dma_semaphore, #tpu.memory_space<semaphore_mem>>
      tpu.enqueue_dma source(%arg7 : memref<50176xf32, #tpu.memory_space<hbm>>) target(%arg12 : memref<50176xf32, #tpu.memory_space<vmem>>) target_semaphore(%run_scoped3A : memref<!tpu.dma_semaphore, #tpu.memory_space<semaphore_mem>>)
      tpu.wait_dma2 semaphore(%run_scoped3A : memref<!tpu.dma_semaphore, #tpu.memory_space<semaphore_mem>>) src(%arg7 : memref<50176xf32, #tpu.memory_space<hbm>>) dst(%arg12 : memref<50176xf32, #tpu.memory_space<vmem>>)
      tpu.yield
    }) : () -> ()
    "tpu.region"() ({
      %run_scoped3A = tpu.sem_alloc : memref<!tpu.dma_semaphore, #tpu.memory_space<semaphore_mem>>
      tpu.enqueue_dma source(%arg8 : memref<50176xi32, #tpu.memory_space<hbm>>) target(%arg13 : memref<50176xi32, #tpu.memory_space<vmem>>) target_semaphore(%run_scoped3A : memref<!tpu.dma_semaphore, #tpu.memory_space<semaphore_mem>>)
      tpu.wait_dma2 semaphore(%run_scoped3A : memref<!tpu.dma_semaphore, #tpu.memory_space<semaphore_mem>>) src(%arg8 : memref<50176xi32, #tpu.memory_space<hbm>>) dst(%arg13 : memref<50176xi32, #tpu.memory_space<vmem>>)
      tpu.yield
    }) : () -> ()
    %sub3A = arith.constant 1000 : i32
    %sub3A_1 = arith.subi %sub3A, %add3A : i32
    %add3A_2 = arith.constant 32 : i32
    %add3A_3 = arith.addi %sub3A_1, %add3A_2 : i32
    %sub3A_4 = arith.constant 1 : i32
    %sub3A_5 = arith.subi %add3A_3, %sub3A_4 : i32
    %jit3A = arith.constant 32 : i32
    %div3A = arith.divsi %sub3A_5, %jit3A : i32
    %sign3A = arith.constant 0 : i32
    %sign3A_6 = arith.cmpi sgt, %sub3A_5, %sign3A : i32
    %sign3A_7 = arith.extui %sign3A_6 : i1 to i32
    %sign3A_8 = arith.constant 0 : i32
    %sign3A_9 = arith.cmpi slt, %sub3A_5, %sign3A_8 : i32
    %sign3A_10 = arith.extui %sign3A_9 : i1 to i32
    %sign3A_11 = arith.subi %sign3A_7, %sign3A_10 : i32
    %sign3A_12 = arith.constant 0 : i32
    %sign3A_13 = arith.cmpi sgt, %jit3A, %sign3A_12 : i32
    %sign3A_14 = arith.extui %sign3A_13 : i1 to i32
    %sign3A_15 = arith.constant 0 : i32
    %sign3A_16 = arith.cmpi slt, %jit3A, %sign3A_15 : i32
    %sign3A_17 = arith.extui %sign3A_16 : i1 to i32
    %sign3A_18 = arith.subi %sign3A_14, %sign3A_17 : i32
    %ne3A = arith.cmpi ne, %sign3A_11, %sign3A_18 : i32
    %rem3A = arith.remsi %sub3A_5, %jit3A : i32
    %ne3A_19 = arith.constant 0 : i32
    %ne3A_20 = arith.cmpi ne, %rem3A, %ne3A_19 : i32
    %and3A = arith.andi %ne3A, %ne3A_20 : i1
    %sub3A_21 = arith.constant 1 : i32
    %sub3A_22 = arith.subi %div3A, %sub3A_21 : i32
    %select_n3A = arith.select %and3A, %sub3A_22, %div3A : i32
    %add3A_23 = arith.constant 0 : i32
    %add3A_24 = arith.addi %add3A, %add3A_23 : i32
    %mul3A_25 = arith.constant 1600 : i32
    %mul3A_26 = arith.muli %add3A_24, %mul3A_25 : i32
    %dma_start3A = tpu.memref_slice %arg2[%mul3A_26] : memref<1600000xi32, #tpu.memory_space<hbm>> -> memref<1600xi32, #tpu.memory_space<hbm>>
    %dma_start3A_27 = tpu.memref_slice %arg2[%mul3A_26] : memref<1600000xi32, #tpu.memory_space<hbm>> -> memref<1600xi32, #tpu.memory_space<hbm>>
    tpu.enqueue_dma source(%dma_start3A_27 : memref<1600xi32, #tpu.memory_space<hbm>>) target(%arg14 : memref<1600xi32, #tpu.memory_space<vmem>>) target_semaphore(%arg30 : memref<!tpu.dma_semaphore, #tpu.memory_space<semaphore_mem>>)
    %dma_start3A_28 = tpu.memref_slice %arg3[%mul3A_26] : memref<1600000xi32, #tpu.memory_space<hbm>> -> memref<1600xi32, #tpu.memory_space<hbm>>
    %dma_start3A_29 = tpu.memref_slice %arg3[%mul3A_26] : memref<1600000xi32, #tpu.memory_space<hbm>> -> memref<1600xi32, #tpu.memory_space<hbm>>
    tpu.enqueue_dma source(%dma_start3A_29 : memref<1600xi32, #tpu.memory_space<hbm>>) target(%arg15 : memref<1600xi32, #tpu.memory_space<vmem>>) target_semaphore(%arg30 : memref<!tpu.dma_semaphore, #tpu.memory_space<semaphore_mem>>)
    %dma_start3A_30 = tpu.memref_slice %arg4[%mul3A_26] : memref<1600000xf32, #tpu.memory_space<hbm>> -> memref<1600xf32, #tpu.memory_space<hbm>>
    %dma_start3A_31 = tpu.memref_slice %arg4[%mul3A_26] : memref<1600000xf32, #tpu.memory_space<hbm>> -> memref<1600xf32, #tpu.memory_space<hbm>>
    tpu.enqueue_dma source(%dma_start3A_31 : memref<1600xf32, #tpu.memory_space<hbm>>) target(%arg16 : memref<1600xf32, #tpu.memory_space<vmem>>) target_semaphore(%arg30 : memref<!tpu.dma_semaphore, #tpu.memory_space<semaphore_mem>>)
    %dma_start3A_32 = tpu.memref_slice %arg5[%mul3A_26] : memref<1600000xf32, #tpu.memory_space<hbm>> -> memref<1600xf32, #tpu.memory_space<hbm>>
    %dma_start3A_33 = tpu.memref_slice %arg5[%mul3A_26] : memref<1600000xf32, #tpu.memory_space<hbm>> -> memref<1600xf32, #tpu.memory_space<hbm>>
    tpu.enqueue_dma source(%dma_start3A_33 : memref<1600xf32, #tpu.memory_space<hbm>>) target(%arg17 : memref<1600xf32, #tpu.memory_space<vmem>>) target_semaphore(%arg30 : memref<!tpu.dma_semaphore, #tpu.memory_space<semaphore_mem>>)
    %dma_start3A_34 = tpu.memref_slice %arg6[%mul3A_26] : memref<1600000xf32, #tpu.memory_space<hbm>> -> memref<1600xf32, #tpu.memory_space<hbm>>
    %dma_start3A_35 = tpu.memref_slice %arg6[%mul3A_26] : memref<1600000xf32, #tpu.memory_space<hbm>> -> memref<1600xf32, #tpu.memory_space<hbm>>
    tpu.enqueue_dma source(%dma_start3A_35 : memref<1600xf32, #tpu.memory_space<hbm>>) target(%arg18 : memref<1600xf32, #tpu.memory_space<vmem>>) target_semaphore(%arg30 : memref<!tpu.dma_semaphore, #tpu.memory_space<semaphore_mem>>)
    %while3A = arith.constant 0 : i32
    %while3A_36 = arith.constant 0 : i32
    %while3A_37 = arith.subi %select_n3A, %while3A_36 : i32
    %while3A_38 = arith.addi %while3A_36, %while3A_37 : i32
    %while3A_39 = arith.constant 1 : i32
    %while3A_40 = arith.divsi %while3A_37, %while3A_39 : i32
    %while3A_41 = arith.muli %while3A_40, %while3A_39 : i32
    %while3A_42 = arith.addi %while3A_36, %while3A_41 : i32
    %while3A_43 = arith.constant 1 : i32
    scf.for %while3A_60 = %while3A_36 to %while3A_42 step %while3A_43  : i32 {
      %rem3A_61 = arith.constant 2 : i32
      %rem3A_62 = arith.remsi %while3A_60, %rem3A_61 : i32
      %eq3A_63 = arith.constant 0 : i32
      %eq3A_64 = arith.cmpi eq, %rem3A_62, %eq3A_63 : i32
      %convert_element_type3A_65 = arith.extui %eq3A_64 : i1 to i32
      %cond3A_66 = arith.constant 0 : i32
      %cond3A_67 = arith.cmpi ne, %convert_element_type3A_65, %cond3A_66 : i32
      scf.if %cond3A_67 {
        %mul3A_72 = arith.constant 32 : i32
        %mul3A_73 = arith.muli %while3A_60, %mul3A_72 : i32
        %add3A_74 = arith.addi %add3A, %mul3A_73 : i32
        %mul3A_75 = arith.constant 1600 : i32
        %mul3A_76 = arith.muli %add3A_74, %mul3A_75 : i32
        %dma_wait3A = arith.constant 0 : i32
        %dma_wait3A_77 = tpu.memref_slice %arg2[%dma_wait3A] : memref<1600000xi32, #tpu.memory_space<hbm>> -> memref<1600xi32, #tpu.memory_space<hbm>>
        %dma_wait3A_78 = arith.constant 0 : i32
        %dma_wait3A_79 = tpu.memref_slice %arg2[%dma_wait3A_78] : memref<1600000xi32, #tpu.memory_space<hbm>> -> memref<1600xi32, #tpu.memory_space<hbm>>
        tpu.wait_dma2 semaphore(%arg30 : memref<!tpu.dma_semaphore, #tpu.memory_space<semaphore_mem>>) src(%dma_wait3A_79 : memref<1600xi32, #tpu.memory_space<hbm>>) dst(%arg14 : memref<1600xi32, #tpu.memory_space<vmem>>)
        %dma_wait3A_80 = arith.constant 0 : i32
        %dma_wait3A_81 = tpu.memref_slice %arg3[%dma_wait3A_80] : memref<1600000xi32, #tpu.memory_space<hbm>> -> memref<1600xi32, #tpu.memory_space<hbm>>
        %dma_wait3A_82 = arith.constant 0 : i32
        %dma_wait3A_83 = tpu.memref_slice %arg3[%dma_wait3A_82] : memref<1600000xi32, #tpu.memory_space<hbm>> -> memref<1600xi32, #tpu.memory_space<hbm>>
        tpu.wait_dma2 semaphore(%arg30 : memref<!tpu.dma_semaphore, #tpu.memory_space<semaphore_mem>>) src(%dma_wait3A_83 : memref<1600xi32, #tpu.memory_space<hbm>>) dst(%arg15 : memref<1600xi32, #tpu.memory_space<vmem>>)
        %dma_wait3A_84 = arith.constant 0 : i32
        %dma_wait3A_85 = tpu.memref_slice %arg4[%dma_wait3A_84] : memref<1600000xf32, #tpu.memory_space<hbm>> -> memref<1600xf32, #tpu.memory_space<hbm>>
        %dma_wait3A_86 = arith.constant 0 : i32
        %dma_wait3A_87 = tpu.memref_slice %arg4[%dma_wait3A_86] : memref<1600000xf32, #tpu.memory_space<hbm>> -> memref<1600xf32, #tpu.memory_space<hbm>>
        tpu.wait_dma2 semaphore(%arg30 : memref<!tpu.dma_semaphore, #tpu.memory_space<semaphore_mem>>) src(%dma_wait3A_87 : memref<1600xf32, #tpu.memory_space<hbm>>) dst(%arg16 : memref<1600xf32, #tpu.memory_space<vmem>>)
        %dma_wait3A_88 = arith.constant 0 : i32
        %dma_wait3A_89 = tpu.memref_slice %arg5[%dma_wait3A_88] : memref<1600000xf32, #tpu.memory_space<hbm>> -> memref<1600xf32, #tpu.memory_space<hbm>>
        %dma_wait3A_90 = arith.constant 0 : i32
        %dma_wait3A_91 = tpu.memref_slice %arg5[%dma_wait3A_90] : memref<1600000xf32, #tpu.memory_space<hbm>> -> memref<1600xf32, #tpu.memory_space<hbm>>
        tpu.wait_dma2 semaphore(%arg30 : memref<!tpu.dma_semaphore, #tpu.memory_space<semaphore_mem>>) src(%dma_wait3A_91 : memref<1600xf32, #tpu.memory_space<hbm>>) dst(%arg17 : memref<1600xf32, #tpu.memory_space<vmem>>)
        %dma_wait3A_92 = arith.constant 0 : i32
        %dma_wait3A_93 = tpu.memref_slice %arg6[%dma_wait3A_92] : memref<1600000xf32, #tpu.memory_space<hbm>> -> memref<1600xf32, #tpu.memory_space<hbm>>
        %dma_wait3A_94 = arith.constant 0 : i32
        %dma_wait3A_95 = tpu.memref_slice %arg6[%dma_wait3A_94] : memref<1600000xf32, #tpu.memory_space<hbm>> -> memref<1600xf32, #tpu.memory_space<hbm>>
        tpu.wait_dma2 semaphore(%arg30 : memref<!tpu.dma_semaphore, #tpu.memory_space<semaphore_mem>>) src(%dma_wait3A_95 : memref<1600xf32, #tpu.memory_space<hbm>>) dst(%arg18 : memref<1600xf32, #tpu.memory_space<vmem>>)
        %parallel_loop3A = arith.constant 0 : i32
        %parallel_loop3A_96 = arith.constant 1600 : i32
        %parallel_loop3A_97 = arith.constant 16 : i32
        scf.for %parallel_loop3A_113 = %parallel_loop3A to %parallel_loop3A_96 step %parallel_loop3A_97  : i32 {
          %parallel_loop3A_114 = arith.index_cast %parallel_loop3A_113 : i32 to index
          %parallel_loop3A_115 = tpu.vector_load %arg14[%parallel_loop3A_114] {strides = array<i32>} : memref<1600xi32, #tpu.memory_space<vmem>>, vector<16xi32>,
          %parallel_loop3A_116 = arith.index_cast %parallel_loop3A_113 : i32 to index
          %parallel_loop3A_117 = tpu.vector_load %arg15[%parallel_loop3A_116] {strides = array<i32>} : memref<1600xi32, #tpu.memory_space<vmem>>, vector<16xi32>,
          %parallel_loop3A_118 = tpu.vector_load_idx %arg12[%parallel_loop3A_115] : memref<50176xf32, #tpu.memory_space<vmem>>[vector<16xi32>], vector<16xf32>,
          %parallel_loop3A_119 = tpu.vector_load_idx %arg12[%parallel_loop3A_117] : memref<50176xf32, #tpu.memory_space<vmem>>[vector<16xi32>], vector<16xf32>,
          %parallel_loop3A_120 = tpu.vector_load_idx %arg13[%parallel_loop3A_115] : memref<50176xi32, #tpu.memory_space<vmem>>[vector<16xi32>], vector<16xi32>,
          %parallel_loop3A_121 = tpu.vector_load_idx %arg13[%parallel_loop3A_117] : memref<50176xi32, #tpu.memory_space<vmem>>[vector<16xi32>], vector<16xi32>,
          %parallel_loop3A_122 = vector.bitcast %parallel_loop3A_118 : vector<16xf32> to vector<16xi32>
          %parallel_loop3A_123 = vector.bitcast %parallel_loop3A_119 : vector<16xf32> to vector<16xi32>
          %parallel_loop3A_124 = arith.ori %parallel_loop3A_122, %parallel_loop3A_123 : vector<16xi32>
          %parallel_loop3A_125 = arith.constant 1 : i32
          %parallel_loop3A_126 = vector.broadcast %parallel_loop3A_125 : i32 to vector<16xi32>
          %parallel_loop3A_127 = arith.andi %parallel_loop3A_124, %parallel_loop3A_126 : vector<16xi32>
          %parallel_loop3A_128 = arith.constant 0 : i32
          %parallel_loop3A_129 = vector.broadcast %parallel_loop3A_128 : i32 to vector<16xi32>
          %parallel_loop3A_130 = arith.cmpi eq, %parallel_loop3A_127, %parallel_loop3A_129 : vector<16xi32>
          %parallel_loop3A_131 = arith.index_cast %parallel_loop3A_113 : i32 to index
          %parallel_loop3A_132 = tpu.vector_load %arg17[%parallel_loop3A_131] {strides = array<i32>} : memref<1600xf32, #tpu.memory_space<vmem>>, vector<16xf32>,
          %parallel_loop3A_133 = arith.index_cast %parallel_loop3A_113 : i32 to index
          %parallel_loop3A_134 = tpu.vector_load %arg16[%parallel_loop3A_133] {strides = array<i32>} : memref<1600xf32, #tpu.memory_space<vmem>>, vector<16xf32>,
          %parallel_loop3A_135 = arith.index_cast %parallel_loop3A_113 : i32 to index
          %parallel_loop3A_136 = tpu.vector_load %arg18[%parallel_loop3A_135] {strides = array<i32>} : memref<1600xf32, #tpu.memory_space<vmem>>, vector<16xf32>,
          %parallel_loop3A_137 = arith.constant 1.000000e+00 : f32
          %parallel_loop3A_138 = vector.broadcast %parallel_loop3A_137 : f32 to vector<16xf32>
          %parallel_loop3A_139 = arith.divf %parallel_loop3A_138, %parallel_loop3A_132 : vector<16xf32>
          %parallel_loop3A_140 = arith.subf %parallel_loop3A_118, %parallel_loop3A_119 : vector<16xf32>
          %parallel_loop3A_141 = arith.mulf %parallel_loop3A_140, %parallel_loop3A_139 : vector<16xf32>
          %parallel_loop3A_142 = arith.constant 0.000000e+00 : f32
          %parallel_loop3A_143 = vector.broadcast %parallel_loop3A_142 : f32 to vector<16xf32>
          %parallel_loop3A_144 = arith.select %parallel_loop3A_130, %parallel_loop3A_141, %parallel_loop3A_143 : vector<16xi1>, vector<16xf32>
          %parallel_loop3A_145 = arith.constant 16 : i32
          %parallel_loop3A_146 = vector.broadcast %parallel_loop3A_145 : i32 to vector<16xi32>
          %parallel_loop3A_147 = arith.shli %parallel_loop3A_120, %parallel_loop3A_146 : vector<16xi32>
          %parallel_loop3A_148 = vector.bitcast %parallel_loop3A_147 : vector<16xi32> to vector<16xf32>
          %parallel_loop3A_149 = arith.constant 16 : i32
          %parallel_loop3A_150 = vector.broadcast %parallel_loop3A_149 : i32 to vector<16xi32>
          %parallel_loop3A_151 = arith.shli %parallel_loop3A_121, %parallel_loop3A_150 : vector<16xi32>
          %parallel_loop3A_152 = vector.bitcast %parallel_loop3A_151 : vector<16xi32> to vector<16xf32>
          %parallel_loop3A_153 = arith.constant -65536 : i32
          %parallel_loop3A_154 = vector.broadcast %parallel_loop3A_153 : i32 to vector<16xi32>
          %parallel_loop3A_155 = arith.andi %parallel_loop3A_120, %parallel_loop3A_154 : vector<16xi32>
          %parallel_loop3A_156 = vector.bitcast %parallel_loop3A_155 : vector<16xi32> to vector<16xf32>
          %parallel_loop3A_157 = arith.constant -65536 : i32
          %parallel_loop3A_158 = vector.broadcast %parallel_loop3A_157 : i32 to vector<16xi32>
          %parallel_loop3A_159 = arith.andi %parallel_loop3A_121, %parallel_loop3A_158 : vector<16xi32>
          %parallel_loop3A_160 = vector.bitcast %parallel_loop3A_159 : vector<16xi32> to vector<16xf32>
          %parallel_loop3A_161 = arith.addf %parallel_loop3A_148, %parallel_loop3A_152 : vector<16xf32>
          %parallel_loop3A_162 = arith.constant 5.000000e-01 : f32
          %parallel_loop3A_163 = vector.broadcast %parallel_loop3A_162 : f32 to vector<16xf32>
          %parallel_loop3A_164 = arith.mulf %parallel_loop3A_163, %parallel_loop3A_161 : vector<16xf32>
          %parallel_loop3A_165 = math.absf %parallel_loop3A_144 : vector<16xf32>
          %parallel_loop3A_166 = vector.bitcast %parallel_loop3A_165 : vector<16xf32> to vector<16xi32>
          %parallel_loop3A_167 = arith.constant 1 : i32
          %parallel_loop3A_168 = vector.broadcast %parallel_loop3A_167 : i32 to vector<16xi32>
          %parallel_loop3A_169 = arith.shrsi %parallel_loop3A_166, %parallel_loop3A_168 : vector<16xi32>
          %parallel_loop3A_170 = arith.constant 1597463007 : i32
          %parallel_loop3A_171 = vector.broadcast %parallel_loop3A_170 : i32 to vector<16xi32>
          %parallel_loop3A_172 = arith.subi %parallel_loop3A_171, %parallel_loop3A_169 : vector<16xi32>
          %parallel_loop3A_173 = vector.bitcast %parallel_loop3A_172 : vector<16xi32> to vector<16xf32>
          %parallel_loop3A_174 = arith.constant 5.000000e-01 : f32
          %parallel_loop3A_175 = vector.broadcast %parallel_loop3A_174 : f32 to vector<16xf32>
          %parallel_loop3A_176 = arith.mulf %parallel_loop3A_175, %parallel_loop3A_165 : vector<16xf32>
          %parallel_loop3A_177 = arith.mulf %parallel_loop3A_176, %parallel_loop3A_173 : vector<16xf32>
          %parallel_loop3A_178 = arith.mulf %parallel_loop3A_177, %parallel_loop3A_173 : vector<16xf32>
          %parallel_loop3A_179 = arith.constant 1.500000e+00 : f32
          %parallel_loop3A_180 = vector.broadcast %parallel_loop3A_179 : f32 to vector<16xf32>
          %parallel_loop3A_181 = arith.subf %parallel_loop3A_180, %parallel_loop3A_178 : vector<16xf32>
          %parallel_loop3A_182 = arith.mulf %parallel_loop3A_173, %parallel_loop3A_181 : vector<16xf32>
          %parallel_loop3A_183 = arith.constant 5.000000e-01 : f32
          %parallel_loop3A_184 = vector.broadcast %parallel_loop3A_183 : f32 to vector<16xf32>
          %parallel_loop3A_185 = arith.mulf %parallel_loop3A_184, %parallel_loop3A_165 : vector<16xf32>
          %parallel_loop3A_186 = arith.mulf %parallel_loop3A_185, %parallel_loop3A_182 : vector<16xf32>
          %parallel_loop3A_187 = arith.mulf %parallel_loop3A_186, %parallel_loop3A_182 : vector<16xf32>
          %parallel_loop3A_188 = arith.constant 1.500000e+00 : f32
          %parallel_loop3A_189 = vector.broadcast %parallel_loop3A_188 : f32 to vector<16xf32>
          %parallel_loop3A_190 = arith.subf %parallel_loop3A_189, %parallel_loop3A_187 : vector<16xf32>
          %parallel_loop3A_191 = arith.mulf %parallel_loop3A_182, %parallel_loop3A_190 : vector<16xf32>
          %parallel_loop3A_192 = vector.bitcast %parallel_loop3A_164 : vector<16xf32> to vector<16xi32>
          %parallel_loop3A_193 = arith.constant 1 : i32
          %parallel_loop3A_194 = vector.broadcast %parallel_loop3A_193 : i32 to vector<16xi32>
          %parallel_loop3A_195 = arith.shrsi %parallel_loop3A_192, %parallel_loop3A_194 : vector<16xi32>
          %parallel_loop3A_196 = arith.constant 1597463007 : i32
          %parallel_loop3A_197 = vector.broadcast %parallel_loop3A_196 : i32 to vector<16xi32>
          %parallel_loop3A_198 = arith.subi %parallel_loop3A_197, %parallel_loop3A_195 : vector<16xi32>
          %parallel_loop3A_199 = vector.bitcast %parallel_loop3A_198 : vector<16xi32> to vector<16xf32>
          %parallel_loop3A_200 = arith.constant 5.000000e-01 : f32
          %parallel_loop3A_201 = vector.broadcast %parallel_loop3A_200 : f32 to vector<16xf32>
          %parallel_loop3A_202 = arith.mulf %parallel_loop3A_201, %parallel_loop3A_164 : vector<16xf32>
          %parallel_loop3A_203 = arith.mulf %parallel_loop3A_202, %parallel_loop3A_199 : vector<16xf32>
          %parallel_loop3A_204 = arith.mulf %parallel_loop3A_203, %parallel_loop3A_199 : vector<16xf32>
          %parallel_loop3A_205 = arith.constant 1.500000e+00 : f32
          %parallel_loop3A_206 = vector.broadcast %parallel_loop3A_205 : f32 to vector<16xf32>
          %parallel_loop3A_207 = arith.subf %parallel_loop3A_206, %parallel_loop3A_204 : vector<16xf32>
          %parallel_loop3A_208 = arith.mulf %parallel_loop3A_199, %parallel_loop3A_207 : vector<16xf32>
          %parallel_loop3A_209 = arith.constant 5.000000e-01 : f32
          %parallel_loop3A_210 = vector.broadcast %parallel_loop3A_209 : f32 to vector<16xf32>
          %parallel_loop3A_211 = arith.mulf %parallel_loop3A_210, %parallel_loop3A_164 : vector<16xf32>
          %parallel_loop3A_212 = arith.mulf %parallel_loop3A_211, %parallel_loop3A_208 : vector<16xf32>
          %parallel_loop3A_213 = arith.mulf %parallel_loop3A_212, %parallel_loop3A_208 : vector<16xf32>
          %parallel_loop3A_214 = arith.constant 1.500000e+00 : f32
          %parallel_loop3A_215 = vector.broadcast %parallel_loop3A_214 : f32 to vector<16xf32>
          %parallel_loop3A_216 = arith.subf %parallel_loop3A_215, %parallel_loop3A_213 : vector<16xf32>
          %parallel_loop3A_217 = arith.mulf %parallel_loop3A_208, %parallel_loop3A_216 : vector<16xf32>
          %parallel_loop3A_218 = arith.mulf %parallel_loop3A_164, %parallel_loop3A_217 : vector<16xf32>
          %parallel_loop3A_219 = vector.bitcast %parallel_loop3A_218 : vector<16xf32> to vector<16xi32>
          %parallel_loop3A_220 = arith.constant 1 : i32
          %parallel_loop3A_221 = vector.broadcast %parallel_loop3A_220 : i32 to vector<16xi32>
          %parallel_loop3A_222 = arith.shrsi %parallel_loop3A_219, %parallel_loop3A_221 : vector<16xi32>
          %parallel_loop3A_223 = arith.constant 1597463007 : i32
          %parallel_loop3A_224 = vector.broadcast %parallel_loop3A_223 : i32 to vector<16xi32>
          %parallel_loop3A_225 = arith.subi %parallel_loop3A_224, %parallel_loop3A_222 : vector<16xi32>
          %parallel_loop3A_226 = vector.bitcast %parallel_loop3A_225 : vector<16xi32> to vector<16xf32>
          %parallel_loop3A_227 = arith.constant 5.000000e-01 : f32
          %parallel_loop3A_228 = vector.broadcast %parallel_loop3A_227 : f32 to vector<16xf32>
          %parallel_loop3A_229 = arith.mulf %parallel_loop3A_228, %parallel_loop3A_218 : vector<16xf32>
          %parallel_loop3A_230 = arith.mulf %parallel_loop3A_229, %parallel_loop3A_226 : vector<16xf32>
          %parallel_loop3A_231 = arith.mulf %parallel_loop3A_230, %parallel_loop3A_226 : vector<16xf32>
          %parallel_loop3A_232 = arith.constant 1.500000e+00 : f32
          %parallel_loop3A_233 = vector.broadcast %parallel_loop3A_232 : f32 to vector<16xf32>
          %parallel_loop3A_234 = arith.subf %parallel_loop3A_233, %parallel_loop3A_231 : vector<16xf32>
          %parallel_loop3A_235 = arith.mulf %parallel_loop3A_226, %parallel_loop3A_234 : vector<16xf32>
          %parallel_loop3A_236 = arith.constant 5.000000e-01 : f32
          %parallel_loop3A_237 = vector.broadcast %parallel_loop3A_236 : f32 to vector<16xf32>
          %parallel_loop3A_238 = arith.mulf %parallel_loop3A_237, %parallel_loop3A_218 : vector<16xf32>
          %parallel_loop3A_239 = arith.mulf %parallel_loop3A_238, %parallel_loop3A_235 : vector<16xf32>
          %parallel_loop3A_240 = arith.mulf %parallel_loop3A_239, %parallel_loop3A_235 : vector<16xf32>
          %parallel_loop3A_241 = arith.constant 1.500000e+00 : f32
          %parallel_loop3A_242 = vector.broadcast %parallel_loop3A_241 : f32 to vector<16xf32>
          %parallel_loop3A_243 = arith.subf %parallel_loop3A_242, %parallel_loop3A_240 : vector<16xf32>
          %parallel_loop3A_244 = arith.mulf %parallel_loop3A_235, %parallel_loop3A_243 : vector<16xf32>
          %parallel_loop3A_245 = arith.mulf %parallel_loop3A_218, %parallel_loop3A_244 : vector<16xf32>
          %parallel_loop3A_246 = arith.mulf %parallel_loop3A_164, %parallel_loop3A_245 : vector<16xf32>
          %parallel_loop3A_247 = arith.constant -0.00999999977 : f32
          %parallel_loop3A_248 = vector.broadcast %parallel_loop3A_247 : f32 to vector<16xf32>
          %parallel_loop3A_249 = arith.mulf %parallel_loop3A_248, %parallel_loop3A_246 : vector<16xf32>
          %parallel_loop3A_250 = arith.mulf %parallel_loop3A_249, %parallel_loop3A_191 : vector<16xf32>
          %parallel_loop3A_251 = arith.mulf %parallel_loop3A_250, %parallel_loop3A_144 : vector<16xf32>
          %parallel_loop3A_252 = arith.mulf %parallel_loop3A_134, %parallel_loop3A_134 : vector<16xf32>
          %parallel_loop3A_253 = arith.mulf %parallel_loop3A_252, %parallel_loop3A_134 : vector<16xf32>
          %parallel_loop3A_254 = arith.constant -1.000000e-01 : f32
          %parallel_loop3A_255 = vector.broadcast %parallel_loop3A_254 : f32 to vector<16xf32>
          %parallel_loop3A_256 = arith.mulf %parallel_loop3A_255, %parallel_loop3A_253 : vector<16xf32>
          %parallel_loop3A_257 = arith.mulf %parallel_loop3A_256, %parallel_loop3A_144 : vector<16xf32>
          %parallel_loop3A_258 = arith.constant 2.000000e+00 : f32
          %parallel_loop3A_259 = vector.broadcast %parallel_loop3A_258 : f32 to vector<16xf32>
          %parallel_loop3A_260 = arith.mulf %parallel_loop3A_259, %parallel_loop3A_251 : vector<16xf32>
          %parallel_loop3A_261 = arith.mulf %parallel_loop3A_260, %parallel_loop3A_144 : vector<16xf32>
          %parallel_loop3A_262 = math.absf %parallel_loop3A_261 : vector<16xf32>
          %parallel_loop3A_263 = arith.mulf %parallel_loop3A_257, %parallel_loop3A_144 : vector<16xf32>
          %parallel_loop3A_264 = math.absf %parallel_loop3A_263 : vector<16xf32>
          %parallel_loop3A_265 = arith.addf %parallel_loop3A_262, %parallel_loop3A_264 : vector<16xf32>
          %parallel_loop3A_266 = arith.index_cast %parallel_loop3A_113 : i32 to index
          %parallel_loop3A_267 = tpu.vector_load %arg19[%parallel_loop3A_266] {strides = array<i32>} : memref<1600xf32, #tpu.memory_space<vmem>>, vector<16xf32>,
          tpu.vector_store %arg19[%parallel_loop3A_266], %parallel_loop3A_265 {strides = array<i32>} : memref<1600xf32, #tpu.memory_space<vmem>>, vector<16xf32>,
          %parallel_loop3A_268 = arith.subf %parallel_loop3A_140, %parallel_loop3A_136 : vector<16xf32>
          %parallel_loop3A_269 = arith.mulf %parallel_loop3A_268, %parallel_loop3A_139 : vector<16xf32>
          %parallel_loop3A_270 = arith.constant 0.000000e+00 : f32
          %parallel_loop3A_271 = vector.broadcast %parallel_loop3A_270 : f32 to vector<16xf32>
          %parallel_loop3A_272 = arith.select %parallel_loop3A_130, %parallel_loop3A_269, %parallel_loop3A_271 : vector<16xi1>, vector<16xf32>
          %parallel_loop3A_273 = arith.constant 0.000000e+00 : f32
          %parallel_loop3A_274 = vector.broadcast %parallel_loop3A_273 : f32 to vector<16xf32>
          %parallel_loop3A_275 = arith.cmpf ogt, %parallel_loop3A_134, %parallel_loop3A_274 : vector<16xf32>
          %parallel_loop3A_276 = arith.mulf %parallel_loop3A_272, %parallel_loop3A_251 : vector<16xf32>
          %parallel_loop3A_277 = arith.constant 0.000000e+00 : f32
          %parallel_loop3A_278 = vector.broadcast %parallel_loop3A_277 : f32 to vector<16xf32>
          %parallel_loop3A_279 = arith.cmpf ogt, %parallel_loop3A_276, %parallel_loop3A_278 : vector<16xf32>
          %parallel_loop3A_280 = arith.ori %parallel_loop3A_275, %parallel_loop3A_279 : vector<16xi1>
          %parallel_loop3A_281 = arith.constant 2.000000e+00 : f32
          %parallel_loop3A_282 = vector.broadcast %parallel_loop3A_281 : f32 to vector<16xf32>
          %parallel_loop3A_283 = arith.addf %parallel_loop3A_257, %parallel_loop3A_282 : vector<16xf32>
          %parallel_loop3A_284 = arith.select %parallel_loop3A_280, %parallel_loop3A_283, %parallel_loop3A_257 : vector<16xi1>, vector<16xf32>
          %parallel_loop3A_285 = arith.constant -3.165000e-01 : f32
          %parallel_loop3A_286 = vector.broadcast %parallel_loop3A_285 : f32 to vector<16xf32>
          %parallel_loop3A_287 = arith.mulf %parallel_loop3A_286, %parallel_loop3A_284 : vector<16xf32>
          %parallel_loop3A_288 = arith.mulf %parallel_loop3A_287, %parallel_loop3A_272 : vector<16xf32>
          %parallel_loop3A_289 = arith.index_cast %parallel_loop3A_113 : i32 to index
          %parallel_loop3A_290 = tpu.vector_load %arg20[%parallel_loop3A_289] {strides = array<i32>} : memref<1600xf32, #tpu.memory_space<vmem>>, vector<16xf32>,
          tpu.vector_store %arg20[%parallel_loop3A_289], %parallel_loop3A_288 {strides = array<i32>} : memref<1600xf32, #tpu.memory_space<vmem>>, vector<16xf32>,
          %parallel_loop3A_291 = arith.addf %parallel_loop3A_156, %parallel_loop3A_160 : vector<16xf32>
          %parallel_loop3A_292 = arith.constant 5.000000e-01 : f32
          %parallel_loop3A_293 = vector.broadcast %parallel_loop3A_292 : f32 to vector<16xf32>
          %parallel_loop3A_294 = arith.mulf %parallel_loop3A_293, %parallel_loop3A_291 : vector<16xf32>
          %parallel_loop3A_295 = arith.constant 0.000000e+00 : f32
          %parallel_loop3A_296 = vector.broadcast %parallel_loop3A_295 : f32 to vector<16xf32>
          %parallel_loop3A_297 = arith.maximumf %parallel_loop3A_294, %parallel_loop3A_296 : vector<16xf32>
          %parallel_loop3A_298 = arith.constant 5.000000e-25 : f32
          %parallel_loop3A_299 = vector.broadcast %parallel_loop3A_298 : f32 to vector<16xf32>
          %parallel_loop3A_300 = arith.mulf %parallel_loop3A_299, %parallel_loop3A_134 : vector<16xf32>
          %parallel_loop3A_301 = arith.mulf %parallel_loop3A_297, %parallel_loop3A_297 : vector<16xf32>
          %parallel_loop3A_302 = arith.mulf %parallel_loop3A_301, %parallel_loop3A_297 : vector<16xf32>
          %parallel_loop3A_303 = arith.mulf %parallel_loop3A_300, %parallel_loop3A_302 : vector<16xf32>
          %parallel_loop3A_304 = arith.index_cast %parallel_loop3A_113 : i32 to index
          %parallel_loop3A_305 = tpu.vector_load %arg21[%parallel_loop3A_304] {strides = array<i32>} : memref<1600xf32, #tpu.memory_space<vmem>>, vector<16xf32>,
          tpu.vector_store %arg21[%parallel_loop3A_304], %parallel_loop3A_303 {strides = array<i32>} : memref<1600xf32, #tpu.memory_space<vmem>>, vector<16xf32>,
        } {sc.loop_unroll_factor = 8 : i64, sc.parallel_access}
        %ge3A = arith.constant 1 : i32
        %ge3A_98 = arith.cmpi sge, %while3A_60, %ge3A : i32
        %convert_element_type3A_99 = arith.extui %ge3A_98 : i1 to i32
        %cond3A_100 = arith.constant 0 : i32
        %cond3A_101 = arith.cmpi ne, %convert_element_type3A_99, %cond3A_100 : i32
        scf.if %cond3A_101 {
          %dma_wait3A_113 = arith.constant 0 : i32
          %dma_wait3A_114 = tpu.memref_slice %arg9[%dma_wait3A_113] : memref<1600000xf32, #tpu.memory_space<hbm>> -> memref<1600xf32, #tpu.memory_space<hbm>>
          %dma_wait3A_115 = arith.constant 0 : i32
          %dma_wait3A_116 = tpu.memref_slice %arg9[%dma_wait3A_115] : memref<1600000xf32, #tpu.memory_space<hbm>> -> memref<1600xf32, #tpu.memory_space<hbm>>
          tpu.wait_dma2 semaphore(%arg31 : memref<!tpu.dma_semaphore, #tpu.memory_space<semaphore_mem>>) src(%arg27 : memref<1600xf32, #tpu.memory_space<vmem>>) dst(%dma_wait3A_116 : memref<1600xf32, #tpu.memory_space<hbm>>)
          %dma_wait3A_117 = arith.constant 0 : i32
          %dma_wait3A_118 = tpu.memref_slice %arg10[%dma_wait3A_117] : memref<1600000xf32, #tpu.memory_space<hbm>> -> memref<1600xf32, #tpu.memory_space<hbm>>
          %dma_wait3A_119 = arith.constant 0 : i32
          %dma_wait3A_120 = tpu.memref_slice %arg10[%dma_wait3A_119] : memref<1600000xf32, #tpu.memory_space<hbm>> -> memref<1600xf32, #tpu.memory_space<hbm>>
          tpu.wait_dma2 semaphore(%arg31 : memref<!tpu.dma_semaphore, #tpu.memory_space<semaphore_mem>>) src(%arg28 : memref<1600xf32, #tpu.memory_space<vmem>>) dst(%dma_wait3A_120 : memref<1600xf32, #tpu.memory_space<hbm>>)
          %dma_wait3A_121 = arith.constant 0 : i32
          %dma_wait3A_122 = tpu.memref_slice %arg11[%dma_wait3A_121] : memref<1600000xf32, #tpu.memory_space<hbm>> -> memref<1600xf32, #tpu.memory_space<hbm>>
          %dma_wait3A_123 = arith.constant 0 : i32
          %dma_wait3A_124 = tpu.memref_slice %arg11[%dma_wait3A_123] : memref<1600000xf32, #tpu.memory_space<hbm>> -> memref<1600xf32, #tpu.memory_space<hbm>>
          tpu.wait_dma2 semaphore(%arg31 : memref<!tpu.dma_semaphore, #tpu.memory_space<semaphore_mem>>) src(%arg29 : memref<1600xf32, #tpu.memory_space<vmem>>) dst(%dma_wait3A_124 : memref<1600xf32, #tpu.memory_space<hbm>>)
        } else {
        }
        %dma_start3A_102 = tpu.memref_slice %arg9[%mul3A_76] : memref<1600000xf32, #tpu.memory_space<hbm>> -> memref<1600xf32, #tpu.memory_space<hbm>>
        %dma_start3A_103 = tpu.memref_slice %arg9[%mul3A_76] : memref<1600000xf32, #tpu.memory_space<hbm>> -> memref<1600xf32, #tpu.memory_space<hbm>>
        tpu.enqueue_dma source(%arg19 : memref<1600xf32, #tpu.memory_space<vmem>>) target(%dma_start3A_103 : memref<1600xf32, #tpu.memory_space<hbm>>) target_semaphore(%arg31 : memref<!tpu.dma_semaphore, #tpu.memory_space<semaphore_mem>>)
        %dma_start3A_104 = tpu.memref_slice %arg10[%mul3A_76] : memref<1600000xf32, #tpu.memory_space<hbm>> -> memref<1600xf32, #tpu.memory_space<hbm>>
        %dma_start3A_105 = tpu.memref_slice %arg10[%mul3A_76] : memref<1600000xf32, #tpu.memory_space<hbm>> -> memref<1600xf32, #tpu.memory_space<hbm>>
        tpu.enqueue_dma source(%arg20 : memref<1600xf32, #tpu.memory_space<vmem>>) target(%dma_start3A_105 : memref<1600xf32, #tpu.memory_space<hbm>>) target_semaphore(%arg31 : memref<!tpu.dma_semaphore, #tpu.memory_space<semaphore_mem>>)
        %dma_start3A_106 = tpu.memref_slice %arg11[%mul3A_76] : memref<1600000xf32, #tpu.memory_space<hbm>> -> memref<1600xf32, #tpu.memory_space<hbm>>
        %dma_start3A_107 = tpu.memref_slice %arg11[%mul3A_76] : memref<1600000xf32, #tpu.memory_space<hbm>> -> memref<1600xf32, #tpu.memory_space<hbm>>
        tpu.enqueue_dma source(%arg21 : memref<1600xf32, #tpu.memory_space<vmem>>) target(%dma_start3A_107 : memref<1600xf32, #tpu.memory_space<hbm>>) target_semaphore(%arg31 : memref<!tpu.dma_semaphore, #tpu.memory_space<semaphore_mem>>)
        %add3A_108 = arith.constant 1 : i32
        %add3A_109 = arith.addi %while3A_60, %add3A_108 : i32
        %lt3A = arith.cmpi slt, %add3A_109, %select_n3A : i32
        %convert_element_type3A_110 = arith.extui %lt3A : i1 to i32
        %cond3A_111 = arith.constant 0 : i32
        %cond3A_112 = arith.cmpi ne, %convert_element_type3A_110, %cond3A_111 : i32
        scf.if %cond3A_112 {
          %add3A_113 = arith.constant 1 : i32
          %add3A_114 = arith.addi %while3A_60, %add3A_113 : i32
          %mul3A_115 = arith.constant 32 : i32
          %mul3A_116 = arith.muli %add3A_114, %mul3A_115 : i32
          %add3A_117 = arith.addi %add3A, %mul3A_116 : i32
          %mul3A_118 = arith.constant 1600 : i32
          %mul3A_119 = arith.muli %add3A_117, %mul3A_118 : i32
          %dma_start3A_120 = tpu.memref_slice %arg2[%mul3A_119] : memref<1600000xi32, #tpu.memory_space<hbm>> -> memref<1600xi32, #tpu.memory_space<hbm>>
          %dma_start3A_121 = tpu.memref_slice %arg2[%mul3A_119] : memref<1600000xi32, #tpu.memory_space<hbm>> -> memref<1600xi32, #tpu.memory_space<hbm>>
          tpu.enqueue_dma source(%dma_start3A_121 : memref<1600xi32, #tpu.memory_space<hbm>>) target(%arg22 : memref<1600xi32, #tpu.memory_space<vmem>>) target_semaphore(%arg30 : memref<!tpu.dma_semaphore, #tpu.memory_space<semaphore_mem>>)
          %dma_start3A_122 = tpu.memref_slice %arg3[%mul3A_119] : memref<1600000xi32, #tpu.memory_space<hbm>> -> memref<1600xi32, #tpu.memory_space<hbm>>
          %dma_start3A_123 = tpu.memref_slice %arg3[%mul3A_119] : memref<1600000xi32, #tpu.memory_space<hbm>> -> memref<1600xi32, #tpu.memory_space<hbm>>
          tpu.enqueue_dma source(%dma_start3A_123 : memref<1600xi32, #tpu.memory_space<hbm>>) target(%arg23 : memref<1600xi32, #tpu.memory_space<vmem>>) target_semaphore(%arg30 : memref<!tpu.dma_semaphore, #tpu.memory_space<semaphore_mem>>)
          %dma_start3A_124 = tpu.memref_slice %arg4[%mul3A_119] : memref<1600000xf32, #tpu.memory_space<hbm>> -> memref<1600xf32, #tpu.memory_space<hbm>>
          %dma_start3A_125 = tpu.memref_slice %arg4[%mul3A_119] : memref<1600000xf32, #tpu.memory_space<hbm>> -> memref<1600xf32, #tpu.memory_space<hbm>>
          tpu.enqueue_dma source(%dma_start3A_125 : memref<1600xf32, #tpu.memory_space<hbm>>) target(%arg24 : memref<1600xf32, #tpu.memory_space<vmem>>) target_semaphore(%arg30 : memref<!tpu.dma_semaphore, #tpu.memory_space<semaphore_mem>>)
          %dma_start3A_126 = tpu.memref_slice %arg5[%mul3A_119] : memref<1600000xf32, #tpu.memory_space<hbm>> -> memref<1600xf32, #tpu.memory_space<hbm>>
          %dma_start3A_127 = tpu.memref_slice %arg5[%mul3A_119] : memref<1600000xf32, #tpu.memory_space<hbm>> -> memref<1600xf32, #tpu.memory_space<hbm>>
          tpu.enqueue_dma source(%dma_start3A_127 : memref<1600xf32, #tpu.memory_space<hbm>>) target(%arg25 : memref<1600xf32, #tpu.memory_space<vmem>>) target_semaphore(%arg30 : memref<!tpu.dma_semaphore, #tpu.memory_space<semaphore_mem>>)
          %dma_start3A_128 = tpu.memref_slice %arg6[%mul3A_119] : memref<1600000xf32, #tpu.memory_space<hbm>> -> memref<1600xf32, #tpu.memory_space<hbm>>
          %dma_start3A_129 = tpu.memref_slice %arg6[%mul3A_119] : memref<1600000xf32, #tpu.memory_space<hbm>> -> memref<1600xf32, #tpu.memory_space<hbm>>
          tpu.enqueue_dma source(%dma_start3A_129 : memref<1600xf32, #tpu.memory_space<hbm>>) target(%arg26 : memref<1600xf32, #tpu.memory_space<vmem>>) target_semaphore(%arg30 : memref<!tpu.dma_semaphore, #tpu.memory_space<semaphore_mem>>)
        } else {
        }
      } else {
      }
      %not3A = arith.constant true
      %not3A_68 = arith.xori %eq3A_64, %not3A : i1
      %convert_element_type3A_69 = arith.extui %not3A_68 : i1 to i32
      %cond3A_70 = arith.constant 0 : i32
      %cond3A_71 = arith.cmpi ne, %convert_element_type3A_69, %cond3A_70 : i32
      scf.if %cond3A_71 {
        %mul3A_72 = arith.constant 32 : i32
        %mul3A_73 = arith.muli %while3A_60, %mul3A_72 : i32
        %add3A_74 = arith.addi %add3A, %mul3A_73 : i32
        %mul3A_75 = arith.constant 1600 : i32
        %mul3A_76 = arith.muli %add3A_74, %mul3A_75 : i32
        %dma_wait3A = arith.constant 0 : i32
        %dma_wait3A_77 = tpu.memref_slice %arg2[%dma_wait3A] : memref<1600000xi32, #tpu.memory_space<hbm>> -> memref<1600xi32, #tpu.memory_space<hbm>>
        %dma_wait3A_78 = arith.constant 0 : i32
        %dma_wait3A_79 = tpu.memref_slice %arg2[%dma_wait3A_78] : memref<1600000xi32, #tpu.memory_space<hbm>> -> memref<1600xi32, #tpu.memory_space<hbm>>
        tpu.wait_dma2 semaphore(%arg30 : memref<!tpu.dma_semaphore, #tpu.memory_space<semaphore_mem>>) src(%dma_wait3A_79 : memref<1600xi32, #tpu.memory_space<hbm>>) dst(%arg22 : memref<1600xi32, #tpu.memory_space<vmem>>)
        %dma_wait3A_80 = arith.constant 0 : i32
        %dma_wait3A_81 = tpu.memref_slice %arg3[%dma_wait3A_80] : memref<1600000xi32, #tpu.memory_space<hbm>> -> memref<1600xi32, #tpu.memory_space<hbm>>
        %dma_wait3A_82 = arith.constant 0 : i32
        %dma_wait3A_83 = tpu.memref_slice %arg3[%dma_wait3A_82] : memref<1600000xi32, #tpu.memory_space<hbm>> -> memref<1600xi32, #tpu.memory_space<hbm>>
        tpu.wait_dma2 semaphore(%arg30 : memref<!tpu.dma_semaphore, #tpu.memory_space<semaphore_mem>>) src(%dma_wait3A_83 : memref<1600xi32, #tpu.memory_space<hbm>>) dst(%arg23 : memref<1600xi32, #tpu.memory_space<vmem>>)
        %dma_wait3A_84 = arith.constant 0 : i32
        %dma_wait3A_85 = tpu.memref_slice %arg4[%dma_wait3A_84] : memref<1600000xf32, #tpu.memory_space<hbm>> -> memref<1600xf32, #tpu.memory_space<hbm>>
        %dma_wait3A_86 = arith.constant 0 : i32
        %dma_wait3A_87 = tpu.memref_slice %arg4[%dma_wait3A_86] : memref<1600000xf32, #tpu.memory_space<hbm>> -> memref<1600xf32, #tpu.memory_space<hbm>>
        tpu.wait_dma2 semaphore(%arg30 : memref<!tpu.dma_semaphore, #tpu.memory_space<semaphore_mem>>) src(%dma_wait3A_87 : memref<1600xf32, #tpu.memory_space<hbm>>) dst(%arg24 : memref<1600xf32, #tpu.memory_space<vmem>>)
        %dma_wait3A_88 = arith.constant 0 : i32
        %dma_wait3A_89 = tpu.memref_slice %arg5[%dma_wait3A_88] : memref<1600000xf32, #tpu.memory_space<hbm>> -> memref<1600xf32, #tpu.memory_space<hbm>>
        %dma_wait3A_90 = arith.constant 0 : i32
        %dma_wait3A_91 = tpu.memref_slice %arg5[%dma_wait3A_90] : memref<1600000xf32, #tpu.memory_space<hbm>> -> memref<1600xf32, #tpu.memory_space<hbm>>
        tpu.wait_dma2 semaphore(%arg30 : memref<!tpu.dma_semaphore, #tpu.memory_space<semaphore_mem>>) src(%dma_wait3A_91 : memref<1600xf32, #tpu.memory_space<hbm>>) dst(%arg25 : memref<1600xf32, #tpu.memory_space<vmem>>)
        %dma_wait3A_92 = arith.constant 0 : i32
        %dma_wait3A_93 = tpu.memref_slice %arg6[%dma_wait3A_92] : memref<1600000xf32, #tpu.memory_space<hbm>> -> memref<1600xf32, #tpu.memory_space<hbm>>
        %dma_wait3A_94 = arith.constant 0 : i32
        %dma_wait3A_95 = tpu.memref_slice %arg6[%dma_wait3A_94] : memref<1600000xf32, #tpu.memory_space<hbm>> -> memref<1600xf32, #tpu.memory_space<hbm>>
        tpu.wait_dma2 semaphore(%arg30 : memref<!tpu.dma_semaphore, #tpu.memory_space<semaphore_mem>>) src(%dma_wait3A_95 : memref<1600xf32, #tpu.memory_space<hbm>>) dst(%arg26 : memref<1600xf32, #tpu.memory_space<vmem>>)
        %parallel_loop3A = arith.constant 0 : i32
        %parallel_loop3A_96 = arith.constant 1600 : i32
        %parallel_loop3A_97 = arith.constant 16 : i32
        scf.for %parallel_loop3A_113 = %parallel_loop3A to %parallel_loop3A_96 step %parallel_loop3A_97  : i32 {
          %parallel_loop3A_114 = arith.index_cast %parallel_loop3A_113 : i32 to index
          %parallel_loop3A_115 = tpu.vector_load %arg22[%parallel_loop3A_114] {strides = array<i32>} : memref<1600xi32, #tpu.memory_space<vmem>>, vector<16xi32>,
          %parallel_loop3A_116 = arith.index_cast %parallel_loop3A_113 : i32 to index
          %parallel_loop3A_117 = tpu.vector_load %arg23[%parallel_loop3A_116] {strides = array<i32>} : memref<1600xi32, #tpu.memory_space<vmem>>, vector<16xi32>,
          %parallel_loop3A_118 = tpu.vector_load_idx %arg12[%parallel_loop3A_115] : memref<50176xf32, #tpu.memory_space<vmem>>[vector<16xi32>], vector<16xf32>,
          %parallel_loop3A_119 = tpu.vector_load_idx %arg12[%parallel_loop3A_117] : memref<50176xf32, #tpu.memory_space<vmem>>[vector<16xi32>], vector<16xf32>,
          %parallel_loop3A_120 = tpu.vector_load_idx %arg13[%parallel_loop3A_115] : memref<50176xi32, #tpu.memory_space<vmem>>[vector<16xi32>], vector<16xi32>,
          %parallel_loop3A_121 = tpu.vector_load_idx %arg13[%parallel_loop3A_117] : memref<50176xi32, #tpu.memory_space<vmem>>[vector<16xi32>], vector<16xi32>,
          %parallel_loop3A_122 = vector.bitcast %parallel_loop3A_118 : vector<16xf32> to vector<16xi32>
          %parallel_loop3A_123 = vector.bitcast %parallel_loop3A_119 : vector<16xf32> to vector<16xi32>
          %parallel_loop3A_124 = arith.ori %parallel_loop3A_122, %parallel_loop3A_123 : vector<16xi32>
          %parallel_loop3A_125 = arith.constant 1 : i32
          %parallel_loop3A_126 = vector.broadcast %parallel_loop3A_125 : i32 to vector<16xi32>
          %parallel_loop3A_127 = arith.andi %parallel_loop3A_124, %parallel_loop3A_126 : vector<16xi32>
          %parallel_loop3A_128 = arith.constant 0 : i32
          %parallel_loop3A_129 = vector.broadcast %parallel_loop3A_128 : i32 to vector<16xi32>
          %parallel_loop3A_130 = arith.cmpi eq, %parallel_loop3A_127, %parallel_loop3A_129 : vector<16xi32>
          %parallel_loop3A_131 = arith.index_cast %parallel_loop3A_113 : i32 to index
          %parallel_loop3A_132 = tpu.vector_load %arg25[%parallel_loop3A_131] {strides = array<i32>} : memref<1600xf32, #tpu.memory_space<vmem>>, vector<16xf32>,
          %parallel_loop3A_133 = arith.index_cast %parallel_loop3A_113 : i32 to index
          %parallel_loop3A_134 = tpu.vector_load %arg24[%parallel_loop3A_133] {strides = array<i32>} : memref<1600xf32, #tpu.memory_space<vmem>>, vector<16xf32>,
          %parallel_loop3A_135 = arith.index_cast %parallel_loop3A_113 : i32 to index
          %parallel_loop3A_136 = tpu.vector_load %arg26[%parallel_loop3A_135] {strides = array<i32>} : memref<1600xf32, #tpu.memory_space<vmem>>, vector<16xf32>,
          %parallel_loop3A_137 = arith.constant 1.000000e+00 : f32
          %parallel_loop3A_138 = vector.broadcast %parallel_loop3A_137 : f32 to vector<16xf32>
          %parallel_loop3A_139 = arith.divf %parallel_loop3A_138, %parallel_loop3A_132 : vector<16xf32>
          %parallel_loop3A_140 = arith.subf %parallel_loop3A_118, %parallel_loop3A_119 : vector<16xf32>
          %parallel_loop3A_141 = arith.mulf %parallel_loop3A_140, %parallel_loop3A_139 : vector<16xf32>
          %parallel_loop3A_142 = arith.constant 0.000000e+00 : f32
          %parallel_loop3A_143 = vector.broadcast %parallel_loop3A_142 : f32 to vector<16xf32>
          %parallel_loop3A_144 = arith.select %parallel_loop3A_130, %parallel_loop3A_141, %parallel_loop3A_143 : vector<16xi1>, vector<16xf32>
          %parallel_loop3A_145 = arith.constant 16 : i32
          %parallel_loop3A_146 = vector.broadcast %parallel_loop3A_145 : i32 to vector<16xi32>
          %parallel_loop3A_147 = arith.shli %parallel_loop3A_120, %parallel_loop3A_146 : vector<16xi32>
          %parallel_loop3A_148 = vector.bitcast %parallel_loop3A_147 : vector<16xi32> to vector<16xf32>
          %parallel_loop3A_149 = arith.constant 16 : i32
          %parallel_loop3A_150 = vector.broadcast %parallel_loop3A_149 : i32 to vector<16xi32>
          %parallel_loop3A_151 = arith.shli %parallel_loop3A_121, %parallel_loop3A_150 : vector<16xi32>
          %parallel_loop3A_152 = vector.bitcast %parallel_loop3A_151 : vector<16xi32> to vector<16xf32>
          %parallel_loop3A_153 = arith.constant -65536 : i32
          %parallel_loop3A_154 = vector.broadcast %parallel_loop3A_153 : i32 to vector<16xi32>
          %parallel_loop3A_155 = arith.andi %parallel_loop3A_120, %parallel_loop3A_154 : vector<16xi32>
          %parallel_loop3A_156 = vector.bitcast %parallel_loop3A_155 : vector<16xi32> to vector<16xf32>
          %parallel_loop3A_157 = arith.constant -65536 : i32
          %parallel_loop3A_158 = vector.broadcast %parallel_loop3A_157 : i32 to vector<16xi32>
          %parallel_loop3A_159 = arith.andi %parallel_loop3A_121, %parallel_loop3A_158 : vector<16xi32>
          %parallel_loop3A_160 = vector.bitcast %parallel_loop3A_159 : vector<16xi32> to vector<16xf32>
          %parallel_loop3A_161 = arith.addf %parallel_loop3A_148, %parallel_loop3A_152 : vector<16xf32>
          %parallel_loop3A_162 = arith.constant 5.000000e-01 : f32
          %parallel_loop3A_163 = vector.broadcast %parallel_loop3A_162 : f32 to vector<16xf32>
          %parallel_loop3A_164 = arith.mulf %parallel_loop3A_163, %parallel_loop3A_161 : vector<16xf32>
          %parallel_loop3A_165 = math.absf %parallel_loop3A_144 : vector<16xf32>
          %parallel_loop3A_166 = vector.bitcast %parallel_loop3A_165 : vector<16xf32> to vector<16xi32>
          %parallel_loop3A_167 = arith.constant 1 : i32
          %parallel_loop3A_168 = vector.broadcast %parallel_loop3A_167 : i32 to vector<16xi32>
          %parallel_loop3A_169 = arith.shrsi %parallel_loop3A_166, %parallel_loop3A_168 : vector<16xi32>
          %parallel_loop3A_170 = arith.constant 1597463007 : i32
          %parallel_loop3A_171 = vector.broadcast %parallel_loop3A_170 : i32 to vector<16xi32>
          %parallel_loop3A_172 = arith.subi %parallel_loop3A_171, %parallel_loop3A_169 : vector<16xi32>
          %parallel_loop3A_173 = vector.bitcast %parallel_loop3A_172 : vector<16xi32> to vector<16xf32>
          %parallel_loop3A_174 = arith.constant 5.000000e-01 : f32
          %parallel_loop3A_175 = vector.broadcast %parallel_loop3A_174 : f32 to vector<16xf32>
          %parallel_loop3A_176 = arith.mulf %parallel_loop3A_175, %parallel_loop3A_165 : vector<16xf32>
          %parallel_loop3A_177 = arith.mulf %parallel_loop3A_176, %parallel_loop3A_173 : vector<16xf32>
          %parallel_loop3A_178 = arith.mulf %parallel_loop3A_177, %parallel_loop3A_173 : vector<16xf32>
          %parallel_loop3A_179 = arith.constant 1.500000e+00 : f32
          %parallel_loop3A_180 = vector.broadcast %parallel_loop3A_179 : f32 to vector<16xf32>
          %parallel_loop3A_181 = arith.subf %parallel_loop3A_180, %parallel_loop3A_178 : vector<16xf32>
          %parallel_loop3A_182 = arith.mulf %parallel_loop3A_173, %parallel_loop3A_181 : vector<16xf32>
          %parallel_loop3A_183 = arith.constant 5.000000e-01 : f32
          %parallel_loop3A_184 = vector.broadcast %parallel_loop3A_183 : f32 to vector<16xf32>
          %parallel_loop3A_185 = arith.mulf %parallel_loop3A_184, %parallel_loop3A_165 : vector<16xf32>
          %parallel_loop3A_186 = arith.mulf %parallel_loop3A_185, %parallel_loop3A_182 : vector<16xf32>
          %parallel_loop3A_187 = arith.mulf %parallel_loop3A_186, %parallel_loop3A_182 : vector<16xf32>
          %parallel_loop3A_188 = arith.constant 1.500000e+00 : f32
          %parallel_loop3A_189 = vector.broadcast %parallel_loop3A_188 : f32 to vector<16xf32>
          %parallel_loop3A_190 = arith.subf %parallel_loop3A_189, %parallel_loop3A_187 : vector<16xf32>
          %parallel_loop3A_191 = arith.mulf %parallel_loop3A_182, %parallel_loop3A_190 : vector<16xf32>
          %parallel_loop3A_192 = vector.bitcast %parallel_loop3A_164 : vector<16xf32> to vector<16xi32>
          %parallel_loop3A_193 = arith.constant 1 : i32
          %parallel_loop3A_194 = vector.broadcast %parallel_loop3A_193 : i32 to vector<16xi32>
          %parallel_loop3A_195 = arith.shrsi %parallel_loop3A_192, %parallel_loop3A_194 : vector<16xi32>
          %parallel_loop3A_196 = arith.constant 1597463007 : i32
          %parallel_loop3A_197 = vector.broadcast %parallel_loop3A_196 : i32 to vector<16xi32>
          %parallel_loop3A_198 = arith.subi %parallel_loop3A_197, %parallel_loop3A_195 : vector<16xi32>
          %parallel_loop3A_199 = vector.bitcast %parallel_loop3A_198 : vector<16xi32> to vector<16xf32>
          %parallel_loop3A_200 = arith.constant 5.000000e-01 : f32
          %parallel_loop3A_201 = vector.broadcast %parallel_loop3A_200 : f32 to vector<16xf32>
          %parallel_loop3A_202 = arith.mulf %parallel_loop3A_201, %parallel_loop3A_164 : vector<16xf32>
          %parallel_loop3A_203 = arith.mulf %parallel_loop3A_202, %parallel_loop3A_199 : vector<16xf32>
          %parallel_loop3A_204 = arith.mulf %parallel_loop3A_203, %parallel_loop3A_199 : vector<16xf32>
          %parallel_loop3A_205 = arith.constant 1.500000e+00 : f32
          %parallel_loop3A_206 = vector.broadcast %parallel_loop3A_205 : f32 to vector<16xf32>
          %parallel_loop3A_207 = arith.subf %parallel_loop3A_206, %parallel_loop3A_204 : vector<16xf32>
          %parallel_loop3A_208 = arith.mulf %parallel_loop3A_199, %parallel_loop3A_207 : vector<16xf32>
          %parallel_loop3A_209 = arith.constant 5.000000e-01 : f32
          %parallel_loop3A_210 = vector.broadcast %parallel_loop3A_209 : f32 to vector<16xf32>
          %parallel_loop3A_211 = arith.mulf %parallel_loop3A_210, %parallel_loop3A_164 : vector<16xf32>
          %parallel_loop3A_212 = arith.mulf %parallel_loop3A_211, %parallel_loop3A_208 : vector<16xf32>
          %parallel_loop3A_213 = arith.mulf %parallel_loop3A_212, %parallel_loop3A_208 : vector<16xf32>
          %parallel_loop3A_214 = arith.constant 1.500000e+00 : f32
          %parallel_loop3A_215 = vector.broadcast %parallel_loop3A_214 : f32 to vector<16xf32>
          %parallel_loop3A_216 = arith.subf %parallel_loop3A_215, %parallel_loop3A_213 : vector<16xf32>
          %parallel_loop3A_217 = arith.mulf %parallel_loop3A_208, %parallel_loop3A_216 : vector<16xf32>
          %parallel_loop3A_218 = arith.mulf %parallel_loop3A_164, %parallel_loop3A_217 : vector<16xf32>
          %parallel_loop3A_219 = vector.bitcast %parallel_loop3A_218 : vector<16xf32> to vector<16xi32>
          %parallel_loop3A_220 = arith.constant 1 : i32
          %parallel_loop3A_221 = vector.broadcast %parallel_loop3A_220 : i32 to vector<16xi32>
          %parallel_loop3A_222 = arith.shrsi %parallel_loop3A_219, %parallel_loop3A_221 : vector<16xi32>
          %parallel_loop3A_223 = arith.constant 1597463007 : i32
          %parallel_loop3A_224 = vector.broadcast %parallel_loop3A_223 : i32 to vector<16xi32>
          %parallel_loop3A_225 = arith.subi %parallel_loop3A_224, %parallel_loop3A_222 : vector<16xi32>
          %parallel_loop3A_226 = vector.bitcast %parallel_loop3A_225 : vector<16xi32> to vector<16xf32>
          %parallel_loop3A_227 = arith.constant 5.000000e-01 : f32
          %parallel_loop3A_228 = vector.broadcast %parallel_loop3A_227 : f32 to vector<16xf32>
          %parallel_loop3A_229 = arith.mulf %parallel_loop3A_228, %parallel_loop3A_218 : vector<16xf32>
          %parallel_loop3A_230 = arith.mulf %parallel_loop3A_229, %parallel_loop3A_226 : vector<16xf32>
          %parallel_loop3A_231 = arith.mulf %parallel_loop3A_230, %parallel_loop3A_226 : vector<16xf32>
          %parallel_loop3A_232 = arith.constant 1.500000e+00 : f32
          %parallel_loop3A_233 = vector.broadcast %parallel_loop3A_232 : f32 to vector<16xf32>
          %parallel_loop3A_234 = arith.subf %parallel_loop3A_233, %parallel_loop3A_231 : vector<16xf32>
          %parallel_loop3A_235 = arith.mulf %parallel_loop3A_226, %parallel_loop3A_234 : vector<16xf32>
          %parallel_loop3A_236 = arith.constant 5.000000e-01 : f32
          %parallel_loop3A_237 = vector.broadcast %parallel_loop3A_236 : f32 to vector<16xf32>
          %parallel_loop3A_238 = arith.mulf %parallel_loop3A_237, %parallel_loop3A_218 : vector<16xf32>
          %parallel_loop3A_239 = arith.mulf %parallel_loop3A_238, %parallel_loop3A_235 : vector<16xf32>
          %parallel_loop3A_240 = arith.mulf %parallel_loop3A_239, %parallel_loop3A_235 : vector<16xf32>
          %parallel_loop3A_241 = arith.constant 1.500000e+00 : f32
          %parallel_loop3A_242 = vector.broadcast %parallel_loop3A_241 : f32 to vector<16xf32>
          %parallel_loop3A_243 = arith.subf %parallel_loop3A_242, %parallel_loop3A_240 : vector<16xf32>
          %parallel_loop3A_244 = arith.mulf %parallel_loop3A_235, %parallel_loop3A_243 : vector<16xf32>
          %parallel_loop3A_245 = arith.mulf %parallel_loop3A_218, %parallel_loop3A_244 : vector<16xf32>
          %parallel_loop3A_246 = arith.mulf %parallel_loop3A_164, %parallel_loop3A_245 : vector<16xf32>
          %parallel_loop3A_247 = arith.constant -0.00999999977 : f32
          %parallel_loop3A_248 = vector.broadcast %parallel_loop3A_247 : f32 to vector<16xf32>
          %parallel_loop3A_249 = arith.mulf %parallel_loop3A_248, %parallel_loop3A_246 : vector<16xf32>
          %parallel_loop3A_250 = arith.mulf %parallel_loop3A_249, %parallel_loop3A_191 : vector<16xf32>
          %parallel_loop3A_251 = arith.mulf %parallel_loop3A_250, %parallel_loop3A_144 : vector<16xf32>
          %parallel_loop3A_252 = arith.mulf %parallel_loop3A_134, %parallel_loop3A_134 : vector<16xf32>
          %parallel_loop3A_253 = arith.mulf %parallel_loop3A_252, %parallel_loop3A_134 : vector<16xf32>
          %parallel_loop3A_254 = arith.constant -1.000000e-01 : f32
          %parallel_loop3A_255 = vector.broadcast %parallel_loop3A_254 : f32 to vector<16xf32>
          %parallel_loop3A_256 = arith.mulf %parallel_loop3A_255, %parallel_loop3A_253 : vector<16xf32>
          %parallel_loop3A_257 = arith.mulf %parallel_loop3A_256, %parallel_loop3A_144 : vector<16xf32>
          %parallel_loop3A_258 = arith.constant 2.000000e+00 : f32
          %parallel_loop3A_259 = vector.broadcast %parallel_loop3A_258 : f32 to vector<16xf32>
          %parallel_loop3A_260 = arith.mulf %parallel_loop3A_259, %parallel_loop3A_251 : vector<16xf32>
          %parallel_loop3A_261 = arith.mulf %parallel_loop3A_260, %parallel_loop3A_144 : vector<16xf32>
          %parallel_loop3A_262 = math.absf %parallel_loop3A_261 : vector<16xf32>
          %parallel_loop3A_263 = arith.mulf %parallel_loop3A_257, %parallel_loop3A_144 : vector<16xf32>
          %parallel_loop3A_264 = math.absf %parallel_loop3A_263 : vector<16xf32>
          %parallel_loop3A_265 = arith.addf %parallel_loop3A_262, %parallel_loop3A_264 : vector<16xf32>
          %parallel_loop3A_266 = arith.index_cast %parallel_loop3A_113 : i32 to index
          %parallel_loop3A_267 = tpu.vector_load %arg27[%parallel_loop3A_266] {strides = array<i32>} : memref<1600xf32, #tpu.memory_space<vmem>>, vector<16xf32>,
          tpu.vector_store %arg27[%parallel_loop3A_266], %parallel_loop3A_265 {strides = array<i32>} : memref<1600xf32, #tpu.memory_space<vmem>>, vector<16xf32>,
          %parallel_loop3A_268 = arith.subf %parallel_loop3A_140, %parallel_loop3A_136 : vector<16xf32>
          %parallel_loop3A_269 = arith.mulf %parallel_loop3A_268, %parallel_loop3A_139 : vector<16xf32>
          %parallel_loop3A_270 = arith.constant 0.000000e+00 : f32
          %parallel_loop3A_271 = vector.broadcast %parallel_loop3A_270 : f32 to vector<16xf32>
          %parallel_loop3A_272 = arith.select %parallel_loop3A_130, %parallel_loop3A_269, %parallel_loop3A_271 : vector<16xi1>, vector<16xf32>
          %parallel_loop3A_273 = arith.constant 0.000000e+00 : f32
          %parallel_loop3A_274 = vector.broadcast %parallel_loop3A_273 : f32 to vector<16xf32>
          %parallel_loop3A_275 = arith.cmpf ogt, %parallel_loop3A_134, %parallel_loop3A_274 : vector<16xf32>
          %parallel_loop3A_276 = arith.mulf %parallel_loop3A_272, %parallel_loop3A_251 : vector<16xf32>
          %parallel_loop3A_277 = arith.constant 0.000000e+00 : f32
          %parallel_loop3A_278 = vector.broadcast %parallel_loop3A_277 : f32 to vector<16xf32>
          %parallel_loop3A_279 = arith.cmpf ogt, %parallel_loop3A_276, %parallel_loop3A_278 : vector<16xf32>
          %parallel_loop3A_280 = arith.ori %parallel_loop3A_275, %parallel_loop3A_279 : vector<16xi1>
          %parallel_loop3A_281 = arith.constant 2.000000e+00 : f32
          %parallel_loop3A_282 = vector.broadcast %parallel_loop3A_281 : f32 to vector<16xf32>
          %parallel_loop3A_283 = arith.addf %parallel_loop3A_257, %parallel_loop3A_282 : vector<16xf32>
          %parallel_loop3A_284 = arith.select %parallel_loop3A_280, %parallel_loop3A_283, %parallel_loop3A_257 : vector<16xi1>, vector<16xf32>
          %parallel_loop3A_285 = arith.constant -3.165000e-01 : f32
          %parallel_loop3A_286 = vector.broadcast %parallel_loop3A_285 : f32 to vector<16xf32>
          %parallel_loop3A_287 = arith.mulf %parallel_loop3A_286, %parallel_loop3A_284 : vector<16xf32>
          %parallel_loop3A_288 = arith.mulf %parallel_loop3A_287, %parallel_loop3A_272 : vector<16xf32>
          %parallel_loop3A_289 = arith.index_cast %parallel_loop3A_113 : i32 to index
          %parallel_loop3A_290 = tpu.vector_load %arg28[%parallel_loop3A_289] {strides = array<i32>} : memref<1600xf32, #tpu.memory_space<vmem>>, vector<16xf32>,
          tpu.vector_store %arg28[%parallel_loop3A_289], %parallel_loop3A_288 {strides = array<i32>} : memref<1600xf32, #tpu.memory_space<vmem>>, vector<16xf32>,
          %parallel_loop3A_291 = arith.addf %parallel_loop3A_156, %parallel_loop3A_160 : vector<16xf32>
          %parallel_loop3A_292 = arith.constant 5.000000e-01 : f32
          %parallel_loop3A_293 = vector.broadcast %parallel_loop3A_292 : f32 to vector<16xf32>
          %parallel_loop3A_294 = arith.mulf %parallel_loop3A_293, %parallel_loop3A_291 : vector<16xf32>
          %parallel_loop3A_295 = arith.constant 0.000000e+00 : f32
          %parallel_loop3A_296 = vector.broadcast %parallel_loop3A_295 : f32 to vector<16xf32>
          %parallel_loop3A_297 = arith.maximumf %parallel_loop3A_294, %parallel_loop3A_296 : vector<16xf32>
          %parallel_loop3A_298 = arith.constant 5.000000e-25 : f32
          %parallel_loop3A_299 = vector.broadcast %parallel_loop3A_298 : f32 to vector<16xf32>
          %parallel_loop3A_300 = arith.mulf %parallel_loop3A_299, %parallel_loop3A_134 : vector<16xf32>
          %parallel_loop3A_301 = arith.mulf %parallel_loop3A_297, %parallel_loop3A_297 : vector<16xf32>
          %parallel_loop3A_302 = arith.mulf %parallel_loop3A_301, %parallel_loop3A_297 : vector<16xf32>
          %parallel_loop3A_303 = arith.mulf %parallel_loop3A_300, %parallel_loop3A_302 : vector<16xf32>
          %parallel_loop3A_304 = arith.index_cast %parallel_loop3A_113 : i32 to index
          %parallel_loop3A_305 = tpu.vector_load %arg29[%parallel_loop3A_304] {strides = array<i32>} : memref<1600xf32, #tpu.memory_space<vmem>>, vector<16xf32>,
          tpu.vector_store %arg29[%parallel_loop3A_304], %parallel_loop3A_303 {strides = array<i32>} : memref<1600xf32, #tpu.memory_space<vmem>>, vector<16xf32>,
        } {sc.loop_unroll_factor = 8 : i64, sc.parallel_access}
        %ge3A = arith.constant 1 : i32
        %ge3A_98 = arith.cmpi sge, %while3A_60, %ge3A : i32
        %convert_element_type3A_99 = arith.extui %ge3A_98 : i1 to i32
        %cond3A_100 = arith.constant 0 : i32
        %cond3A_101 = arith.cmpi ne, %convert_element_type3A_99, %cond3A_100 : i32
        scf.if %cond3A_101 {
          %dma_wait3A_113 = arith.constant 0 : i32
          %dma_wait3A_114 = tpu.memref_slice %arg9[%dma_wait3A_113] : memref<1600000xf32, #tpu.memory_space<hbm>> -> memref<1600xf32, #tpu.memory_space<hbm>>
          %dma_wait3A_115 = arith.constant 0 : i32
          %dma_wait3A_116 = tpu.memref_slice %arg9[%dma_wait3A_115] : memref<1600000xf32, #tpu.memory_space<hbm>> -> memref<1600xf32, #tpu.memory_space<hbm>>
          tpu.wait_dma2 semaphore(%arg31 : memref<!tpu.dma_semaphore, #tpu.memory_space<semaphore_mem>>) src(%arg19 : memref<1600xf32, #tpu.memory_space<vmem>>) dst(%dma_wait3A_116 : memref<1600xf32, #tpu.memory_space<hbm>>)
          %dma_wait3A_117 = arith.constant 0 : i32
          %dma_wait3A_118 = tpu.memref_slice %arg10[%dma_wait3A_117] : memref<1600000xf32, #tpu.memory_space<hbm>> -> memref<1600xf32, #tpu.memory_space<hbm>>
          %dma_wait3A_119 = arith.constant 0 : i32
          %dma_wait3A_120 = tpu.memref_slice %arg10[%dma_wait3A_119] : memref<1600000xf32, #tpu.memory_space<hbm>> -> memref<1600xf32, #tpu.memory_space<hbm>>
          tpu.wait_dma2 semaphore(%arg31 : memref<!tpu.dma_semaphore, #tpu.memory_space<semaphore_mem>>) src(%arg20 : memref<1600xf32, #tpu.memory_space<vmem>>) dst(%dma_wait3A_120 : memref<1600xf32, #tpu.memory_space<hbm>>)
          %dma_wait3A_121 = arith.constant 0 : i32
          %dma_wait3A_122 = tpu.memref_slice %arg11[%dma_wait3A_121] : memref<1600000xf32, #tpu.memory_space<hbm>> -> memref<1600xf32, #tpu.memory_space<hbm>>
          %dma_wait3A_123 = arith.constant 0 : i32
          %dma_wait3A_124 = tpu.memref_slice %arg11[%dma_wait3A_123] : memref<1600000xf32, #tpu.memory_space<hbm>> -> memref<1600xf32, #tpu.memory_space<hbm>>
          tpu.wait_dma2 semaphore(%arg31 : memref<!tpu.dma_semaphore, #tpu.memory_space<semaphore_mem>>) src(%arg21 : memref<1600xf32, #tpu.memory_space<vmem>>) dst(%dma_wait3A_124 : memref<1600xf32, #tpu.memory_space<hbm>>)
        } else {
        }
        %dma_start3A_102 = tpu.memref_slice %arg9[%mul3A_76] : memref<1600000xf32, #tpu.memory_space<hbm>> -> memref<1600xf32, #tpu.memory_space<hbm>>
        %dma_start3A_103 = tpu.memref_slice %arg9[%mul3A_76] : memref<1600000xf32, #tpu.memory_space<hbm>> -> memref<1600xf32, #tpu.memory_space<hbm>>
        tpu.enqueue_dma source(%arg27 : memref<1600xf32, #tpu.memory_space<vmem>>) target(%dma_start3A_103 : memref<1600xf32, #tpu.memory_space<hbm>>) target_semaphore(%arg31 : memref<!tpu.dma_semaphore, #tpu.memory_space<semaphore_mem>>)
        %dma_start3A_104 = tpu.memref_slice %arg10[%mul3A_76] : memref<1600000xf32, #tpu.memory_space<hbm>> -> memref<1600xf32, #tpu.memory_space<hbm>>
        %dma_start3A_105 = tpu.memref_slice %arg10[%mul3A_76] : memref<1600000xf32, #tpu.memory_space<hbm>> -> memref<1600xf32, #tpu.memory_space<hbm>>
        tpu.enqueue_dma source(%arg28 : memref<1600xf32, #tpu.memory_space<vmem>>) target(%dma_start3A_105 : memref<1600xf32, #tpu.memory_space<hbm>>) target_semaphore(%arg31 : memref<!tpu.dma_semaphore, #tpu.memory_space<semaphore_mem>>)
        %dma_start3A_106 = tpu.memref_slice %arg11[%mul3A_76] : memref<1600000xf32, #tpu.memory_space<hbm>> -> memref<1600xf32, #tpu.memory_space<hbm>>
        %dma_start3A_107 = tpu.memref_slice %arg11[%mul3A_76] : memref<1600000xf32, #tpu.memory_space<hbm>> -> memref<1600xf32, #tpu.memory_space<hbm>>
        tpu.enqueue_dma source(%arg29 : memref<1600xf32, #tpu.memory_space<vmem>>) target(%dma_start3A_107 : memref<1600xf32, #tpu.memory_space<hbm>>) target_semaphore(%arg31 : memref<!tpu.dma_semaphore, #tpu.memory_space<semaphore_mem>>)
        %add3A_108 = arith.constant 1 : i32
        %add3A_109 = arith.addi %while3A_60, %add3A_108 : i32
        %lt3A = arith.cmpi slt, %add3A_109, %select_n3A : i32
        %convert_element_type3A_110 = arith.extui %lt3A : i1 to i32
        %cond3A_111 = arith.constant 0 : i32
        %cond3A_112 = arith.cmpi ne, %convert_element_type3A_110, %cond3A_111 : i32
        scf.if %cond3A_112 {
          %add3A_113 = arith.constant 1 : i32
          %add3A_114 = arith.addi %while3A_60, %add3A_113 : i32
          %mul3A_115 = arith.constant 32 : i32
          %mul3A_116 = arith.muli %add3A_114, %mul3A_115 : i32
          %add3A_117 = arith.addi %add3A, %mul3A_116 : i32
          %mul3A_118 = arith.constant 1600 : i32
          %mul3A_119 = arith.muli %add3A_117, %mul3A_118 : i32
          %dma_start3A_120 = tpu.memref_slice %arg2[%mul3A_119] : memref<1600000xi32, #tpu.memory_space<hbm>> -> memref<1600xi32, #tpu.memory_space<hbm>>
          %dma_start3A_121 = tpu.memref_slice %arg2[%mul3A_119] : memref<1600000xi32, #tpu.memory_space<hbm>> -> memref<1600xi32, #tpu.memory_space<hbm>>
          tpu.enqueue_dma source(%dma_start3A_121 : memref<1600xi32, #tpu.memory_space<hbm>>) target(%arg14 : memref<1600xi32, #tpu.memory_space<vmem>>) target_semaphore(%arg30 : memref<!tpu.dma_semaphore, #tpu.memory_space<semaphore_mem>>)
          %dma_start3A_122 = tpu.memref_slice %arg3[%mul3A_119] : memref<1600000xi32, #tpu.memory_space<hbm>> -> memref<1600xi32, #tpu.memory_space<hbm>>
          %dma_start3A_123 = tpu.memref_slice %arg3[%mul3A_119] : memref<1600000xi32, #tpu.memory_space<hbm>> -> memref<1600xi32, #tpu.memory_space<hbm>>
          tpu.enqueue_dma source(%dma_start3A_123 : memref<1600xi32, #tpu.memory_space<hbm>>) target(%arg15 : memref<1600xi32, #tpu.memory_space<vmem>>) target_semaphore(%arg30 : memref<!tpu.dma_semaphore, #tpu.memory_space<semaphore_mem>>)
          %dma_start3A_124 = tpu.memref_slice %arg4[%mul3A_119] : memref<1600000xf32, #tpu.memory_space<hbm>> -> memref<1600xf32, #tpu.memory_space<hbm>>
          %dma_start3A_125 = tpu.memref_slice %arg4[%mul3A_119] : memref<1600000xf32, #tpu.memory_space<hbm>> -> memref<1600xf32, #tpu.memory_space<hbm>>
          tpu.enqueue_dma source(%dma_start3A_125 : memref<1600xf32, #tpu.memory_space<hbm>>) target(%arg16 : memref<1600xf32, #tpu.memory_space<vmem>>) target_semaphore(%arg30 : memref<!tpu.dma_semaphore, #tpu.memory_space<semaphore_mem>>)
          %dma_start3A_126 = tpu.memref_slice %arg5[%mul3A_119] : memref<1600000xf32, #tpu.memory_space<hbm>> -> memref<1600xf32, #tpu.memory_space<hbm>>
          %dma_start3A_127 = tpu.memref_slice %arg5[%mul3A_119] : memref<1600000xf32, #tpu.memory_space<hbm>> -> memref<1600xf32, #tpu.memory_space<hbm>>
          tpu.enqueue_dma source(%dma_start3A_127 : memref<1600xf32, #tpu.memory_space<hbm>>) target(%arg17 : memref<1600xf32, #tpu.memory_space<vmem>>) target_semaphore(%arg30 : memref<!tpu.dma_semaphore, #tpu.memory_space<semaphore_mem>>)
          %dma_start3A_128 = tpu.memref_slice %arg6[%mul3A_119] : memref<1600000xf32, #tpu.memory_space<hbm>> -> memref<1600xf32, #tpu.memory_space<hbm>>
          %dma_start3A_129 = tpu.memref_slice %arg6[%mul3A_119] : memref<1600000xf32, #tpu.memory_space<hbm>> -> memref<1600xf32, #tpu.memory_space<hbm>>
          tpu.enqueue_dma source(%dma_start3A_129 : memref<1600xf32, #tpu.memory_space<hbm>>) target(%arg18 : memref<1600xf32, #tpu.memory_space<vmem>>) target_semaphore(%arg30 : memref<!tpu.dma_semaphore, #tpu.memory_space<semaphore_mem>>)
        } else {
        }
      } else {
      }
    }
    %while3A_44 = arith.constant 1 : i32
    scf.for %while3A_60 = %while3A_42 to %while3A_38 step %while3A_44  : i32 {
      %rem3A_61 = arith.constant 2 : i32
      %rem3A_62 = arith.remsi %while3A_60, %rem3A_61 : i32
      %eq3A_63 = arith.constant 0 : i32
      %eq3A_64 = arith.cmpi eq, %rem3A_62, %eq3A_63 : i32
      %convert_element_type3A_65 = arith.extui %eq3A_64 : i1 to i32
      %cond3A_66 = arith.constant 0 : i32
      %cond3A_67 = arith.cmpi ne, %convert_element_type3A_65, %cond3A_66 : i32
      scf.if %cond3A_67 {
        %mul3A_72 = arith.constant 32 : i32
        %mul3A_73 = arith.muli %while3A_60, %mul3A_72 : i32
        %add3A_74 = arith.addi %add3A, %mul3A_73 : i32
        %mul3A_75 = arith.constant 1600 : i32
        %mul3A_76 = arith.muli %add3A_74, %mul3A_75 : i32
        %dma_wait3A = arith.constant 0 : i32
        %dma_wait3A_77 = tpu.memref_slice %arg2[%dma_wait3A] : memref<1600000xi32, #tpu.memory_space<hbm>> -> memref<1600xi32, #tpu.memory_space<hbm>>
        %dma_wait3A_78 = arith.constant 0 : i32
        %dma_wait3A_79 = tpu.memref_slice %arg2[%dma_wait3A_78] : memref<1600000xi32, #tpu.memory_space<hbm>> -> memref<1600xi32, #tpu.memory_space<hbm>>
        tpu.wait_dma2 semaphore(%arg30 : memref<!tpu.dma_semaphore, #tpu.memory_space<semaphore_mem>>) src(%dma_wait3A_79 : memref<1600xi32, #tpu.memory_space<hbm>>) dst(%arg14 : memref<1600xi32, #tpu.memory_space<vmem>>)
        %dma_wait3A_80 = arith.constant 0 : i32
        %dma_wait3A_81 = tpu.memref_slice %arg3[%dma_wait3A_80] : memref<1600000xi32, #tpu.memory_space<hbm>> -> memref<1600xi32, #tpu.memory_space<hbm>>
        %dma_wait3A_82 = arith.constant 0 : i32
        %dma_wait3A_83 = tpu.memref_slice %arg3[%dma_wait3A_82] : memref<1600000xi32, #tpu.memory_space<hbm>> -> memref<1600xi32, #tpu.memory_space<hbm>>
        tpu.wait_dma2 semaphore(%arg30 : memref<!tpu.dma_semaphore, #tpu.memory_space<semaphore_mem>>) src(%dma_wait3A_83 : memref<1600xi32, #tpu.memory_space<hbm>>) dst(%arg15 : memref<1600xi32, #tpu.memory_space<vmem>>)
        %dma_wait3A_84 = arith.constant 0 : i32
        %dma_wait3A_85 = tpu.memref_slice %arg4[%dma_wait3A_84] : memref<1600000xf32, #tpu.memory_space<hbm>> -> memref<1600xf32, #tpu.memory_space<hbm>>
        %dma_wait3A_86 = arith.constant 0 : i32
        %dma_wait3A_87 = tpu.memref_slice %arg4[%dma_wait3A_86] : memref<1600000xf32, #tpu.memory_space<hbm>> -> memref<1600xf32, #tpu.memory_space<hbm>>
        tpu.wait_dma2 semaphore(%arg30 : memref<!tpu.dma_semaphore, #tpu.memory_space<semaphore_mem>>) src(%dma_wait3A_87 : memref<1600xf32, #tpu.memory_space<hbm>>) dst(%arg16 : memref<1600xf32, #tpu.memory_space<vmem>>)
        %dma_wait3A_88 = arith.constant 0 : i32
        %dma_wait3A_89 = tpu.memref_slice %arg5[%dma_wait3A_88] : memref<1600000xf32, #tpu.memory_space<hbm>> -> memref<1600xf32, #tpu.memory_space<hbm>>
        %dma_wait3A_90 = arith.constant 0 : i32
        %dma_wait3A_91 = tpu.memref_slice %arg5[%dma_wait3A_90] : memref<1600000xf32, #tpu.memory_space<hbm>> -> memref<1600xf32, #tpu.memory_space<hbm>>
        tpu.wait_dma2 semaphore(%arg30 : memref<!tpu.dma_semaphore, #tpu.memory_space<semaphore_mem>>) src(%dma_wait3A_91 : memref<1600xf32, #tpu.memory_space<hbm>>) dst(%arg17 : memref<1600xf32, #tpu.memory_space<vmem>>)
        %dma_wait3A_92 = arith.constant 0 : i32
        %dma_wait3A_93 = tpu.memref_slice %arg6[%dma_wait3A_92] : memref<1600000xf32, #tpu.memory_space<hbm>> -> memref<1600xf32, #tpu.memory_space<hbm>>
        %dma_wait3A_94 = arith.constant 0 : i32
        %dma_wait3A_95 = tpu.memref_slice %arg6[%dma_wait3A_94] : memref<1600000xf32, #tpu.memory_space<hbm>> -> memref<1600xf32, #tpu.memory_space<hbm>>
        tpu.wait_dma2 semaphore(%arg30 : memref<!tpu.dma_semaphore, #tpu.memory_space<semaphore_mem>>) src(%dma_wait3A_95 : memref<1600xf32, #tpu.memory_space<hbm>>) dst(%arg18 : memref<1600xf32, #tpu.memory_space<vmem>>)
        %parallel_loop3A = arith.constant 0 : i32
        %parallel_loop3A_96 = arith.constant 1600 : i32
        %parallel_loop3A_97 = arith.constant 16 : i32
        scf.for %parallel_loop3A_113 = %parallel_loop3A to %parallel_loop3A_96 step %parallel_loop3A_97  : i32 {
          %parallel_loop3A_114 = arith.index_cast %parallel_loop3A_113 : i32 to index
          %parallel_loop3A_115 = tpu.vector_load %arg14[%parallel_loop3A_114] {strides = array<i32>} : memref<1600xi32, #tpu.memory_space<vmem>>, vector<16xi32>,
          %parallel_loop3A_116 = arith.index_cast %parallel_loop3A_113 : i32 to index
          %parallel_loop3A_117 = tpu.vector_load %arg15[%parallel_loop3A_116] {strides = array<i32>} : memref<1600xi32, #tpu.memory_space<vmem>>, vector<16xi32>,
          %parallel_loop3A_118 = tpu.vector_load_idx %arg12[%parallel_loop3A_115] : memref<50176xf32, #tpu.memory_space<vmem>>[vector<16xi32>], vector<16xf32>,
          %parallel_loop3A_119 = tpu.vector_load_idx %arg12[%parallel_loop3A_117] : memref<50176xf32, #tpu.memory_space<vmem>>[vector<16xi32>], vector<16xf32>,
          %parallel_loop3A_120 = tpu.vector_load_idx %arg13[%parallel_loop3A_115] : memref<50176xi32, #tpu.memory_space<vmem>>[vector<16xi32>], vector<16xi32>,
          %parallel_loop3A_121 = tpu.vector_load_idx %arg13[%parallel_loop3A_117] : memref<50176xi32, #tpu.memory_space<vmem>>[vector<16xi32>], vector<16xi32>,
          %parallel_loop3A_122 = vector.bitcast %parallel_loop3A_118 : vector<16xf32> to vector<16xi32>
          %parallel_loop3A_123 = vector.bitcast %parallel_loop3A_119 : vector<16xf32> to vector<16xi32>
          %parallel_loop3A_124 = arith.ori %parallel_loop3A_122, %parallel_loop3A_123 : vector<16xi32>
          %parallel_loop3A_125 = arith.constant 1 : i32
          %parallel_loop3A_126 = vector.broadcast %parallel_loop3A_125 : i32 to vector<16xi32>
          %parallel_loop3A_127 = arith.andi %parallel_loop3A_124, %parallel_loop3A_126 : vector<16xi32>
          %parallel_loop3A_128 = arith.constant 0 : i32
          %parallel_loop3A_129 = vector.broadcast %parallel_loop3A_128 : i32 to vector<16xi32>
          %parallel_loop3A_130 = arith.cmpi eq, %parallel_loop3A_127, %parallel_loop3A_129 : vector<16xi32>
          %parallel_loop3A_131 = arith.index_cast %parallel_loop3A_113 : i32 to index
          %parallel_loop3A_132 = tpu.vector_load %arg17[%parallel_loop3A_131] {strides = array<i32>} : memref<1600xf32, #tpu.memory_space<vmem>>, vector<16xf32>,
          %parallel_loop3A_133 = arith.index_cast %parallel_loop3A_113 : i32 to index
          %parallel_loop3A_134 = tpu.vector_load %arg16[%parallel_loop3A_133] {strides = array<i32>} : memref<1600xf32, #tpu.memory_space<vmem>>, vector<16xf32>,
          %parallel_loop3A_135 = arith.index_cast %parallel_loop3A_113 : i32 to index
          %parallel_loop3A_136 = tpu.vector_load %arg18[%parallel_loop3A_135] {strides = array<i32>} : memref<1600xf32, #tpu.memory_space<vmem>>, vector<16xf32>,
          %parallel_loop3A_137 = arith.constant 1.000000e+00 : f32
          %parallel_loop3A_138 = vector.broadcast %parallel_loop3A_137 : f32 to vector<16xf32>
          %parallel_loop3A_139 = arith.divf %parallel_loop3A_138, %parallel_loop3A_132 : vector<16xf32>
          %parallel_loop3A_140 = arith.subf %parallel_loop3A_118, %parallel_loop3A_119 : vector<16xf32>
          %parallel_loop3A_141 = arith.mulf %parallel_loop3A_140, %parallel_loop3A_139 : vector<16xf32>
          %parallel_loop3A_142 = arith.constant 0.000000e+00 : f32
          %parallel_loop3A_143 = vector.broadcast %parallel_loop3A_142 : f32 to vector<16xf32>
          %parallel_loop3A_144 = arith.select %parallel_loop3A_130, %parallel_loop3A_141, %parallel_loop3A_143 : vector<16xi1>, vector<16xf32>
          %parallel_loop3A_145 = arith.constant 16 : i32
          %parallel_loop3A_146 = vector.broadcast %parallel_loop3A_145 : i32 to vector<16xi32>
          %parallel_loop3A_147 = arith.shli %parallel_loop3A_120, %parallel_loop3A_146 : vector<16xi32>
          %parallel_loop3A_148 = vector.bitcast %parallel_loop3A_147 : vector<16xi32> to vector<16xf32>
          %parallel_loop3A_149 = arith.constant 16 : i32
          %parallel_loop3A_150 = vector.broadcast %parallel_loop3A_149 : i32 to vector<16xi32>
          %parallel_loop3A_151 = arith.shli %parallel_loop3A_121, %parallel_loop3A_150 : vector<16xi32>
          %parallel_loop3A_152 = vector.bitcast %parallel_loop3A_151 : vector<16xi32> to vector<16xf32>
          %parallel_loop3A_153 = arith.constant -65536 : i32
          %parallel_loop3A_154 = vector.broadcast %parallel_loop3A_153 : i32 to vector<16xi32>
          %parallel_loop3A_155 = arith.andi %parallel_loop3A_120, %parallel_loop3A_154 : vector<16xi32>
          %parallel_loop3A_156 = vector.bitcast %parallel_loop3A_155 : vector<16xi32> to vector<16xf32>
          %parallel_loop3A_157 = arith.constant -65536 : i32
          %parallel_loop3A_158 = vector.broadcast %parallel_loop3A_157 : i32 to vector<16xi32>
          %parallel_loop3A_159 = arith.andi %parallel_loop3A_121, %parallel_loop3A_158 : vector<16xi32>
          %parallel_loop3A_160 = vector.bitcast %parallel_loop3A_159 : vector<16xi32> to vector<16xf32>
          %parallel_loop3A_161 = arith.addf %parallel_loop3A_148, %parallel_loop3A_152 : vector<16xf32>
          %parallel_loop3A_162 = arith.constant 5.000000e-01 : f32
          %parallel_loop3A_163 = vector.broadcast %parallel_loop3A_162 : f32 to vector<16xf32>
          %parallel_loop3A_164 = arith.mulf %parallel_loop3A_163, %parallel_loop3A_161 : vector<16xf32>
          %parallel_loop3A_165 = math.absf %parallel_loop3A_144 : vector<16xf32>
          %parallel_loop3A_166 = vector.bitcast %parallel_loop3A_165 : vector<16xf32> to vector<16xi32>
          %parallel_loop3A_167 = arith.constant 1 : i32
          %parallel_loop3A_168 = vector.broadcast %parallel_loop3A_167 : i32 to vector<16xi32>
          %parallel_loop3A_169 = arith.shrsi %parallel_loop3A_166, %parallel_loop3A_168 : vector<16xi32>
          %parallel_loop3A_170 = arith.constant 1597463007 : i32
          %parallel_loop3A_171 = vector.broadcast %parallel_loop3A_170 : i32 to vector<16xi32>
          %parallel_loop3A_172 = arith.subi %parallel_loop3A_171, %parallel_loop3A_169 : vector<16xi32>
          %parallel_loop3A_173 = vector.bitcast %parallel_loop3A_172 : vector<16xi32> to vector<16xf32>
          %parallel_loop3A_174 = arith.constant 5.000000e-01 : f32
          %parallel_loop3A_175 = vector.broadcast %parallel_loop3A_174 : f32 to vector<16xf32>
          %parallel_loop3A_176 = arith.mulf %parallel_loop3A_175, %parallel_loop3A_165 : vector<16xf32>
          %parallel_loop3A_177 = arith.mulf %parallel_loop3A_176, %parallel_loop3A_173 : vector<16xf32>
          %parallel_loop3A_178 = arith.mulf %parallel_loop3A_177, %parallel_loop3A_173 : vector<16xf32>
          %parallel_loop3A_179 = arith.constant 1.500000e+00 : f32
          %parallel_loop3A_180 = vector.broadcast %parallel_loop3A_179 : f32 to vector<16xf32>
          %parallel_loop3A_181 = arith.subf %parallel_loop3A_180, %parallel_loop3A_178 : vector<16xf32>
          %parallel_loop3A_182 = arith.mulf %parallel_loop3A_173, %parallel_loop3A_181 : vector<16xf32>
          %parallel_loop3A_183 = arith.constant 5.000000e-01 : f32
          %parallel_loop3A_184 = vector.broadcast %parallel_loop3A_183 : f32 to vector<16xf32>
          %parallel_loop3A_185 = arith.mulf %parallel_loop3A_184, %parallel_loop3A_165 : vector<16xf32>
          %parallel_loop3A_186 = arith.mulf %parallel_loop3A_185, %parallel_loop3A_182 : vector<16xf32>
          %parallel_loop3A_187 = arith.mulf %parallel_loop3A_186, %parallel_loop3A_182 : vector<16xf32>
          %parallel_loop3A_188 = arith.constant 1.500000e+00 : f32
          %parallel_loop3A_189 = vector.broadcast %parallel_loop3A_188 : f32 to vector<16xf32>
          %parallel_loop3A_190 = arith.subf %parallel_loop3A_189, %parallel_loop3A_187 : vector<16xf32>
          %parallel_loop3A_191 = arith.mulf %parallel_loop3A_182, %parallel_loop3A_190 : vector<16xf32>
          %parallel_loop3A_192 = vector.bitcast %parallel_loop3A_164 : vector<16xf32> to vector<16xi32>
          %parallel_loop3A_193 = arith.constant 1 : i32
          %parallel_loop3A_194 = vector.broadcast %parallel_loop3A_193 : i32 to vector<16xi32>
          %parallel_loop3A_195 = arith.shrsi %parallel_loop3A_192, %parallel_loop3A_194 : vector<16xi32>
          %parallel_loop3A_196 = arith.constant 1597463007 : i32
          %parallel_loop3A_197 = vector.broadcast %parallel_loop3A_196 : i32 to vector<16xi32>
          %parallel_loop3A_198 = arith.subi %parallel_loop3A_197, %parallel_loop3A_195 : vector<16xi32>
          %parallel_loop3A_199 = vector.bitcast %parallel_loop3A_198 : vector<16xi32> to vector<16xf32>
          %parallel_loop3A_200 = arith.constant 5.000000e-01 : f32
          %parallel_loop3A_201 = vector.broadcast %parallel_loop3A_200 : f32 to vector<16xf32>
          %parallel_loop3A_202 = arith.mulf %parallel_loop3A_201, %parallel_loop3A_164 : vector<16xf32>
          %parallel_loop3A_203 = arith.mulf %parallel_loop3A_202, %parallel_loop3A_199 : vector<16xf32>
          %parallel_loop3A_204 = arith.mulf %parallel_loop3A_203, %parallel_loop3A_199 : vector<16xf32>
          %parallel_loop3A_205 = arith.constant 1.500000e+00 : f32
          %parallel_loop3A_206 = vector.broadcast %parallel_loop3A_205 : f32 to vector<16xf32>
          %parallel_loop3A_207 = arith.subf %parallel_loop3A_206, %parallel_loop3A_204 : vector<16xf32>
          %parallel_loop3A_208 = arith.mulf %parallel_loop3A_199, %parallel_loop3A_207 : vector<16xf32>
          %parallel_loop3A_209 = arith.constant 5.000000e-01 : f32
          %parallel_loop3A_210 = vector.broadcast %parallel_loop3A_209 : f32 to vector<16xf32>
          %parallel_loop3A_211 = arith.mulf %parallel_loop3A_210, %parallel_loop3A_164 : vector<16xf32>
          %parallel_loop3A_212 = arith.mulf %parallel_loop3A_211, %parallel_loop3A_208 : vector<16xf32>
          %parallel_loop3A_213 = arith.mulf %parallel_loop3A_212, %parallel_loop3A_208 : vector<16xf32>
          %parallel_loop3A_214 = arith.constant 1.500000e+00 : f32
          %parallel_loop3A_215 = vector.broadcast %parallel_loop3A_214 : f32 to vector<16xf32>
          %parallel_loop3A_216 = arith.subf %parallel_loop3A_215, %parallel_loop3A_213 : vector<16xf32>
          %parallel_loop3A_217 = arith.mulf %parallel_loop3A_208, %parallel_loop3A_216 : vector<16xf32>
          %parallel_loop3A_218 = arith.mulf %parallel_loop3A_164, %parallel_loop3A_217 : vector<16xf32>
          %parallel_loop3A_219 = vector.bitcast %parallel_loop3A_218 : vector<16xf32> to vector<16xi32>
          %parallel_loop3A_220 = arith.constant 1 : i32
          %parallel_loop3A_221 = vector.broadcast %parallel_loop3A_220 : i32 to vector<16xi32>
          %parallel_loop3A_222 = arith.shrsi %parallel_loop3A_219, %parallel_loop3A_221 : vector<16xi32>
          %parallel_loop3A_223 = arith.constant 1597463007 : i32
          %parallel_loop3A_224 = vector.broadcast %parallel_loop3A_223 : i32 to vector<16xi32>
          %parallel_loop3A_225 = arith.subi %parallel_loop3A_224, %parallel_loop3A_222 : vector<16xi32>
          %parallel_loop3A_226 = vector.bitcast %parallel_loop3A_225 : vector<16xi32> to vector<16xf32>
          %parallel_loop3A_227 = arith.constant 5.000000e-01 : f32
          %parallel_loop3A_228 = vector.broadcast %parallel_loop3A_227 : f32 to vector<16xf32>
          %parallel_loop3A_229 = arith.mulf %parallel_loop3A_228, %parallel_loop3A_218 : vector<16xf32>
          %parallel_loop3A_230 = arith.mulf %parallel_loop3A_229, %parallel_loop3A_226 : vector<16xf32>
          %parallel_loop3A_231 = arith.mulf %parallel_loop3A_230, %parallel_loop3A_226 : vector<16xf32>
          %parallel_loop3A_232 = arith.constant 1.500000e+00 : f32
          %parallel_loop3A_233 = vector.broadcast %parallel_loop3A_232 : f32 to vector<16xf32>
          %parallel_loop3A_234 = arith.subf %parallel_loop3A_233, %parallel_loop3A_231 : vector<16xf32>
          %parallel_loop3A_235 = arith.mulf %parallel_loop3A_226, %parallel_loop3A_234 : vector<16xf32>
          %parallel_loop3A_236 = arith.constant 5.000000e-01 : f32
          %parallel_loop3A_237 = vector.broadcast %parallel_loop3A_236 : f32 to vector<16xf32>
          %parallel_loop3A_238 = arith.mulf %parallel_loop3A_237, %parallel_loop3A_218 : vector<16xf32>
          %parallel_loop3A_239 = arith.mulf %parallel_loop3A_238, %parallel_loop3A_235 : vector<16xf32>
          %parallel_loop3A_240 = arith.mulf %parallel_loop3A_239, %parallel_loop3A_235 : vector<16xf32>
          %parallel_loop3A_241 = arith.constant 1.500000e+00 : f32
          %parallel_loop3A_242 = vector.broadcast %parallel_loop3A_241 : f32 to vector<16xf32>
          %parallel_loop3A_243 = arith.subf %parallel_loop3A_242, %parallel_loop3A_240 : vector<16xf32>
          %parallel_loop3A_244 = arith.mulf %parallel_loop3A_235, %parallel_loop3A_243 : vector<16xf32>
          %parallel_loop3A_245 = arith.mulf %parallel_loop3A_218, %parallel_loop3A_244 : vector<16xf32>
          %parallel_loop3A_246 = arith.mulf %parallel_loop3A_164, %parallel_loop3A_245 : vector<16xf32>
          %parallel_loop3A_247 = arith.constant -0.00999999977 : f32
          %parallel_loop3A_248 = vector.broadcast %parallel_loop3A_247 : f32 to vector<16xf32>
          %parallel_loop3A_249 = arith.mulf %parallel_loop3A_248, %parallel_loop3A_246 : vector<16xf32>
          %parallel_loop3A_250 = arith.mulf %parallel_loop3A_249, %parallel_loop3A_191 : vector<16xf32>
          %parallel_loop3A_251 = arith.mulf %parallel_loop3A_250, %parallel_loop3A_144 : vector<16xf32>
          %parallel_loop3A_252 = arith.mulf %parallel_loop3A_134, %parallel_loop3A_134 : vector<16xf32>
          %parallel_loop3A_253 = arith.mulf %parallel_loop3A_252, %parallel_loop3A_134 : vector<16xf32>
          %parallel_loop3A_254 = arith.constant -1.000000e-01 : f32
          %parallel_loop3A_255 = vector.broadcast %parallel_loop3A_254 : f32 to vector<16xf32>
          %parallel_loop3A_256 = arith.mulf %parallel_loop3A_255, %parallel_loop3A_253 : vector<16xf32>
          %parallel_loop3A_257 = arith.mulf %parallel_loop3A_256, %parallel_loop3A_144 : vector<16xf32>
          %parallel_loop3A_258 = arith.constant 2.000000e+00 : f32
          %parallel_loop3A_259 = vector.broadcast %parallel_loop3A_258 : f32 to vector<16xf32>
          %parallel_loop3A_260 = arith.mulf %parallel_loop3A_259, %parallel_loop3A_251 : vector<16xf32>
          %parallel_loop3A_261 = arith.mulf %parallel_loop3A_260, %parallel_loop3A_144 : vector<16xf32>
          %parallel_loop3A_262 = math.absf %parallel_loop3A_261 : vector<16xf32>
          %parallel_loop3A_263 = arith.mulf %parallel_loop3A_257, %parallel_loop3A_144 : vector<16xf32>
          %parallel_loop3A_264 = math.absf %parallel_loop3A_263 : vector<16xf32>
          %parallel_loop3A_265 = arith.addf %parallel_loop3A_262, %parallel_loop3A_264 : vector<16xf32>
          %parallel_loop3A_266 = arith.index_cast %parallel_loop3A_113 : i32 to index
          %parallel_loop3A_267 = tpu.vector_load %arg19[%parallel_loop3A_266] {strides = array<i32>} : memref<1600xf32, #tpu.memory_space<vmem>>, vector<16xf32>,
          tpu.vector_store %arg19[%parallel_loop3A_266], %parallel_loop3A_265 {strides = array<i32>} : memref<1600xf32, #tpu.memory_space<vmem>>, vector<16xf32>,
          %parallel_loop3A_268 = arith.subf %parallel_loop3A_140, %parallel_loop3A_136 : vector<16xf32>
          %parallel_loop3A_269 = arith.mulf %parallel_loop3A_268, %parallel_loop3A_139 : vector<16xf32>
          %parallel_loop3A_270 = arith.constant 0.000000e+00 : f32
          %parallel_loop3A_271 = vector.broadcast %parallel_loop3A_270 : f32 to vector<16xf32>
          %parallel_loop3A_272 = arith.select %parallel_loop3A_130, %parallel_loop3A_269, %parallel_loop3A_271 : vector<16xi1>, vector<16xf32>
          %parallel_loop3A_273 = arith.constant 0.000000e+00 : f32
          %parallel_loop3A_274 = vector.broadcast %parallel_loop3A_273 : f32 to vector<16xf32>
          %parallel_loop3A_275 = arith.cmpf ogt, %parallel_loop3A_134, %parallel_loop3A_274 : vector<16xf32>
          %parallel_loop3A_276 = arith.mulf %parallel_loop3A_272, %parallel_loop3A_251 : vector<16xf32>
          %parallel_loop3A_277 = arith.constant 0.000000e+00 : f32
          %parallel_loop3A_278 = vector.broadcast %parallel_loop3A_277 : f32 to vector<16xf32>
          %parallel_loop3A_279 = arith.cmpf ogt, %parallel_loop3A_276, %parallel_loop3A_278 : vector<16xf32>
          %parallel_loop3A_280 = arith.ori %parallel_loop3A_275, %parallel_loop3A_279 : vector<16xi1>
          %parallel_loop3A_281 = arith.constant 2.000000e+00 : f32
          %parallel_loop3A_282 = vector.broadcast %parallel_loop3A_281 : f32 to vector<16xf32>
          %parallel_loop3A_283 = arith.addf %parallel_loop3A_257, %parallel_loop3A_282 : vector<16xf32>
          %parallel_loop3A_284 = arith.select %parallel_loop3A_280, %parallel_loop3A_283, %parallel_loop3A_257 : vector<16xi1>, vector<16xf32>
          %parallel_loop3A_285 = arith.constant -3.165000e-01 : f32
          %parallel_loop3A_286 = vector.broadcast %parallel_loop3A_285 : f32 to vector<16xf32>
          %parallel_loop3A_287 = arith.mulf %parallel_loop3A_286, %parallel_loop3A_284 : vector<16xf32>
          %parallel_loop3A_288 = arith.mulf %parallel_loop3A_287, %parallel_loop3A_272 : vector<16xf32>
          %parallel_loop3A_289 = arith.index_cast %parallel_loop3A_113 : i32 to index
          %parallel_loop3A_290 = tpu.vector_load %arg20[%parallel_loop3A_289] {strides = array<i32>} : memref<1600xf32, #tpu.memory_space<vmem>>, vector<16xf32>,
          tpu.vector_store %arg20[%parallel_loop3A_289], %parallel_loop3A_288 {strides = array<i32>} : memref<1600xf32, #tpu.memory_space<vmem>>, vector<16xf32>,
          %parallel_loop3A_291 = arith.addf %parallel_loop3A_156, %parallel_loop3A_160 : vector<16xf32>
          %parallel_loop3A_292 = arith.constant 5.000000e-01 : f32
          %parallel_loop3A_293 = vector.broadcast %parallel_loop3A_292 : f32 to vector<16xf32>
          %parallel_loop3A_294 = arith.mulf %parallel_loop3A_293, %parallel_loop3A_291 : vector<16xf32>
          %parallel_loop3A_295 = arith.constant 0.000000e+00 : f32
          %parallel_loop3A_296 = vector.broadcast %parallel_loop3A_295 : f32 to vector<16xf32>
          %parallel_loop3A_297 = arith.maximumf %parallel_loop3A_294, %parallel_loop3A_296 : vector<16xf32>
          %parallel_loop3A_298 = arith.constant 5.000000e-25 : f32
          %parallel_loop3A_299 = vector.broadcast %parallel_loop3A_298 : f32 to vector<16xf32>
          %parallel_loop3A_300 = arith.mulf %parallel_loop3A_299, %parallel_loop3A_134 : vector<16xf32>
          %parallel_loop3A_301 = arith.mulf %parallel_loop3A_297, %parallel_loop3A_297 : vector<16xf32>
          %parallel_loop3A_302 = arith.mulf %parallel_loop3A_301, %parallel_loop3A_297 : vector<16xf32>
          %parallel_loop3A_303 = arith.mulf %parallel_loop3A_300, %parallel_loop3A_302 : vector<16xf32>
          %parallel_loop3A_304 = arith.index_cast %parallel_loop3A_113 : i32 to index
          %parallel_loop3A_305 = tpu.vector_load %arg21[%parallel_loop3A_304] {strides = array<i32>} : memref<1600xf32, #tpu.memory_space<vmem>>, vector<16xf32>,
          tpu.vector_store %arg21[%parallel_loop3A_304], %parallel_loop3A_303 {strides = array<i32>} : memref<1600xf32, #tpu.memory_space<vmem>>, vector<16xf32>,
        } {sc.loop_unroll_factor = 8 : i64, sc.parallel_access}
        %ge3A = arith.constant 1 : i32
        %ge3A_98 = arith.cmpi sge, %while3A_60, %ge3A : i32
        %convert_element_type3A_99 = arith.extui %ge3A_98 : i1 to i32
        %cond3A_100 = arith.constant 0 : i32
        %cond3A_101 = arith.cmpi ne, %convert_element_type3A_99, %cond3A_100 : i32
        scf.if %cond3A_101 {
          %dma_wait3A_113 = arith.constant 0 : i32
          %dma_wait3A_114 = tpu.memref_slice %arg9[%dma_wait3A_113] : memref<1600000xf32, #tpu.memory_space<hbm>> -> memref<1600xf32, #tpu.memory_space<hbm>>
          %dma_wait3A_115 = arith.constant 0 : i32
          %dma_wait3A_116 = tpu.memref_slice %arg9[%dma_wait3A_115] : memref<1600000xf32, #tpu.memory_space<hbm>> -> memref<1600xf32, #tpu.memory_space<hbm>>
          tpu.wait_dma2 semaphore(%arg31 : memref<!tpu.dma_semaphore, #tpu.memory_space<semaphore_mem>>) src(%arg27 : memref<1600xf32, #tpu.memory_space<vmem>>) dst(%dma_wait3A_116 : memref<1600xf32, #tpu.memory_space<hbm>>)
          %dma_wait3A_117 = arith.constant 0 : i32
          %dma_wait3A_118 = tpu.memref_slice %arg10[%dma_wait3A_117] : memref<1600000xf32, #tpu.memory_space<hbm>> -> memref<1600xf32, #tpu.memory_space<hbm>>
          %dma_wait3A_119 = arith.constant 0 : i32
          %dma_wait3A_120 = tpu.memref_slice %arg10[%dma_wait3A_119] : memref<1600000xf32, #tpu.memory_space<hbm>> -> memref<1600xf32, #tpu.memory_space<hbm>>
          tpu.wait_dma2 semaphore(%arg31 : memref<!tpu.dma_semaphore, #tpu.memory_space<semaphore_mem>>) src(%arg28 : memref<1600xf32, #tpu.memory_space<vmem>>) dst(%dma_wait3A_120 : memref<1600xf32, #tpu.memory_space<hbm>>)
          %dma_wait3A_121 = arith.constant 0 : i32
          %dma_wait3A_122 = tpu.memref_slice %arg11[%dma_wait3A_121] : memref<1600000xf32, #tpu.memory_space<hbm>> -> memref<1600xf32, #tpu.memory_space<hbm>>
          %dma_wait3A_123 = arith.constant 0 : i32
          %dma_wait3A_124 = tpu.memref_slice %arg11[%dma_wait3A_123] : memref<1600000xf32, #tpu.memory_space<hbm>> -> memref<1600xf32, #tpu.memory_space<hbm>>
          tpu.wait_dma2 semaphore(%arg31 : memref<!tpu.dma_semaphore, #tpu.memory_space<semaphore_mem>>) src(%arg29 : memref<1600xf32, #tpu.memory_space<vmem>>) dst(%dma_wait3A_124 : memref<1600xf32, #tpu.memory_space<hbm>>)
        } else {
        }
        %dma_start3A_102 = tpu.memref_slice %arg9[%mul3A_76] : memref<1600000xf32, #tpu.memory_space<hbm>> -> memref<1600xf32, #tpu.memory_space<hbm>>
        %dma_start3A_103 = tpu.memref_slice %arg9[%mul3A_76] : memref<1600000xf32, #tpu.memory_space<hbm>> -> memref<1600xf32, #tpu.memory_space<hbm>>
        tpu.enqueue_dma source(%arg19 : memref<1600xf32, #tpu.memory_space<vmem>>) target(%dma_start3A_103 : memref<1600xf32, #tpu.memory_space<hbm>>) target_semaphore(%arg31 : memref<!tpu.dma_semaphore, #tpu.memory_space<semaphore_mem>>)
        %dma_start3A_104 = tpu.memref_slice %arg10[%mul3A_76] : memref<1600000xf32, #tpu.memory_space<hbm>> -> memref<1600xf32, #tpu.memory_space<hbm>>
        %dma_start3A_105 = tpu.memref_slice %arg10[%mul3A_76] : memref<1600000xf32, #tpu.memory_space<hbm>> -> memref<1600xf32, #tpu.memory_space<hbm>>
        tpu.enqueue_dma source(%arg20 : memref<1600xf32, #tpu.memory_space<vmem>>) target(%dma_start3A_105 : memref<1600xf32, #tpu.memory_space<hbm>>) target_semaphore(%arg31 : memref<!tpu.dma_semaphore, #tpu.memory_space<semaphore_mem>>)
        %dma_start3A_106 = tpu.memref_slice %arg11[%mul3A_76] : memref<1600000xf32, #tpu.memory_space<hbm>> -> memref<1600xf32, #tpu.memory_space<hbm>>
        %dma_start3A_107 = tpu.memref_slice %arg11[%mul3A_76] : memref<1600000xf32, #tpu.memory_space<hbm>> -> memref<1600xf32, #tpu.memory_space<hbm>>
        tpu.enqueue_dma source(%arg21 : memref<1600xf32, #tpu.memory_space<vmem>>) target(%dma_start3A_107 : memref<1600xf32, #tpu.memory_space<hbm>>) target_semaphore(%arg31 : memref<!tpu.dma_semaphore, #tpu.memory_space<semaphore_mem>>)
        %add3A_108 = arith.constant 1 : i32
        %add3A_109 = arith.addi %while3A_60, %add3A_108 : i32
        %lt3A = arith.cmpi slt, %add3A_109, %select_n3A : i32
        %convert_element_type3A_110 = arith.extui %lt3A : i1 to i32
        %cond3A_111 = arith.constant 0 : i32
        %cond3A_112 = arith.cmpi ne, %convert_element_type3A_110, %cond3A_111 : i32
        scf.if %cond3A_112 {
          %add3A_113 = arith.constant 1 : i32
          %add3A_114 = arith.addi %while3A_60, %add3A_113 : i32
          %mul3A_115 = arith.constant 32 : i32
          %mul3A_116 = arith.muli %add3A_114, %mul3A_115 : i32
          %add3A_117 = arith.addi %add3A, %mul3A_116 : i32
          %mul3A_118 = arith.constant 1600 : i32
          %mul3A_119 = arith.muli %add3A_117, %mul3A_118 : i32
          %dma_start3A_120 = tpu.memref_slice %arg2[%mul3A_119] : memref<1600000xi32, #tpu.memory_space<hbm>> -> memref<1600xi32, #tpu.memory_space<hbm>>
          %dma_start3A_121 = tpu.memref_slice %arg2[%mul3A_119] : memref<1600000xi32, #tpu.memory_space<hbm>> -> memref<1600xi32, #tpu.memory_space<hbm>>
          tpu.enqueue_dma source(%dma_start3A_121 : memref<1600xi32, #tpu.memory_space<hbm>>) target(%arg22 : memref<1600xi32, #tpu.memory_space<vmem>>) target_semaphore(%arg30 : memref<!tpu.dma_semaphore, #tpu.memory_space<semaphore_mem>>)
          %dma_start3A_122 = tpu.memref_slice %arg3[%mul3A_119] : memref<1600000xi32, #tpu.memory_space<hbm>> -> memref<1600xi32, #tpu.memory_space<hbm>>
          %dma_start3A_123 = tpu.memref_slice %arg3[%mul3A_119] : memref<1600000xi32, #tpu.memory_space<hbm>> -> memref<1600xi32, #tpu.memory_space<hbm>>
          tpu.enqueue_dma source(%dma_start3A_123 : memref<1600xi32, #tpu.memory_space<hbm>>) target(%arg23 : memref<1600xi32, #tpu.memory_space<vmem>>) target_semaphore(%arg30 : memref<!tpu.dma_semaphore, #tpu.memory_space<semaphore_mem>>)
          %dma_start3A_124 = tpu.memref_slice %arg4[%mul3A_119] : memref<1600000xf32, #tpu.memory_space<hbm>> -> memref<1600xf32, #tpu.memory_space<hbm>>
          %dma_start3A_125 = tpu.memref_slice %arg4[%mul3A_119] : memref<1600000xf32, #tpu.memory_space<hbm>> -> memref<1600xf32, #tpu.memory_space<hbm>>
          tpu.enqueue_dma source(%dma_start3A_125 : memref<1600xf32, #tpu.memory_space<hbm>>) target(%arg24 : memref<1600xf32, #tpu.memory_space<vmem>>) target_semaphore(%arg30 : memref<!tpu.dma_semaphore, #tpu.memory_space<semaphore_mem>>)
          %dma_start3A_126 = tpu.memref_slice %arg5[%mul3A_119] : memref<1600000xf32, #tpu.memory_space<hbm>> -> memref<1600xf32, #tpu.memory_space<hbm>>
          %dma_start3A_127 = tpu.memref_slice %arg5[%mul3A_119] : memref<1600000xf32, #tpu.memory_space<hbm>> -> memref<1600xf32, #tpu.memory_space<hbm>>
          tpu.enqueue_dma source(%dma_start3A_127 : memref<1600xf32, #tpu.memory_space<hbm>>) target(%arg25 : memref<1600xf32, #tpu.memory_space<vmem>>) target_semaphore(%arg30 : memref<!tpu.dma_semaphore, #tpu.memory_space<semaphore_mem>>)
          %dma_start3A_128 = tpu.memref_slice %arg6[%mul3A_119] : memref<1600000xf32, #tpu.memory_space<hbm>> -> memref<1600xf32, #tpu.memory_space<hbm>>
          %dma_start3A_129 = tpu.memref_slice %arg6[%mul3A_119] : memref<1600000xf32, #tpu.memory_space<hbm>> -> memref<1600xf32, #tpu.memory_space<hbm>>
          tpu.enqueue_dma source(%dma_start3A_129 : memref<1600xf32, #tpu.memory_space<hbm>>) target(%arg26 : memref<1600xf32, #tpu.memory_space<vmem>>) target_semaphore(%arg30 : memref<!tpu.dma_semaphore, #tpu.memory_space<semaphore_mem>>)
        } else {
        }
      } else {
      }
      %not3A = arith.constant true
      %not3A_68 = arith.xori %eq3A_64, %not3A : i1
      %convert_element_type3A_69 = arith.extui %not3A_68 : i1 to i32
      %cond3A_70 = arith.constant 0 : i32
      %cond3A_71 = arith.cmpi ne, %convert_element_type3A_69, %cond3A_70 : i32
      scf.if %cond3A_71 {
        %mul3A_72 = arith.constant 32 : i32
        %mul3A_73 = arith.muli %while3A_60, %mul3A_72 : i32
        %add3A_74 = arith.addi %add3A, %mul3A_73 : i32
        %mul3A_75 = arith.constant 1600 : i32
        %mul3A_76 = arith.muli %add3A_74, %mul3A_75 : i32
        %dma_wait3A = arith.constant 0 : i32
        %dma_wait3A_77 = tpu.memref_slice %arg2[%dma_wait3A] : memref<1600000xi32, #tpu.memory_space<hbm>> -> memref<1600xi32, #tpu.memory_space<hbm>>
        %dma_wait3A_78 = arith.constant 0 : i32
        %dma_wait3A_79 = tpu.memref_slice %arg2[%dma_wait3A_78] : memref<1600000xi32, #tpu.memory_space<hbm>> -> memref<1600xi32, #tpu.memory_space<hbm>>
        tpu.wait_dma2 semaphore(%arg30 : memref<!tpu.dma_semaphore, #tpu.memory_space<semaphore_mem>>) src(%dma_wait3A_79 : memref<1600xi32, #tpu.memory_space<hbm>>) dst(%arg22 : memref<1600xi32, #tpu.memory_space<vmem>>)
        %dma_wait3A_80 = arith.constant 0 : i32
        %dma_wait3A_81 = tpu.memref_slice %arg3[%dma_wait3A_80] : memref<1600000xi32, #tpu.memory_space<hbm>> -> memref<1600xi32, #tpu.memory_space<hbm>>
        %dma_wait3A_82 = arith.constant 0 : i32
        %dma_wait3A_83 = tpu.memref_slice %arg3[%dma_wait3A_82] : memref<1600000xi32, #tpu.memory_space<hbm>> -> memref<1600xi32, #tpu.memory_space<hbm>>
        tpu.wait_dma2 semaphore(%arg30 : memref<!tpu.dma_semaphore, #tpu.memory_space<semaphore_mem>>) src(%dma_wait3A_83 : memref<1600xi32, #tpu.memory_space<hbm>>) dst(%arg23 : memref<1600xi32, #tpu.memory_space<vmem>>)
        %dma_wait3A_84 = arith.constant 0 : i32
        %dma_wait3A_85 = tpu.memref_slice %arg4[%dma_wait3A_84] : memref<1600000xf32, #tpu.memory_space<hbm>> -> memref<1600xf32, #tpu.memory_space<hbm>>
        %dma_wait3A_86 = arith.constant 0 : i32
        %dma_wait3A_87 = tpu.memref_slice %arg4[%dma_wait3A_86] : memref<1600000xf32, #tpu.memory_space<hbm>> -> memref<1600xf32, #tpu.memory_space<hbm>>
        tpu.wait_dma2 semaphore(%arg30 : memref<!tpu.dma_semaphore, #tpu.memory_space<semaphore_mem>>) src(%dma_wait3A_87 : memref<1600xf32, #tpu.memory_space<hbm>>) dst(%arg24 : memref<1600xf32, #tpu.memory_space<vmem>>)
        %dma_wait3A_88 = arith.constant 0 : i32
        %dma_wait3A_89 = tpu.memref_slice %arg5[%dma_wait3A_88] : memref<1600000xf32, #tpu.memory_space<hbm>> -> memref<1600xf32, #tpu.memory_space<hbm>>
        %dma_wait3A_90 = arith.constant 0 : i32
        %dma_wait3A_91 = tpu.memref_slice %arg5[%dma_wait3A_90] : memref<1600000xf32, #tpu.memory_space<hbm>> -> memref<1600xf32, #tpu.memory_space<hbm>>
        tpu.wait_dma2 semaphore(%arg30 : memref<!tpu.dma_semaphore, #tpu.memory_space<semaphore_mem>>) src(%dma_wait3A_91 : memref<1600xf32, #tpu.memory_space<hbm>>) dst(%arg25 : memref<1600xf32, #tpu.memory_space<vmem>>)
        %dma_wait3A_92 = arith.constant 0 : i32
        %dma_wait3A_93 = tpu.memref_slice %arg6[%dma_wait3A_92] : memref<1600000xf32, #tpu.memory_space<hbm>> -> memref<1600xf32, #tpu.memory_space<hbm>>
        %dma_wait3A_94 = arith.constant 0 : i32
        %dma_wait3A_95 = tpu.memref_slice %arg6[%dma_wait3A_94] : memref<1600000xf32, #tpu.memory_space<hbm>> -> memref<1600xf32, #tpu.memory_space<hbm>>
        tpu.wait_dma2 semaphore(%arg30 : memref<!tpu.dma_semaphore, #tpu.memory_space<semaphore_mem>>) src(%dma_wait3A_95 : memref<1600xf32, #tpu.memory_space<hbm>>) dst(%arg26 : memref<1600xf32, #tpu.memory_space<vmem>>)
        %parallel_loop3A = arith.constant 0 : i32
        %parallel_loop3A_96 = arith.constant 1600 : i32
        %parallel_loop3A_97 = arith.constant 16 : i32
        scf.for %parallel_loop3A_113 = %parallel_loop3A to %parallel_loop3A_96 step %parallel_loop3A_97  : i32 {
          %parallel_loop3A_114 = arith.index_cast %parallel_loop3A_113 : i32 to index
          %parallel_loop3A_115 = tpu.vector_load %arg22[%parallel_loop3A_114] {strides = array<i32>} : memref<1600xi32, #tpu.memory_space<vmem>>, vector<16xi32>,
          %parallel_loop3A_116 = arith.index_cast %parallel_loop3A_113 : i32 to index
          %parallel_loop3A_117 = tpu.vector_load %arg23[%parallel_loop3A_116] {strides = array<i32>} : memref<1600xi32, #tpu.memory_space<vmem>>, vector<16xi32>,
          %parallel_loop3A_118 = tpu.vector_load_idx %arg12[%parallel_loop3A_115] : memref<50176xf32, #tpu.memory_space<vmem>>[vector<16xi32>], vector<16xf32>,
          %parallel_loop3A_119 = tpu.vector_load_idx %arg12[%parallel_loop3A_117] : memref<50176xf32, #tpu.memory_space<vmem>>[vector<16xi32>], vector<16xf32>,
          %parallel_loop3A_120 = tpu.vector_load_idx %arg13[%parallel_loop3A_115] : memref<50176xi32, #tpu.memory_space<vmem>>[vector<16xi32>], vector<16xi32>,
          %parallel_loop3A_121 = tpu.vector_load_idx %arg13[%parallel_loop3A_117] : memref<50176xi32, #tpu.memory_space<vmem>>[vector<16xi32>], vector<16xi32>,
          %parallel_loop3A_122 = vector.bitcast %parallel_loop3A_118 : vector<16xf32> to vector<16xi32>
          %parallel_loop3A_123 = vector.bitcast %parallel_loop3A_119 : vector<16xf32> to vector<16xi32>
          %parallel_loop3A_124 = arith.ori %parallel_loop3A_122, %parallel_loop3A_123 : vector<16xi32>
          %parallel_loop3A_125 = arith.constant 1 : i32
          %parallel_loop3A_126 = vector.broadcast %parallel_loop3A_125 : i32 to vector<16xi32>
          %parallel_loop3A_127 = arith.andi %parallel_loop3A_124, %parallel_loop3A_126 : vector<16xi32>
          %parallel_loop3A_128 = arith.constant 0 : i32
          %parallel_loop3A_129 = vector.broadcast %parallel_loop3A_128 : i32 to vector<16xi32>
          %parallel_loop3A_130 = arith.cmpi eq, %parallel_loop3A_127, %parallel_loop3A_129 : vector<16xi32>
          %parallel_loop3A_131 = arith.index_cast %parallel_loop3A_113 : i32 to index
          %parallel_loop3A_132 = tpu.vector_load %arg25[%parallel_loop3A_131] {strides = array<i32>} : memref<1600xf32, #tpu.memory_space<vmem>>, vector<16xf32>,
          %parallel_loop3A_133 = arith.index_cast %parallel_loop3A_113 : i32 to index
          %parallel_loop3A_134 = tpu.vector_load %arg24[%parallel_loop3A_133] {strides = array<i32>} : memref<1600xf32, #tpu.memory_space<vmem>>, vector<16xf32>,
          %parallel_loop3A_135 = arith.index_cast %parallel_loop3A_113 : i32 to index
          %parallel_loop3A_136 = tpu.vector_load %arg26[%parallel_loop3A_135] {strides = array<i32>} : memref<1600xf32, #tpu.memory_space<vmem>>, vector<16xf32>,
          %parallel_loop3A_137 = arith.constant 1.000000e+00 : f32
          %parallel_loop3A_138 = vector.broadcast %parallel_loop3A_137 : f32 to vector<16xf32>
          %parallel_loop3A_139 = arith.divf %parallel_loop3A_138, %parallel_loop3A_132 : vector<16xf32>
          %parallel_loop3A_140 = arith.subf %parallel_loop3A_118, %parallel_loop3A_119 : vector<16xf32>
          %parallel_loop3A_141 = arith.mulf %parallel_loop3A_140, %parallel_loop3A_139 : vector<16xf32>
          %parallel_loop3A_142 = arith.constant 0.000000e+00 : f32
          %parallel_loop3A_143 = vector.broadcast %parallel_loop3A_142 : f32 to vector<16xf32>
          %parallel_loop3A_144 = arith.select %parallel_loop3A_130, %parallel_loop3A_141, %parallel_loop3A_143 : vector<16xi1>, vector<16xf32>
          %parallel_loop3A_145 = arith.constant 16 : i32
          %parallel_loop3A_146 = vector.broadcast %parallel_loop3A_145 : i32 to vector<16xi32>
          %parallel_loop3A_147 = arith.shli %parallel_loop3A_120, %parallel_loop3A_146 : vector<16xi32>
          %parallel_loop3A_148 = vector.bitcast %parallel_loop3A_147 : vector<16xi32> to vector<16xf32>
          %parallel_loop3A_149 = arith.constant 16 : i32
          %parallel_loop3A_150 = vector.broadcast %parallel_loop3A_149 : i32 to vector<16xi32>
          %parallel_loop3A_151 = arith.shli %parallel_loop3A_121, %parallel_loop3A_150 : vector<16xi32>
          %parallel_loop3A_152 = vector.bitcast %parallel_loop3A_151 : vector<16xi32> to vector<16xf32>
          %parallel_loop3A_153 = arith.constant -65536 : i32
          %parallel_loop3A_154 = vector.broadcast %parallel_loop3A_153 : i32 to vector<16xi32>
          %parallel_loop3A_155 = arith.andi %parallel_loop3A_120, %parallel_loop3A_154 : vector<16xi32>
          %parallel_loop3A_156 = vector.bitcast %parallel_loop3A_155 : vector<16xi32> to vector<16xf32>
          %parallel_loop3A_157 = arith.constant -65536 : i32
          %parallel_loop3A_158 = vector.broadcast %parallel_loop3A_157 : i32 to vector<16xi32>
          %parallel_loop3A_159 = arith.andi %parallel_loop3A_121, %parallel_loop3A_158 : vector<16xi32>
          %parallel_loop3A_160 = vector.bitcast %parallel_loop3A_159 : vector<16xi32> to vector<16xf32>
          %parallel_loop3A_161 = arith.addf %parallel_loop3A_148, %parallel_loop3A_152 : vector<16xf32>
          %parallel_loop3A_162 = arith.constant 5.000000e-01 : f32
          %parallel_loop3A_163 = vector.broadcast %parallel_loop3A_162 : f32 to vector<16xf32>
          %parallel_loop3A_164 = arith.mulf %parallel_loop3A_163, %parallel_loop3A_161 : vector<16xf32>
          %parallel_loop3A_165 = math.absf %parallel_loop3A_144 : vector<16xf32>
          %parallel_loop3A_166 = vector.bitcast %parallel_loop3A_165 : vector<16xf32> to vector<16xi32>
          %parallel_loop3A_167 = arith.constant 1 : i32
          %parallel_loop3A_168 = vector.broadcast %parallel_loop3A_167 : i32 to vector<16xi32>
          %parallel_loop3A_169 = arith.shrsi %parallel_loop3A_166, %parallel_loop3A_168 : vector<16xi32>
          %parallel_loop3A_170 = arith.constant 1597463007 : i32
          %parallel_loop3A_171 = vector.broadcast %parallel_loop3A_170 : i32 to vector<16xi32>
          %parallel_loop3A_172 = arith.subi %parallel_loop3A_171, %parallel_loop3A_169 : vector<16xi32>
          %parallel_loop3A_173 = vector.bitcast %parallel_loop3A_172 : vector<16xi32> to vector<16xf32>
          %parallel_loop3A_174 = arith.constant 5.000000e-01 : f32
          %parallel_loop3A_175 = vector.broadcast %parallel_loop3A_174 : f32 to vector<16xf32>
          %parallel_loop3A_176 = arith.mulf %parallel_loop3A_175, %parallel_loop3A_165 : vector<16xf32>
          %parallel_loop3A_177 = arith.mulf %parallel_loop3A_176, %parallel_loop3A_173 : vector<16xf32>
          %parallel_loop3A_178 = arith.mulf %parallel_loop3A_177, %parallel_loop3A_173 : vector<16xf32>
          %parallel_loop3A_179 = arith.constant 1.500000e+00 : f32
          %parallel_loop3A_180 = vector.broadcast %parallel_loop3A_179 : f32 to vector<16xf32>
          %parallel_loop3A_181 = arith.subf %parallel_loop3A_180, %parallel_loop3A_178 : vector<16xf32>
          %parallel_loop3A_182 = arith.mulf %parallel_loop3A_173, %parallel_loop3A_181 : vector<16xf32>
          %parallel_loop3A_183 = arith.constant 5.000000e-01 : f32
          %parallel_loop3A_184 = vector.broadcast %parallel_loop3A_183 : f32 to vector<16xf32>
          %parallel_loop3A_185 = arith.mulf %parallel_loop3A_184, %parallel_loop3A_165 : vector<16xf32>
          %parallel_loop3A_186 = arith.mulf %parallel_loop3A_185, %parallel_loop3A_182 : vector<16xf32>
          %parallel_loop3A_187 = arith.mulf %parallel_loop3A_186, %parallel_loop3A_182 : vector<16xf32>
          %parallel_loop3A_188 = arith.constant 1.500000e+00 : f32
          %parallel_loop3A_189 = vector.broadcast %parallel_loop3A_188 : f32 to vector<16xf32>
          %parallel_loop3A_190 = arith.subf %parallel_loop3A_189, %parallel_loop3A_187 : vector<16xf32>
          %parallel_loop3A_191 = arith.mulf %parallel_loop3A_182, %parallel_loop3A_190 : vector<16xf32>
          %parallel_loop3A_192 = vector.bitcast %parallel_loop3A_164 : vector<16xf32> to vector<16xi32>
          %parallel_loop3A_193 = arith.constant 1 : i32
          %parallel_loop3A_194 = vector.broadcast %parallel_loop3A_193 : i32 to vector<16xi32>
          %parallel_loop3A_195 = arith.shrsi %parallel_loop3A_192, %parallel_loop3A_194 : vector<16xi32>
          %parallel_loop3A_196 = arith.constant 1597463007 : i32
          %parallel_loop3A_197 = vector.broadcast %parallel_loop3A_196 : i32 to vector<16xi32>
          %parallel_loop3A_198 = arith.subi %parallel_loop3A_197, %parallel_loop3A_195 : vector<16xi32>
          %parallel_loop3A_199 = vector.bitcast %parallel_loop3A_198 : vector<16xi32> to vector<16xf32>
          %parallel_loop3A_200 = arith.constant 5.000000e-01 : f32
          %parallel_loop3A_201 = vector.broadcast %parallel_loop3A_200 : f32 to vector<16xf32>
          %parallel_loop3A_202 = arith.mulf %parallel_loop3A_201, %parallel_loop3A_164 : vector<16xf32>
          %parallel_loop3A_203 = arith.mulf %parallel_loop3A_202, %parallel_loop3A_199 : vector<16xf32>
          %parallel_loop3A_204 = arith.mulf %parallel_loop3A_203, %parallel_loop3A_199 : vector<16xf32>
          %parallel_loop3A_205 = arith.constant 1.500000e+00 : f32
          %parallel_loop3A_206 = vector.broadcast %parallel_loop3A_205 : f32 to vector<16xf32>
          %parallel_loop3A_207 = arith.subf %parallel_loop3A_206, %parallel_loop3A_204 : vector<16xf32>
          %parallel_loop3A_208 = arith.mulf %parallel_loop3A_199, %parallel_loop3A_207 : vector<16xf32>
          %parallel_loop3A_209 = arith.constant 5.000000e-01 : f32
          %parallel_loop3A_210 = vector.broadcast %parallel_loop3A_209 : f32 to vector<16xf32>
          %parallel_loop3A_211 = arith.mulf %parallel_loop3A_210, %parallel_loop3A_164 : vector<16xf32>
          %parallel_loop3A_212 = arith.mulf %parallel_loop3A_211, %parallel_loop3A_208 : vector<16xf32>
          %parallel_loop3A_213 = arith.mulf %parallel_loop3A_212, %parallel_loop3A_208 : vector<16xf32>
          %parallel_loop3A_214 = arith.constant 1.500000e+00 : f32
          %parallel_loop3A_215 = vector.broadcast %parallel_loop3A_214 : f32 to vector<16xf32>
          %parallel_loop3A_216 = arith.subf %parallel_loop3A_215, %parallel_loop3A_213 : vector<16xf32>
          %parallel_loop3A_217 = arith.mulf %parallel_loop3A_208, %parallel_loop3A_216 : vector<16xf32>
          %parallel_loop3A_218 = arith.mulf %parallel_loop3A_164, %parallel_loop3A_217 : vector<16xf32>
          %parallel_loop3A_219 = vector.bitcast %parallel_loop3A_218 : vector<16xf32> to vector<16xi32>
          %parallel_loop3A_220 = arith.constant 1 : i32
          %parallel_loop3A_221 = vector.broadcast %parallel_loop3A_220 : i32 to vector<16xi32>
          %parallel_loop3A_222 = arith.shrsi %parallel_loop3A_219, %parallel_loop3A_221 : vector<16xi32>
          %parallel_loop3A_223 = arith.constant 1597463007 : i32
          %parallel_loop3A_224 = vector.broadcast %parallel_loop3A_223 : i32 to vector<16xi32>
          %parallel_loop3A_225 = arith.subi %parallel_loop3A_224, %parallel_loop3A_222 : vector<16xi32>
          %parallel_loop3A_226 = vector.bitcast %parallel_loop3A_225 : vector<16xi32> to vector<16xf32>
          %parallel_loop3A_227 = arith.constant 5.000000e-01 : f32
          %parallel_loop3A_228 = vector.broadcast %parallel_loop3A_227 : f32 to vector<16xf32>
          %parallel_loop3A_229 = arith.mulf %parallel_loop3A_228, %parallel_loop3A_218 : vector<16xf32>
          %parallel_loop3A_230 = arith.mulf %parallel_loop3A_229, %parallel_loop3A_226 : vector<16xf32>
          %parallel_loop3A_231 = arith.mulf %parallel_loop3A_230, %parallel_loop3A_226 : vector<16xf32>
          %parallel_loop3A_232 = arith.constant 1.500000e+00 : f32
          %parallel_loop3A_233 = vector.broadcast %parallel_loop3A_232 : f32 to vector<16xf32>
          %parallel_loop3A_234 = arith.subf %parallel_loop3A_233, %parallel_loop3A_231 : vector<16xf32>
          %parallel_loop3A_235 = arith.mulf %parallel_loop3A_226, %parallel_loop3A_234 : vector<16xf32>
          %parallel_loop3A_236 = arith.constant 5.000000e-01 : f32
          %parallel_loop3A_237 = vector.broadcast %parallel_loop3A_236 : f32 to vector<16xf32>
          %parallel_loop3A_238 = arith.mulf %parallel_loop3A_237, %parallel_loop3A_218 : vector<16xf32>
          %parallel_loop3A_239 = arith.mulf %parallel_loop3A_238, %parallel_loop3A_235 : vector<16xf32>
          %parallel_loop3A_240 = arith.mulf %parallel_loop3A_239, %parallel_loop3A_235 : vector<16xf32>
          %parallel_loop3A_241 = arith.constant 1.500000e+00 : f32
          %parallel_loop3A_242 = vector.broadcast %parallel_loop3A_241 : f32 to vector<16xf32>
          %parallel_loop3A_243 = arith.subf %parallel_loop3A_242, %parallel_loop3A_240 : vector<16xf32>
          %parallel_loop3A_244 = arith.mulf %parallel_loop3A_235, %parallel_loop3A_243 : vector<16xf32>
          %parallel_loop3A_245 = arith.mulf %parallel_loop3A_218, %parallel_loop3A_244 : vector<16xf32>
          %parallel_loop3A_246 = arith.mulf %parallel_loop3A_164, %parallel_loop3A_245 : vector<16xf32>
          %parallel_loop3A_247 = arith.constant -0.00999999977 : f32
          %parallel_loop3A_248 = vector.broadcast %parallel_loop3A_247 : f32 to vector<16xf32>
          %parallel_loop3A_249 = arith.mulf %parallel_loop3A_248, %parallel_loop3A_246 : vector<16xf32>
          %parallel_loop3A_250 = arith.mulf %parallel_loop3A_249, %parallel_loop3A_191 : vector<16xf32>
          %parallel_loop3A_251 = arith.mulf %parallel_loop3A_250, %parallel_loop3A_144 : vector<16xf32>
          %parallel_loop3A_252 = arith.mulf %parallel_loop3A_134, %parallel_loop3A_134 : vector<16xf32>
          %parallel_loop3A_253 = arith.mulf %parallel_loop3A_252, %parallel_loop3A_134 : vector<16xf32>
          %parallel_loop3A_254 = arith.constant -1.000000e-01 : f32
          %parallel_loop3A_255 = vector.broadcast %parallel_loop3A_254 : f32 to vector<16xf32>
          %parallel_loop3A_256 = arith.mulf %parallel_loop3A_255, %parallel_loop3A_253 : vector<16xf32>
          %parallel_loop3A_257 = arith.mulf %parallel_loop3A_256, %parallel_loop3A_144 : vector<16xf32>
          %parallel_loop3A_258 = arith.constant 2.000000e+00 : f32
          %parallel_loop3A_259 = vector.broadcast %parallel_loop3A_258 : f32 to vector<16xf32>
          %parallel_loop3A_260 = arith.mulf %parallel_loop3A_259, %parallel_loop3A_251 : vector<16xf32>
          %parallel_loop3A_261 = arith.mulf %parallel_loop3A_260, %parallel_loop3A_144 : vector<16xf32>
          %parallel_loop3A_262 = math.absf %parallel_loop3A_261 : vector<16xf32>
          %parallel_loop3A_263 = arith.mulf %parallel_loop3A_257, %parallel_loop3A_144 : vector<16xf32>
          %parallel_loop3A_264 = math.absf %parallel_loop3A_263 : vector<16xf32>
          %parallel_loop3A_265 = arith.addf %parallel_loop3A_262, %parallel_loop3A_264 : vector<16xf32>
          %parallel_loop3A_266 = arith.index_cast %parallel_loop3A_113 : i32 to index
          %parallel_loop3A_267 = tpu.vector_load %arg27[%parallel_loop3A_266] {strides = array<i32>} : memref<1600xf32, #tpu.memory_space<vmem>>, vector<16xf32>,
          tpu.vector_store %arg27[%parallel_loop3A_266], %parallel_loop3A_265 {strides = array<i32>} : memref<1600xf32, #tpu.memory_space<vmem>>, vector<16xf32>,
          %parallel_loop3A_268 = arith.subf %parallel_loop3A_140, %parallel_loop3A_136 : vector<16xf32>
          %parallel_loop3A_269 = arith.mulf %parallel_loop3A_268, %parallel_loop3A_139 : vector<16xf32>
          %parallel_loop3A_270 = arith.constant 0.000000e+00 : f32
          %parallel_loop3A_271 = vector.broadcast %parallel_loop3A_270 : f32 to vector<16xf32>
          %parallel_loop3A_272 = arith.select %parallel_loop3A_130, %parallel_loop3A_269, %parallel_loop3A_271 : vector<16xi1>, vector<16xf32>
          %parallel_loop3A_273 = arith.constant 0.000000e+00 : f32
          %parallel_loop3A_274 = vector.broadcast %parallel_loop3A_273 : f32 to vector<16xf32>
          %parallel_loop3A_275 = arith.cmpf ogt, %parallel_loop3A_134, %parallel_loop3A_274 : vector<16xf32>
          %parallel_loop3A_276 = arith.mulf %parallel_loop3A_272, %parallel_loop3A_251 : vector<16xf32>
          %parallel_loop3A_277 = arith.constant 0.000000e+00 : f32
          %parallel_loop3A_278 = vector.broadcast %parallel_loop3A_277 : f32 to vector<16xf32>
          %parallel_loop3A_279 = arith.cmpf ogt, %parallel_loop3A_276, %parallel_loop3A_278 : vector<16xf32>
          %parallel_loop3A_280 = arith.ori %parallel_loop3A_275, %parallel_loop3A_279 : vector<16xi1>
          %parallel_loop3A_281 = arith.constant 2.000000e+00 : f32
          %parallel_loop3A_282 = vector.broadcast %parallel_loop3A_281 : f32 to vector<16xf32>
          %parallel_loop3A_283 = arith.addf %parallel_loop3A_257, %parallel_loop3A_282 : vector<16xf32>
          %parallel_loop3A_284 = arith.select %parallel_loop3A_280, %parallel_loop3A_283, %parallel_loop3A_257 : vector<16xi1>, vector<16xf32>
          %parallel_loop3A_285 = arith.constant -3.165000e-01 : f32
          %parallel_loop3A_286 = vector.broadcast %parallel_loop3A_285 : f32 to vector<16xf32>
          %parallel_loop3A_287 = arith.mulf %parallel_loop3A_286, %parallel_loop3A_284 : vector<16xf32>
          %parallel_loop3A_288 = arith.mulf %parallel_loop3A_287, %parallel_loop3A_272 : vector<16xf32>
          %parallel_loop3A_289 = arith.index_cast %parallel_loop3A_113 : i32 to index
          %parallel_loop3A_290 = tpu.vector_load %arg28[%parallel_loop3A_289] {strides = array<i32>} : memref<1600xf32, #tpu.memory_space<vmem>>, vector<16xf32>,
          tpu.vector_store %arg28[%parallel_loop3A_289], %parallel_loop3A_288 {strides = array<i32>} : memref<1600xf32, #tpu.memory_space<vmem>>, vector<16xf32>,
          %parallel_loop3A_291 = arith.addf %parallel_loop3A_156, %parallel_loop3A_160 : vector<16xf32>
          %parallel_loop3A_292 = arith.constant 5.000000e-01 : f32
          %parallel_loop3A_293 = vector.broadcast %parallel_loop3A_292 : f32 to vector<16xf32>
          %parallel_loop3A_294 = arith.mulf %parallel_loop3A_293, %parallel_loop3A_291 : vector<16xf32>
          %parallel_loop3A_295 = arith.constant 0.000000e+00 : f32
          %parallel_loop3A_296 = vector.broadcast %parallel_loop3A_295 : f32 to vector<16xf32>
          %parallel_loop3A_297 = arith.maximumf %parallel_loop3A_294, %parallel_loop3A_296 : vector<16xf32>
          %parallel_loop3A_298 = arith.constant 5.000000e-25 : f32
          %parallel_loop3A_299 = vector.broadcast %parallel_loop3A_298 : f32 to vector<16xf32>
          %parallel_loop3A_300 = arith.mulf %parallel_loop3A_299, %parallel_loop3A_134 : vector<16xf32>
          %parallel_loop3A_301 = arith.mulf %parallel_loop3A_297, %parallel_loop3A_297 : vector<16xf32>
          %parallel_loop3A_302 = arith.mulf %parallel_loop3A_301, %parallel_loop3A_297 : vector<16xf32>
          %parallel_loop3A_303 = arith.mulf %parallel_loop3A_300, %parallel_loop3A_302 : vector<16xf32>
          %parallel_loop3A_304 = arith.index_cast %parallel_loop3A_113 : i32 to index
          %parallel_loop3A_305 = tpu.vector_load %arg29[%parallel_loop3A_304] {strides = array<i32>} : memref<1600xf32, #tpu.memory_space<vmem>>, vector<16xf32>,
          tpu.vector_store %arg29[%parallel_loop3A_304], %parallel_loop3A_303 {strides = array<i32>} : memref<1600xf32, #tpu.memory_space<vmem>>, vector<16xf32>,
        } {sc.loop_unroll_factor = 8 : i64, sc.parallel_access}
        %ge3A = arith.constant 1 : i32
        %ge3A_98 = arith.cmpi sge, %while3A_60, %ge3A : i32
        %convert_element_type3A_99 = arith.extui %ge3A_98 : i1 to i32
        %cond3A_100 = arith.constant 0 : i32
        %cond3A_101 = arith.cmpi ne, %convert_element_type3A_99, %cond3A_100 : i32
        scf.if %cond3A_101 {
          %dma_wait3A_113 = arith.constant 0 : i32
          %dma_wait3A_114 = tpu.memref_slice %arg9[%dma_wait3A_113] : memref<1600000xf32, #tpu.memory_space<hbm>> -> memref<1600xf32, #tpu.memory_space<hbm>>
          %dma_wait3A_115 = arith.constant 0 : i32
          %dma_wait3A_116 = tpu.memref_slice %arg9[%dma_wait3A_115] : memref<1600000xf32, #tpu.memory_space<hbm>> -> memref<1600xf32, #tpu.memory_space<hbm>>
          tpu.wait_dma2 semaphore(%arg31 : memref<!tpu.dma_semaphore, #tpu.memory_space<semaphore_mem>>) src(%arg19 : memref<1600xf32, #tpu.memory_space<vmem>>) dst(%dma_wait3A_116 : memref<1600xf32, #tpu.memory_space<hbm>>)
          %dma_wait3A_117 = arith.constant 0 : i32
          %dma_wait3A_118 = tpu.memref_slice %arg10[%dma_wait3A_117] : memref<1600000xf32, #tpu.memory_space<hbm>> -> memref<1600xf32, #tpu.memory_space<hbm>>
          %dma_wait3A_119 = arith.constant 0 : i32
          %dma_wait3A_120 = tpu.memref_slice %arg10[%dma_wait3A_119] : memref<1600000xf32, #tpu.memory_space<hbm>> -> memref<1600xf32, #tpu.memory_space<hbm>>
          tpu.wait_dma2 semaphore(%arg31 : memref<!tpu.dma_semaphore, #tpu.memory_space<semaphore_mem>>) src(%arg20 : memref<1600xf32, #tpu.memory_space<vmem>>) dst(%dma_wait3A_120 : memref<1600xf32, #tpu.memory_space<hbm>>)
          %dma_wait3A_121 = arith.constant 0 : i32
          %dma_wait3A_122 = tpu.memref_slice %arg11[%dma_wait3A_121] : memref<1600000xf32, #tpu.memory_space<hbm>> -> memref<1600xf32, #tpu.memory_space<hbm>>
          %dma_wait3A_123 = arith.constant 0 : i32
          %dma_wait3A_124 = tpu.memref_slice %arg11[%dma_wait3A_123] : memref<1600000xf32, #tpu.memory_space<hbm>> -> memref<1600xf32, #tpu.memory_space<hbm>>
          tpu.wait_dma2 semaphore(%arg31 : memref<!tpu.dma_semaphore, #tpu.memory_space<semaphore_mem>>) src(%arg21 : memref<1600xf32, #tpu.memory_space<vmem>>) dst(%dma_wait3A_124 : memref<1600xf32, #tpu.memory_space<hbm>>)
        } else {
        }
        %dma_start3A_102 = tpu.memref_slice %arg9[%mul3A_76] : memref<1600000xf32, #tpu.memory_space<hbm>> -> memref<1600xf32, #tpu.memory_space<hbm>>
        %dma_start3A_103 = tpu.memref_slice %arg9[%mul3A_76] : memref<1600000xf32, #tpu.memory_space<hbm>> -> memref<1600xf32, #tpu.memory_space<hbm>>
        tpu.enqueue_dma source(%arg27 : memref<1600xf32, #tpu.memory_space<vmem>>) target(%dma_start3A_103 : memref<1600xf32, #tpu.memory_space<hbm>>) target_semaphore(%arg31 : memref<!tpu.dma_semaphore, #tpu.memory_space<semaphore_mem>>)
        %dma_start3A_104 = tpu.memref_slice %arg10[%mul3A_76] : memref<1600000xf32, #tpu.memory_space<hbm>> -> memref<1600xf32, #tpu.memory_space<hbm>>
        %dma_start3A_105 = tpu.memref_slice %arg10[%mul3A_76] : memref<1600000xf32, #tpu.memory_space<hbm>> -> memref<1600xf32, #tpu.memory_space<hbm>>
        tpu.enqueue_dma source(%arg28 : memref<1600xf32, #tpu.memory_space<vmem>>) target(%dma_start3A_105 : memref<1600xf32, #tpu.memory_space<hbm>>) target_semaphore(%arg31 : memref<!tpu.dma_semaphore, #tpu.memory_space<semaphore_mem>>)
        %dma_start3A_106 = tpu.memref_slice %arg11[%mul3A_76] : memref<1600000xf32, #tpu.memory_space<hbm>> -> memref<1600xf32, #tpu.memory_space<hbm>>
        %dma_start3A_107 = tpu.memref_slice %arg11[%mul3A_76] : memref<1600000xf32, #tpu.memory_space<hbm>> -> memref<1600xf32, #tpu.memory_space<hbm>>
        tpu.enqueue_dma source(%arg29 : memref<1600xf32, #tpu.memory_space<vmem>>) target(%dma_start3A_107 : memref<1600xf32, #tpu.memory_space<hbm>>) target_semaphore(%arg31 : memref<!tpu.dma_semaphore, #tpu.memory_space<semaphore_mem>>)
        %add3A_108 = arith.constant 1 : i32
        %add3A_109 = arith.addi %while3A_60, %add3A_108 : i32
        %lt3A = arith.cmpi slt, %add3A_109, %select_n3A : i32
        %convert_element_type3A_110 = arith.extui %lt3A : i1 to i32
        %cond3A_111 = arith.constant 0 : i32
        %cond3A_112 = arith.cmpi ne, %convert_element_type3A_110, %cond3A_111 : i32
        scf.if %cond3A_112 {
          %add3A_113 = arith.constant 1 : i32
          %add3A_114 = arith.addi %while3A_60, %add3A_113 : i32
          %mul3A_115 = arith.constant 32 : i32
          %mul3A_116 = arith.muli %add3A_114, %mul3A_115 : i32
          %add3A_117 = arith.addi %add3A, %mul3A_116 : i32
          %mul3A_118 = arith.constant 1600 : i32
          %mul3A_119 = arith.muli %add3A_117, %mul3A_118 : i32
          %dma_start3A_120 = tpu.memref_slice %arg2[%mul3A_119] : memref<1600000xi32, #tpu.memory_space<hbm>> -> memref<1600xi32, #tpu.memory_space<hbm>>
          %dma_start3A_121 = tpu.memref_slice %arg2[%mul3A_119] : memref<1600000xi32, #tpu.memory_space<hbm>> -> memref<1600xi32, #tpu.memory_space<hbm>>
          tpu.enqueue_dma source(%dma_start3A_121 : memref<1600xi32, #tpu.memory_space<hbm>>) target(%arg14 : memref<1600xi32, #tpu.memory_space<vmem>>) target_semaphore(%arg30 : memref<!tpu.dma_semaphore, #tpu.memory_space<semaphore_mem>>)
          %dma_start3A_122 = tpu.memref_slice %arg3[%mul3A_119] : memref<1600000xi32, #tpu.memory_space<hbm>> -> memref<1600xi32, #tpu.memory_space<hbm>>
          %dma_start3A_123 = tpu.memref_slice %arg3[%mul3A_119] : memref<1600000xi32, #tpu.memory_space<hbm>> -> memref<1600xi32, #tpu.memory_space<hbm>>
          tpu.enqueue_dma source(%dma_start3A_123 : memref<1600xi32, #tpu.memory_space<hbm>>) target(%arg15 : memref<1600xi32, #tpu.memory_space<vmem>>) target_semaphore(%arg30 : memref<!tpu.dma_semaphore, #tpu.memory_space<semaphore_mem>>)
          %dma_start3A_124 = tpu.memref_slice %arg4[%mul3A_119] : memref<1600000xf32, #tpu.memory_space<hbm>> -> memref<1600xf32, #tpu.memory_space<hbm>>
          %dma_start3A_125 = tpu.memref_slice %arg4[%mul3A_119] : memref<1600000xf32, #tpu.memory_space<hbm>> -> memref<1600xf32, #tpu.memory_space<hbm>>
          tpu.enqueue_dma source(%dma_start3A_125 : memref<1600xf32, #tpu.memory_space<hbm>>) target(%arg16 : memref<1600xf32, #tpu.memory_space<vmem>>) target_semaphore(%arg30 : memref<!tpu.dma_semaphore, #tpu.memory_space<semaphore_mem>>)
          %dma_start3A_126 = tpu.memref_slice %arg5[%mul3A_119] : memref<1600000xf32, #tpu.memory_space<hbm>> -> memref<1600xf32, #tpu.memory_space<hbm>>
          %dma_start3A_127 = tpu.memref_slice %arg5[%mul3A_119] : memref<1600000xf32, #tpu.memory_space<hbm>> -> memref<1600xf32, #tpu.memory_space<hbm>>
          tpu.enqueue_dma source(%dma_start3A_127 : memref<1600xf32, #tpu.memory_space<hbm>>) target(%arg17 : memref<1600xf32, #tpu.memory_space<vmem>>) target_semaphore(%arg30 : memref<!tpu.dma_semaphore, #tpu.memory_space<semaphore_mem>>)
          %dma_start3A_128 = tpu.memref_slice %arg6[%mul3A_119] : memref<1600000xf32, #tpu.memory_space<hbm>> -> memref<1600xf32, #tpu.memory_space<hbm>>
          %dma_start3A_129 = tpu.memref_slice %arg6[%mul3A_119] : memref<1600000xf32, #tpu.memory_space<hbm>> -> memref<1600xf32, #tpu.memory_space<hbm>>
          tpu.enqueue_dma source(%dma_start3A_129 : memref<1600xf32, #tpu.memory_space<hbm>>) target(%arg18 : memref<1600xf32, #tpu.memory_space<vmem>>) target_semaphore(%arg30 : memref<!tpu.dma_semaphore, #tpu.memory_space<semaphore_mem>>)
        } else {
        }
      } else {
      }
    }
    %sub3A_45 = arith.constant 1 : i32
    %sub3A_46 = arith.subi %select_n3A, %sub3A_45 : i32
    %rem3A_47 = arith.constant 2 : i32
    %rem3A_48 = arith.remsi %sub3A_46, %rem3A_47 : i32
    %eq3A = arith.constant 0 : i32
    %eq3A_49 = arith.cmpi eq, %rem3A_48, %eq3A : i32
    %convert_element_type3A = arith.extui %eq3A_49 : i1 to i32
    %cond3A = arith.constant 0 : i32
    %cond3A_50 = arith.cmpi ne, %convert_element_type3A, %cond3A : i32
    scf.if %cond3A_50 {
      %dma_wait3A = arith.constant 0 : i32
      %dma_wait3A_60 = tpu.memref_slice %arg9[%dma_wait3A] : memref<1600000xf32, #tpu.memory_space<hbm>> -> memref<1600xf32, #tpu.memory_space<hbm>>
      %dma_wait3A_61 = arith.constant 0 : i32
      %dma_wait3A_62 = tpu.memref_slice %arg9[%dma_wait3A_61] : memref<1600000xf32, #tpu.memory_space<hbm>> -> memref<1600xf32, #tpu.memory_space<hbm>>
      tpu.wait_dma2 semaphore(%arg31 : memref<!tpu.dma_semaphore, #tpu.memory_space<semaphore_mem>>) src(%arg19 : memref<1600xf32, #tpu.memory_space<vmem>>) dst(%dma_wait3A_62 : memref<1600xf32, #tpu.memory_space<hbm>>)
      %dma_wait3A_63 = arith.constant 0 : i32
      %dma_wait3A_64 = tpu.memref_slice %arg10[%dma_wait3A_63] : memref<1600000xf32, #tpu.memory_space<hbm>> -> memref<1600xf32, #tpu.memory_space<hbm>>
      %dma_wait3A_65 = arith.constant 0 : i32
      %dma_wait3A_66 = tpu.memref_slice %arg10[%dma_wait3A_65] : memref<1600000xf32, #tpu.memory_space<hbm>> -> memref<1600xf32, #tpu.memory_space<hbm>>
      tpu.wait_dma2 semaphore(%arg31 : memref<!tpu.dma_semaphore, #tpu.memory_space<semaphore_mem>>) src(%arg20 : memref<1600xf32, #tpu.memory_space<vmem>>) dst(%dma_wait3A_66 : memref<1600xf32, #tpu.memory_space<hbm>>)
      %dma_wait3A_67 = arith.constant 0 : i32
      %dma_wait3A_68 = tpu.memref_slice %arg11[%dma_wait3A_67] : memref<1600000xf32, #tpu.memory_space<hbm>> -> memref<1600xf32, #tpu.memory_space<hbm>>
      %dma_wait3A_69 = arith.constant 0 : i32
      %dma_wait3A_70 = tpu.memref_slice %arg11[%dma_wait3A_69] : memref<1600000xf32, #tpu.memory_space<hbm>> -> memref<1600xf32, #tpu.memory_space<hbm>>
      tpu.wait_dma2 semaphore(%arg31 : memref<!tpu.dma_semaphore, #tpu.memory_space<semaphore_mem>>) src(%arg21 : memref<1600xf32, #tpu.memory_space<vmem>>) dst(%dma_wait3A_70 : memref<1600xf32, #tpu.memory_space<hbm>>)
    } else {
    }
    %sub3A_51 = arith.constant 1 : i32
    %sub3A_52 = arith.subi %select_n3A, %sub3A_51 : i32
    %rem3A_53 = arith.constant 2 : i32
    %rem3A_54 = arith.remsi %sub3A_52, %rem3A_53 : i32
    %eq3A_55 = arith.constant 1 : i32
    %eq3A_56 = arith.cmpi eq, %rem3A_54, %eq3A_55 : i32
    %convert_element_type3A_57 = arith.extui %eq3A_56 : i1 to i32
    %cond3A_58 = arith.constant 0 : i32
    %cond3A_59 = arith.cmpi ne, %convert_element_type3A_57, %cond3A_58 : i32
    scf.if %cond3A_59 {
      %dma_wait3A = arith.constant 0 : i32
      %dma_wait3A_60 = tpu.memref_slice %arg9[%dma_wait3A] : memref<1600000xf32, #tpu.memory_space<hbm>> -> memref<1600xf32, #tpu.memory_space<hbm>>
      %dma_wait3A_61 = arith.constant 0 : i32
      %dma_wait3A_62 = tpu.memref_slice %arg9[%dma_wait3A_61] : memref<1600000xf32, #tpu.memory_space<hbm>> -> memref<1600xf32, #tpu.memory_space<hbm>>
      tpu.wait_dma2 semaphore(%arg31 : memref<!tpu.dma_semaphore, #tpu.memory_space<semaphore_mem>>) src(%arg27 : memref<1600xf32, #tpu.memory_space<vmem>>) dst(%dma_wait3A_62 : memref<1600xf32, #tpu.memory_space<hbm>>)
      %dma_wait3A_63 = arith.constant 0 : i32
      %dma_wait3A_64 = tpu.memref_slice %arg10[%dma_wait3A_63] : memref<1600000xf32, #tpu.memory_space<hbm>> -> memref<1600xf32, #tpu.memory_space<hbm>>
      %dma_wait3A_65 = arith.constant 0 : i32
      %dma_wait3A_66 = tpu.memref_slice %arg10[%dma_wait3A_65] : memref<1600000xf32, #tpu.memory_space<hbm>> -> memref<1600xf32, #tpu.memory_space<hbm>>
      tpu.wait_dma2 semaphore(%arg31 : memref<!tpu.dma_semaphore, #tpu.memory_space<semaphore_mem>>) src(%arg28 : memref<1600xf32, #tpu.memory_space<vmem>>) dst(%dma_wait3A_66 : memref<1600xf32, #tpu.memory_space<hbm>>)
      %dma_wait3A_67 = arith.constant 0 : i32
      %dma_wait3A_68 = tpu.memref_slice %arg11[%dma_wait3A_67] : memref<1600000xf32, #tpu.memory_space<hbm>> -> memref<1600xf32, #tpu.memory_space<hbm>>
      %dma_wait3A_69 = arith.constant 0 : i32
      %dma_wait3A_70 = tpu.memref_slice %arg11[%dma_wait3A_69] : memref<1600000xf32, #tpu.memory_space<hbm>> -> memref<1600xf32, #tpu.memory_space<hbm>>
      tpu.wait_dma2 semaphore(%arg31 : memref<!tpu.dma_semaphore, #tpu.memory_space<semaphore_mem>>) src(%arg29 : memref<1600xf32, #tpu.memory_space<vmem>>) dst(%dma_wait3A_70 : memref<1600xf32, #tpu.memory_space<hbm>>)
    } else {
    }
    return
  }
}

module attributes {stable_mosaic.version = 14 : i64} {
  func.func @_phase2_body(%arg0: memref<2x392x128xf32, #tpu.memory_space<vmem>>, %arg1: memref<2x392x128xf32, #tpu.memory_space<vmem>>, %arg2: memref<392x128xf32, #tpu.memory_space<vmem>>, %arg3: memref<392x128xf32, #tpu.memory_space<vmem>>, %arg4: memref<392x128xf32, #tpu.memory_space<vmem>>, %arg5: memref<392x128xf32, #tpu.memory_space<vmem>>, %arg6: memref<392x128xi32, #tpu.memory_space<vmem>>, %arg7: memref<392x128xf32, #tpu.memory_space<vmem>>, %arg8: memref<392x128xf32, #tpu.memory_space<vmem>>, %arg9: memref<392x128xf32, #tpu.memory_space<vmem>>, %arg10: memref<392x128xi32, #tpu.memory_space<vmem>>) attributes {dimension_semantics = [], scalar_prefetch = 0 : i64, scratch_operands = 0 : i64, tpu.core_type = #tpu.core_type<tc>} {
    %get3A = arith.constant 0 : index
    %get3A_0 = arith.constant 0 : index
    %get3A_1 = arith.constant 0 : index
    %get3A_2 = vector.load %arg0[%get3A, %get3A_0, %get3A_1] : memref<2x392x128xf32, #tpu.memory_space<vmem>>, vector<1x392x128xf32>
    %get3A_3 = vector.shape_cast %get3A_2 : vector<1x392x128xf32> to vector<392x128xf32>
    %get3A_4 = arith.constant 1 : index
    %get3A_5 = arith.constant 0 : index
    %get3A_6 = arith.constant 0 : index
    %get3A_7 = vector.load %arg0[%get3A_4, %get3A_5, %get3A_6] : memref<2x392x128xf32, #tpu.memory_space<vmem>>, vector<1x392x128xf32>
    %get3A_8 = vector.shape_cast %get3A_7 : vector<1x392x128xf32> to vector<392x128xf32>
    %add3A = arith.addf %get3A_3, %get3A_8 : vector<392x128xf32>
    %get3A_9 = arith.constant 0 : index
    %get3A_10 = arith.constant 0 : index
    %get3A_11 = arith.constant 0 : index
    %get3A_12 = vector.load %arg1[%get3A_9, %get3A_10, %get3A_11] : memref<2x392x128xf32, #tpu.memory_space<vmem>>, vector<1x392x128xf32>
    %get3A_13 = vector.shape_cast %get3A_12 : vector<1x392x128xf32> to vector<392x128xf32>
    %get3A_14 = arith.constant 1 : index
    %get3A_15 = arith.constant 0 : index
    %get3A_16 = arith.constant 0 : index
    %get3A_17 = vector.load %arg1[%get3A_14, %get3A_15, %get3A_16] : memref<2x392x128xf32, #tpu.memory_space<vmem>>, vector<1x392x128xf32>
    %get3A_18 = vector.shape_cast %get3A_17 : vector<1x392x128xf32> to vector<392x128xf32>
    %add3A_19 = arith.addf %get3A_13, %get3A_18 : vector<392x128xf32>
    %mul3A = arith.constant 2.44140625E-4 : f32
    %mul3A_20 = vector.broadcast %mul3A : f32 to vector<392x128xf32>
    %mul3A_21 = arith.mulf %add3A, %mul3A_20 : vector<392x128xf32>
    %floor3A = math.floor %mul3A_21 : vector<392x128xf32>
    %mul3A_22 = arith.constant 4.096000e+03 : f32
    %mul3A_23 = vector.broadcast %mul3A_22 : f32 to vector<392x128xf32>
    %mul3A_24 = arith.mulf %mul3A_23, %floor3A : vector<392x128xf32>
    %sub3A = arith.subf %add3A, %mul3A_24 : vector<392x128xf32>
    %get3A_25 = arith.constant 0 : index
    %get3A_26 = arith.constant 0 : index
    %get3A_27 = vector.load %arg2[%get3A_25, %get3A_26] : memref<392x128xf32, #tpu.memory_space<vmem>>, vector<392x128xf32>
    %get3A_28 = arith.constant 0 : index
    %get3A_29 = arith.constant 0 : index
    %get3A_30 = vector.load %arg3[%get3A_28, %get3A_29] : memref<392x128xf32, #tpu.memory_space<vmem>>, vector<392x128xf32>
    %get3A_31 = arith.constant 0 : index
    %get3A_32 = arith.constant 0 : index
    %get3A_33 = vector.load %arg6[%get3A_31, %get3A_32] : memref<392x128xi32, #tpu.memory_space<vmem>>, vector<392x128xi32>
    %gt3A = arith.constant 0 : i32
    %gt3A_34 = vector.broadcast %gt3A : i32 to vector<392x128xi32>
    %gt3A_35 = arith.cmpi sgt, %get3A_33, %gt3A_34 : vector<392x128xi32>
    %ge3A = arith.constant 4.096000e+03 : f32
    %ge3A_36 = vector.broadcast %ge3A : f32 to vector<392x128xf32>
    %ge3A_37 = arith.cmpf oge, %add3A, %ge3A_36 : vector<392x128xf32>
    %and3A = arith.andi %gt3A_35, %ge3A_37 : vector<392x128xi1>
    %max3A = arith.constant 1.000000e+00 : f32
    %max3A_38 = vector.broadcast %max3A : f32 to vector<392x128xf32>
    %max3A_39 = arith.maximumf %sub3A, %max3A_38 : vector<392x128xf32>
    %div3A = arith.divf %add3A_19, %max3A_39 : vector<392x128xf32>
    %lt3A = arith.constant 1.000000e-01 : f32
    %lt3A_40 = vector.broadcast %lt3A : f32 to vector<392x128xf32>
    %lt3A_41 = arith.cmpf olt, %get3A_30, %lt3A_40 : vector<392x128xf32>
    %sub3A_42 = arith.constant 1.000000e-01 : f32
    %sub3A_43 = vector.broadcast %sub3A_42 : f32 to vector<392x128xf32>
    %sub3A_44 = arith.subf %sub3A_43, %get3A_30 : vector<392x128xf32>
    %mul3A_45 = arith.mulf %div3A, %sub3A_44 : vector<392x128xf32>
    %mul3A_46 = arith.constant 5.000000e-01 : f32
    %mul3A_47 = vector.broadcast %mul3A_46 : f32 to vector<392x128xf32>
    %mul3A_48 = arith.mulf %mul3A_45, %mul3A_47 : vector<392x128xf32>
    %jit3A = arith.constant 0.000000e+00 : f32
    %broadcast_in_dim3A = vector.broadcast %jit3A : f32 to vector<392x128xf32>
    %select_n3A = arith.select %lt3A_41, %mul3A_48, %broadcast_in_dim3A : vector<392x128xi1>, vector<392x128xf32>
    %swap3A = arith.constant 0 : index
    %swap3A_49 = arith.constant 0 : index
    %swap3A_50 = vector.load %arg7[%swap3A, %swap3A_49] : memref<392x128xf32, #tpu.memory_space<vmem>>, vector<392x128xf32>
    tpu.vector_store %arg7[%swap3A, %swap3A_49], %select_n3A {strides = array<i32>} : memref<392x128xf32, #tpu.memory_space<vmem>>, vector<392x128xf32>,
    %get3A_51 = arith.constant 0 : index
    %get3A_52 = arith.constant 0 : index
    %get3A_53 = vector.load %arg4[%get3A_51, %get3A_52] : memref<392x128xf32, #tpu.memory_space<vmem>>, vector<392x128xf32>
    %mul3A_54 = arith.constant 9.810000e+03 : f32
    %mul3A_55 = vector.broadcast %mul3A_54 : f32 to vector<392x128xf32>
    %mul3A_56 = arith.mulf %mul3A_55, %get3A_53 : vector<392x128xf32>
    %get3A_57 = arith.constant 0 : index
    %get3A_58 = arith.constant 0 : index
    %get3A_59 = vector.load %arg5[%get3A_57, %get3A_58] : memref<392x128xf32, #tpu.memory_space<vmem>>, vector<392x128xf32>
    %mul3A_60 = arith.constant 8995.76953 : f32
    %mul3A_61 = vector.broadcast %mul3A_60 : f32 to vector<392x128xf32>
    %mul3A_62 = arith.mulf %mul3A_61, %get3A_59 : vector<392x128xf32>
    %add3A_63 = arith.addf %mul3A_56, %mul3A_62 : vector<392x128xf32>
    %sub3A_64 = arith.subf %add3A_63, %get3A_27 : vector<392x128xf32>
    %max3A_65 = arith.constant 0.000000e+00 : f32
    %max3A_66 = vector.broadcast %max3A_65 : f32 to vector<392x128xf32>
    %max3A_67 = arith.maximumf %sub3A_64, %max3A_66 : vector<392x128xf32>
    %mul3A_68 = arith.constant 5.000000e-25 : f32
    %mul3A_69 = vector.broadcast %mul3A_68 : f32 to vector<392x128xf32>
    %mul3A_70 = arith.mulf %mul3A_69, %get3A_30 : vector<392x128xf32>
    %mul3A_71 = arith.mulf %max3A_67, %max3A_67 : vector<392x128xf32>
    %mul3A_72 = arith.mulf %mul3A_71, %max3A_67 : vector<392x128xf32>
    %mul3A_73 = arith.mulf %mul3A_70, %mul3A_72 : vector<392x128xf32>
    %swap3A_74 = arith.constant 0 : index
    %swap3A_75 = arith.constant 0 : index
    %swap3A_76 = vector.load %arg8[%swap3A_74, %swap3A_75] : memref<392x128xf32, #tpu.memory_space<vmem>>, vector<392x128xf32>
    tpu.vector_store %arg8[%swap3A_74, %swap3A_75], %mul3A_73 {strides = array<i32>} : memref<392x128xf32, #tpu.memory_space<vmem>>, vector<392x128xf32>,
    %bitcast_convert_type3A = tpu.bitcast %get3A_27 : vector<392x128xf32> -> vector<392x128xi32>
    %and3A_77 = arith.constant -2 : i32
    %and3A_78 = vector.broadcast %and3A_77 : i32 to vector<392x128xi32>
    %and3A_79 = arith.andi %bitcast_convert_type3A, %and3A_78 : vector<392x128xi32>
    %convert_element_type3A = arith.extui %and3A : vector<392x128xi1> to vector<392x128xi32>
    %or3A = arith.ori %and3A_79, %convert_element_type3A : vector<392x128xi32>
    %bitcast_convert_type3A_80 = tpu.bitcast %or3A : vector<392x128xi32> -> vector<392x128xf32>
    %swap3A_81 = arith.constant 0 : index
    %swap3A_82 = arith.constant 0 : index
    %swap3A_83 = vector.load %arg9[%swap3A_81, %swap3A_82] : memref<392x128xf32, #tpu.memory_space<vmem>>, vector<392x128xf32>
    tpu.vector_store %arg9[%swap3A_81, %swap3A_82], %bitcast_convert_type3A_80 {strides = array<i32>} : memref<392x128xf32, #tpu.memory_space<vmem>>, vector<392x128xf32>,
    %convert_element_type3A_84 = arith.truncf %get3A_30 : vector<392x128xf32> to vector<392x128xbf16>
    %bitcast_convert_type3A_85 = tpu.bitcast %convert_element_type3A_84 : vector<392x128xbf16> -> vector<392x128xi16>
    %convert_element_type3A_86 = arith.extui %bitcast_convert_type3A_85 : vector<392x128xi16> to vector<392x128xi32>
    %convert_element_type3A_87 = arith.truncf %sub3A_64 : vector<392x128xf32> to vector<392x128xbf16>
    %bitcast_convert_type3A_88 = tpu.bitcast %convert_element_type3A_87 : vector<392x128xbf16> -> vector<392x128xi16>
    %convert_element_type3A_89 = arith.extui %bitcast_convert_type3A_88 : vector<392x128xi16> to vector<392x128xi32>
    %shift_left3A = arith.constant 16 : i32
    %shift_left3A_90 = vector.broadcast %shift_left3A : i32 to vector<392x128xi32>
    %shift_left3A_91 = arith.shli %convert_element_type3A_89, %shift_left3A_90 : vector<392x128xi32>
    %or3A_92 = arith.ori %shift_left3A_91, %convert_element_type3A_86 : vector<392x128xi32>
    %swap3A_93 = arith.constant 0 : index
    %swap3A_94 = arith.constant 0 : index
    %swap3A_95 = vector.load %arg10[%swap3A_93, %swap3A_94] : memref<392x128xi32, #tpu.memory_space<vmem>>, vector<392x128xi32>
    tpu.vector_store %arg10[%swap3A_93, %swap3A_94], %or3A_92 {strides = array<i32>} : memref<392x128xi32, #tpu.memory_space<vmem>>, vector<392x128xi32>,
    return
  }
}

</mosaic_0001>

<sc_bundles>
// kernel: kernel.5.cloned.1.call-start
scs
__scs_entry_jumppad:
0x0: {  	(pc) =	sbr.rel $0x88, $3  }
0x1: {  	(tag) =	ssettag $0x0;
	lr =	simm.s32 $0x1  }
0x2: {  	[smem:$0x3F97] =	sst lr;
	_ =	strace $0xD0000000  }
0x3: {  	_ = 	snop  }
0x4: {  	_ = 	snop  }
0x5: {  	_ = 	snop  }
0x6: {  	_ = 	snop  }
0x7: {  	_ = 	snop  }
__scs_overlays_trampoline_lowered:
0x8: {  	[smem:$0x3FA6] =	sst s0  }
0x9: {  	[smem:$0x3FA7] =	sst s1  }
0xa: {  	[smem:$0x3FA8] =	sst s2  }
0xb: {  	[smem:$0x3FA9] =	sst s3  }
0xc: {  	[smem:$0x3FAA] =	sst s4  }
0xd: {  	[smem:$0x3FAB] =	sst s5  }
0xe: {  	[smem:$0x3FAC] =	sst s6  }
0xf: {  	[smem:$0x3FAD] =	sst s7  }
0x10: {  	[smem:$0x3FAE] =	sst s8  }
0x11: {  	[smem:$0x3FAF] =	sst s9;
	s0 =	simm.s32 @!p0 $0x0  }
0x12: {  	s1 =	sld [smem:$0x3F95];
	s0 =	simm.s32 @p0 $0x1  }
0x13: {  	[smem:$0x3FB0] =	sst s0;
	s0 =	simm.s32 @!p1 $0x0  }
0x14: {  	s2 =	sld [smem:$0x3F94];
	s0 =	simm.s32 @p1 $0x1  }
0x15: {  	[smem:$0x3FB1] =	sst s0;
	s0 =	simm.s32 @!p2 $0x0  }
0x16: {  	s3 =	sld [smem:$0x3FDB];
	s0 =	simm.s32 @p2 $0x1  }
0x17: {  	s4 =	simm.s32 $0x1BF5;
	[smem:$0x3FB3] =	sst s0  }
0x18: {  	s0 =	sld [smem:$0x3F96];
	_ =	swait.ge [sflag:s4], $0x0  }
0x19: {  	s7 =	sld [smem:$0x3F97]  }
0x1a: {  	s8 =	sadd.s32 $0xFFFFE003, lr  }
0x1b: {  	s9 =	sadd.s32 $0xFFFFFEF7, lr;
	s5 =	simm.s32 $0xFFFFFFFF;
	p2 =	slt.u32 s8, $0xFFFFF086  }
0x1c: {  	p1 =	slt.u32 s9, $0xF7A;
	s5 =	simm.s32 @!p2 $0x0  }
0x1d: {  	s5 =	simm.s32 @p1 $0x1;
	p0 =	seq.s32 s7, s2  }
0x1e: {  	s7 =	smul.u32 @!p0 $0xF7A, s2;
	p2 =	seq.s32 @!p0 s5, $0x0  }
0x1f: {  	s9 =	smul.u32 $0xF7A, s1;
	s8 =	simm.s32 @!p0 $0x1BF5;
	p2 =	por !p2, p0  }
0x20: {  	[sflag:s8] =	ssyncset.s32 @!p0 $0xFFFFF086;
	s6 =	sadd.s32 @!p0 s3, s7;
	s7 =	simm.s32 @!p0 $0x108  }
0x21: {  	s3 =	sadd.s32 s3, s9;
	s6 =	sadd.s32 @!p0 $0x88, s6;
	s7 =	simm.s32 @p2 $0x1082  }
0x22: {  	[simem:s7], [sflag:s8] =	dma.local @!p0 [hbm:s6], $0xF7A  }
0x23: {  	s9 =	sor.u32 $0xD0000000, s2;
	s6 =	simm.s32 $0x108;
	_ =	swait.ge @!p0 [sflag:s8], $0x0  }
0x24: {  	s3 =	sadd.s32 $0x88, s3;
	s6 =	simm.s32 @!p1 $0x1082;
	[sflag:s4] =	ssyncset.s32 $0xFFFFF086  }
0x25: {  	[simem:s6], [sflag:s4] =	dma.local [hbm:s3], $0xF7A  }
0x26: {  	[smem:$0x3F97] =	sst s1;
	(tag) =	ssettag s2;
	_ =	strace s9  }
0x27: {  	s1 =	sld [smem:$0x3FA7]  }
0x28: {  	s2 =	sld [smem:$0x3FA8]  }
0x29: {  	s4 =	sld [smem:$0x3FAA]  }
0x2a: {  	p0 =	seq.s32 s5, $0x0;
	s5 =	sld [smem:$0x3FAB]  }
0x2b: {  	s6 =	sld [smem:$0x3FAC]  }
0x2c: {  	s7 =	sld [smem:$0x3FAD]  }
0x2d: {  	s3 =	simm.s32 $0x108;
	s8 =	sld [smem:$0x3FAE]  }
0x2e: {  	s3 =	simm.s32 @!p0 $0x1082;
	s9 =	sld [smem:$0x3FAF]  }
0x2f: {  	lr =	sadd.s32 s0, s3;
	s0 =	sld [smem:$0x3FA6]  }
0x30: {  	s3 =	sld [smem:$0x3FA9]  }
0x31: {  	[smem:$0x3FB2] =	sst s10  }
0x32: {  	s10 =	sld [smem:$0x3FB0];
	_ =	sdelay $0x3  }
0x33: {  	p0 =	seq.s32 s10, $0x1;
	s10 =	sld [smem:$0x3FB2];
	_ =	sdelay $0x3  }
0x34: {  	[smem:$0x3FB2] =	sst s10  }
0x35: {  	s10 =	sld [smem:$0x3FB1];
	_ =	sdelay $0x3  }
0x36: {  	p1 =	seq.s32 s10, $0x1;
	s10 =	sld [smem:$0x3FB2];
	_ =	sdelay $0x3  }
0x37: {  	[smem:$0x3FB2] =	sst s10  }
0x38: {  	s10 =	sld [smem:$0x3FB3]  }
0x39: {  	_ = 	snop;
	(pc) =	sbr.ind lr, $3  }
0x3a: {  	_ = 	snop  }
0x3b: {  	_ = 	snop  }
0x3c: {  	p2 =	seq.s32 s10, $0x1;
	s10 =	sld [smem:$0x3FB2]  }
0x3d: {  	_ =	shalt  }
0x3e: {  	_ =	shalt  }
0x3f: {  	_ =	shalt  }
0x40: {  	_ =	shalt  }
0x41: {  	_ =	shalt  }
0x42: {  	_ =	shalt  }
0x43: {  	_ =	shalt  }
0x44: {  	_ =	shalt  }
0x45: {  	_ =	shalt  }
0x46: {  	_ =	shalt  }
0x47: {  	_ =	shalt  }
0x48: {  	_ =	shalt  }
0x49: {  	_ =	shalt  }
0x4a: {  	_ =	shalt  }
0x4b: {  	_ =	shalt  }
0x4c: {  	_ =	shalt  }
0x4d: {  	_ =	shalt  }
0x4e: {  	_ =	shalt  }
0x4f: {  	_ =	shalt  }
0x50: {  	_ =	shalt  }
0x51: {  	_ =	shalt  }
0x52: {  	_ =	shalt  }
0x53: {  	_ =	shalt  }
0x54: {  	_ =	shalt  }
0x55: {  	_ =	shalt  }
0x56: {  	_ =	shalt  }
0x57: {  	_ =	shalt  }
0x58: {  	_ =	shalt  }
0x59: {  	_ =	shalt  }
0x5a: {  	_ =	shalt  }
0x5b: {  	_ =	shalt  }
0x5c: {  	_ =	shalt  }
0x5d: {  	_ =	shalt  }
0x5e: {  	_ =	shalt  }
0x5f: {  	_ =	shalt  }
0x60: {  	_ =	shalt  }
0x61: {  	_ =	shalt  }
0x62: {  	_ =	shalt  }
0x63: {  	_ =	shalt  }
0x64: {  	_ =	shalt  }
0x65: {  	_ =	shalt  }
0x66: {  	_ =	shalt  }
0x67: {  	_ =	shalt  }
0x68: {  	_ =	shalt  }
0x69: {  	_ =	shalt  }
0x6a: {  	_ =	shalt  }
0x6b: {  	_ =	shalt  }
0x6c: {  	_ =	shalt  }
0x6d: {  	_ =	shalt  }
0x6e: {  	_ =	shalt  }
0x6f: {  	_ =	shalt  }
0x70: {  	_ =	shalt  }
0x71: {  	_ =	shalt  }
0x72: {  	_ =	shalt  }
0x73: {  	_ =	shalt  }
0x74: {  	_ =	shalt  }
0x75: {  	_ =	shalt  }
0x76: {  	_ =	shalt  }
0x77: {  	_ =	shalt  }
0x78: {  	_ =	shalt  }
0x79: {  	_ =	shalt  }
0x7a: {  	_ =	shalt  }
0x7b: {  	_ =	shalt  }
0x7c: {  	_ =	shalt  }
0x7d: {  	_ =	shalt  }
0x7e: {  	_ =	shalt  }
0x7f: {  	_ =	shalt  }
0x80: {  	_ =	shalt  }
0x81: {  	_ =	shalt  }
0x82: {  	_ =	shalt  }
0x83: {  	_ =	shalt  }
0x84: {  	_ =	shalt  }
0x85: {  	_ =	shalt  }
0x86: {  	_ =	shalt  }
0x87: {  	_ =	shalt  }
.Lfunc_end0:
.L_simem_size_0:
called_computation_lowered:
.L_overlay_start_0:
0x88: {  	s2 =	sld [smem:$0x3FD9]  }
0x89: {  	s3 =	sld [smem:$0x3FFE];
	_ =	sdelay $0x1  }
0x8a: {  	s1 =	srdreg.scid  }
0x8b: {  	s0 =	sand.u32 $0x1, s1  }
0x8c: {  	s14 =	sshll.u32 s0, $0xA;
	s2 =	sadd.s32 s3, s2  }
0x8d: {  	s2 =	sadd.s32 s2, s14  }
0x8e: {  	[smem:$0x3FBE] =	sst s2  }
0x8f: {  	_ = 	snop  }
0x90: {  	s2 =	sld [smem:$0x3FD0]  }
0x91: {  	s15 =	sld [smem:$0x3FC4]  }
0x92: {  	s4 =	sld [smem:$0x3FC2]  }
0x93: {  	s6 =	simm.s32 $0xA;
	s7 =	simm.s32 $0x10;
	s5 =	sld [smem:$0x3FC1]  }
0x94: {  	[smem:s7], [sflag:s6] =	dma.local [hbm:s2], $0x1  }
0x95: {  	_ =	swait.eq [sflag:s6], $0x1  }
0x96: {  	s16 =	sld [smem:$0x11];
	[sflag:s6] =	ssyncset.done $0x0  }
0x97: {  	s17 =	sld [smem:$0x13];
	[sflag:s6] =	ssyncadd.s32 $0xFFFFFFFF  }
0x98: {  	s18 =	sld [smem:$0x14];
	(tm) =	ssettm $0x1  }
0x99: {  	s8 =	sld [smem:$0x3FFB];
	_ =	sdelay $0x3  }
0x9a: {  	_ =	strace s8  }
0x9b: {  	s8 =	sld [smem:$0x3FFC];
	_ =	sdelay $0x3  }
0x9c: {  	_ =	strace s8  }
0x9d: {  	s8 =	sld [smem:$0x3FFD];
	_ =	sdelay $0x3  }
0x9e: {  	_ =	strace s8  }
0x9f: {  	_ =	strace $0x8FFFFFFF  }
0xa0: {  	s19 =	sld [smem:$0x3FDB];
	_ =	sdelay $0x1  }
0xa1: {  	s9 =	simm.s32 $_scs_section_size  }
0xa2: {  	s10 =	simm.s32 $_size__tile_overlayer_lowered;
	s11 =	simm.s32 $_tile_overlayer_lowered  }
0xa3: {  	s22 =	simm.s32 $0x1BFF;
	s21 =	sshll.u32 s11, $0x1;
	s8 =	sadd.s32 s9, s19  }
0xa4: {  	s12 =	simm.s32 $0x0;
	s20 =	sshll.u32 s10, $0x1;
	s10 =	sadd.s32 s21, s8  }
0xa5: {  	[timem:s12], [sflag:s22] =	dma.local [hbm:s10], s20  }
0xa6: {  	_ =	swait.ge [sflag:s22], s20  }
0xa7: {  	s9 =	ssub.s32 $0x0, s20;
	[sflag:s22] =	ssyncset.done $0x0  }
0xa8: {  	[sflag:s22] =	ssyncadd.s32 s9;
	_ =	sdelay $0x1  }
0xa9: {  	s23 =	simm.s32 $0x1B8B  }
0xaa: {  	_ =	swait.ge [sflag:s23], $0x1  }
0xab: {  	[sflag:s23] =	ssyncset.done $0x0  }
0xac: {  	s25 =	simm.s32 $0x1B8E;
	s24 =	sld [smem:$0x3FFE];
	[sflag:s23] =	ssyncadd.s32 $0xFFFFFFFF  }
0xad: {  	s26 =	simm.s32 $execute0_lowered;
	[smem:$0x3FD2] =	sst s25  }
0xae: {  	s10 =	sshll.u32 s26, $0x1;
	_ =	strace $0x80000046;
	[dreg:$0x1] =	wrdreg $0xFFFFFFFF  }
0xaf: {  	s28 =	simm.s32 $_size_execute0_lowered;
	s8 =	sadd.s32 s8, s10;
	[dreg:$0x0] =	wrdreg $0x0  }
0xb0: {  	s10 =	sshll.u32 s28, $0x1;
	[dreg:$0x2] =	wrdreg s8  }
0xb1: {  	[dreg:$0x3] =	wrdreg s10  }
0xb2: {  	[dreg:$0x4] =	wrdreg $0xC0  }
0xb3: {  	_ =	task [dreg:s12], $0x5FFFF  }
0xb4: {  	[dreg:$0x1] =	wrdreg $0xFFFFFFFF  }
0xb5: {  	[dreg:$0x0] =	wrdreg $0x60  }
0xb6: {  	[dreg:$0x2] =	wrdreg s4  }
0xb7: {  	[dreg:$0x3] =	wrdreg s5  }
0xb8: {  	[dreg:$0x4] =	wrdreg s15  }
0xb9: {  	[dreg:$0x5] =	wrdreg s17  }
0xba: {  	[dreg:$0x6] =	wrdreg s18  }
0xbb: {  	[dreg:$0x7] =	wrdreg s16  }
0xbc: {  	[dreg:$0x8] =	wrdreg s24  }
0xbd: {  	[dreg:$0x9] =	wrdreg $0x150800  }
0xbe: {  	[dreg:$0xa] =	wrdreg $0x15CC00  }
0xbf: {  	[dreg:$0xb] =	wrdreg $0x9  }
0xc0: {  	_ =	task.clear_ibuf [dreg:s12], $0xCFFFF;
	_ =	strace $0x90000046  }
0xc1: {  	s29 =	simm.s32 $0x9;
	_ =	strace $0x80000048  }
0xc2: {  	_ =	swait.ge [sflag:s29], $0x1  }
0xc3: {  	[sflag:s29] =	ssyncadd.s32 $0xFFFFFFFF  }
0xc4: {  	_ =	strace $0x90000048  }
0xc5: {  	_ =	sfence  }
0xc6: {  	s30 =	sld [smem:$0x0];
	_ =	sdelay $0x2  }
0xc7: {  	s31 =	sshll.u32 s1, $0xD;
	s1 =	sshrl.u32 s1, $0x2  }
0xc8: {  	s3 =	sand.u32 $0x4000, s31;
	s1 =	sadd.s32 s1, s30  }
0xc9: {  	s0 =	sor.u32 s3, s0;
	s1 =	sshll.u32 s1, $0x11  }
0xca: {  	s0 =	sor.u32 s1, s0  }
0xcb: {  	s0 =	sadd.s32 $0x8F2B, s0  }
0xcc: {  	[sflag:s0] =	ssyncadd.remote.s32 $0x1  }
0xcd: {  	_ =	sfence.sel $0xFFFF  }
0xce: {  	[dreg:$0x0] =	wrdreg $0xFFFFFFFF;
	(pc) =	sbr.abs _section_cstart, $3  }
0xcf: {  	[dreg:$0x1] =	wrdreg $0xFFFFFFFF  }
0xd0: {  	_ =	task.clear_ibuf [dreg:s12], $0x2FFFF;
	_ =	strace $0x9FFFFFFF  }
0xd1: {  	(tm) =	ssettm $0x7FFFFFFF  }
tec
execute0_lowered:
.L_overlay_start_1:
0x0: {  	(tag) =	ssettag $0x1  }
0x1: {  	s1 =	rddreg [dreg:$0x0]  }
0x2: {  	s16 =	rddreg [dreg:$0x1]  }
0x3: {  	s15 =	rddreg [dreg:$0x2]  }
0x4: {  	s0 =	rddreg [dreg:$0x4]  }
0x5: {  	s3 =	rddreg [dreg:$0x5]  }
0x6: {  	s4 =	rddreg [dreg:$0x6]  }
0x7: {  	s5 =	rddreg [dreg:$0x7]  }
0x8: {  	s6 =	rddreg [dreg:$0x8]  }
0x9: {  	s7 =	simm.s32 $0x0;
	s8 =	srdreg.scid;
	s10 =	stileid.u32  }
0xa: {  	s21 =	simm.s32 $0xC400;
	s30 =	simm.s32 $0x2;
	s31 =	simm.s32 $0x3  }
0xb: {  	[smem:$0x7FF] =	sst s7;
	s11 =	sand.u32 $0x1, s8;
	s22 =	sshll.u32 s10, $0x1  }
0xc: {  	s13 =	smul.u32 $0xC40, s10;
	s9 =	sadd.s32 $0x2400, s4;
	p0 =	sne.s32 s10, $0x0  }
0xd: {  	s10 =	simm.s32 $0x0;
	_ =	strace $0x80000047;
	s12 =	ssub.s32 $0x2, s11  }
0xe: {  	s8 =	sor.u32 s11, s22;
	s11 =	sshll.u32 s11, $0x4;
	s22 =	simm.s32 $0x10400  }
0xf: {  	s23 =	sshrl.u32 s12, $0x1;
	s14 =	smul.u32 $0xFA, s8;
	s2 =	sadd.s32 s13, s5  }
0x10: {  	s24 =	sadd.s32 s13, s6;
	s0 =	sadd.s32 s0, s11;
	[dreg:$0xa] =	wrdreg s2  }
0x11: {  	s28 =	sadd.s32 s3, s11;
	s11 =	simm.s32 $0x5;
	[dreg:$0xb] =	wrdreg s24  }
0x12: {  	s4 =	ssub.s32 s12, s23;
	s2 =	smov.u32 s16;
	[dreg:$0xf] =	wrdreg s0  }
.Ltmp0:
0x13: {  	[dreg:$0x10] =	wrdreg s28;
	s1 =	sadd.s32 s1, s14;
	(pc) =	sbr.rel .LBB2_1-.Ltmp0, $4  }
0x14: {  	s24 =	simm.s32 $0x1;
	s25 =	sadd.s32 s16, s14;
	[dreg:$0xc] =	wrdreg s1  }
0x15: {  	s26 =	sadd.s32 s15, s14;
	s29 =	smax.u32 s4, $0x1;
	[dreg:$0xd] =	wrdreg s25  }
0x16: {  	s4 =	simm.s32 $0x4;
	s1 =	smov.u32 s15;
	[dreg:$0xe] =	wrdreg s26  }
0x17: {  	v0 =	vimm.f32 $0.0e+00;
	v1 =	vimm.f32 $1.000000000e+00;
	s15 =	sor.u32 $0x20, s8;
	[dreg:$0x11] =	wrdreg s29;
	s26 =	simm.s32 $0xFA0  }
.LBB2_20:
0x18: {  	_ =	swait.ge [sflag:s30], $0x7D0  }
0x19: {  	[sflag:s30] =	ssyncset.done $0x0  }
0x1a: {  	[sflag:s30] =	ssyncadd.s32 $0xFFFFF830  }
0x1b: {  	_ =	swait.ge [sflag:s31], $0xFA0  }
0x1c: {  	[sflag:s31] =	ssyncset.done $0x0  }
0x1d: {  	[sflag:s31] =	ssyncadd.s32 $0xFFFFF060  }
0x1e: {  	_ =	swait.ge [sflag:s4], $0xFA0  }
0x1f: {  	[sflag:s4] =	ssyncset.done $0x0  }
0x20: {  	s0 =	sshrl.u32 @!p0 s5, $0x3;
	[sflag:s4] =	ssyncadd.s32 $0xFFFFF060  }
0x21: {  	s3 =	simm.s32 @!p0 $0x1;
	s10 =	simm.s32 @!p0 $0x20;
	[bflag:$0x0] =	sbarrier.arrive $0xFFFF  }
0x22: {  	s11 =	simm.s32 @!p0 $0x10;
	s12 =	simm.s32 @!p0 $0x1C05;
	s13 =	rddreg [dreg:$0xf]  }
0x23: {  	[hbm:s13@s10], [sflag:s12] =	dma.strided @!p0 [spmem:s0@s11], $0x1880, s3, $0x10   }
0x24: {  	s0 =	simm.s32 @!p0 $0x5  }
0x25: {  	_ =	swait.ge @!p0 [sflag:s0], $0x1880  }
0x26: {  	[sflag:s0] =	ssyncset.done @!p0 $0x0  }
0x27: {  	s13 =	sshrl.u32 @!p0 s6, $0x3;
	s14 =	rddreg [dreg:$0x10];
	[sflag:s0] =	ssyncadd.s32 @!p0 $0xFFFFE780  }
0x28: {  	[hbm:s14@s10], [sflag:s12] =	dma.strided @!p0 [spmem:s13@s11], $0x1880, s3, $0x10   }
0x29: {  	_ =	swait.ge @!p0 [sflag:s0], $0x1880  }
0x2a: {  	s28 =	rddreg [dreg:$0x12]  }
0x2b: {  	s29 =	rddreg [dreg:$0x11];
	s10 =	sadd.s32 $0x1, s28  }
0x2c: {  	p1 =	sne.s32 s10, s29  }
.Ltmp1:
0x2d: {  	_ = 	snop;
	(pc) =	sbr.rel @!p1 .LBB2_21-.Ltmp1, $3  }
0x2e: {  	_ =	sdelay $0x1  }
0x2f: {  	[sflag:s0] =	ssyncset.done @!p0 $0x0  }
0x30: {  	s11 =	simm.s32 $0x5;
	[sflag:s0] =	ssyncadd.s32 @!p0 $0xFFFFE780  }
.LBB2_1:
0x31: {  	s0 =	rddreg [dreg:$0x3]  }
0x32: {  	[tilespmem:s7], [sflag:$0x5] =	stream.linear.gather [hbm4b:s0+s7], $0xC400, $0x38;
	[tilespmem:$0x16900] =	vst v63  }
0x33: {  	_ =	swait.ge [sflag:s11], $0xC400  }
0x34: {  	[sflag:s11] =	ssyncset.done $0x0  }
0x35: {  	s3 =	simm.s32 $0x40;
	s0 =	simm.s32 $0x0;
	[sflag:s11] =	ssyncadd.s32 $0xFFFF3C00  }
.LBB2_2:
0x36: {  	p1 =	sne.s32 s3, $0x30FC0;
	v2 =	vld [tilespmem:s0+$0x0];
	_ =	sdelay $0x2  }
.Ltmp2:
0x37: {  	(pc) =	sbr.rel @p1 .LBB2_2-.Ltmp2, $3  }
0x38: {  	_ = 	snop  }
0x39: {  	v2 =	vmul.f32 $9.810000000e+03, v2;
	_ =	sdelay $0x1  }
0x3a: {  	[tilespmem:s0+$0x0] =	vst v2;
	s0 =	sshra.s32 s3, $0x2;
	s3 =	sadd.s32 $0x40, s3  }
0x3b: {  	v2 =	vld [tilespmem:s0+$0x0];
	_ =	sdelay $0x4  }
0x3c: {  	v2 =	vmul.f32 $9.810000000e+03, v2;
	_ =	sdelay $0x1  }
0x3d: {  	s3 =	simm.s32 $0x0;
	[tilespmem:s0+$0x0] =	vst v2;
	s0 =	simm.s32 $0x40  }
.LBB2_4:
0x3e: {  	p1 =	sne.s32 s0, $0x30C0;
	[tilespmem:s3+$0x14400] =	vst v0;
	s3 =	smov.u32 s0;
	s0 =	sadd.s32 $0x40, s0  }
.Ltmp3:
0x3f: {  	(pc) =	sbr.rel @p1 .LBB2_4-.Ltmp3, $2  }
0x40: {  	_ =	sdelay $0x2  }
0x41: {  	s3 =	sshra.s32 s3, $0x2  }
0x42: {  	[dreg:$0x12] =	wrdreg s10  }
0x43: {  	[tilespmem:s3+$0x14400] =	vst v0;
	s0 =	rddreg [dreg:$0xa];
	s18 =	simm.s32 $0x14400  }
0x44: {  	[spmem:s0] =	stream.linear.scatter [tilespmem:s18], [sflag:$0x5], $0xC40, $0x38;
	[tilespmem:$0x16900] =	vst v63  }
0x45: {  	_ =	swait.ge [sflag:s11], $0xC40  }
0x46: {  	[sflag:s11] =	ssyncset.done $0x0  }
0x47: {  	s19 =	rddreg [dreg:$0xb];
	[sflag:s11] =	ssyncadd.s32 $0xFFFFF3C0  }
0x48: {  	[spmem:s19] =	stream.linear.scatter [tilespmem:s18], [sflag:$0x5], $0xC40, $0x38;
	[tilespmem:$0x16900] =	vst v63  }
0x49: {  	_ =	swait.ge [sflag:s11], $0xC40  }
0x4a: {  	[sflag:s11] =	ssyncset.done $0x0  }
0x4b: {  	[sflag:s11] =	ssyncadd.s32 $0xFFFFF3C0  }
0x4c: {  	[bflag:$0x0] =	sbarrier.arrive $0xFFFF  }
0x4d: {  	s11 =	simm.s32 $0x0;
	s20 =	rddreg [dreg:$0xc]  }
0x4e: {  	[tilespmem:s21], [sflag:$0x1] =	stream.linear.gather [hbm4b:s20+s11], $0x7D0, $0x38;
	[tilespmem:$0x16900] =	vst v63  }
.Ltmp4:
0x4f: {  	_ = 	snop;
	(pc) =	sbr.rel .LBB2_6-.Ltmp4, $4  }
0x50: {  	s25 =	simm.s32 $0xCBD0;
	s23 =	rddreg [dreg:$0xd]  }
0x51: {  	[tilespmem:s25], [sflag:$0x1] =	stream.linear.gather [hbm4b:s23+s11], $0x7D0, $0x38;
	[tilespmem:$0x16900] =	vst v63  }
0x52: {  	s29 =	simm.s32 $0xD400;
	s28 =	rddreg [dreg:$0xe]  }
0x53: {  	[tilespmem:s29], [sflag:$0x1] =	stream.linear.gather [hbm4b:s28+s11], $0x7D0, $0x38;
	[tilespmem:$0x16900] =	vst v63  }
.LBB2_18:
0x54: {  	s3 =	smul.u32 $0xFA, s3  }
0x55: {  	s13 =	rddreg [dreg:$0x0]  }
0x56: {  	s13 =	sadd.s32 s13, s3  }
0x57: {  	[tilespmem:s12], [sflag:$0x1] =	stream.linear.gather [hbm4b:s13+s7], $0x7D0, $0x38;
	[tilespmem:$0x16900] =	vst v63  }
0x58: {  	s29 =	sadd.s32 s2, s3  }
0x59: {  	[tilespmem:s10], [sflag:$0x1] =	stream.linear.gather [hbm4b:s29+s7], $0x7D0, $0x38;
	[tilespmem:$0x16900] =	vst v63  }
0x5a: {  	s3 =	sadd.s32 s1, s3  }
0x5b: {  	[tilespmem:s0], [sflag:$0x1] =	stream.linear.gather [hbm4b:s3+s7], $0x7D0, $0x38;
	[tilespmem:$0x16900] =	vst v63  }
.LBB2_19:
0x5c: {  	s11 =	sadd.s32 $0x1, s11  }
0x5d: {  	p1 =	sne.s32 s11, $0x19  }
.Ltmp5:
0x5e: {  	_ = 	snop;
	(pc) =	sbr.rel @!p1 .LBB2_20-.Ltmp5, $1  }
0x5f: {  	_ =	sdelay $0x3  }
.LBB2_6:
0x60: {  	_ =	swait.ge [sflag:s24], $0x7D0  }
0x61: {  	[sflag:s24] =	ssyncset.done $0x0  }
0x62: {  	s0 =	sand.u32 $0x1, s11;
	[sflag:s24] =	ssyncadd.s32 $0xFFFFF830  }
0x63: {  	p1 =	seq.s32 s0, $0x1;
	_ =	swait.ge [sflag:s24], $0x7D0  }
.Ltmp6:
0x64: {  	[sflag:s24] =	ssyncset.done $0x0;
	(pc) =	sbr.rel @p1 .LBB2_7-.Ltmp6, $4  }
0x65: {  	[sflag:s24] =	ssyncadd.s32 $0xFFFFF830  }
0x66: {  	_ =	swait.ge [sflag:s24], $0x7D0  }
0x67: {  	[sflag:s24] =	ssyncset.done $0x0  }
0x68: {  	[sflag:s24] =	ssyncadd.s32 $0xFFFFF830  }
0x69: {  	s0 =	simm.s32 $0xD440  }
0x6a: {  	s25 =	simm.s32 $0xCBD0;
	v2 =	vld [tilespmem:s0+$0x30]  }
0x6b: {  	v3 =	vld [tilespmem:s25+$0x20]  }
0x6c: {  	v8 =	vld [tilespmem:s25+$0x50]  }
0x6d: {  	v4 =	vld [tilespmem:s25+$0xFFFFF890]  }
0x6e: {  	v5 =	vld [tilespmem:s25+$0x60]  }
0x6f: {  	v6 =	vld [tilespmem:s25+$0xFFFFF880]  }
0x70: {  	v7 =	vld [tilespmem:s0+$0x20]  }
0x71: {  	v9 =	vld [tilespmem:s0+$0x0]  }
0x72: {  	v10 =	vld [tilespmem:s25+$0xFFFFF840]  }
0x73: {  	v11 =	vld [tilespmem:s25+$0x30]  }
0x74: {  	v12 =	vld [tilespmem:s25+$0xFFFFF870]  }
0x75: {  	v14 =	vld [tilespmem:s25+$0x40]  }
0x76: {  	v15 =	vld [tilespmem:s25+$0xFFFFF860]  }
0x77: {  	v16 =	vld [tilespmem:s25+$0x10]  }
0x78: {  	v17 =	vld [tilespmem:s25+$0x0]  }
0x79: {  	v18 =	vld [tilespmem:s25+$0xFFFFF850]  }
0x7a: {  	v25 =	vld [tilespmem:s0+$0xFFFFFFF0]  }
0x7b: {  	v13 =	vld.idx.msk [tilespmem:v3+s7+$0x0], $0xffff  }
0x7c: {  	v3 =	vld [tilespmem:s25+$0xFFFFF830]  }
0x7d: {  	v20 =	vld.idx.msk [tilespmem:v5+s7+$0x0], $0xffff  }
0x7e: {  	v11 =	vld.idx.msk [tilespmem:v11+s7+$0x0], $0xffff  }
0x7f: {  	v21 =	vld.idx.msk [tilespmem:v4+s7+$0x0], $0xffff  }
0x80: {  	v4 =	vld.idx.msk [tilespmem:v12+s7+$0x0], $0xffff  }
0x81: {  	v12 =	vld.idx.msk [tilespmem:v16+s7+$0x0], $0xffff  }
0x82: {  	v15 =	vld.idx.msk [tilespmem:v15+s7+$0x0], $0xffff  }
0x83: {  	v22 =	vld.idx.msk [tilespmem:v18+s7+$0x0], $0xffff  }
0x84: {  	v5 =	vld.idx.msk [tilespmem:v6+s7+$0x0], $0xffff  }
0x85: {  	v6 =	vld.idx.msk [tilespmem:v14+s7+$0x0], $0xffff  }
0x86: {  	v7 =	vand.u32 $0x7FFFFFFF, v7;
	v10 =	vld.idx.msk [tilespmem:v10+s7+$0x0], $0xffff;
	vm1 =	vlt.f32 v21, v20  }
0x87: {  	s14 =	simm.s32 $0xE3D0;
	v18 =	vld.idx.msk [tilespmem:v17+s7+$0x0], $0xffff;
	v17 =	vmul.f32 $3.168876360e-08, v7;
	vm0 =	vlt.f32 v20, v21;
	v16 =	vsel vm1, $0x45800800, v1  }
0x88: {  	[tilespmem:s14+$0x60] =	vst v16;
	v19 =	vld.idx.msk [tilespmem:v3+s7+$0x0], $0xffff;
	v3 =	vand.u32 $0x7FFFFFFF, v9;
	v9 =	vsel vm0, $0x45800800, v1  }
0x89: {  	s18 =	simm.s32 $0xF3D0;
	v24 =	vld [tilespmem:s25+$0x70];
	v2 =	vand.u32 $0x7FFFFFFF, v2;
	v25 =	vand.u32 $0x7FFFFFFF, v25;
	[tilespmem:s14+$0xFFFFF890] =	vst v9  }
0x8a: {  	v23 =	vsub.f32 v21, v20;
	vm2 =	vlt.f32 v15, v11;
	v14 =	vsub.f32 v15, v11;
	[tilespmem:s18+$0xFFFFF890] =	vst v17  }
0x8b: {  	v7 =	vld [tilespmem:s0+$0x10];
	vm3 =	vlt.f32 v13, v22;
	vm0 =	vlt.f32 v11, v15;
	v9 =	vsel vm2, $0x45800800, v1;
	[tilespmem:s18+$0x60] =	vst v17  }
0x8c: {  	s28 =	simm.s32 $0xFC40;
	v20 =	vld [tilespmem:s0+$0xFFFFFFC0];
	vm1 =	vlt.f32 v22, v13;
	v21 =	vsel vm0, $0x45800800, v1;
	vm0 =	vlt.f32 v6, v4;
	[tilespmem:s14+$0x30] =	vst v9  }
0x8d: {  	s12 =	simm.s32 $0xD350;
	s13 =	simm.s32 $0xFB50;
	v13 =	vsub.f32 v22, v13;
	v11 =	vld [tilespmem:s25+$0xFFFFF8A0];
	vm2 =	vlt.f32 v12, v10;
	v9 =	vsel vm0, $0x45800800, v1;
	[tilespmem:s14+$0xFFFFF860] =	vst v21  }
0x8e: {  	v22 =	vmul.f32 $3.168876360e-08, v25;
	v15 =	vld [tilespmem:s0+$0xFFFFFFD0];
	v17 =	vsel vm3, $0x45800800, v1;
	v16 =	vsel vm2, $0x45800800, v1;
	[tilespmem:s14+$0xFFFFF870] =	vst v9  }
0x8f: {  	s16 =	simm.s32 $0xEB50;
	s17 =	simm.s32 $0xDB80;
	s19 =	simm.s32 $0x770;
	vm2 =	vlt.f32 v19, v18;
	vm3 =	vlt.f32 v18, v19;
	v9 =	vsub.f32 v19, v18;
	v19 =	vld.idx.msk [tilespmem:v8+s7+$0x0], $0xffff  }
0x90: {  	s10 =	simm.s32 $0x10380;
	s29 =	simm.s32 $0x0;
	s3 =	simm.s32 $0xF450;
	vm0 =	vlt.f32 v10, v12;
	v12 =	vsub.f32 v10, v12;
	v21 =	vld [tilespmem:s0+$0xFFFFFFE0];
	[tilespmem:s28+$0x20] =	vst v23;
	v8 =	vsel vm2, $0x45800800, v1  }
0x91: {  	s23 =	simm.s32 $0xD4C0;
	s20 =	simm.s32 $0xFCC0;
	s0 =	simm.s32 $0xE3D0;
	v18 =	vsel vm0, $0x45800800, v1;
	vm0 =	vlt.f32 v4, v6;
	v10 =	vsel vm3, $0x45800800, v1;
	[tilespmem:s14+$0x0] =	vst v8;
	v8 =	vld.idx.msk [tilespmem:v24+s7+$0x0], $0xffff  }
.LBB2_13:
0x92: {  	v23 =	vld [tilespmem:s23+$0x30];
	s29 =	sadd.s32 $0x80, s29;
	[tilespmem:s14+$0xFFFFF830] =	vst v10;
	v6 =	vsub.f32 v4, v6;
	s25 =	sadd.s32 $0x80, s25;
	s0 =	sadd.s32 $0x80, s0  }
0x93: {  	v10 =	vld [tilespmem:s25+$0x50];
	p1 =	slt.u32 s29, $0x700;
	[tilespmem:s18+$0xFFFFF860] =	vst v22  }
0x94: {  	vm2 =	vlt.f32 v19, v5;
	vm3 =	vlt.f32 v5, v19;
	v4 =	vld [tilespmem:s25+$0x20];
	v20 =	vand.u32 $0x7FFFFFFF, v20;
	[tilespmem:s18+$0x30] =	vst v22  }
0x95: {  	v24 =	vsel vm1, $0x45800800, v1;
	v5 =	vsub.f32 v5, v19;
	v22 =	vld [tilespmem:s25+$0xFFFFF890];
	v21 =	vand.u32 $0x7FFFFFFF, v21;
	[tilespmem:s28+$0xFFFFFFF0] =	vst v14  }
0x96: {  	v14 =	vld [tilespmem:s25+$0x60];
	[tilespmem:s14+$0x20] =	vst v24;
	v19 =	vmul.f32 $3.168876360e-08, v21  }
0x97: {  	v21 =	vld [tilespmem:s25+$0xFFFFF880];
	v23 =	vand.u32 $0x7FFFFFFF, v23;
	[tilespmem:s14+$0xFFFFF850] =	vst v17  }
0x98: {  	v20 =	vmul.f32 $3.168876360e-08, v20;
	v17 =	vld [tilespmem:s23+$0x20];
	[tilespmem:s18+$0xFFFFF850] =	vst v19  }
0x99: {  	v24 =	vld [tilespmem:s23+$0x0];
	[tilespmem:s18+$0x20] =	vst v19  }
0x9a: {  	[tilespmem:s18+$0xFFFFF830] =	vst v20;
	v11 =	vld.idx.msk [tilespmem:v11+s7+$0x0], $0xffff  }
0x9b: {  	v15 =	vand.u32 $0x7FFFFFFF, v15;
	v19 =	vld [tilespmem:s25+$0xFFFFF840];
	[tilespmem:s28+$0xFFFFFFE0] =	vst v13  }
0x9c: {  	v13 =	vld.idx.msk [tilespmem:v4+s7+$0x0], $0xffff;
	[tilespmem:s14+$0xFFFFF840] =	vst v16;
	v4 =	vmul.f32 $3.168876360e-08, v15  }
0x9d: {  	v15 =	vld [tilespmem:s25+$0xFFFFF830];
	v16 =	vand.u32 $0x7FFFFFFF, v17;
	[tilespmem:s14+$0x10] =	vst v18  }
0x9e: {  	v17 =	vld [tilespmem:s25+$0x30];
	v18 =	vand.u32 $0x7FFFFFFF, v24;
	[tilespmem:s18+$0x10] =	vst v4  }
0x9f: {  	v24 =	vld [tilespmem:s25+$0xFFFFF870];
	[tilespmem:s18+$0xFFFFF840] =	vst v4  }
0xa0: {  	v4 =	vsel vm3, $0x45800800, v1;
	vm3 =	vlt.f32 v8, v11;
	vm1 =	vlt.f32 v11, v8;
	v25 =	vld [tilespmem:s25+$0x40];
	[tilespmem:s28+$0xFFFFFFD0] =	vst v12  }
0xa1: {  	v12 =	vld [tilespmem:s25+$0xFFFFF860];
	[tilespmem:s14+$0x50] =	vst v4;
	v4 =	vsel vm3, $0x45800800, v1  }
0xa2: {  	v7 =	vand.u32 $0x7FFFFFFF, v7;
	v26 =	vld [tilespmem:s25+$0x10];
	[tilespmem:s14+$0xFFFFF8A0] =	vst v4  }
0xa3: {  	v7 =	vmul.f32 $3.168876360e-08, v7;
	v4 =	vsel vm2, $0x45800800, v1;
	v27 =	vld [tilespmem:s25+$0x0];
	[tilespmem:s18+$0x0] =	vst v20  }
0xa4: {  	v20 =	vld [tilespmem:s25+$0xFFFFF850];
	[tilespmem:s14+$0xFFFFF880] =	vst v4  }
0xa5: {  	v28 =	vld.idx.msk [tilespmem:v15+s7+$0x0], $0xffff;
	[tilespmem:s18+$0xFFFFF880] =	vst v7  }
0xa6: {  	v14 =	vld.idx.msk [tilespmem:v14+s7+$0x0], $0xffff;
	[tilespmem:s28+$0xFFFFFFC0] =	vst v9  }
0xa7: {  	v9 =	vld.idx.msk [tilespmem:v17+s7+$0x0], $0xffff;
	[tilespmem:s18+$0x50] =	vst v7  }
0xa8: {  	v15 =	vsel vm0, $0x45800800, v1;
	v17 =	vmul.f32 $3.168876360e-08, v3;
	v3 =	vmov v18;
	v7 =	vld.idx.msk [tilespmem:v22+s7+$0x0], $0xffff;
	[tilespmem:s28+$0x10] =	vst v5  }
0xa9: {  	v5 =	vsel vm1, $0x45800800, v1;
	v4 =	vld.idx.msk [tilespmem:v24+s7+$0x0], $0xffff;
	[tilespmem:s14+$0x40] =	vst v15  }
0xaa: {  	v18 =	vld.idx.msk [tilespmem:v26+s7+$0x0], $0xffff;
	[tilespmem:s18+$0x40] =	vst v17  }
0xab: {  	v8 =	vsub.f32 v11, v8;
	v12 =	vld.idx.msk [tilespmem:v12+s7+$0x0], $0xffff;
	[tilespmem:s14+$0x70] =	vst v5;
	s14 =	smov.u32 s0  }
0xac: {  	v11 =	vmul.f32 $3.168876360e-08, v2;
	v2 =	vmov v23;
	v22 =	vld.idx.msk [tilespmem:v20+s7+$0x0], $0xffff;
	[tilespmem:s18+$0xFFFFF870] =	vst v17  }
0xad: {  	v5 =	vld.idx.msk [tilespmem:v21+s7+$0x0], $0xffff;
	[tilespmem:s28+$0x0] =	vst v6  }
0xae: {  	vm0 =	vlt.f32 v14, v7;
	vm1 =	vlt.f32 v7, v14;
	v6 =	vld.idx.msk [tilespmem:v25+s7+$0x0], $0xffff;
	[tilespmem:s18+$0xFFFFF8A0] =	vst v11  }
0xaf: {  	v23 =	vsub.f32 v7, v14;
	v15 =	vsel vm0, $0x45800800, v1;
	v17 =	vsel vm1, $0x45800800, v1;
	v19 =	vld.idx.msk [tilespmem:v19+s7+$0x0], $0xffff;
	[tilespmem:s18+$0x70] =	vst v11;
	s18 =	smov.u32 s3  }
0xb0: {  	v16 =	vmul.f32 $3.168876360e-08, v16;
	v21 =	vld.idx.msk [tilespmem:v27+s7+$0x0], $0xffff;
	[tilespmem:s28+$0x30] =	vst v8;
	s28 =	smov.u32 s20  }
0xb1: {  	vm0 =	vlt.f32 v9, v12;
	vm2 =	vlt.f32 v12, v9;
	v14 =	vsub.f32 v12, v9;
	[tilespmem:s0+$0xFFFFF890] =	vst v15;
	v8 =	vld [tilespmem:s25+$0x70]  }
0xb2: {  	[tilespmem:s0+$0x60] =	vst v17;
	v11 =	vld [tilespmem:s25+$0xFFFFF8A0]  }
0xb3: {  	vm3 =	vlt.f32 v13, v22;
	vm1 =	vlt.f32 v22, v13;
	v25 =	vsel vm0, $0x45800800, v1;
	v24 =	vld [tilespmem:s23+$0xFFFFFFF0];
	[tilespmem:s3+$0xFFFFF890] =	vst v16  }
0xb4: {  	v9 =	vsel vm2, $0x45800800, v1;
	v17 =	vsel vm3, $0x45800800, v1;
	vm0 =	vlt.f32 v6, v4;
	v7 =	vld [tilespmem:s23+$0x10];
	[tilespmem:s3+$0x60] =	vst v16  }
.Ltmp7:
0xb5: {  	vm2 =	vlt.f32 v18, v19;
	vm3 =	vlt.f32 v19, v18;
	v15 =	vld [tilespmem:s23+$0xFFFFFFD0];
	[tilespmem:s0+$0x30] =	vst v9;
	v9 =	vsel vm0, $0x45800800, v1;
	(pc) =	sbr.rel @p1 .LBB2_13-.Ltmp7, $4  }
0xb6: {  	v12 =	vsub.f32 v19, v18;
	vm0 =	vlt.f32 v28, v21;
	v16 =	vsel vm2, $0x45800800, v1;
	[tilespmem:s0+$0xFFFFF870] =	vst v9;
	v19 =	vld.idx.msk [tilespmem:v10+s7+$0x0], $0xffff  }
0xb7: {  	vm2 =	vlt.f32 v21, v28;
	v18 =	vsel vm3, $0x45800800, v1;
	v9 =	vsub.f32 v28, v21;
	v20 =	vld [tilespmem:s23+$0xFFFFFFC0];
	[tilespmem:s0+$0xFFFFF860] =	vst v25  }
0xb8: {  	v25 =	vsel vm0, $0x45800800, v1;
	vm0 =	vlt.f32 v4, v6;
	v21 =	vld [tilespmem:s23+$0xFFFFFFE0];
	v24 =	vand.u32 $0x7FFFFFFF, v24;
	[tilespmem:s20+$0x20] =	vst v23  }
0xb9: {  	v13 =	vsub.f32 v22, v13;
	s3 =	sadd.s32 $0x80, s3;
	v10 =	vsel vm2, $0x45800800, v1;
	s23 =	sadd.s32 $0x80, s23;
	s20 =	sadd.s32 $0x80, s20;
	[tilespmem:s0+$0x0] =	vst v25;
	v22 =	vmul.f32 $3.168876360e-08, v24;
	v8 =	vld.idx.msk [tilespmem:v8+s7+$0x0], $0xffff  }
0xba: {  	[tilespmem:s14+$0xFFFFF830] =	vst v10  }
0xbb: {  	[tilespmem:s14+$0xFFFFF850] =	vst v17  }
0xbc: {  	[tilespmem:s14+$0xFFFFF840] =	vst v16  }
0xbd: {  	[tilespmem:s14+$0x10] =	vst v18  }
0xbe: {  	[tilespmem:s18+$0xFFFFF860] =	vst v22  }
0xbf: {  	v53 =	vsel vm1, $0x45800800, v1;
	[tilespmem:s18+$0x30] =	vst v22  }
0xc0: {  	v62 =	vsel vm0, $0x45800800, v1;
	[tilespmem:s14+$0x20] =	vst v53  }
0xc1: {  	v3 =	vmul.f32 $3.168876360e-08, v3;
	[tilespmem:s14+$0x40] =	vst v62  }
0xc2: {  	v57 =	vand.u32 $0x7FFFFFFF, v15;
	[tilespmem:s28+$0xFFFFFFF0] =	vst v14  }
0xc3: {  	v56 =	vld.idx.msk [tilespmem:v11+s7+$0x0], $0xffff;
	v11 =	vmul.f32 $3.168876360e-08, v57;
	[tilespmem:s18+$0x40] =	vst v3  }
0xc4: {  	[tilespmem:s18+$0xFFFFF870] =	vst v3  }
0xc5: {  	vm12 =	vlt.f32 v5, v19;
	[tilespmem:s18+$0x10] =	vst v11  }
0xc6: {  	vm14 =	vlt.f32 v19, v5;
	v58 =	vsel vm12, $0x45800800, v1;
	[tilespmem:s18+$0xFFFFF840] =	vst v11  }
0xc7: {  	v4 =	vsub.f32 v4, v6;
	v60 =	vsel vm14, $0x45800800, v1;
	[tilespmem:s14+$0x50] =	vst v58  }
0xc8: {  	v7 =	vand.u32 $0x7FFFFFFF, v7;
	[tilespmem:s14+$0xFFFFF880] =	vst v60  }
0xc9: {  	v7 =	vmul.f32 $3.168876360e-08, v7;
	[tilespmem:s28+$0x0] =	vst v4  }
0xca: {  	v55 =	vand.u32 $0x7FFFFFFF, v20;
	[tilespmem:s28+$0xFFFFFFD0] =	vst v12  }
0xcb: {  	v14 =	vmul.f32 $3.168876360e-08, v55;
	[tilespmem:s18+$0xFFFFF880] =	vst v7  }
0xcc: {  	[tilespmem:s18+$0x50] =	vst v7  }
0xcd: {  	v61 =	vsub.f32 v5, v19;
	v21 =	vand.u32 $0x7FFFFFFF, v21;
	[tilespmem:s18+$0xFFFFF830] =	vst v14  }
0xce: {  	v54 =	vmul.f32 $3.168876360e-08, v21;
	[tilespmem:s18+$0x0] =	vst v14  }
0xcf: {  	[tilespmem:s28+$0x10] =	vst v61  }
0xd0: {  	[tilespmem:s18+$0xFFFFF850] =	vst v54  }
0xd1: {  	[tilespmem:s18+$0x20] =	vst v54  }
0xd2: {  	vm13 =	vlt.f32 v8, v56;
	[tilespmem:s28+$0xFFFFFFC0] =	vst v9  }
0xd3: {  	vm15 =	vlt.f32 v56, v8;
	v59 =	vsel vm13, $0x45800800, v1;
	[tilespmem:s28+$0xFFFFFFE0] =	vst v13  }
0xd4: {  	v2 =	vmul.f32 $3.168876360e-08, v2;
	v63 =	vsel vm15, $0x45800800, v1;
	[tilespmem:s14+$0xFFFFF8A0] =	vst v59  }
0xd5: {  	[tilespmem:s14+$0x70] =	vst v63  }
0xd6: {  	v3 =	vsub.f32 v56, v8;
	[tilespmem:s18+$0xFFFFF8A0] =	vst v2  }
0xd7: {  	[tilespmem:s18+$0x70] =	vst v2  }
0xd8: {  	[tilespmem:s28+$0x30] =	vst v3  }
.LBB2_15:
0xd9: {  	v2 =	vld [tilespmem:s12+$0xFFFFF830]  }
0xda: {  	v3 =	vld [tilespmem:s12+$0x0];
	_ =	sdelay $0x5  }
0xdb: {  	v4 =	vld [tilespmem:s17+$0x0]  }
0xdc: {  	v2 =	vld.idx.msk [tilespmem:v2+s7+$0x0], $0xffff  }
0xdd: {  	v3 =	vld.idx.msk [tilespmem:v3+s7+$0x0], $0xffff;
	_ =	sdelay $0x4  }
0xde: {  	s19 =	sadd.s32 $0x10, s19;
	v4 =	vand.u32 $0x7FFFFFFF, v4;
	vm0 =	vlt.f32 v3, v2  }
0xdf: {  	p1 =	slt.u32 s19, $0x7C0;
	v4 =	vmul.f32 $3.168876360e-08, v4;
	vm15 =	vlt.f32 v2, v3;
	v5 =	vsel vm0, $0x45800800, v1  }
.Ltmp8:
0xe0: {  	v63 =	vsel vm15, $0x45800800, v1;
	[tilespmem:s16+$0xFFFFF830] =	vst v5;
	(pc) =	sbr.rel @p1 .LBB2_15-.Ltmp8, $4  }
0xe1: {  	[tilespmem:s16+$0x0] =	vst v63  }
0xe2: {  	v2 =	vsub.f32 v2, v3;
	[tilespmem:s13+$0xFFFFF830] =	vst v4  }
0xe3: {  	s17 =	sadd.s32 $0x10, s17;
	s12 =	sadd.s32 $0x10, s12;
	[tilespmem:s13+$0x0] =	vst v4  }
0xe4: {  	s16 =	sadd.s32 $0x10, s16;
	s13 =	sadd.s32 $0x10, s13;
	[tilespmem:s10+$0x0] =	vst v2;
	s10 =	sadd.s32 $0x10, s10  }
0xe5: {  	p1 =	seq.s32 s11, $0x0  }
0xe6: {  	s0 =	simm.s32 @!p1 $0x2  }
0xe7: {  	_ =	swait.ge @!p1 [sflag:s0], $0x7D0  }
0xe8: {  	[sflag:s0] =	ssyncset.done @!p1 $0x0  }
0xe9: {  	[sflag:s0] =	ssyncadd.s32 @!p1 $0xFFFFF830;
	s0 =	simm.s32 @!p1 $0x3  }
0xea: {  	_ =	swait.ge @!p1 [sflag:s0], $0xFA0  }
0xeb: {  	s3 =	sshll.u32 s11, $0x5;
	[sflag:s0] =	ssyncset.done @!p1 $0x0  }
0xec: {  	s3 =	sor.u32 s8, s3;
	[sflag:s0] =	ssyncadd.s32 @!p1 $0xFFFFF060;
	s0 =	simm.s32 @!p1 $0x4  }
0xed: {  	s3 =	smul.u32 $0xFA, s3;
	_ =	swait.ge @!p1 [sflag:s0], $0xFA0  }
0xee: {  	s25 =	simm.s32 $0xFC00;
	[sflag:s0] =	ssyncset.done @!p1 $0x0  }
0xef: {  	s23 =	sadd.s32 s9, s3;
	[sflag:s0] =	ssyncadd.s32 @!p1 $0xFFFFF060;
	s0 =	sor.u32 $0x1, s11  }
0xf0: {  	[hbm4b:s23+s7] =	stream.linear.scatter [tilespmem:s25], [sflag:$0x2], $0x7D0, $0x38;
	[tilespmem:$0x16900] =	vst v63  }
0xf1: {  	p1 =	sgt.u32 s0, $0x18  }
.Ltmp9:
0xf2: {  	_ = 	snop;
	(pc) =	sbr.rel @p1 .LBB2_19-.Ltmp9, $4  }
0xf3: {  	s28 =	simm.s32 $0xDC00  }
0xf4: {  	[spmem:s5] =	stream.indirect.scatter.add.f32 [tilespmem:s28], [sflag:$0x3], $0x1, s21, s26, $0xb8;
	[tilespmem:$0x16900] =	vst v63  }
0xf5: {  	s29 =	simm.s32 $0xEC00  }
0xf6: {  	[spmem:s6] =	stream.indirect.scatter.add.f32 [tilespmem:s29], [sflag:$0x4], $0x1, s21, s26, $0xb8;
	[tilespmem:$0x16900] =	vst v63  }
.Ltmp10:
0xf7: {  	(pc) =	sbr.rel .LBB2_18-.Ltmp10, $3  }
0xf8: {  	_ =	sdelay $0x1  }
0xf9: {  	s0 =	sshll.u32 s0, $0x5;
	s10 =	simm.s32 $0x10BD0  }
0xfa: {  	s12 =	simm.s32 $0x10400;
	s3 =	sor.u32 s8, s0;
	s0 =	simm.s32 $0x11400  }
.LBB2_7:
0xfb: {  	s0 =	simm.s32 $0x11440  }
0xfc: {  	s28 =	simm.s32 $0x10BD0;
	v2 =	vld [tilespmem:s0+$0x30]  }
0xfd: {  	v3 =	vld [tilespmem:s28+$0x20]  }
0xfe: {  	v8 =	vld [tilespmem:s28+$0x50]  }
0xff: {  	v4 =	vld [tilespmem:s28+$0xFFFFF890]  }
0x100: {  	v5 =	vld [tilespmem:s28+$0x60]  }
0x101: {  	v6 =	vld [tilespmem:s28+$0xFFFFF880]  }
0x102: {  	v7 =	vld [tilespmem:s0+$0x20]  }
0x103: {  	v9 =	vld [tilespmem:s0+$0x0]  }
0x104: {  	v10 =	vld [tilespmem:s28+$0xFFFFF840]  }
0x105: {  	v11 =	vld [tilespmem:s28+$0x30]  }
0x106: {  	v12 =	vld [tilespmem:s28+$0xFFFFF870]  }
0x107: {  	v14 =	vld [tilespmem:s28+$0x40]  }
0x108: {  	v15 =	vld [tilespmem:s28+$0xFFFFF860]  }
0x109: {  	v16 =	vld [tilespmem:s28+$0x10]  }
0x10a: {  	v17 =	vld [tilespmem:s28+$0x0]  }
0x10b: {  	v18 =	vld [tilespmem:s28+$0xFFFFF850]  }
0x10c: {  	v25 =	vld [tilespmem:s0+$0xFFFFFFF0]  }
0x10d: {  	v13 =	vld.idx.msk [tilespmem:v3+s7+$0x0], $0xffff  }
0x10e: {  	v3 =	vld [tilespmem:s28+$0xFFFFF830]  }
0x10f: {  	v20 =	vld.idx.msk [tilespmem:v5+s7+$0x0], $0xffff  }
0x110: {  	v11 =	vld.idx.msk [tilespmem:v11+s7+$0x0], $0xffff  }
0x111: {  	v21 =	vld.idx.msk [tilespmem:v4+s7+$0x0], $0xffff  }
0x112: {  	v4 =	vld.idx.msk [tilespmem:v12+s7+$0x0], $0xffff  }
0x113: {  	v12 =	vld.idx.msk [tilespmem:v16+s7+$0x0], $0xffff  }
0x114: {  	v15 =	vld.idx.msk [tilespmem:v15+s7+$0x0], $0xffff  }
0x115: {  	v22 =	vld.idx.msk [tilespmem:v18+s7+$0x0], $0xffff  }
0x116: {  	v5 =	vld.idx.msk [tilespmem:v6+s7+$0x0], $0xffff  }
0x117: {  	v6 =	vld.idx.msk [tilespmem:v14+s7+$0x0], $0xffff  }
0x118: {  	v7 =	vand.u32 $0x7FFFFFFF, v7;
	v10 =	vld.idx.msk [tilespmem:v10+s7+$0x0], $0xffff;
	vm1 =	vlt.f32 v21, v20  }
0x119: {  	s14 =	simm.s32 $0x123D0;
	v18 =	vld.idx.msk [tilespmem:v17+s7+$0x0], $0xffff;
	v17 =	vmul.f32 $3.168876360e-08, v7;
	vm0 =	vlt.f32 v20, v21;
	v16 =	vsel vm1, $0x45800800, v1  }
0x11a: {  	[tilespmem:s14+$0x60] =	vst v16;
	v19 =	vld.idx.msk [tilespmem:v3+s7+$0x0], $0xffff;
	v3 =	vand.u32 $0x7FFFFFFF, v9;
	v9 =	vsel vm0, $0x45800800, v1  }
0x11b: {  	s12 =	simm.s32 $0x133D0;
	v24 =	vld [tilespmem:s28+$0x70];
	v2 =	vand.u32 $0x7FFFFFFF, v2;
	v25 =	vand.u32 $0x7FFFFFFF, v25;
	[tilespmem:s14+$0xFFFFF890] =	vst v9  }
0x11c: {  	v23 =	vsub.f32 v21, v20;
	vm2 =	vlt.f32 v15, v11;
	v14 =	vsub.f32 v15, v11;
	[tilespmem:s12+$0xFFFFF890] =	vst v17  }
0x11d: {  	v7 =	vld [tilespmem:s0+$0x10];
	vm3 =	vlt.f32 v13, v22;
	vm0 =	vlt.f32 v11, v15;
	v9 =	vsel vm2, $0x45800800, v1;
	[tilespmem:s12+$0x60] =	vst v17  }
0x11e: {  	s13 =	simm.s32 $0x13C40;
	v20 =	vld [tilespmem:s0+$0xFFFFFFC0];
	vm1 =	vlt.f32 v22, v13;
	v21 =	vsel vm0, $0x45800800, v1;
	vm0 =	vlt.f32 v6, v4;
	[tilespmem:s14+$0x30] =	vst v9  }
0x11f: {  	s16 =	simm.s32 $0x11350;
	s17 =	simm.s32 $0x13B50;
	v13 =	vsub.f32 v22, v13;
	v11 =	vld [tilespmem:s28+$0xFFFFF8A0];
	vm2 =	vlt.f32 v12, v10;
	v9 =	vsel vm0, $0x45800800, v1;
	[tilespmem:s14+$0xFFFFF860] =	vst v21  }
0x120: {  	v22 =	vmul.f32 $3.168876360e-08, v25;
	v15 =	vld [tilespmem:s0+$0xFFFFFFD0];
	v17 =	vsel vm3, $0x45800800, v1;
	v16 =	vsel vm2, $0x45800800, v1;
	[tilespmem:s14+$0xFFFFF870] =	vst v9  }
0x121: {  	s18 =	simm.s32 $0x12B50;
	s19 =	simm.s32 $0x11B80;
	s10 =	simm.s32 $0x770;
	vm2 =	vlt.f32 v19, v18;
	vm3 =	vlt.f32 v18, v19;
	v9 =	vsub.f32 v19, v18;
	v19 =	vld.idx.msk [tilespmem:v8+s7+$0x0], $0xffff  }
0x122: {  	s25 =	simm.s32 $0x14380;
	s29 =	simm.s32 $0x0;
	s3 =	simm.s32 $0x13450;
	vm0 =	vlt.f32 v10, v12;
	v12 =	vsub.f32 v10, v12;
	v21 =	vld [tilespmem:s0+$0xFFFFFFE0];
	[tilespmem:s13+$0x20] =	vst v23;
	v8 =	vsel vm2, $0x45800800, v1  }
0x123: {  	s23 =	simm.s32 $0x114C0;
	s20 =	simm.s32 $0x13CC0;
	s0 =	simm.s32 $0x123D0;
	v18 =	vsel vm0, $0x45800800, v1;
	vm0 =	vlt.f32 v4, v6;
	v10 =	vsel vm3, $0x45800800, v1;
	[tilespmem:s14+$0x0] =	vst v8;
	v8 =	vld.idx.msk [tilespmem:v24+s7+$0x0], $0xffff  }
.LBB2_8:
0x124: {  	v23 =	vld [tilespmem:s23+$0x30];
	s29 =	sadd.s32 $0x80, s29;
	[tilespmem:s14+$0xFFFFF830] =	vst v10;
	v6 =	vsub.f32 v4, v6;
	s28 =	sadd.s32 $0x80, s28;
	s0 =	sadd.s32 $0x80, s0  }
0x125: {  	v10 =	vld [tilespmem:s28+$0x50];
	p1 =	slt.u32 s29, $0x700;
	[tilespmem:s12+$0xFFFFF860] =	vst v22  }
0x126: {  	vm2 =	vlt.f32 v19, v5;
	vm3 =	vlt.f32 v5, v19;
	v4 =	vld [tilespmem:s28+$0x20];
	v20 =	vand.u32 $0x7FFFFFFF, v20;
	[tilespmem:s12+$0x30] =	vst v22  }
0x127: {  	v24 =	vsel vm1, $0x45800800, v1;
	v5 =	vsub.f32 v5, v19;
	v22 =	vld [tilespmem:s28+$0xFFFFF890];
	v21 =	vand.u32 $0x7FFFFFFF, v21;
	[tilespmem:s13+$0xFFFFFFF0] =	vst v14  }
0x128: {  	v14 =	vld [tilespmem:s28+$0x60];
	[tilespmem:s14+$0x20] =	vst v24;
	v19 =	vmul.f32 $3.168876360e-08, v21  }
0x129: {  	v21 =	vld [tilespmem:s28+$0xFFFFF880];
	v23 =	vand.u32 $0x7FFFFFFF, v23;
	[tilespmem:s14+$0xFFFFF850] =	vst v17  }
0x12a: {  	v20 =	vmul.f32 $3.168876360e-08, v20;
	v17 =	vld [tilespmem:s23+$0x20];
	[tilespmem:s12+$0xFFFFF850] =	vst v19  }
0x12b: {  	v24 =	vld [tilespmem:s23+$0x0];
	[tilespmem:s12+$0x20] =	vst v19  }
0x12c: {  	[tilespmem:s12+$0xFFFFF830] =	vst v20;
	v11 =	vld.idx.msk [tilespmem:v11+s7+$0x0], $0xffff  }
0x12d: {  	v15 =	vand.u32 $0x7FFFFFFF, v15;
	v19 =	vld [tilespmem:s28+$0xFFFFF840];
	[tilespmem:s13+$0xFFFFFFE0] =	vst v13  }
0x12e: {  	v13 =	vld.idx.msk [tilespmem:v4+s7+$0x0], $0xffff;
	[tilespmem:s14+$0xFFFFF840] =	vst v16;
	v4 =	vmul.f32 $3.168876360e-08, v15  }
0x12f: {  	v15 =	vld [tilespmem:s28+$0xFFFFF830];
	v16 =	vand.u32 $0x7FFFFFFF, v17;
	[tilespmem:s14+$0x10] =	vst v18  }
0x130: {  	v17 =	vld [tilespmem:s28+$0x30];
	v18 =	vand.u32 $0x7FFFFFFF, v24;
	[tilespmem:s12+$0x10] =	vst v4  }
0x131: {  	v24 =	vld [tilespmem:s28+$0xFFFFF870];
	[tilespmem:s12+$0xFFFFF840] =	vst v4  }
0x132: {  	v4 =	vsel vm3, $0x45800800, v1;
	vm3 =	vlt.f32 v8, v11;
	vm1 =	vlt.f32 v11, v8;
	v25 =	vld [tilespmem:s28+$0x40];
	[tilespmem:s13+$0xFFFFFFD0] =	vst v12  }
0x133: {  	v12 =	vld [tilespmem:s28+$0xFFFFF860];
	[tilespmem:s14+$0x50] =	vst v4;
	v4 =	vsel vm3, $0x45800800, v1  }
0x134: {  	v7 =	vand.u32 $0x7FFFFFFF, v7;
	v26 =	vld [tilespmem:s28+$0x10];
	[tilespmem:s14+$0xFFFFF8A0] =	vst v4  }
0x135: {  	v7 =	vmul.f32 $3.168876360e-08, v7;
	v4 =	vsel vm2, $0x45800800, v1;
	v27 =	vld [tilespmem:s28+$0x0];
	[tilespmem:s12+$0x0] =	vst v20  }
0x136: {  	v20 =	vld [tilespmem:s28+$0xFFFFF850];
	[tilespmem:s14+$0xFFFFF880] =	vst v4  }
0x137: {  	v28 =	vld.idx.msk [tilespmem:v15+s7+$0x0], $0xffff;
	[tilespmem:s12+$0xFFFFF880] =	vst v7  }
0x138: {  	v14 =	vld.idx.msk [tilespmem:v14+s7+$0x0], $0xffff;
	[tilespmem:s13+$0xFFFFFFC0] =	vst v9  }
0x139: {  	v9 =	vld.idx.msk [tilespmem:v17+s7+$0x0], $0xffff;
	[tilespmem:s12+$0x50] =	vst v7  }
0x13a: {  	v15 =	vsel vm0, $0x45800800, v1;
	v17 =	vmul.f32 $3.168876360e-08, v3;
	v3 =	vmov v18;
	v7 =	vld.idx.msk [tilespmem:v22+s7+$0x0], $0xffff;
	[tilespmem:s13+$0x10] =	vst v5  }
0x13b: {  	v5 =	vsel vm1, $0x45800800, v1;
	v4 =	vld.idx.msk [tilespmem:v24+s7+$0x0], $0xffff;
	[tilespmem:s14+$0x40] =	vst v15  }
0x13c: {  	v18 =	vld.idx.msk [tilespmem:v26+s7+$0x0], $0xffff;
	[tilespmem:s12+$0x40] =	vst v17  }
0x13d: {  	v8 =	vsub.f32 v11, v8;
	v12 =	vld.idx.msk [tilespmem:v12+s7+$0x0], $0xffff;
	[tilespmem:s14+$0x70] =	vst v5;
	s14 =	smov.u32 s0  }
0x13e: {  	v11 =	vmul.f32 $3.168876360e-08, v2;
	v2 =	vmov v23;
	v22 =	vld.idx.msk [tilespmem:v20+s7+$0x0], $0xffff;
	[tilespmem:s12+$0xFFFFF870] =	vst v17  }
0x13f: {  	v5 =	vld.idx.msk [tilespmem:v21+s7+$0x0], $0xffff;
	[tilespmem:s13+$0x0] =	vst v6  }
0x140: {  	vm0 =	vlt.f32 v14, v7;
	vm1 =	vlt.f32 v7, v14;
	v6 =	vld.idx.msk [tilespmem:v25+s7+$0x0], $0xffff;
	[tilespmem:s12+$0xFFFFF8A0] =	vst v11  }
0x141: {  	v23 =	vsub.f32 v7, v14;
	v15 =	vsel vm0, $0x45800800, v1;
	v17 =	vsel vm1, $0x45800800, v1;
	v19 =	vld.idx.msk [tilespmem:v19+s7+$0x0], $0xffff;
	[tilespmem:s12+$0x70] =	vst v11;
	s12 =	smov.u32 s3  }
0x142: {  	v16 =	vmul.f32 $3.168876360e-08, v16;
	v21 =	vld.idx.msk [tilespmem:v27+s7+$0x0], $0xffff;
	[tilespmem:s13+$0x30] =	vst v8;
	s13 =	smov.u32 s20  }
0x143: {  	vm0 =	vlt.f32 v9, v12;
	vm2 =	vlt.f32 v12, v9;
	v14 =	vsub.f32 v12, v9;
	[tilespmem:s0+$0xFFFFF890] =	vst v15;
	v8 =	vld [tilespmem:s28+$0x70]  }
0x144: {  	[tilespmem:s0+$0x60] =	vst v17;
	v11 =	vld [tilespmem:s28+$0xFFFFF8A0]  }
0x145: {  	vm3 =	vlt.f32 v13, v22;
	vm1 =	vlt.f32 v22, v13;
	v25 =	vsel vm0, $0x45800800, v1;
	v24 =	vld [tilespmem:s23+$0xFFFFFFF0];
	[tilespmem:s3+$0xFFFFF890] =	vst v16  }
0x146: {  	v9 =	vsel vm2, $0x45800800, v1;
	v17 =	vsel vm3, $0x45800800, v1;
	vm0 =	vlt.f32 v6, v4;
	v7 =	vld [tilespmem:s23+$0x10];
	[tilespmem:s3+$0x60] =	vst v16  }
.Ltmp11:
0x147: {  	vm2 =	vlt.f32 v18, v19;
	vm3 =	vlt.f32 v19, v18;
	v15 =	vld [tilespmem:s23+$0xFFFFFFD0];
	[tilespmem:s0+$0x30] =	vst v9;
	v9 =	vsel vm0, $0x45800800, v1;
	(pc) =	sbr.rel @p1 .LBB2_8-.Ltmp11, $4  }
0x148: {  	v12 =	vsub.f32 v19, v18;
	vm0 =	vlt.f32 v28, v21;
	v16 =	vsel vm2, $0x45800800, v1;
	[tilespmem:s0+$0xFFFFF870] =	vst v9;
	v19 =	vld.idx.msk [tilespmem:v10+s7+$0x0], $0xffff  }
0x149: {  	vm2 =	vlt.f32 v21, v28;
	v18 =	vsel vm3, $0x45800800, v1;
	v9 =	vsub.f32 v28, v21;
	v20 =	vld [tilespmem:s23+$0xFFFFFFC0];
	[tilespmem:s0+$0xFFFFF860] =	vst v25  }
0x14a: {  	v25 =	vsel vm0, $0x45800800, v1;
	vm0 =	vlt.f32 v4, v6;
	v21 =	vld [tilespmem:s23+$0xFFFFFFE0];
	v24 =	vand.u32 $0x7FFFFFFF, v24;
	[tilespmem:s20+$0x20] =	vst v23  }
0x14b: {  	v13 =	vsub.f32 v22, v13;
	s3 =	sadd.s32 $0x80, s3;
	v10 =	vsel vm2, $0x45800800, v1;
	s23 =	sadd.s32 $0x80, s23;
	s20 =	sadd.s32 $0x80, s20;
	[tilespmem:s0+$0x0] =	vst v25;
	v22 =	vmul.f32 $3.168876360e-08, v24;
	v8 =	vld.idx.msk [tilespmem:v8+s7+$0x0], $0xffff  }
0x14c: {  	[tilespmem:s14+$0xFFFFF830] =	vst v10  }
0x14d: {  	[tilespmem:s14+$0xFFFFF850] =	vst v17  }
0x14e: {  	[tilespmem:s14+$0xFFFFF840] =	vst v16  }
0x14f: {  	[tilespmem:s14+$0x10] =	vst v18  }
0x150: {  	[tilespmem:s12+$0xFFFFF860] =	vst v22  }
0x151: {  	v53 =	vsel vm1, $0x45800800, v1;
	[tilespmem:s12+$0x30] =	vst v22  }
0x152: {  	v62 =	vsel vm0, $0x45800800, v1;
	[tilespmem:s14+$0x20] =	vst v53  }
0x153: {  	v3 =	vmul.f32 $3.168876360e-08, v3;
	[tilespmem:s14+$0x40] =	vst v62  }
0x154: {  	v57 =	vand.u32 $0x7FFFFFFF, v15;
	[tilespmem:s13+$0xFFFFFFF0] =	vst v14  }
0x155: {  	v56 =	vld.idx.msk [tilespmem:v11+s7+$0x0], $0xffff;
	v11 =	vmul.f32 $3.168876360e-08, v57;
	[tilespmem:s12+$0x40] =	vst v3  }
0x156: {  	[tilespmem:s12+$0xFFFFF870] =	vst v3  }
0x157: {  	vm12 =	vlt.f32 v5, v19;
	[tilespmem:s12+$0x10] =	vst v11  }
0x158: {  	vm14 =	vlt.f32 v19, v5;
	v58 =	vsel vm12, $0x45800800, v1;
	[tilespmem:s12+$0xFFFFF840] =	vst v11  }
0x159: {  	v4 =	vsub.f32 v4, v6;
	v60 =	vsel vm14, $0x45800800, v1;
	[tilespmem:s14+$0x50] =	vst v58  }
0x15a: {  	v7 =	vand.u32 $0x7FFFFFFF, v7;
	[tilespmem:s14+$0xFFFFF880] =	vst v60  }
0x15b: {  	v7 =	vmul.f32 $3.168876360e-08, v7;
	[tilespmem:s13+$0x0] =	vst v4  }
0x15c: {  	v55 =	vand.u32 $0x7FFFFFFF, v20;
	[tilespmem:s13+$0xFFFFFFD0] =	vst v12  }
0x15d: {  	v14 =	vmul.f32 $3.168876360e-08, v55;
	[tilespmem:s12+$0xFFFFF880] =	vst v7  }
0x15e: {  	[tilespmem:s12+$0x50] =	vst v7  }
0x15f: {  	v61 =	vsub.f32 v5, v19;
	v21 =	vand.u32 $0x7FFFFFFF, v21;
	[tilespmem:s12+$0xFFFFF830] =	vst v14  }
0x160: {  	v54 =	vmul.f32 $3.168876360e-08, v21;
	[tilespmem:s12+$0x0] =	vst v14  }
0x161: {  	[tilespmem:s13+$0x10] =	vst v61  }
0x162: {  	[tilespmem:s12+$0xFFFFF850] =	vst v54  }
0x163: {  	[tilespmem:s12+$0x20] =	vst v54  }
0x164: {  	vm13 =	vlt.f32 v8, v56;
	[tilespmem:s13+$0xFFFFFFC0] =	vst v9  }
0x165: {  	vm15 =	vlt.f32 v56, v8;
	v59 =	vsel vm13, $0x45800800, v1;
	[tilespmem:s13+$0xFFFFFFE0] =	vst v13  }
0x166: {  	v2 =	vmul.f32 $3.168876360e-08, v2;
	v63 =	vsel vm15, $0x45800800, v1;
	[tilespmem:s14+$0xFFFFF8A0] =	vst v59  }
0x167: {  	[tilespmem:s14+$0x70] =	vst v63  }
0x168: {  	v3 =	vsub.f32 v56, v8;
	[tilespmem:s12+$0xFFFFF8A0] =	vst v2  }
0x169: {  	[tilespmem:s12+$0x70] =	vst v2  }
0x16a: {  	[tilespmem:s13+$0x30] =	vst v3  }
.LBB2_10:
0x16b: {  	v2 =	vld [tilespmem:s16+$0xFFFFF830]  }
0x16c: {  	v3 =	vld [tilespmem:s16+$0x0];
	_ =	sdelay $0x5  }
0x16d: {  	v4 =	vld [tilespmem:s19+$0x0]  }
0x16e: {  	v2 =	vld.idx.msk [tilespmem:v2+s7+$0x0], $0xffff  }
0x16f: {  	v3 =	vld.idx.msk [tilespmem:v3+s7+$0x0], $0xffff;
	_ =	sdelay $0x4  }
0x170: {  	s10 =	sadd.s32 $0x10, s10;
	v4 =	vand.u32 $0x7FFFFFFF, v4;
	vm0 =	vlt.f32 v3, v2  }
0x171: {  	p1 =	slt.u32 s10, $0x7C0;
	v4 =	vmul.f32 $3.168876360e-08, v4;
	vm15 =	vlt.f32 v2, v3;
	v5 =	vsel vm0, $0x45800800, v1  }
.Ltmp12:
0x172: {  	v63 =	vsel vm15, $0x45800800, v1;
	[tilespmem:s18+$0xFFFFF830] =	vst v5;
	(pc) =	sbr.rel @p1 .LBB2_10-.Ltmp12, $4  }
0x173: {  	[tilespmem:s18+$0x0] =	vst v63  }
0x174: {  	v2 =	vsub.f32 v2, v3;
	[tilespmem:s17+$0xFFFFF830] =	vst v4  }
0x175: {  	s19 =	sadd.s32 $0x10, s19;
	s16 =	sadd.s32 $0x10, s16;
	[tilespmem:s17+$0x0] =	vst v4  }
0x176: {  	s18 =	sadd.s32 $0x10, s18;
	s17 =	sadd.s32 $0x10, s17;
	[tilespmem:s25+$0x0] =	vst v2;
	s25 =	sadd.s32 $0x10, s25  }
0x177: {  	_ =	swait.ge [sflag:s30], $0x7D0  }
0x178: {  	[sflag:s30] =	ssyncset.done $0x0  }
0x179: {  	[sflag:s30] =	ssyncadd.s32 $0xFFFFF830  }
0x17a: {  	_ =	swait.ge [sflag:s31], $0xFA0  }
0x17b: {  	s0 =	sshll.u32 s11, $0x5;
	[sflag:s31] =	ssyncset.done $0x0  }
0x17c: {  	s3 =	sor.u32 s8, s0;
	[sflag:s31] =	ssyncadd.s32 $0xFFFFF060  }
0x17d: {  	s3 =	smul.u32 $0xFA, s3;
	_ =	swait.ge [sflag:s4], $0xFA0  }
0x17e: {  	[sflag:s4] =	ssyncset.done $0x0  }
0x17f: {  	s10 =	simm.s32 $0x13C00;
	s3 =	sadd.s32 s9, s3;
	[sflag:s4] =	ssyncadd.s32 $0xFFFFF060  }
0x180: {  	[hbm4b:s3+s7] =	stream.linear.scatter [tilespmem:s10], [sflag:$0x2], $0x7D0, $0x38;
	[tilespmem:$0x16900] =	vst v63  }
.Ltmp13:
0x181: {  	_ = 	snop;
	(pc) =	sbr.rel .LBB2_18-.Ltmp13, $4  }
0x182: {  	s28 =	simm.s32 $0x11C00;
	s29 =	simm.s32 $0x12C00;
	s12 =	simm.s32 $0xC400  }
0x183: {  	[spmem:s5] =	stream.indirect.scatter.add.f32 [tilespmem:s28], [sflag:$0x3], $0x1, s22, s26, $0xb8;
	[tilespmem:$0x16900] =	vst v63  }
0x184: {  	s3 =	sadd.s32 s15, s0;
	s0 =	simm.s32 $0xD400;
	s10 =	simm.s32 $0xCBD0  }
0x185: {  	[spmem:s6] =	stream.indirect.scatter.add.f32 [tilespmem:s29], [sflag:$0x4], $0x1, s22, s26, $0xb8;
	[tilespmem:$0x16900] =	vst v63  }
.LBB2_21:
0x186: {  	_ =	sfence.sel $0x180000  }
0x187: {  	[bflag:$0x0] =	sbarrier.arrive $0xFFFF  }
0x188: {  	_ =	strace $0x90000047  }
0x189: {  	[bflag:$0x2] =	sbarrier.arrive $0xFFFF  }
0x18a: {  	s0 =	rddreg [dreg:$0x9]  }
0x18b: {  	s0 =	sadd.s32 @!p0 $0x100000, s0  }
0x18c: {  	[sflag:s0] =	ssyncadd.tile.s32 @!p0 $0x1;
	_ =	shalt  }
.Lfunc_end2:
_tile_overlayer_lowered:
.L_overlay_start_2:
0x18d: {  	(tag) =	ssettag $0x2  }
0x18e: {  	s0 =	rddreg [dreg:$0x0];
	s2 =	stileid.u32  }
0x18f: {  	s1 =	rddreg [dreg:$0x1];
	p0 =	sne.s32 s2, $0x0  }
0x190: {  	s3 =	rddreg [dreg:$0x2];
	[bflag:$0x3] =	sbarrier.arrive $0xFFFF;
	s2 =	simm.s32 @!p0 $0x1C05  }
0x191: {  	[timem:s3], [sflag:s2] =	dma.local @!p0 [hbm:s0], s1  }
0x192: {  	s0 =	simm.s32 @!p0 $0x5  }
0x193: {  	_ =	swait.ge @!p0 [sflag:s0], s1  }
0x194: {  	s1 =	ssub.s32 @!p0 $0x0, s1;
	[sflag:s0] =	ssyncset.done @!p0 $0x0  }
0x195: {  	[sflag:s0] =	ssyncadd.s32 @!p0 s1  }
0x196: {  	[bflag:$0x3] =	sbarrier.arrive $0xFFFF  }
0x197: {  	_ =	shalt  }

// kernel: kernel.8.cloned.1.call-start
scs
__scs_entry_jumppad:
0x0: {  	(pc) =	sbr.rel $0x88, $3  }
0x1: {  	(tag) =	ssettag $0x0;
	lr =	simm.s32 $0x1  }
0x2: {  	[smem:$0x3F97] =	sst lr;
	_ =	strace $0xD0000000  }
0x3: {  	_ = 	snop  }
0x4: {  	_ = 	snop  }
0x5: {  	_ = 	snop  }
0x6: {  	_ = 	snop  }
0x7: {  	_ = 	snop  }
__scs_overlays_trampoline_lowered:
0x8: {  	[smem:$0x3FA6] =	sst s0  }
0x9: {  	[smem:$0x3FA7] =	sst s1  }
0xa: {  	[smem:$0x3FA8] =	sst s2  }
0xb: {  	[smem:$0x3FA9] =	sst s3  }
0xc: {  	[smem:$0x3FAA] =	sst s4  }
0xd: {  	[smem:$0x3FAB] =	sst s5  }
0xe: {  	[smem:$0x3FAC] =	sst s6  }
0xf: {  	[smem:$0x3FAD] =	sst s7  }
0x10: {  	[smem:$0x3FAE] =	sst s8  }
0x11: {  	[smem:$0x3FAF] =	sst s9;
	s0 =	simm.s32 @!p0 $0x0  }
0x12: {  	s1 =	sld [smem:$0x3F95];
	s0 =	simm.s32 @p0 $0x1  }
0x13: {  	[smem:$0x3FB0] =	sst s0;
	s0 =	simm.s32 @!p1 $0x0  }
0x14: {  	s2 =	sld [smem:$0x3F94];
	s0 =	simm.s32 @p1 $0x1  }
0x15: {  	[smem:$0x3FB1] =	sst s0;
	s0 =	simm.s32 @!p2 $0x0  }
0x16: {  	s3 =	sld [smem:$0x3FDB];
	s0 =	simm.s32 @p2 $0x1  }
0x17: {  	s4 =	simm.s32 $0x1BF5;
	[smem:$0x3FB3] =	sst s0  }
0x18: {  	s0 =	sld [smem:$0x3F96];
	_ =	swait.ge [sflag:s4], $0x0  }
0x19: {  	s7 =	sld [smem:$0x3F97]  }
0x1a: {  	s8 =	sadd.s32 $0xFFFFE003, lr  }
0x1b: {  	s9 =	sadd.s32 $0xFFFFFEF7, lr;
	s5 =	simm.s32 $0xFFFFFFFF;
	p2 =	slt.u32 s8, $0xFFFFF086  }
0x1c: {  	p1 =	slt.u32 s9, $0xF7A;
	s5 =	simm.s32 @!p2 $0x0  }
0x1d: {  	s5 =	simm.s32 @p1 $0x1;
	p0 =	seq.s32 s7, s2  }
0x1e: {  	s7 =	smul.u32 @!p0 $0xF7A, s2;
	p2 =	seq.s32 @!p0 s5, $0x0  }
0x1f: {  	s9 =	smul.u32 $0xF7A, s1;
	s8 =	simm.s32 @!p0 $0x1BF5;
	p2 =	por !p2, p0  }
0x20: {  	[sflag:s8] =	ssyncset.s32 @!p0 $0xFFFFF086;
	s6 =	sadd.s32 @!p0 s3, s7;
	s7 =	simm.s32 @!p0 $0x108  }
0x21: {  	s3 =	sadd.s32 s3, s9;
	s6 =	sadd.s32 @!p0 $0x88, s6;
	s7 =	simm.s32 @p2 $0x1082  }
0x22: {  	[simem:s7], [sflag:s8] =	dma.local @!p0 [hbm:s6], $0xF7A  }
0x23: {  	s9 =	sor.u32 $0xD0000000, s2;
	s6 =	simm.s32 $0x108;
	_ =	swait.ge @!p0 [sflag:s8], $0x0  }
0x24: {  	s3 =	sadd.s32 $0x88, s3;
	s6 =	simm.s32 @!p1 $0x1082;
	[sflag:s4] =	ssyncset.s32 $0xFFFFF086  }
0x25: {  	[simem:s6], [sflag:s4] =	dma.local [hbm:s3], $0xF7A  }
0x26: {  	[smem:$0x3F97] =	sst s1;
	(tag) =	ssettag s2;
	_ =	strace s9  }
0x27: {  	s1 =	sld [smem:$0x3FA7]  }
0x28: {  	s2 =	sld [smem:$0x3FA8]  }
0x29: {  	s4 =	sld [smem:$0x3FAA]  }
0x2a: {  	p0 =	seq.s32 s5, $0x0;
	s5 =	sld [smem:$0x3FAB]  }
0x2b: {  	s6 =	sld [smem:$0x3FAC]  }
0x2c: {  	s7 =	sld [smem:$0x3FAD]  }
0x2d: {  	s3 =	simm.s32 $0x108;
	s8 =	sld [smem:$0x3FAE]  }
0x2e: {  	s3 =	simm.s32 @!p0 $0x1082;
	s9 =	sld [smem:$0x3FAF]  }
0x2f: {  	lr =	sadd.s32 s0, s3;
	s0 =	sld [smem:$0x3FA6]  }
0x30: {  	s3 =	sld [smem:$0x3FA9]  }
0x31: {  	[smem:$0x3FB2] =	sst s10  }
0x32: {  	s10 =	sld [smem:$0x3FB0];
	_ =	sdelay $0x3  }
0x33: {  	p0 =	seq.s32 s10, $0x1;
	s10 =	sld [smem:$0x3FB2];
	_ =	sdelay $0x3  }
0x34: {  	[smem:$0x3FB2] =	sst s10  }
0x35: {  	s10 =	sld [smem:$0x3FB1];
	_ =	sdelay $0x3  }
0x36: {  	p1 =	seq.s32 s10, $0x1;
	s10 =	sld [smem:$0x3FB2];
	_ =	sdelay $0x3  }
0x37: {  	[smem:$0x3FB2] =	sst s10  }
0x38: {  	s10 =	sld [smem:$0x3FB3]  }
0x39: {  	_ = 	snop;
	(pc) =	sbr.ind lr, $3  }
0x3a: {  	_ = 	snop  }
0x3b: {  	_ = 	snop  }
0x3c: {  	p2 =	seq.s32 s10, $0x1;
	s10 =	sld [smem:$0x3FB2]  }
0x3d: {  	_ =	shalt  }
0x3e: {  	_ =	shalt  }
0x3f: {  	_ =	shalt  }
0x40: {  	_ =	shalt  }
0x41: {  	_ =	shalt  }
0x42: {  	_ =	shalt  }
0x43: {  	_ =	shalt  }
0x44: {  	_ =	shalt  }
0x45: {  	_ =	shalt  }
0x46: {  	_ =	shalt  }
0x47: {  	_ =	shalt  }
0x48: {  	_ =	shalt  }
0x49: {  	_ =	shalt  }
0x4a: {  	_ =	shalt  }
0x4b: {  	_ =	shalt  }
0x4c: {  	_ =	shalt  }
0x4d: {  	_ =	shalt  }
0x4e: {  	_ =	shalt  }
0x4f: {  	_ =	shalt  }
0x50: {  	_ =	shalt  }
0x51: {  	_ =	shalt  }
0x52: {  	_ =	shalt  }
0x53: {  	_ =	shalt  }
0x54: {  	_ =	shalt  }
0x55: {  	_ =	shalt  }
0x56: {  	_ =	shalt  }
0x57: {  	_ =	shalt  }
0x58: {  	_ =	shalt  }
0x59: {  	_ =	shalt  }
0x5a: {  	_ =	shalt  }
0x5b: {  	_ =	shalt  }
0x5c: {  	_ =	shalt  }
0x5d: {  	_ =	shalt  }
0x5e: {  	_ =	shalt  }
0x5f: {  	_ =	shalt  }
0x60: {  	_ =	shalt  }
0x61: {  	_ =	shalt  }
0x62: {  	_ =	shalt  }
0x63: {  	_ =	shalt  }
0x64: {  	_ =	shalt  }
0x65: {  	_ =	shalt  }
0x66: {  	_ =	shalt  }
0x67: {  	_ =	shalt  }
0x68: {  	_ =	shalt  }
0x69: {  	_ =	shalt  }
0x6a: {  	_ =	shalt  }
0x6b: {  	_ =	shalt  }
0x6c: {  	_ =	shalt  }
0x6d: {  	_ =	shalt  }
0x6e: {  	_ =	shalt  }
0x6f: {  	_ =	shalt  }
0x70: {  	_ =	shalt  }
0x71: {  	_ =	shalt  }
0x72: {  	_ =	shalt  }
0x73: {  	_ =	shalt  }
0x74: {  	_ =	shalt  }
0x75: {  	_ =	shalt  }
0x76: {  	_ =	shalt  }
0x77: {  	_ =	shalt  }
0x78: {  	_ =	shalt  }
0x79: {  	_ =	shalt  }
0x7a: {  	_ =	shalt  }
0x7b: {  	_ =	shalt  }
0x7c: {  	_ =	shalt  }
0x7d: {  	_ =	shalt  }
0x7e: {  	_ =	shalt  }
0x7f: {  	_ =	shalt  }
0x80: {  	_ =	shalt  }
0x81: {  	_ =	shalt  }
0x82: {  	_ =	shalt  }
0x83: {  	_ =	shalt  }
0x84: {  	_ =	shalt  }
0x85: {  	_ =	shalt  }
0x86: {  	_ =	shalt  }
0x87: {  	_ =	shalt  }
.Lfunc_end0:
.L_simem_size_0:
called_computation.1_lowered:
.L_overlay_start_0:
0x88: {  	s2 =	sld [smem:$0x3FD9]  }
0x89: {  	s3 =	sld [smem:$0x3FFE];
	_ =	sdelay $0x1  }
0x8a: {  	s1 =	srdreg.scid  }
0x8b: {  	s0 =	sand.u32 $0x1, s1  }
0x8c: {  	s14 =	sshll.u32 s0, $0xA;
	s2 =	sadd.s32 s3, s2  }
0x8d: {  	s2 =	sadd.s32 s2, s14  }
0x8e: {  	[smem:$0x3FBE] =	sst s2  }
0x8f: {  	_ = 	snop  }
0x90: {  	s2 =	sld [smem:$0x3FC7]  }
0x91: {  	s15 =	sld [smem:$0x3FD0]  }
0x92: {  	s4 =	sld [smem:$0x3FC3]  }
0x93: {  	s5 =	sld [smem:$0x3FC2]  }
0x94: {  	s7 =	simm.s32 $0xA;
	s8 =	simm.s32 $0x10;
	s6 =	sld [smem:$0x3FC1]  }
0x95: {  	[smem:s8], [sflag:s7] =	dma.local [hbm:s15], $0x1  }
0x96: {  	_ =	swait.eq [sflag:s7], $0x1  }
0x97: {  	s16 =	sld [smem:$0x10];
	[sflag:s7] =	ssyncset.done $0x0  }
0x98: {  	s17 =	sld [smem:$0x11];
	[sflag:s7] =	ssyncadd.s32 $0xFFFFFFFF  }
0x99: {  	s18 =	sld [smem:$0x14];
	(tm) =	ssettm $0x1  }
0x9a: {  	s9 =	sld [smem:$0x3FFB];
	_ =	sdelay $0x3  }
0x9b: {  	_ =	strace s9  }
0x9c: {  	s9 =	sld [smem:$0x3FFC];
	_ =	sdelay $0x3  }
0x9d: {  	_ =	strace s9  }
0x9e: {  	s9 =	sld [smem:$0x3FFD];
	_ =	sdelay $0x3  }
0x9f: {  	_ =	strace s9  }
0xa0: {  	_ =	strace $0x8FFFFFFF  }
0xa1: {  	s19 =	sld [smem:$0x3FDB];
	_ =	sdelay $0x1  }
0xa2: {  	s10 =	simm.s32 $_scs_section_size  }
0xa3: {  	s11 =	simm.s32 $_size__tile_overlayer_lowered;
	s12 =	simm.s32 $_tile_overlayer_lowered  }
0xa4: {  	s22 =	simm.s32 $0x1BFF;
	s21 =	sshll.u32 s12, $0x1;
	s9 =	sadd.s32 s10, s19  }
0xa5: {  	s13 =	simm.s32 $0x0;
	s20 =	sshll.u32 s11, $0x1;
	s11 =	sadd.s32 s21, s9  }
0xa6: {  	[timem:s13], [sflag:s22] =	dma.local [hbm:s11], s20  }
0xa7: {  	_ =	swait.ge [sflag:s22], s20  }
0xa8: {  	s10 =	ssub.s32 $0x0, s20;
	[sflag:s22] =	ssyncset.done $0x0  }
0xa9: {  	[sflag:s22] =	ssyncadd.s32 s10;
	_ =	sdelay $0x1  }
0xaa: {  	s23 =	simm.s32 $0x1B8B  }
0xab: {  	_ =	swait.ge [sflag:s23], $0x1  }
0xac: {  	[sflag:s23] =	ssyncset.done $0x0  }
0xad: {  	s25 =	simm.s32 $0x1B8E;
	s24 =	sld [smem:$0x3FFE];
	[sflag:s23] =	ssyncadd.s32 $0xFFFFFFFF  }
0xae: {  	s26 =	simm.s32 $execute0_lowered;
	[smem:$0x3FD2] =	sst s25  }
0xaf: {  	s11 =	sshll.u32 s26, $0x1;
	_ =	strace $0x80000049;
	[dreg:$0x1] =	wrdreg $0xFFFFFFFF  }
0xb0: {  	s28 =	simm.s32 $_size_execute0_lowered;
	s9 =	sadd.s32 s9, s11;
	[dreg:$0x0] =	wrdreg $0x0  }
0xb1: {  	s11 =	sshll.u32 s28, $0x1;
	[dreg:$0x2] =	wrdreg s9  }
0xb2: {  	[dreg:$0x3] =	wrdreg s11  }
0xb3: {  	[dreg:$0x4] =	wrdreg $0xC0  }
0xb4: {  	_ =	task [dreg:s13], $0x5FFFF  }
0xb5: {  	[dreg:$0x1] =	wrdreg $0xFFFFFFFF  }
0xb6: {  	[dreg:$0x0] =	wrdreg $0x60  }
0xb7: {  	[dreg:$0x2] =	wrdreg s5  }
0xb8: {  	[dreg:$0x3] =	wrdreg s6  }
0xb9: {  	[dreg:$0x4] =	wrdreg s2  }
0xba: {  	[dreg:$0x5] =	wrdreg s4  }
0xbb: {  	[dreg:$0x6] =	wrdreg s24  }
0xbc: {  	[dreg:$0x7] =	wrdreg s16  }
0xbd: {  	[dreg:$0x8] =	wrdreg s17  }
0xbe: {  	[dreg:$0x9] =	wrdreg s18  }
0xbf: {  	[dreg:$0xa] =	wrdreg $0x9  }
0xc0: {  	_ =	task.clear_ibuf [dreg:s13], $0xBFFFF;
	_ =	strace $0x90000049  }
0xc1: {  	s29 =	simm.s32 $0x9;
	_ =	strace $0x8000004B  }
0xc2: {  	_ =	swait.ge [sflag:s29], $0x1  }
0xc3: {  	[sflag:s29] =	ssyncadd.s32 $0xFFFFFFFF  }
0xc4: {  	_ =	strace $0x9000004B  }
0xc5: {  	_ =	sfence  }
0xc6: {  	s30 =	sld [smem:$0x0];
	_ =	sdelay $0x2  }
0xc7: {  	s31 =	sshll.u32 s1, $0xD;
	s1 =	sshrl.u32 s1, $0x2  }
0xc8: {  	s3 =	sand.u32 $0x4000, s31;
	s1 =	sadd.s32 s1, s30  }
0xc9: {  	s0 =	sor.u32 s3, s0;
	s1 =	sshll.u32 s1, $0x11  }
0xca: {  	s0 =	sor.u32 s1, s0  }
0xcb: {  	s0 =	sadd.s32 $0x8F2B, s0  }
0xcc: {  	[sflag:s0] =	ssyncadd.remote.s32 $0x1  }
0xcd: {  	_ =	sfence.sel $0xFFFF  }
0xce: {  	[dreg:$0x0] =	wrdreg $0xFFFFFFFF;
	(pc) =	sbr.abs _section_cstart, $3  }
0xcf: {  	[dreg:$0x1] =	wrdreg $0xFFFFFFFF  }
0xd0: {  	_ =	task.clear_ibuf [dreg:s13], $0x2FFFF;
	_ =	strace $0x9FFFFFFF  }
0xd1: {  	(tm) =	ssettm $0x7FFFFFFF  }
tec
execute0_lowered:
.L_overlay_start_1:
0x0: {  	(tag) =	ssettag $0x1  }
0x1: {  	s4 =	rddreg [dreg:$0x0]  }
0x2: {  	s7 =	rddreg [dreg:$0x1]  }
0x3: {  	s12 =	rddreg [dreg:$0x2]  }
0x4: {  	s13 =	rddreg [dreg:$0x3]  }
0x5: {  	s0 =	rddreg [dreg:$0x4]  }
0x6: {  	s5 =	rddreg [dreg:$0x5]  }
0x7: {  	s6 =	rddreg [dreg:$0x6]  }
0x8: {  	s8 =	rddreg [dreg:$0x7];
	s9 =	simm.s32 $0x0;
	s1 =	srdreg.scid  }
0x9: {  	s2 =	stileid.u32;
	s29 =	simm.s32 $0x1;
	[smem:$0x7FF] =	sst s9  }
0xa: {  	s1 =	sand.u32 $0x1, s1;
	s2 =	sshll.u32 s2, $0x1;
	s10 =	sadd.s32 $0x2400, s0  }
0xb: {  	s22 =	sadd.s32 $0x33200, s0;
	s0 =	sadd.s32 $0x34C00, s0;
	s11 =	sor.u32 s1, s2  }
0xc: {  	_ =	strace $0x8000004A;
	[dreg:$0x9] =	wrdreg s22;
	s23 =	smul.u32 $0xC8, s11  }
0xd: {  	s1 =	ssub.s32 $0x2, s1;
	[dreg:$0xa] =	wrdreg s0;
	s22 =	simm.s32 $0xC400  }
0xe: {  	s24 =	sshrl.u32 s1, $0x1;
	s3 =	ssub.s32 $0x407, s11;
	s25 =	sadd.s32 s4, s23  }
0xf: {  	s0 =	ssub.s32 s1, s24;
	s26 =	sadd.s32 s7, s23;
	[dreg:$0xb] =	wrdreg s25  }
.Ltmp0:
0x10: {  	s28 =	sadd.s32 s12, s23;
	[dreg:$0xc] =	wrdreg s26;
	(pc) =	sbr.rel .LBB2_1-.Ltmp0, $4  }
0x11: {  	s14 =	sshrl.u32 s3, $0x5;
	s30 =	sadd.s32 s13, s23;
	[dreg:$0xd] =	wrdreg s28  }
0x12: {  	s24 =	smov.u32 s12;
	s31 =	sadd.s32 s10, s23;
	[dreg:$0xe] =	wrdreg s30  }
0x13: {  	s1 =	simm.s32 $0x0;
	s0 =	smax.u32 s0, $0x1;
	[dreg:$0xf] =	wrdreg s31  }
0x14: {  	s7 =	simm.s32 $0x2;
	s25 =	smov.u32 s13;
	[dreg:$0x10] =	wrdreg s0  }
.LBB2_15:
0x15: {  	_ =	swait.ge [sflag:s7], $0x640  }
0x16: {  	[sflag:s7] =	ssyncset.done $0x0  }
0x17: {  	[sflag:s7] =	ssyncadd.s32 $0xFFFFF9C0  }
0x18: {  	_ =	swait.ge [sflag:s7], $0x640  }
0x19: {  	[sflag:s7] =	ssyncset.done $0x0  }
0x1a: {  	[sflag:s7] =	ssyncadd.s32 $0xFFFFF9C0  }
0x1b: {  	_ =	swait.ge [sflag:s7], $0x640  }
0x1c: {  	s1 =	rddreg [dreg:$0x11]  }
0x1d: {  	s0 =	rddreg [dreg:$0x10];
	s1 =	sadd.s32 $0x1, s1  }
0x1e: {  	p0 =	sne.s32 s1, s0  }
.Ltmp1:
0x1f: {  	_ = 	snop;
	(pc) =	sbr.rel @!p0 .LBB2_16-.Ltmp1, $3  }
0x20: {  	_ =	sdelay $0x1  }
0x21: {  	[sflag:s7] =	ssyncset.done $0x0  }
0x22: {  	[sflag:s7] =	ssyncadd.s32 $0xFFFFF9C0  }
.LBB2_1:
0x23: {  	[dreg:$0x11] =	wrdreg s1  }
0x24: {  	s0 =	rddreg [dreg:$0x9];
	s13 =	simm.s32 $0x3  }
0x25: {  	[tilespmem:s9], [sflag:$0x3] =	stream.linear.gather [hbm4b:s0+s9], $0xC400, $0x38;
	[tilespmem:$0x1F000] =	vst v63  }
0x26: {  	_ =	swait.ge [sflag:s13], $0xC400  }
0x27: {  	[sflag:s13] =	ssyncset.done $0x0  }
0x28: {  	s15 =	rddreg [dreg:$0xa];
	[sflag:s13] =	ssyncadd.s32 $0xFFFF3C00  }
0x29: {  	[tilespmem:s22], [sflag:$0x3] =	stream.linear.gather [hbm4b:s15+s9], $0xC400, $0x38;
	[tilespmem:$0x1F000] =	vst v63  }
0x2a: {  	_ =	swait.ge [sflag:s13], $0xC400  }
0x2b: {  	[sflag:s13] =	ssyncset.done $0x0  }
0x2c: {  	s17 =	simm.s32 $0x18800;
	s16 =	rddreg [dreg:$0xb];
	[sflag:s13] =	ssyncadd.s32 $0xFFFF3C00  }
0x2d: {  	[tilespmem:s17], [sflag:$0x1] =	stream.linear.gather [hbm4b:s16+s9], $0x640, $0x38;
	[tilespmem:$0x1F000] =	vst v63  }
0x2e: {  	s19 =	simm.s32 $0x18E80;
	s18 =	rddreg [dreg:$0xc]  }
0x2f: {  	[tilespmem:s19], [sflag:$0x1] =	stream.linear.gather [hbm4b:s18+s9], $0x640, $0x38;
	[tilespmem:$0x1F000] =	vst v63  }
0x30: {  	s21 =	simm.s32 $0x19500;
	s20 =	rddreg [dreg:$0xd]  }
0x31: {  	[tilespmem:s21], [sflag:$0x1] =	stream.linear.gather [hbm4b:s20+s9], $0x640, $0x38;
	[tilespmem:$0x1F000] =	vst v63  }
.Ltmp2:
0x32: {  	_ = 	snop;
	(pc) =	sbr.rel .LBB2_2-.Ltmp2, $4  }
0x33: {  	s26 =	simm.s32 $0x19B80;
	s23 =	rddreg [dreg:$0xe]  }
0x34: {  	[tilespmem:s26], [sflag:$0x1] =	stream.linear.gather [hbm4b:s23+s9], $0x640, $0x38;
	[tilespmem:$0x1F000] =	vst v63  }
0x35: {  	s31 =	simm.s32 $0x1A200;
	s28 =	simm.s32 $0x0;
	s30 =	rddreg [dreg:$0xf]  }
0x36: {  	[tilespmem:s31], [sflag:$0x1] =	stream.linear.gather [hbm4b:s30+s9], $0x640, $0x38;
	[tilespmem:$0x1F000] =	vst v63  }
.LBB2_13:
0x37: {  	s1 =	sshll.u32 s1, $0x5  }
0x38: {  	s1 =	sor.u32 s11, s1  }
0x39: {  	s1 =	smul.u32 $0xC8, s1  }
0x3a: {  	s13 =	rddreg [dreg:$0x0]  }
0x3b: {  	s26 =	rddreg [dreg:$0x1];
	s13 =	sadd.s32 s13, s1  }
0x3c: {  	[tilespmem:s12], [sflag:$0x1] =	stream.linear.gather [hbm4b:s13+s9], $0x640, $0x38;
	[tilespmem:$0x1F000] =	vst v63  }
0x3d: {  	s12 =	sadd.s32 s26, s1  }
0x3e: {  	[tilespmem:s4], [sflag:$0x1] =	stream.linear.gather [hbm4b:s12+s9], $0x640, $0x38;
	[tilespmem:$0x1F000] =	vst v63  }
0x3f: {  	s30 =	sadd.s32 s24, s1  }
0x40: {  	[tilespmem:s3], [sflag:$0x1] =	stream.linear.gather [hbm4b:s30+s9], $0x640, $0x38;
	[tilespmem:$0x1F000] =	vst v63  }
0x41: {  	s31 =	sadd.s32 s25, s1  }
0x42: {  	[tilespmem:s2], [sflag:$0x1] =	stream.linear.gather [hbm4b:s31+s9], $0x640, $0x38;
	[tilespmem:$0x1F000] =	vst v63  }
0x43: {  	s1 =	sadd.s32 s10, s1  }
0x44: {  	[tilespmem:s0], [sflag:$0x1] =	stream.linear.gather [hbm4b:s1+s9], $0x640, $0x38;
	[tilespmem:$0x1F000] =	vst v63  }
.LBB2_14:
0x45: {  	s28 =	sadd.s32 $0x1, s28  }
0x46: {  	p0 =	sne.s32 s28, s14  }
.Ltmp3:
0x47: {  	_ = 	snop;
	(pc) =	sbr.rel @!p0 .LBB2_15-.Ltmp3, $1  }
0x48: {  	_ =	sdelay $0x3  }
.LBB2_2:
0x49: {  	_ =	swait.ge [sflag:s29], $0x640  }
0x4a: {  	[sflag:s29] =	ssyncset.done $0x0  }
0x4b: {  	[sflag:s29] =	ssyncadd.s32 $0xFFFFF9C0  }
0x4c: {  	_ =	swait.ge [sflag:s29], $0x640  }
0x4d: {  	[sflag:s29] =	ssyncset.done $0x0  }
0x4e: {  	[sflag:s29] =	ssyncadd.s32 $0xFFFFF9C0  }
0x4f: {  	_ =	swait.ge [sflag:s29], $0x640  }
0x50: {  	[sflag:s29] =	ssyncset.done $0x0  }
0x51: {  	s0 =	sand.u32 $0x1, s28;
	[sflag:s29] =	ssyncadd.s32 $0xFFFFF9C0  }
0x52: {  	p0 =	seq.s32 s0, $0x1;
	_ =	swait.ge [sflag:s29], $0x640  }
.Ltmp4:
0x53: {  	[sflag:s29] =	ssyncset.done $0x0;
	(pc) =	sbr.rel @p0 .LBB2_3-.Ltmp4, $4  }
0x54: {  	[sflag:s29] =	ssyncadd.s32 $0xFFFFF9C0  }
0x55: {  	_ =	swait.ge [sflag:s29], $0x640  }
0x56: {  	[sflag:s29] =	ssyncset.done $0x0  }
0x57: {  	s12 =	simm.s32 $0xFFFFFF80;
	[sflag:s29] =	ssyncadd.s32 $0xFFFFF9C0  }
0x58: {  	s13 =	simm.s32 $0x18840;
	s15 =	simm.s32 $0x18EC0  }
0x59: {  	s16 =	simm.s32 $0x19BC0;
	s17 =	simm.s32 $0x19540;
	s18 =	simm.s32 $0x1A240  }
0x5a: {  	s19 =	simm.s32 $0x1A8C0;
	s20 =	simm.s32 $0x1AF40;
	s21 =	simm.s32 $0x1B5C0  }
.LBB2_9:
0x5b: {  	v2 =	vld [tilespmem:s13+$0xFFFFFFC0]  }
0x5c: {  	v3 =	vld [tilespmem:s15+$0xFFFFFFC0];
	_ =	sdelay $0x6  }
0x5d: {  	v1 =	vld.idx.msk [tilespmem:v2+s22+$0x0], $0xffff  }
0x5e: {  	v0 =	vld.idx.msk [tilespmem:v3+s22+$0x0], $0xffff;
	_ =	sdelay $0x4  }
0x5f: {  	v4 =	vshll.u32 v1, $0x10;
	v5 =	vshll.u32 v0, $0x10  }
0x60: {  	v4 =	vadd.f32 v5, v4;
	_ =	sdelay $0x1  }
0x61: {  	v5 =	vmul.f32 $5.000000000e-01, v4;
	_ =	sdelay $0x1  }
0x62: {  	v4 =	vshra.s32 v5, $0x1;
	v6 =	vmul.f32 $5.000000000e-01, v5  }
0x63: {  	v4 =	vsub.s32 $0x5F3759DF, v4  }
0x64: {  	v7 =	vmul.f32 v4, v6  }
0x65: {  	v9 =	vld [tilespmem:s15+$0xFFFFFFD0]  }
0x66: {  	v8 =	vld [tilespmem:s13+$0xFFFFFFD0];
	v7 =	vmul.f32 v4, v7;
	_ =	sdelay $0x1  }
0x67: {  	v7 =	vsub.f32 $1.500000000e+00, v7;
	_ =	sdelay $0x1  }
0x68: {  	v7 =	vmul.f32 v4, v7  }
0x69: {  	v10 =	vld [tilespmem:s16+$0xFFFFFFC0]  }
0x6a: {  	v4 =	vmul.f32 v7, v6  }
0x6b: {  	v6 =	vld.idx.msk [tilespmem:v9+s22+$0x0], $0xffff  }
0x6c: {  	v33 =	vmul.f32 v4, v7;
	v4 =	vld.idx.msk [tilespmem:v8+s22+$0x0], $0xffff;
	_ =	sdelay $0x1  }
0x6d: {  	(erf) = vrcp.f32 v10;
	v2 =	vld.idx.msk [tilespmem:v2+s9+$0x0], $0xffff  }
0x6e: {  	v3 =	vld.idx.msk [tilespmem:v3+s9+$0x0], $0xffff  }
0x6f: {  	v10 =	vsub.f32 $1.500000000e+00, v33  }
0x70: {  	v11 =	vshll.u32 v6, $0x10;
	v34 =	vshll.u32 v4, $0x10  }
0x71: {  	v7 =	vmul.f32 v10, v7;
	v10 =	vadd.f32 v11, v34;
	_ =	sdelay $0x1  }
0x72: {  	v35 =	vsub.f32 v2, v3;
	v2 =	vor.u32 v2, v3;
	v10 =	vmul.f32 $5.000000000e-01, v10  }
0x73: {  	v2 =	vand.u32 $0x1, v2;
	v7 =	vmul.f32 v7, v5  }
0x74: {  	vm1 =	veq.s32 v2, $0x0;
	v37 =	vshra.s32 v10, $0x1;
	v16 =	vmul.f32 $5.000000000e-01, v10  }
0x75: {  	v36 =	vpop (erf);
	v12 =	vshra.s32 v7, $0x1;
	v13 =	vmul.f32 $5.000000000e-01, v7;
	v2 =	vsub.s32 $0x5F3759DF, v37  }
0x76: {  	v14 =	vmul.f32 v36, v35;
	v12 =	vsub.s32 $0x5F3759DF, v12;
	v18 =	vmul.f32 v2, v16  }
0x77: {  	v15 =	vmul.f32 v12, v13  }
0x78: {  	v14 =	vnsel vm1, $0x0, v14;
	v18 =	vmul.f32 v2, v18  }
0x79: {  	v17 =	vand.u32 $0x7FFFFFFF, v14;
	v15 =	vmul.f32 v12, v15  }
0x7a: {  	v19 =	vshrl.u32 v17, $0x1;
	v17 =	vmul.f32 $5.000000000e-01, v17;
	v18 =	vsub.f32 $1.500000000e+00, v18  }
0x7b: {  	v19 =	vsub.s32 $0x5F3759DF, v19;
	v15 =	vsub.f32 $1.500000000e+00, v15  }
0x7c: {  	v38 =	vld [tilespmem:s16+$0xFFFFFFD0];
	v20 =	vmul.f32 v19, v17;
	v2 =	vmul.f32 v2, v18  }
0x7d: {  	v12 =	vmul.f32 v12, v15  }
0x7e: {  	v48 =	vld [tilespmem:s17+$0xFFFFFFC0];
	v20 =	vmul.f32 v19, v20;
	v16 =	vmul.f32 v2, v16  }
0x7f: {  	v9 =	vld.idx.msk [tilespmem:v9+s9+$0x0], $0xffff;
	v13 =	vmul.f32 v12, v13  }
0x80: {  	v39 =	vsub.f32 $1.500000000e+00, v20;
	v8 =	vld.idx.msk [tilespmem:v8+s9+$0x0], $0xffff;
	v40 =	vmul.f32 v16, v2  }
0x81: {  	v44 =	vld [tilespmem:s13+$0xFFFFFFE0];
	(erf) = vrcp.f32 v38;
	v13 =	vmul.f32 v13, v12  }
0x82: {  	v18 =	vmul.f32 v19, v39;
	v42 =	vsub.f32 $1.500000000e+00, v40  }
0x83: {  	v55 =	vmul.f32 v48, v48;
	v13 =	vsub.f32 $1.500000000e+00, v13  }
0x84: {  	v45 =	vld [tilespmem:s15+$0xFFFFFFE0];
	v41 =	vmul.f32 v18, v17;
	v2 =	vmul.f32 v42, v2  }
0x85: {  	v1 =	vand.u32 $0xFFFF0000, v1;
	v50 =	vsub.f32 v8, v9;
	v12 =	vmul.f32 v13, v12  }
0x86: {  	v24 =	vld [tilespmem:s18+$0xFFFFFFC0];
	v8 =	vor.u32 v8, v9;
	v43 =	vmul.f32 v41, v18;
	v47 =	vmul.f32 v2, v10  }
0x87: {  	v0 =	vand.u32 $0xFFFF0000, v0;
	v8 =	vand.u32 $0x1, v8;
	v7 =	vmul.f32 v12, v7  }
0x88: {  	v46 =	vsub.f32 $1.500000000e+00, v43;
	v51 =	vshra.s32 v47, $0x1;
	v52 =	vmul.f32 $5.000000000e-01, v47  }
0x89: {  	vm0 =	veq.s32 v8, $0x0;
	v8 =	vld.idx.msk [tilespmem:v44+s22+$0x0], $0xffff;
	v5 =	vmul.f32 v7, v5;
	v54 =	vsub.s32 $0x5F3759DF, v51  }
0x8a: {  	v0 =	vadd.f32 v0, v1;
	v49 =	vmul.f32 v46, v18;
	v18 =	vpop (erf);
	v9 =	vmul.f32 v54, v52  }
0x8b: {  	v24 =	vsub.f32 v35, v24;
	v53 =	vmul.f32 v18, v50;
	v5 =	vmul.f32 $-9.999999770e-03, v5  }
0x8c: {  	v0 =	vmul.f32 $5.000000000e-01, v0;
	v22 =	vmul.f32 v54, v9;
	v9 =	vld.idx.msk [tilespmem:v45+s22+$0x0], $0xffff  }
0x8d: {  	v24 =	vmul.f32 v24, v36;
	v2 =	vmul.f32 v5, v49;
	v5 =	vnsel vm0, $0x0, v53  }
0x8e: {  	v59 =	vshll.u32 v8, $0x10;
	v19 =	vmul.f32 v55, v48;
	v21 =	vand.u32 $0x7FFFFFFF, v5  }
0x8f: {  	v56 =	vshrl.u32 v21, $0x1;
	v21 =	vmul.f32 $5.000000000e-01, v21;
	v57 =	vsub.f32 $1.500000000e+00, v22  }
0x90: {  	v15 =	vmul.f32 $5.000000100e-25, v48;
	v19 =	vmul.f32 $-1.000000010e-01, v19;
	v25 =	vsub.s32 $0x5F3759DF, v56  }
0x91: {  	v58 =	vmul.f32 v25, v21;
	v20 =	vmul.f32 v54, v57;
	v27 =	vshll.u32 v9, $0x10  }
0x92: {  	v19 =	vmul.f32 v19, v14;
	v23 =	vmul.f32 v2, v14;
	v27 =	vadd.f32 v27, v59  }
0x93: {  	v0 =	vmax.f32 v0, $0.0e+00;
	v22 =	vmul.f32 v25, v58;
	v13 =	vmul.f32 v20, v52  }
0x94: {  	v24 =	vnsel vm1, $0x0, v24;
	v3 =	vmul.f32 v19, v14;
	v11 =	vmul.f32 $5.000000000e-01, v27  }
0x95: {  	v32 =	vld [tilespmem:s16+$0xFFFFFFE0];
	v26 =	vadd.f32 v23, v23;
	v22 =	vsub.f32 $1.500000000e+00, v22;
	v13 =	vmul.f32 v13, v20  }
0x96: {  	v23 =	vmul.f32 v23, v24;
	v60 =	vshra.s32 v11, $0x1;
	v61 =	vmul.f32 $5.000000000e-01, v11  }
0x97: {  	v22 =	vmul.f32 v25, v22;
	v13 =	vsub.f32 $1.500000000e+00, v13;
	v63 =	vsub.s32 $0x5F3759DF, v60  }
0x98: {  	v40 =	vmul.f32 v0, v0;
	vm2 =	vgt.f32 v23, $0.0e+00;
	v23 =	vld [tilespmem:s15+$0xFFFFFFF0];
	v29 =	vmul.f32 v63, v61  }
0x99: {  	v62 =	vmul.f32 v22, v21;
	v13 =	vmul.f32 v13, v20;
	v20 =	vld [tilespmem:s13+$0xFFFFFFF0]  }
0x9a: {  	(erf) = vrcp.f32 v32;
	v30 =	vmul.f32 v63, v29  }
0x9b: {  	v36 =	vld [tilespmem:s18+$0xFFFFFFD0];
	v6 =	vand.u32 $0xFFFF0000, v6;
	v2 =	vmul.f32 v26, v14;
	v14 =	vmul.f32 v62, v22  }
0x9c: {  	v39 =	vld.idx.msk [tilespmem:v44+s9+$0x0], $0xffff;
	v46 =	vand.u32 $0xFFFF0000, v4;
	v7 =	vmul.f32 v13, v47;
	v13 =	vsub.f32 $1.500000000e+00, v30  }
0x9d: {  	v0 =	vmul.f32 v40, v0;
	v6 =	vadd.f32 v6, v46;
	v59 =	vld [tilespmem:s16+$0xFFFFFFF0];
	v14 =	vsub.f32 $1.500000000e+00, v14  }
0x9e: {  	vm7 =	vgt.f32 v48, $0.0e+00;
	v25 =	vld [tilespmem:s17+$0xFFFFFFD0];
	v7 =	vmul.f32 v7, v10;
	v35 =	vmul.f32 v63, v13  }
0x9f: {  	v31 =	vadd.f32 $2.000000000e+00, v19;
	v43 =	vld.idx.msk [tilespmem:v45+s9+$0x0], $0xffff;
	v6 =	vmul.f32 $5.000000000e-01, v6;
	v33 =	vmul.f32 v14, v22  }
0xa0: {  	v3 =	vand.u32 $0x7FFFFFFF, v3;
	v7 =	vmul.f32 $-9.999999770e-03, v7;
	v13 =	vld.idx.msk [tilespmem:v23+s22+$0x0], $0xffff;
	v37 =	vmul.f32 v35, v61  }
0xa1: {  	v0 =	vmul.f32 v0, v15;
	v6 =	vmax.f32 v6, $0.0e+00;
	vm1 =	vmor vm7, vm2;
	v12 =	vld.idx.msk [tilespmem:v20+s22+$0x0], $0xffff  }
0xa2: {  	v34 =	vsel vm1, v31, v19;
	v1 =	vmul.f32 v7, v33;
	v7 =	vmul.f32 v37, v35  }
0xa3: {  	v19 =	vpop (erf);
	v2 =	vand.u32 $0x7FFFFFFF, v2;
	(erf) = vrcp.f32 v59;
	v38 =	vmul.f32 v25, v25  }
0xa4: {  	v47 =	vsub.f32 v50, v36;
	v50 =	vor.u32 v39, v43;
	v7 =	vsub.f32 $1.500000000e+00, v7  }
0xa5: {  	v36 =	vmul.f32 $5.000000100e-25, v25;
	v42 =	vmul.f32 v38, v25;
	v22 =	vsub.f32 v39, v43  }
0xa6: {  	v49 =	vshll.u32 v13, $0x10;
	v48 =	vshll.u32 v12, $0x10;
	v7 =	vmul.f32 v7, v35  }
0xa7: {  	v14 =	vmul.f32 $-3.165000080e-01, v34;
	v16 =	vmul.f32 v47, v18;
	v51 =	vadd.f32 v49, v48  }
0xa8: {  	v52 =	vand.u32 $0x1, v50;
	v55 =	vmul.f32 v19, v22;
	v7 =	vmul.f32 v7, v11  }
0xa9: {  	vm8 =	veq.s32 v52, $0x0;
	v34 =	vmul.f32 v6, v6;
	v10 =	vmul.f32 $5.000000000e-01, v51  }
0xaa: {  	v18 =	vnsel vm8, $0x0, v55;
	v53 =	vshra.s32 v7, $0x1;
	v54 =	vmul.f32 $5.000000000e-01, v7  }
0xab: {  	v57 =	vshra.s32 v10, $0x1;
	v28 =	vmul.f32 $5.000000000e-01, v10;
	v21 =	vsub.s32 $0x5F3759DF, v53  }
0xac: {  	v29 =	vand.u32 $0x7FFFFFFF, v18;
	v27 =	vsub.s32 $0x5F3759DF, v57;
	v56 =	vmul.f32 v21, v54  }
0xad: {  	v30 =	vshrl.u32 v29, $0x1;
	v29 =	vmul.f32 $5.000000000e-01, v29;
	v31 =	vmul.f32 v27, v28  }
0xae: {  	v6 =	vmul.f32 v34, v6;
	v30 =	vsub.s32 $0x5F3759DF, v30;
	v17 =	vmul.f32 v21, v56  }
0xaf: {  	v2 =	vadd.f32 v2, v3;
	v32 =	vmul.f32 v30, v29;
	v31 =	vmul.f32 v27, v31  }
0xb0: {  	v44 =	vmul.f32 $-1.000000010e-01, v42;
	v6 =	vmul.f32 v6, v36;
	v17 =	vsub.f32 $1.500000000e+00, v17  }
0xb1: {  	v41 =	vmul.f32 v1, v5;
	v58 =	vmul.f32 v30, v32;
	v31 =	vsub.f32 $1.500000000e+00, v31  }
0xb2: {  	v16 =	vnsel vm0, $0x0, v16;
	v1 =	vmul.f32 v14, v24;
	v17 =	vmul.f32 v21, v17  }
0xb3: {  	v14 =	vmul.f32 v44, v5;
	v21 =	vsub.f32 $1.500000000e+00, v58;
	v62 =	vmul.f32 v27, v31  }
0xb4: {  	v44 =	vld [tilespmem:s18+$0xFFFFFFE0];
	v45 =	vadd.f32 v41, v41;
	v26 =	vmul.f32 v41, v16;
	v60 =	vmul.f32 v17, v54  }
0xb5: {  	v59 =	vand.u32 $0xFFFF0000, v9;
	v21 =	vmul.f32 v30, v21;
	v63 =	vmul.f32 v62, v28;
	v28 =	vld [tilespmem:s13+$0x0]  }
0xb6: {  	vm9 =	vgt.f32 v25, $0.0e+00;
	v4 =	vmul.f32 v45, v5;
	v15 =	vmul.f32 v60, v17  }
0xb7: {  	v20 =	vld.idx.msk [tilespmem:v20+s9+$0x0], $0xffff;
	v61 =	vadd.f32 $2.000000000e+00, v14;
	v5 =	vmul.f32 v14, v5;
	v33 =	vmul.f32 v21, v29  }
0xb8: {  	vm10 =	vgt.f32 v26, $0.0e+00;
	v24 =	vmul.f32 v63, v62;
	v29 =	vld [tilespmem:s15+$0x0];
	v15 =	vsub.f32 $1.500000000e+00, v15  }
0xb9: {  	v35 =	vld.idx.msk [tilespmem:v23+s9+$0x0], $0xffff;
	vm0 =	vmor vm9, vm10;
	v22 =	vsub.f32 v22, v44;
	v37 =	vmul.f32 v33, v21  }
0xba: {  	v14 =	vsel vm0, v61, v14;
	v27 =	vld [tilespmem:s17+$0xFFFFFFE0];
	v24 =	vsub.f32 $1.500000000e+00, v24;
	v15 =	vmul.f32 v15, v17  }
0xbb: {  	v14 =	vmul.f32 $-3.165000080e-01, v14;
	v57 =	vmul.f32 v22, v19;
	v38 =	vsub.f32 $1.500000000e+00, v37  }
0xbc: {  	v48 =	vand.u32 $0xFFFF0000, v8;
	v39 =	vmul.f32 v24, v62;
	v15 =	vmul.f32 v15, v7  }
0xbd: {  	v22 =	vadd.f32 v59, v48;
	v7 =	vmul.f32 v14, v16;
	v14 =	vmul.f32 v38, v21;
	v21 =	vld.idx.msk [tilespmem:v28+s22+$0x0], $0xffff  }
0xbe: {  	v23 =	vsub.f32 v20, v35;
	v17 =	vor.u32 v20, v35;
	v40 =	vmul.f32 v39, v10;
	v38 =	vld [tilespmem:s16+$0x0]  }
0xbf: {  	v22 =	vmul.f32 $5.000000000e-01, v22;
	v41 =	vmul.f32 v27, v27;
	v17 =	vand.u32 $0x1, v17  }
0xc0: {  	v24 =	vpop (erf);
	v11 =	vmul.f32 v15, v11;
	v42 =	vshra.s32 v40, $0x1;
	v43 =	vmul.f32 $5.000000000e-01, v40;
	v20 =	vld.idx.msk [tilespmem:v29+s22+$0x0], $0xffff  }
0xc1: {  	v16 =	vmul.f32 v41, v27;
	v45 =	vmul.f32 v24, v23;
	v46 =	vsub.s32 $0x5F3759DF, v42  }
0xc2: {  	vm11 =	veq.s32 v17, $0x0;
	v11 =	vmul.f32 $-9.999999770e-03, v11;
	v47 =	vmul.f32 v46, v43  }
0xc3: {  	v50 =	vmul.f32 $-1.000000010e-01, v16;
	v34 =	vshll.u32 v21, $0x10;
	(erf) = vrcp.f32 v38  }
0xc4: {  	v49 =	vmul.f32 v11, v14;
	v14 =	vnsel vm11, $0x0, v45;
	v17 =	vmul.f32 v46, v47  }
0xc5: {  	v11 =	vmul.f32 v50, v18;
	v51 =	vand.u32 $0x7FFFFFFF, v14;
	v35 =	vshll.u32 v20, $0x10  }
0xc6: {  	v52 =	vmul.f32 v49, v18;
	v53 =	vshrl.u32 v51, $0x1;
	v16 =	vmul.f32 $5.000000000e-01, v51  }
0xc7: {  	v54 =	vsub.f32 $1.500000000e+00, v17;
	v58 =	vadd.f32 v35, v34;
	v33 =	vsub.s32 $0x5F3759DF, v53  }
0xc8: {  	vm12 =	vgt.f32 v27, $0.0e+00;
	v9 =	vmul.f32 v11, v18;
	v56 =	vmul.f32 v33, v16  }
0xc9: {  	v17 =	vnsel vm8, $0x0, v57;
	v31 =	vmul.f32 v46, v54;
	v19 =	vmul.f32 $5.000000000e-01, v58  }
0xca: {  	v37 =	vadd.f32 $2.000000000e+00, v11;
	v61 =	vmul.f32 v52, v17;
	v26 =	vmul.f32 v33, v56  }
0xcb: {  	v25 =	vmul.f32 v31, v43;
	v62 =	vshra.s32 v19, $0x1;
	v63 =	vmul.f32 $5.000000000e-01, v19  }
0xcc: {  	v47 =	vld.idx.msk [tilespmem:v29+s9+$0x0], $0xffff;
	v55 =	vadd.f32 v52, v52;
	v30 =	vsub.s32 $0x5F3759DF, v62;
	v60 =	vsub.f32 $1.500000000e+00, v26  }
0xcd: {  	v46 =	vld.idx.msk [tilespmem:v28+s9+$0x0], $0xffff;
	vm13 =	vgt.f32 v61, $0.0e+00;
	v25 =	vmul.f32 v25, v31;
	v36 =	vmul.f32 v30, v63  }
0xce: {  	v8 =	vmul.f32 v55, v18;
	vm1 =	vmor vm12, vm13;
	v18 =	vmul.f32 v33, v60  }
0xcf: {  	v11 =	vsel vm1, v37, v11;
	v25 =	vsub.f32 $1.500000000e+00, v25;
	v26 =	vmul.f32 v30, v36  }
0xd0: {  	v4 =	vand.u32 $0x7FFFFFFF, v4;
	v39 =	vld [tilespmem:s18+$0xFFFFFFF0];
	v11 =	vmul.f32 $-3.165000080e-01, v11;
	v16 =	vmul.f32 v18, v16  }
0xd1: {  	v27 =	vmul.f32 $5.000000100e-25, v27;
	v25 =	vmul.f32 v25, v31;
	v31 =	vld [tilespmem:s17+$0xFFFFFFF0];
	v26 =	vsub.f32 $1.500000000e+00, v26  }
0xd2: {  	v28 =	vsub.f32 v46, v47;
	v33 =	vld [tilespmem:s15+$0x10];
	v11 =	vmul.f32 v11, v17;
	v16 =	vmul.f32 v16, v18  }
0xd3: {  	v22 =	vmax.f32 v22, $0.0e+00;
	v29 =	vpop (erf);
	v15 =	vmul.f32 v25, v40;
	v26 =	vmul.f32 v30, v26;
	v30 =	vld [tilespmem:s13+$0x10]  }
0xd4: {  	v56 =	vmul.f32 v29, v28;
	v40 =	vmul.f32 v22, v22;
	v16 =	vsub.f32 $1.500000000e+00, v16  }
0xd5: {  	v5 =	vand.u32 $0x7FFFFFFF, v5;
	v10 =	vmul.f32 v15, v10;
	v34 =	vmul.f32 v26, v63  }
0xd6: {  	v43 =	vsub.f32 v23, v39;
	v41 =	vmul.f32 v31, v31;
	v16 =	vmul.f32 v16, v18  }
0xd7: {  	v50 =	vand.u32 $0xFFFF0000, v12;
	v10 =	vmul.f32 $-9.999999770e-03, v10;
	v44 =	vmul.f32 v34, v26  }
0xd8: {  	v52 =	vand.u32 $0xFFFF0000, v13;
	v18 =	vmul.f32 v43, v24;
	v42 =	vmul.f32 v41, v31  }
0xd9: {  	v15 =	vmul.f32 v40, v22;
	v22 =	vadd.f32 v52, v50;
	v10 =	vmul.f32 v10, v16  }
0xda: {  	v23 =	vsub.f32 $1.500000000e+00, v44;
	v49 =	vnsel vm11, $0x0, v18;
	v18 =	vld.idx.msk [tilespmem:v33+s22+$0x0], $0xffff;
	v16 =	vmul.f32 $-1.000000010e-01, v42  }
0xdb: {  	v4 =	vadd.f32 v4, v5;
	v22 =	vmul.f32 $5.000000000e-01, v22;
	v45 =	vmul.f32 v10, v14;
	v17 =	vld.idx.msk [tilespmem:v30+s22+$0x0], $0xffff  }
0xdc: {  	v53 =	vor.u32 v46, v47;
	v23 =	vmul.f32 v23, v26;
	v16 =	vmul.f32 v16, v14  }
0xdd: {  	v10 =	vmul.f32 v15, v27;
	v48 =	vadd.f32 v45, v45;
	v51 =	vmul.f32 v45, v49  }
0xde: {  	vm14 =	vgt.f32 v31, $0.0e+00;
	v23 =	vmul.f32 v23, v19;
	v13 =	vmul.f32 v16, v14  }
0xdf: {  	v36 =	vshll.u32 v18, $0x10;
	v38 =	vadd.f32 $2.000000000e+00, v16;
	v12 =	vmul.f32 v48, v14  }
0xe0: {  	vm15 =	vgt.f32 v51, $0.0e+00;
	v54 =	vshra.s32 v23, $0x1;
	v58 =	vshll.u32 v17, $0x10  }
0xe1: {  	v34 =	vld [tilespmem:s13+$0x20];
	v55 =	vmul.f32 $5.000000000e-01, v23;
	v14 =	vand.u32 $0x1, v53;
	v59 =	vadd.f32 v36, v58  }
0xe2: {  	v37 =	vld [tilespmem:s15+$0x20];
	v15 =	vsub.s32 $0x5F3759DF, v54;
	vm4 =	veq.s32 v14, $0x0;
	vm1 =	vmor vm14, vm15  }
0xe3: {  	v57 =	vmul.f32 v15, v55;
	v24 =	vnsel vm4, $0x0, v56;
	v25 =	vmul.f32 $5.000000000e-01, v59  }
0xe4: {  	v31 =	vmul.f32 $5.000000100e-25, v31;
	v16 =	vsel vm1, v38, v16;
	v61 =	vand.u32 $0x7FFFFFFF, v24  }
0xe5: {  	v60 =	vmul.f32 v15, v57;
	v44 =	vshra.s32 v25, $0x1;
	v39 =	vmul.f32 $5.000000000e-01, v25  }
0xe6: {  	v42 =	vld [tilespmem:s16+$0x10];
	v62 =	vshrl.u32 v61, $0x1;
	v36 =	vmul.f32 $5.000000000e-01, v61;
	v41 =	vsub.s32 $0x5F3759DF, v44  }
0xe7: {  	v63 =	vsub.s32 $0x5F3759DF, v62;
	v35 =	vsub.f32 $1.500000000e+00, v60;
	v46 =	vmul.f32 v41, v39  }
0xe8: {  	v21 =	vand.u32 $0xFFFF0000, v21;
	v45 =	vmul.f32 $-3.165000080e-01, v16;
	v40 =	vmul.f32 v63, v36  }
0xe9: {  	v22 =	vmax.f32 v22, $0.0e+00;
	v16 =	vld.idx.msk [tilespmem:v34+s22+$0x0], $0xffff;
	v35 =	vmul.f32 v15, v35;
	v26 =	vmul.f32 v41, v46  }
0xea: {  	v18 =	vand.u32 $0xFFFF0000, v18;
	v48 =	vmul.f32 v22, v22;
	v40 =	vmul.f32 v63, v40;
	v15 =	vld.idx.msk [tilespmem:v37+s22+$0x0], $0xffff  }
0xeb: {  	(erf) = vrcp.f32 v42;
	v32 =	vmul.f32 v35, v55;
	v26 =	vsub.f32 $1.500000000e+00, v26  }
0xec: {  	v17 =	vand.u32 $0xFFFF0000, v17;
	v22 =	vmul.f32 v48, v22;
	v48 =	vld [tilespmem:s18+$0x0];
	v47 =	vsub.f32 $1.500000000e+00, v40  }
0xed: {  	v17 =	vadd.f32 v18, v17;
	v32 =	vmul.f32 v32, v35;
	v26 =	vmul.f32 v41, v26  }
0xee: {  	v14 =	vmul.f32 v45, v49;
	v50 =	vshll.u32 v16, $0x10;
	v38 =	vmul.f32 v63, v47  }
0xef: {  	v51 =	vshll.u32 v15, $0x10;
	v49 =	vsub.f32 $1.500000000e+00, v32;
	v39 =	vmul.f32 v26, v39  }
0xf0: {  	v52 =	vld.idx.msk [tilespmem:v33+s9+$0x0], $0xffff;
	v17 =	vmul.f32 $5.000000000e-01, v17;
	v36 =	vmul.f32 v38, v36;
	v32 =	vadd.f32 v51, v50  }
0xf1: {  	v30 =	vld.idx.msk [tilespmem:v30+s9+$0x0], $0xffff;
	v28 =	vsub.f32 v28, v48;
	v35 =	vmul.f32 v49, v35;
	v53 =	vmul.f32 v39, v26  }
0xf2: {  	v9 =	vand.u32 $0x7FFFFFFF, v9;
	v36 =	vmul.f32 v36, v38;
	v27 =	vmul.f32 $5.000000000e-01, v32  }
0xf3: {  	v28 =	vmul.f32 v28, v29;
	v23 =	vmul.f32 v35, v23;
	v57 =	vsub.f32 $1.500000000e+00, v53  }
0xf4: {  	v54 =	vsub.f32 $1.500000000e+00, v36;
	v55 =	vshra.s32 v27, $0x1;
	v56 =	vmul.f32 $5.000000000e-01, v27  }
0xf5: {  	v58 =	vsub.s32 $0x5F3759DF, v55;
	v19 =	vmul.f32 v23, v19;
	v23 =	vmul.f32 v57, v26  }
0xf6: {  	v45 =	vld [tilespmem:s16+$0x20];
	v35 =	vmul.f32 v54, v38;
	v36 =	vmul.f32 v58, v56;
	v38 =	vsub.f32 v30, v52  }
0xf7: {  	v59 =	vor.u32 v30, v52;
	v30 =	vpop (erf);
	v19 =	vmul.f32 $-9.999999770e-03, v19;
	v32 =	vmul.f32 v23, v25  }
0xf8: {  	v8 =	vand.u32 $0x7FFFFFFF, v8;
	v26 =	vld [tilespmem:s17+$0x0];
	v36 =	vmul.f32 v58, v36;
	v60 =	vmul.f32 v30, v38  }
0xf9: {  	v35 =	vmul.f32 v19, v35;
	v61 =	vshra.s32 v32, $0x1;
	v62 =	vmul.f32 $5.000000000e-01, v32  }
0xfa: {  	v19 =	vand.u32 $0x1, v59;
	v36 =	vsub.f32 $1.500000000e+00, v36;
	v63 =	vsub.s32 $0x5F3759DF, v61  }
0xfb: {  	(erf) = vrcp.f32 v45;
	vm5 =	veq.s32 v19, $0x0;
	v43 =	vmul.f32 v63, v62  }
0xfc: {  	v34 =	vld.idx.msk [tilespmem:v34+s9+$0x0], $0xffff;
	v19 =	vmul.f32 v22, v31;
	v23 =	vnsel vm5, $0x0, v60;
	v33 =	vmul.f32 v58, v36  }
0xfd: {  	v37 =	vld.idx.msk [tilespmem:v37+s9+$0x0], $0xffff;
	v49 =	vmul.f32 v26, v26;
	v50 =	vand.u32 $0x7FFFFFFF, v23;
	v43 =	vmul.f32 v63, v43  }
0xfe: {  	v51 =	vmul.f32 v35, v24;
	v44 =	vshrl.u32 v50, $0x1;
	v42 =	vmul.f32 $5.000000000e-01, v50  }
0xff: {  	v46 =	vmul.f32 v49, v26;
	v44 =	vsub.s32 $0x5F3759DF, v44;
	v52 =	vsub.f32 $1.500000000e+00, v43  }
0x100: {  	v17 =	vmax.f32 v17, $0.0e+00;
	v41 =	vld [tilespmem:s15+$0x30];
	v39 =	vmul.f32 v33, v56;
	v47 =	vmul.f32 v44, v42  }
0x101: {  	v48 =	vand.u32 $0xFFFF0000, v20;
	v53 =	vmul.f32 $-1.000000010e-01, v46;
	v46 =	vld [tilespmem:s13+$0x30];
	v55 =	vmul.f32 v63, v52  }
0x102: {  	v36 =	vsub.f32 v34, v37;
	v34 =	vor.u32 v34, v37;
	v39 =	vmul.f32 v39, v33  }
0x103: {  	v57 =	vadd.f32 v51, v51;
	v54 =	vmul.f32 v44, v47;
	v58 =	vmul.f32 v55, v62  }
0x104: {  	vm8 =	vgt.f32 v26, $0.0e+00;
	v26 =	vmul.f32 $5.000000100e-25, v26;
	v39 =	vsub.f32 $1.500000000e+00, v39  }
0x105: {  	v22 =	vmul.f32 v57, v24;
	v47 =	vld [tilespmem:s17+$0x10];
	v56 =	vsub.f32 $1.500000000e+00, v54;
	v60 =	vmul.f32 v58, v55  }
0x106: {  	v35 =	vmul.f32 v53, v24;
	v33 =	vmul.f32 v39, v33;
	v39 =	vnsel vm4, $0x0, v28  }
0x107: {  	v37 =	vpop (erf);
	v31 =	vmul.f32 v51, v39;
	v59 =	vmul.f32 v44, v56;
	v28 =	vsub.f32 $1.500000000e+00, v60  }
0x108: {  	v51 =	vmul.f32 v37, v36;
	v24 =	vmul.f32 v35, v24;
	v44 =	vadd.f32 v48, v21;
	v21 =	vld.idx.msk [tilespmem:v41+s22+$0x0], $0xffff  }
0x109: {  	v50 =	vand.u32 $0x1, v34;
	v61 =	vmul.f32 v59, v42;
	v20 =	vld.idx.msk [tilespmem:v46+s22+$0x0], $0xffff;
	v28 =	vmul.f32 v28, v55  }
0x10a: {  	vm6 =	veq.s32 v50, $0x0;
	v33 =	vmul.f32 v33, v27;
	v50 =	vmul.f32 v47, v47  }
0x10b: {  	v53 =	vld [tilespmem:s18+$0x10];
	vm7 =	vgt.f32 v31, $0.0e+00;
	v29 =	vmul.f32 v61, v59;
	v28 =	vmul.f32 v28, v32  }
0x10c: {  	v62 =	vshra.s32 v33, $0x1;
	v63 =	vmul.f32 $5.000000000e-01, v33;
	v44 =	vmul.f32 $5.000000000e-01, v44  }
0x10d: {  	v48 =	vld [tilespmem:s16+$0x30];
	v42 =	vsub.s32 $0x5F3759DF, v62;
	v29 =	vsub.f32 $1.500000000e+00, v29;
	v28 =	vmul.f32 v28, v25  }
0x10e: {  	v49 =	vmul.f32 v42, v63;
	v55 =	vshll.u32 v21, $0x10;
	v54 =	vshll.u32 v20, $0x10  }
0x10f: {  	v29 =	vmul.f32 v29, v59;
	v40 =	vadd.f32 v55, v54;
	v28 =	vmul.f32 $-9.999999770e-03, v28  }
0x110: {  	v34 =	vsub.f32 v38, v53;
	vm1 =	vmor vm8, vm7;
	v45 =	vmul.f32 v42, v49  }
0x111: {  	v49 =	vadd.f32 $2.000000000e+00, v35;
	v29 =	vmul.f32 v28, v29;
	v28 =	vmul.f32 $5.000000000e-01, v40  }
0x112: {  	v30 =	vmul.f32 v34, v30;
	(erf) = vrcp.f32 v48;
	v52 =	vsub.f32 $1.500000000e+00, v45  }
0x113: {  	v35 =	vsel vm1, v49, v35;
	v60 =	vshra.s32 v28, $0x1;
	v61 =	vmul.f32 $5.000000000e-01, v28  }
0x114: {  	v54 =	vmul.f32 v50, v47;
	v25 =	vnsel vm6, $0x0, v51;
	v38 =	vsub.s32 $0x5F3759DF, v60  }
0x115: {  	v32 =	vmul.f32 v42, v52;
	v52 =	vld [tilespmem:s18+$0x20];
	v56 =	vand.u32 $0x7FFFFFFF, v25;
	v62 =	vmul.f32 v38, v61  }
0x116: {  	v55 =	vmul.f32 $-3.165000080e-01, v35;
	v57 =	vshrl.u32 v56, $0x1;
	v45 =	vmul.f32 $5.000000000e-01, v56  }
0x117: {  	v43 =	vmul.f32 v32, v63;
	v42 =	vsub.s32 $0x5F3759DF, v57;
	v34 =	vmul.f32 v38, v62  }
0x118: {  	v44 =	vmax.f32 v44, $0.0e+00;
	v56 =	vmul.f32 $-1.000000010e-01, v54;
	v58 =	vmul.f32 v42, v45  }
0x119: {  	v63 =	vmul.f32 v44, v44;
	v59 =	vmul.f32 v43, v32;
	v34 =	vsub.f32 $1.500000000e+00, v34  }
0x11a: {  	v35 =	vmul.f32 v56, v23;
	v36 =	vsub.f32 v36, v52;
	v31 =	vmul.f32 v42, v58  }
0x11b: {  	v56 =	vmul.f32 $5.000000100e-25, v47;
	v40 =	vsub.f32 $1.500000000e+00, v59;
	v34 =	vmul.f32 v38, v34  }
0x11c: {  	v29 =	vmul.f32 v29, v23;
	v36 =	vmul.f32 v36, v37;
	v31 =	vsub.f32 $1.500000000e+00, v31  }
0x11d: {  	vm10 =	vgt.f32 v47, $0.0e+00;
	v32 =	vmul.f32 v40, v32;
	v43 =	vmul.f32 v34, v61  }
0x11e: {  	v30 =	vnsel vm5, $0x0, v30;
	v40 =	vmul.f32 v63, v44;
	v31 =	vmul.f32 v42, v31  }
0x11f: {  	v60 =	vadd.f32 $2.000000000e+00, v35;
	v51 =	vmul.f32 v29, v30;
	v57 =	vmul.f32 v43, v34  }
0x120: {  	v58 =	vld.idx.msk [tilespmem:v46+s9+$0x0], $0xffff;
	v29 =	vadd.f32 v29, v29;
	v32 =	vmul.f32 v32, v33;
	v45 =	vmul.f32 v31, v45  }
0x121: {  	v59 =	vld.idx.msk [tilespmem:v41+s9+$0x0], $0xffff;
	v33 =	vmul.f32 v55, v39;
	v26 =	vmul.f32 v40, v26;
	v38 =	vsub.f32 $1.500000000e+00, v57  }
0x122: {  	vm9 =	vgt.f32 v51, $0.0e+00;
	v29 =	vmul.f32 v29, v23;
	v53 =	vmul.f32 v45, v31  }
0x123: {  	v23 =	vmul.f32 v35, v23;
	vm1 =	vmor vm10, vm9;
	v34 =	vmul.f32 v38, v34  }
0x124: {  	v32 =	vmul.f32 v32, v27;
	v37 =	vsel vm1, v60, v35;
	v27 =	vsub.f32 $1.500000000e+00, v53  }
0x125: {  	v16 =	vand.u32 $0xFFFF0000, v16;
	v37 =	vmul.f32 $-3.165000080e-01, v37;
	v34 =	vmul.f32 v34, v28  }
0x126: {  	v39 =	vsub.f32 v58, v59;
	v32 =	vmul.f32 $-9.999999770e-03, v32;
	v31 =	vmul.f32 v27, v31  }
0x127: {  	v53 =	vmul.f32 v17, v17;
	v62 =	vshra.s32 v34, $0x1;
	v63 =	vmul.f32 $5.000000000e-01, v34  }
0x128: {  	v31 =	vmul.f32 v32, v31;
	v32 =	vor.u32 v58, v59;
	v38 =	vpop (erf);
	v40 =	vsub.s32 $0x5F3759DF, v62  }
0x129: {  	v27 =	vld [tilespmem:s17+$0x20];
	v32 =	vand.u32 $0x1, v32;
	v45 =	vmul.f32 v38, v39;
	v46 =	vmul.f32 v40, v63  }
0x12a: {  	v5 =	vmul.f32 v37, v30;
	v17 =	vmul.f32 v53, v17;
	vm13 =	veq.s32 v32, $0x0  }
0x12b: {  	v59 =	vand.u32 $0xFFFF0000, v15;
	v32 =	vnsel vm13, $0x0, v45;
	v48 =	vmul.f32 v40, v46  }
0x12c: {  	[tilespmem:s19+$0xFFFFFFC0] =	vst v2;
	v17 =	vmul.f32 v17, v56;
	v2 =	vadd.f32 v59, v16;
	v49 =	vand.u32 $0x7FFFFFFF, v32  }
0x12d: {  	v50 =	vshrl.u32 v49, $0x1;
	v18 =	vmul.f32 $5.000000000e-01, v49;
	v42 =	vsub.f32 $1.500000000e+00, v48  }
0x12e: {  	v31 =	vmul.f32 v31, v25;
	v52 =	vmul.f32 v27, v27;
	v43 =	vsub.s32 $0x5F3759DF, v50  }
0x12f: {  	v36 =	vnsel vm6, $0x0, v36;
	v51 =	vmul.f32 v43, v18;
	v40 =	vmul.f32 v40, v42  }
0x130: {  	v8 =	vadd.f32 v8, v9;
	v2 =	vmul.f32 $5.000000000e-01, v2;
	v61 =	vmul.f32 v31, v36  }
0x131: {  	vm11 =	vgt.f32 v27, $0.0e+00;
	v3 =	vmul.f32 v43, v51;
	v41 =	vmul.f32 v40, v63  }
0x132: {  	v31 =	vadd.f32 v31, v31;
	v35 =	vmul.f32 v52, v27;
	v2 =	vmax.f32 v2, $0.0e+00  }
0x133: {  	vm12 =	vgt.f32 v61, $0.0e+00;
	v3 =	vsub.f32 $1.500000000e+00, v3;
	v41 =	vmul.f32 v41, v40  }
0x134: {  	v60 =	vmul.f32 v31, v25;
	vm1 =	vmor vm11, vm12;
	v54 =	vmul.f32 $-1.000000010e-01, v35  }
0x135: {  	v35 =	vand.u32 $0x7FFFFFFF, v13;
	v3 =	vmul.f32 v43, v3;
	v55 =	vsub.f32 $1.500000000e+00, v41  }
0x136: {  	v45 =	vand.u32 $0x7FFFFFFF, v29;
	v30 =	vmul.f32 v54, v25;
	v49 =	vand.u32 $0xFFFF0000, v20  }
0x137: {  	[tilespmem:s19+$0xFFFFFFE0] =	vst v8;
	v31 =	vld [tilespmem:s17+$0x30];
	v46 =	vand.u32 $0x7FFFFFFF, v23;
	v18 =	vmul.f32 v3, v18;
	v57 =	vmul.f32 v55, v40  }
0x138: {  	[tilespmem:s20+$0xFFFFFFE0] =	vst v11;
	v50 =	vand.u32 $0xFFFF0000, v21;
	v58 =	vadd.f32 $2.000000000e+00, v30;
	v61 =	vmul.f32 v30, v25  }
0x139: {  	[tilespmem:s21+$0xFFFFFFE0] =	vst v10;
	v10 =	vadd.f32 v50, v49;
	v63 =	vld [tilespmem:s18+$0x30];
	v18 =	vmul.f32 v18, v3;
	v9 =	vmul.f32 v57, v34  }
0x13a: {  	[tilespmem:s20+$0xFFFFFFC0] =	vst v1;
	v47 =	vadd.f32 v45, v46;
	v62 =	vsel vm1, v58, v30;
	v51 =	vmul.f32 $5.000000100e-25, v27  }
0x13b: {  	[tilespmem:s21+$0xFFFFFFC0] =	vst v0;
	v10 =	vmul.f32 $5.000000000e-01, v10;
	v18 =	vsub.f32 $1.500000000e+00, v18;
	v9 =	vmul.f32 v9, v28  }
0x13c: {  	[tilespmem:s19+$0xFFFFFFD0] =	vst v4;
	v48 =	vand.u32 $0x7FFFFFFF, v60;
	v30 =	vmul.f32 $-3.165000080e-01, v62;
	v43 =	vmul.f32 v31, v31  }
0x13d: {  	[tilespmem:s20+$0xFFFFFFD0] =	vst v7;
	v1 =	vand.u32 $0x7FFFFFFF, v61;
	v3 =	vmul.f32 v18, v3;
	v37 =	vmul.f32 $-9.999999770e-03, v9  }
0x13e: {  	[tilespmem:s21+$0xFFFFFFD0] =	vst v6;
	v42 =	vmul.f32 v2, v2;
	v0 =	vmul.f32 v30, v36;
	v41 =	vsub.f32 v39, v63  }
0x13f: {  	[tilespmem:s19+$0x10] =	vst v47;
	v1 =	vadd.f32 v48, v1;
	v7 =	vmul.f32 v43, v31;
	v3 =	vmul.f32 v37, v3  }
0x140: {  	[tilespmem:s20+$0x10] =	vst v5;
	v36 =	vand.u32 $0x7FFFFFFF, v22;
	v2 =	vmul.f32 v42, v2;
	v44 =	vmul.f32 v41, v38  }
0x141: {  	[tilespmem:s21+$0x10] =	vst v17;
	v7 =	vmul.f32 $-1.000000010e-01, v7;
	v40 =	vand.u32 $0x7FFFFFFF, v24;
	v3 =	vmul.f32 v3, v32  }
0x142: {  	[tilespmem:s19+$0x20] =	vst v1;
	v2 =	vmul.f32 v2, v51;
	v6 =	vadd.f32 v36, v40;
	v8 =	vnsel vm13, $0x0, v44  }
0x143: {  	[tilespmem:s20+$0x20] =	vst v0;
	v7 =	vmul.f32 v7, v32;
	v52 =	vadd.f32 v3, v3;
	v3 =	vmul.f32 v3, v8  }
0x144: {  	vm14 =	vgt.f32 v31, $0.0e+00;
	v56 =	vmax.f32 v10, $0.0e+00;
	[tilespmem:s21+$0x20] =	vst v2;
	v34 =	vand.u32 $0x7FFFFFFF, v12  }
0x145: {  	v4 =	vadd.f32 v34, v35;
	[tilespmem:s19+$0x0] =	vst v6;
	v54 =	vadd.f32 $2.000000000e+00, v7;
	vm15 =	vgt.f32 v3, $0.0e+00  }
0x146: {  	s12 =	sadd.s32 $0x80, s12;
	v55 =	vmul.f32 v7, v32;
	[tilespmem:s20+$0x0] =	vst v33;
	v53 =	vmul.f32 v52, v32;
	vm0 =	vmor vm14, vm15  }
0x147: {  	s26 =	simm.s32 $0x5F0;
	s0 =	simm.s32 $0x1BB80;
	s1 =	simm.s32 $0x1B500;
	v57 =	vmul.f32 v56, v56;
	[tilespmem:s19+$0xFFFFFFF0] =	vst v4;
	v3 =	vsel vm0, v54, v7  }
0x148: {  	s3 =	simm.s32 $0x1AE80;
	p0 =	slt.u32 s12, $0x580;
	[tilespmem:s21+$0x0] =	vst v26;
	v4 =	vand.u32 $0x7FFFFFFF, v55;
	v58 =	vand.u32 $0x7FFFFFFF, v53;
	v3 =	vmul.f32 $-3.165000080e-01, v3  }
.Ltmp5:
0x149: {  	s4 =	simm.s32 $0x1A800;
	v60 =	vmul.f32 $5.000000100e-25, v31;
	v61 =	vmul.f32 v57, v56;
	[tilespmem:s20+$0xFFFFFFF0] =	vst v14;
	v59 =	vadd.f32 v58, v4;
	(pc) =	sbr.rel @p0 .LBB2_9-.Ltmp5, $4  }
0x14a: {  	s30 =	simm.s32 $0x19B00;
	s31 =	simm.s32 $0x1A180;
	s2 =	simm.s32 $0x19480;
	[tilespmem:s21+$0xFFFFFFF0] =	vst v19;
	v62 =	vmul.f32 v3, v8  }
0x14b: {  	s23 =	simm.s32 $0x18E00;
	s15 =	sadd.s32 $0x80, s15;
	s13 =	sadd.s32 $0x80, s13;
	v63 =	vmul.f32 v61, v60;
	[tilespmem:s19+$0x30] =	vst v59  }
0x14c: {  	s16 =	sadd.s32 $0x80, s16;
	s17 =	sadd.s32 $0x80, s17;
	s18 =	sadd.s32 $0x80, s18;
	[tilespmem:s20+$0x30] =	vst v62  }
0x14d: {  	s19 =	sadd.s32 $0x80, s19;
	s20 =	sadd.s32 $0x80, s20;
	[tilespmem:s21+$0x30] =	vst v63;
	s21 =	sadd.s32 $0x80, s21  }
.LBB2_10:
0x14e: {  	v0 =	vld [tilespmem:s23+$0x0]  }
0x14f: {  	v1 =	vld [tilespmem:s2+$0x0];
	_ =	sdelay $0x6  }
0x150: {  	v2 =	vld.idx.msk [tilespmem:v0+s22+$0x0], $0xffff  }
0x151: {  	v3 =	vld.idx.msk [tilespmem:v1+s22+$0x0], $0xffff;
	_ =	sdelay $0x4  }
0x152: {  	v4 =	vshll.u32 v2, $0x10;
	v5 =	vshll.u32 v3, $0x10  }
0x153: {  	v4 =	vadd.f32 v5, v4;
	_ =	sdelay $0x1  }
0x154: {  	v4 =	vmul.f32 $5.000000000e-01, v4;
	_ =	sdelay $0x1  }
0x155: {  	v42 =	vshra.s32 v4, $0x1;
	v6 =	vmul.f32 $5.000000000e-01, v4  }
0x156: {  	v5 =	vsub.s32 $0x5F3759DF, v42  }
0x157: {  	v7 =	vmul.f32 v5, v6;
	_ =	sdelay $0x1  }
0x158: {  	v7 =	vmul.f32 v5, v7;
	_ =	sdelay $0x1  }
0x159: {  	v7 =	vsub.f32 $1.500000000e+00, v7  }
0x15a: {  	v8 =	vld [tilespmem:s31+$0x0]  }
0x15b: {  	v5 =	vmul.f32 v5, v7;
	_ =	sdelay $0x1  }
0x15c: {  	v6 =	vmul.f32 v5, v6;
	_ =	sdelay $0x1  }
0x15d: {  	(erf) = vrcp.f32 v8;
	v6 =	vmul.f32 v6, v5;
	_ =	sdelay $0x1  }
0x15e: {  	v0 =	vld.idx.msk [tilespmem:v0+s9+$0x0], $0xffff;
	v6 =	vsub.f32 $1.500000000e+00, v6  }
0x15f: {  	v1 =	vld.idx.msk [tilespmem:v1+s9+$0x0], $0xffff  }
0x160: {  	v5 =	vmul.f32 v6, v5;
	_ =	sdelay $0x1  }
0x161: {  	v5 =	vmul.f32 v5, v4;
	_ =	sdelay $0x1  }
0x162: {  	v43 =	vsub.f32 v0, v1;
	v44 =	vshra.s32 v5, $0x1;
	v45 =	vmul.f32 $5.000000000e-01, v5  }
0x163: {  	v0 =	vor.u32 v0, v1;
	v46 =	vpop (erf);
	v7 =	vsub.s32 $0x5F3759DF, v44  }
0x164: {  	v0 =	vand.u32 $0x1, v0;
	v9 =	vmul.f32 v46, v43;
	v10 =	vmul.f32 v7, v45  }
0x165: {  	vm0 =	veq.s32 v0, $0x0  }
0x166: {  	v0 =	vnsel vm0, $0x0, v9;
	v47 =	vmul.f32 v7, v10  }
0x167: {  	v48 =	vand.u32 $0x7FFFFFFF, v0  }
0x168: {  	v11 =	vshrl.u32 v48, $0x1;
	v10 =	vmul.f32 $5.000000000e-01, v48;
	v9 =	vsub.f32 $1.500000000e+00, v47  }
0x169: {  	v11 =	vsub.s32 $0x5F3759DF, v11  }
0x16a: {  	v12 =	vmul.f32 v11, v10;
	v7 =	vmul.f32 v7, v9;
	_ =	sdelay $0x1  }
0x16b: {  	v49 =	vmul.f32 v11, v12;
	v8 =	vmul.f32 v7, v45;
	_ =	sdelay $0x1  }
0x16c: {  	v9 =	vsub.f32 $1.500000000e+00, v49;
	v8 =	vmul.f32 v8, v7;
	_ =	sdelay $0x1  }
0x16d: {  	v9 =	vmul.f32 v11, v9;
	v8 =	vsub.f32 $1.500000000e+00, v8;
	_ =	sdelay $0x1  }
0x16e: {  	v50 =	vld [tilespmem:s30+$0x0];
	v10 =	vmul.f32 v9, v10;
	v7 =	vmul.f32 v8, v7;
	_ =	sdelay $0x1  }
0x16f: {  	v51 =	vld [tilespmem:s4+$0x0];
	v10 =	vmul.f32 v10, v9;
	v5 =	vmul.f32 v7, v5;
	_ =	sdelay $0x1  }
0x170: {  	v10 =	vsub.f32 $1.500000000e+00, v10;
	v4 =	vmul.f32 v5, v4  }
0x171: {  	v53 =	vmul.f32 v50, v50  }
0x172: {  	v52 =	vmul.f32 v10, v9;
	v4 =	vmul.f32 $-9.999999770e-03, v4  }
0x173: {  	v55 =	vmul.f32 v53, v50;
	v54 =	vsub.f32 v43, v51  }
0x174: {  	v2 =	vand.u32 $0xFFFF0000, v2;
	v3 =	vand.u32 $0xFFFF0000, v3;
	v4 =	vmul.f32 v4, v52  }
0x175: {  	v2 =	vadd.f32 v3, v2;
	v1 =	vmul.f32 v54, v46  }
0x176: {  	v56 =	vmul.f32 $-1.000000010e-01, v55;
	v4 =	vmul.f32 v4, v0  }
0x177: {  	v2 =	vmul.f32 $5.000000000e-01, v2;
	v1 =	vnsel vm0, $0x0, v1  }
0x178: {  	v58 =	vmul.f32 v56, v0;
	v57 =	vadd.f32 v4, v4;
	v4 =	vmul.f32 v4, v1  }
0x179: {  	vm15 =	vgt.f32 v50, $0.0e+00  }
0x17a: {  	v2 =	vmax.f32 v2, $0.0e+00;
	v60 =	vadd.f32 $2.000000000e+00, v58;
	vm1 =	vgt.f32 v4, $0.0e+00  }
0x17b: {  	v59 =	vmul.f32 v57, v0;
	v0 =	vmul.f32 v58, v0;
	vm0 =	vmor vm15, vm1  }
0x17c: {  	s26 =	sadd.s32 $0x10, s26;
	v61 =	vmul.f32 v2, v2;
	v3 =	vsel vm0, v60, v58  }
0x17d: {  	p0 =	slt.u32 s26, $0x630;
	v5 =	vand.u32 $0x7FFFFFFF, v59;
	v0 =	vand.u32 $0x7FFFFFFF, v0;
	v3 =	vmul.f32 $-3.165000080e-01, v3  }
.Ltmp6:
0x17e: {  	v62 =	vmul.f32 $5.000000100e-25, v50;
	v2 =	vmul.f32 v61, v2;
	v0 =	vadd.f32 v5, v0;
	(pc) =	sbr.rel @p0 .LBB2_10-.Ltmp6, $4  }
0x17f: {  	v1 =	vmul.f32 v3, v1  }
0x180: {  	s4 =	sadd.s32 $0x10, s4;
	s30 =	sadd.s32 $0x10, s30;
	v63 =	vmul.f32 v2, v62;
	[tilespmem:s3+$0x0] =	vst v0  }
0x181: {  	s31 =	sadd.s32 $0x10, s31;
	s2 =	sadd.s32 $0x10, s2;
	s23 =	sadd.s32 $0x10, s23;
	[tilespmem:s1+$0x0] =	vst v1  }
0x182: {  	s3 =	sadd.s32 $0x10, s3;
	s1 =	sadd.s32 $0x10, s1;
	[tilespmem:s0+$0x0] =	vst v63;
	s0 =	sadd.s32 $0x10, s0  }
0x183: {  	p0 =	seq.s32 s28, $0x0  }
0x184: {  	s0 =	simm.s32 @!p0 $0x2  }
0x185: {  	_ =	swait.ge @!p0 [sflag:s0], $0x640  }
0x186: {  	s1 =	sshll.u32 s28, $0x5;
	[sflag:s0] =	ssyncset.done @!p0 $0x0  }
0x187: {  	s1 =	sor.u32 s11, s1;
	[sflag:s0] =	ssyncadd.s32 @!p0 $0xFFFFF9C0  }
0x188: {  	s1 =	smul.u32 $0x640, s1;
	_ =	swait.ge @!p0 [sflag:s0], $0x640  }
0x189: {  	[sflag:s0] =	ssyncset.done @!p0 $0x0  }
0x18a: {  	s1 =	sshrl.u32 s1, $0x3;
	[sflag:s0] =	ssyncadd.s32 @!p0 $0xFFFFF9C0  }
0x18b: {  	s21 =	sadd.s32 s5, s1;
	s23 =	sadd.s32 s6, s1;
	_ =	swait.ge @!p0 [sflag:s0], $0x640  }
0x18c: {  	s30 =	sadd.s32 s8, s1;
	s1 =	sor.u32 $0x1, s28;
	[sflag:s0] =	ssyncset.done @!p0 $0x0  }
0x18d: {  	s2 =	simm.s32 $0x1A880;
	[sflag:s0] =	ssyncadd.s32 @!p0 $0xFFFFF9C0;
	p0 =	slt.u32 s1, s14  }
0x18e: {  	[hbm4b:s21+s9] =	stream.linear.scatter [tilespmem:s2], [sflag:$0x2], $0x640, $0x38;
	[tilespmem:$0x1F000] =	vst v63  }
.Ltmp7:
0x18f: {  	_ = 	snop;
	(pc) =	sbr.rel @!p0 .LBB2_14-.Ltmp7, $4  }
0x190: {  	s26 =	simm.s32 $0x1AF00  }
0x191: {  	[hbm4b:s23+s9] =	stream.linear.scatter [tilespmem:s26], [sflag:$0x2], $0x640, $0x38;
	[tilespmem:$0x1F000] =	vst v63  }
0x192: {  	s31 =	simm.s32 $0x1B580  }
0x193: {  	[hbm4b:s30+s9] =	stream.linear.scatter [tilespmem:s31], [sflag:$0x2], $0x640, $0x38;
	[tilespmem:$0x1F000] =	vst v63  }
.Ltmp8:
0x194: {  	(pc) =	sbr.rel .LBB2_13-.Ltmp8, $3  }
0x195: {  	_ =	sdelay $0x1  }
0x196: {  	s0 =	simm.s32 $0x1D600;
	s2 =	simm.s32 $0x1CF80  }
0x197: {  	s3 =	simm.s32 $0x1C900;
	s4 =	simm.s32 $0x1C280;
	s12 =	simm.s32 $0x1BC00  }
.LBB2_3:
0x198: {  	s13 =	simm.s32 $0x1BC40;
	s15 =	simm.s32 $0x1C2C0  }
0x199: {  	s16 =	simm.s32 $0x1CFC0;
	s17 =	simm.s32 $0x1C940;
	s18 =	simm.s32 $0x1D640  }
0x19a: {  	s19 =	simm.s32 $0x1DCC0;
	s20 =	simm.s32 $0x1E340;
	s21 =	simm.s32 $0x1E9C0  }
.LBB2_4:
0x19b: {  	v2 =	vld [tilespmem:s13+$0xFFFFFFC0]  }
0x19c: {  	v3 =	vld [tilespmem:s15+$0xFFFFFFC0];
	_ =	sdelay $0x6  }
0x19d: {  	v1 =	vld.idx.msk [tilespmem:v2+s22+$0x0], $0xffff  }
0x19e: {  	v0 =	vld.idx.msk [tilespmem:v3+s22+$0x0], $0xffff;
	_ =	sdelay $0x4  }
0x19f: {  	v4 =	vshll.u32 v1, $0x10;
	v5 =	vshll.u32 v0, $0x10  }
0x1a0: {  	v4 =	vadd.f32 v5, v4;
	_ =	sdelay $0x1  }
0x1a1: {  	v5 =	vmul.f32 $5.000000000e-01, v4;
	_ =	sdelay $0x1  }
0x1a2: {  	v4 =	vshra.s32 v5, $0x1;
	v6 =	vmul.f32 $5.000000000e-01, v5  }
0x1a3: {  	v4 =	vsub.s32 $0x5F3759DF, v4  }
0x1a4: {  	v7 =	vmul.f32 v4, v6  }
0x1a5: {  	v9 =	vld [tilespmem:s15+$0xFFFFFFD0]  }
0x1a6: {  	v8 =	vld [tilespmem:s13+$0xFFFFFFD0];
	v7 =	vmul.f32 v4, v7;
	_ =	sdelay $0x1  }
0x1a7: {  	v7 =	vsub.f32 $1.500000000e+00, v7;
	_ =	sdelay $0x1  }
0x1a8: {  	v7 =	vmul.f32 v4, v7  }
0x1a9: {  	v10 =	vld [tilespmem:s16+$0xFFFFFFC0]  }
0x1aa: {  	v4 =	vmul.f32 v7, v6  }
0x1ab: {  	v6 =	vld.idx.msk [tilespmem:v9+s22+$0x0], $0xffff  }
0x1ac: {  	v33 =	vmul.f32 v4, v7;
	v4 =	vld.idx.msk [tilespmem:v8+s22+$0x0], $0xffff;
	_ =	sdelay $0x1  }
0x1ad: {  	(erf) = vrcp.f32 v10;
	v2 =	vld.idx.msk [tilespmem:v2+s9+$0x0], $0xffff  }
0x1ae: {  	v3 =	vld.idx.msk [tilespmem:v3+s9+$0x0], $0xffff  }
0x1af: {  	v10 =	vsub.f32 $1.500000000e+00, v33  }
0x1b0: {  	v11 =	vshll.u32 v6, $0x10;
	v34 =	vshll.u32 v4, $0x10  }
0x1b1: {  	v7 =	vmul.f32 v10, v7;
	v10 =	vadd.f32 v11, v34;
	_ =	sdelay $0x1  }
0x1b2: {  	v35 =	vsub.f32 v2, v3;
	v2 =	vor.u32 v2, v3;
	v10 =	vmul.f32 $5.000000000e-01, v10  }
0x1b3: {  	v2 =	vand.u32 $0x1, v2;
	v7 =	vmul.f32 v7, v5  }
0x1b4: {  	vm1 =	veq.s32 v2, $0x0;
	v37 =	vshra.s32 v10, $0x1;
	v16 =	vmul.f32 $5.000000000e-01, v10  }
0x1b5: {  	v36 =	vpop (erf);
	v12 =	vshra.s32 v7, $0x1;
	v13 =	vmul.f32 $5.000000000e-01, v7;
	v2 =	vsub.s32 $0x5F3759DF, v37  }
0x1b6: {  	v14 =	vmul.f32 v36, v35;
	v12 =	vsub.s32 $0x5F3759DF, v12;
	v18 =	vmul.f32 v2, v16  }
0x1b7: {  	v15 =	vmul.f32 v12, v13  }
0x1b8: {  	v14 =	vnsel vm1, $0x0, v14;
	v18 =	vmul.f32 v2, v18  }
0x1b9: {  	v17 =	vand.u32 $0x7FFFFFFF, v14;
	v15 =	vmul.f32 v12, v15  }
0x1ba: {  	v19 =	vshrl.u32 v17, $0x1;
	v17 =	vmul.f32 $5.000000000e-01, v17;
	v18 =	vsub.f32 $1.500000000e+00, v18  }
0x1bb: {  	v19 =	vsub.s32 $0x5F3759DF, v19;
	v15 =	vsub.f32 $1.500000000e+00, v15  }
0x1bc: {  	v38 =	vld [tilespmem:s16+$0xFFFFFFD0];
	v20 =	vmul.f32 v19, v17;
	v2 =	vmul.f32 v2, v18  }
0x1bd: {  	v12 =	vmul.f32 v12, v15  }
0x1be: {  	v48 =	vld [tilespmem:s17+$0xFFFFFFC0];
	v20 =	vmul.f32 v19, v20;
	v16 =	vmul.f32 v2, v16  }
0x1bf: {  	v9 =	vld.idx.msk [tilespmem:v9+s9+$0x0], $0xffff;
	v13 =	vmul.f32 v12, v13  }
0x1c0: {  	v39 =	vsub.f32 $1.500000000e+00, v20;
	v8 =	vld.idx.msk [tilespmem:v8+s9+$0x0], $0xffff;
	v40 =	vmul.f32 v16, v2  }
0x1c1: {  	v44 =	vld [tilespmem:s13+$0xFFFFFFE0];
	(erf) = vrcp.f32 v38;
	v13 =	vmul.f32 v13, v12  }
0x1c2: {  	v18 =	vmul.f32 v19, v39;
	v42 =	vsub.f32 $1.500000000e+00, v40  }
0x1c3: {  	v55 =	vmul.f32 v48, v48;
	v13 =	vsub.f32 $1.500000000e+00, v13  }
0x1c4: {  	v45 =	vld [tilespmem:s15+$0xFFFFFFE0];
	v41 =	vmul.f32 v18, v17;
	v2 =	vmul.f32 v42, v2  }
0x1c5: {  	v1 =	vand.u32 $0xFFFF0000, v1;
	v50 =	vsub.f32 v8, v9;
	v12 =	vmul.f32 v13, v12  }
0x1c6: {  	v24 =	vld [tilespmem:s18+$0xFFFFFFC0];
	v8 =	vor.u32 v8, v9;
	v43 =	vmul.f32 v41, v18;
	v47 =	vmul.f32 v2, v10  }
0x1c7: {  	v0 =	vand.u32 $0xFFFF0000, v0;
	v8 =	vand.u32 $0x1, v8;
	v7 =	vmul.f32 v12, v7  }
0x1c8: {  	v46 =	vsub.f32 $1.500000000e+00, v43;
	v51 =	vshra.s32 v47, $0x1;
	v52 =	vmul.f32 $5.000000000e-01, v47  }
0x1c9: {  	vm0 =	veq.s32 v8, $0x0;
	v8 =	vld.idx.msk [tilespmem:v44+s22+$0x0], $0xffff;
	v5 =	vmul.f32 v7, v5;
	v54 =	vsub.s32 $0x5F3759DF, v51  }
0x1ca: {  	v0 =	vadd.f32 v0, v1;
	v49 =	vmul.f32 v46, v18;
	v18 =	vpop (erf);
	v9 =	vmul.f32 v54, v52  }
0x1cb: {  	v24 =	vsub.f32 v35, v24;
	v53 =	vmul.f32 v18, v50;
	v5 =	vmul.f32 $-9.999999770e-03, v5  }
0x1cc: {  	v0 =	vmul.f32 $5.000000000e-01, v0;
	v22 =	vmul.f32 v54, v9;
	v9 =	vld.idx.msk [tilespmem:v45+s22+$0x0], $0xffff  }
0x1cd: {  	v24 =	vmul.f32 v24, v36;
	v2 =	vmul.f32 v5, v49;
	v5 =	vnsel vm0, $0x0, v53  }
0x1ce: {  	v59 =	vshll.u32 v8, $0x10;
	v19 =	vmul.f32 v55, v48;
	v21 =	vand.u32 $0x7FFFFFFF, v5  }
0x1cf: {  	v56 =	vshrl.u32 v21, $0x1;
	v21 =	vmul.f32 $5.000000000e-01, v21;
	v57 =	vsub.f32 $1.500000000e+00, v22  }
0x1d0: {  	v15 =	vmul.f32 $5.000000100e-25, v48;
	v19 =	vmul.f32 $-1.000000010e-01, v19;
	v25 =	vsub.s32 $0x5F3759DF, v56  }
0x1d1: {  	v58 =	vmul.f32 v25, v21;
	v20 =	vmul.f32 v54, v57;
	v27 =	vshll.u32 v9, $0x10  }
0x1d2: {  	v19 =	vmul.f32 v19, v14;
	v23 =	vmul.f32 v2, v14;
	v27 =	vadd.f32 v27, v59  }
0x1d3: {  	v0 =	vmax.f32 v0, $0.0e+00;
	v22 =	vmul.f32 v25, v58;
	v13 =	vmul.f32 v20, v52  }
0x1d4: {  	v24 =	vnsel vm1, $0x0, v24;
	v3 =	vmul.f32 v19, v14;
	v11 =	vmul.f32 $5.000000000e-01, v27  }
0x1d5: {  	v32 =	vld [tilespmem:s16+$0xFFFFFFE0];
	v26 =	vadd.f32 v23, v23;
	v22 =	vsub.f32 $1.500000000e+00, v22;
	v13 =	vmul.f32 v13, v20  }
0x1d6: {  	v23 =	vmul.f32 v23, v24;
	v60 =	vshra.s32 v11, $0x1;
	v61 =	vmul.f32 $5.000000000e-01, v11  }
0x1d7: {  	v22 =	vmul.f32 v25, v22;
	v13 =	vsub.f32 $1.500000000e+00, v13;
	v63 =	vsub.s32 $0x5F3759DF, v60  }
0x1d8: {  	v40 =	vmul.f32 v0, v0;
	vm2 =	vgt.f32 v23, $0.0e+00;
	v23 =	vld [tilespmem:s15+$0xFFFFFFF0];
	v29 =	vmul.f32 v63, v61  }
0x1d9: {  	v62 =	vmul.f32 v22, v21;
	v13 =	vmul.f32 v13, v20;
	v20 =	vld [tilespmem:s13+$0xFFFFFFF0]  }
0x1da: {  	(erf) = vrcp.f32 v32;
	v30 =	vmul.f32 v63, v29  }
0x1db: {  	v36 =	vld [tilespmem:s18+$0xFFFFFFD0];
	v6 =	vand.u32 $0xFFFF0000, v6;
	v2 =	vmul.f32 v26, v14;
	v14 =	vmul.f32 v62, v22  }
0x1dc: {  	v39 =	vld.idx.msk [tilespmem:v44+s9+$0x0], $0xffff;
	v46 =	vand.u32 $0xFFFF0000, v4;
	v7 =	vmul.f32 v13, v47;
	v13 =	vsub.f32 $1.500000000e+00, v30  }
0x1dd: {  	v0 =	vmul.f32 v40, v0;
	v6 =	vadd.f32 v6, v46;
	v59 =	vld [tilespmem:s16+$0xFFFFFFF0];
	v14 =	vsub.f32 $1.500000000e+00, v14  }
0x1de: {  	vm7 =	vgt.f32 v48, $0.0e+00;
	v25 =	vld [tilespmem:s17+$0xFFFFFFD0];
	v7 =	vmul.f32 v7, v10;
	v35 =	vmul.f32 v63, v13  }
0x1df: {  	v31 =	vadd.f32 $2.000000000e+00, v19;
	v43 =	vld.idx.msk [tilespmem:v45+s9+$0x0], $0xffff;
	v6 =	vmul.f32 $5.000000000e-01, v6;
	v33 =	vmul.f32 v14, v22  }
0x1e0: {  	v3 =	vand.u32 $0x7FFFFFFF, v3;
	v7 =	vmul.f32 $-9.999999770e-03, v7;
	v13 =	vld.idx.msk [tilespmem:v23+s22+$0x0], $0xffff;
	v37 =	vmul.f32 v35, v61  }
0x1e1: {  	v0 =	vmul.f32 v0, v15;
	v6 =	vmax.f32 v6, $0.0e+00;
	vm1 =	vmor vm7, vm2;
	v12 =	vld.idx.msk [tilespmem:v20+s22+$0x0], $0xffff  }
0x1e2: {  	v34 =	vsel vm1, v31, v19;
	v1 =	vmul.f32 v7, v33;
	v7 =	vmul.f32 v37, v35  }
0x1e3: {  	v19 =	vpop (erf);
	v2 =	vand.u32 $0x7FFFFFFF, v2;
	(erf) = vrcp.f32 v59;
	v38 =	vmul.f32 v25, v25  }
0x1e4: {  	v47 =	vsub.f32 v50, v36;
	v50 =	vor.u32 v39, v43;
	v7 =	vsub.f32 $1.500000000e+00, v7  }
0x1e5: {  	v36 =	vmul.f32 $5.000000100e-25, v25;
	v42 =	vmul.f32 v38, v25;
	v22 =	vsub.f32 v39, v43  }
0x1e6: {  	v49 =	vshll.u32 v13, $0x10;
	v48 =	vshll.u32 v12, $0x10;
	v7 =	vmul.f32 v7, v35  }
0x1e7: {  	v14 =	vmul.f32 $-3.165000080e-01, v34;
	v16 =	vmul.f32 v47, v18;
	v51 =	vadd.f32 v49, v48  }
0x1e8: {  	v52 =	vand.u32 $0x1, v50;
	v55 =	vmul.f32 v19, v22;
	v7 =	vmul.f32 v7, v11  }
0x1e9: {  	vm8 =	veq.s32 v52, $0x0;
	v34 =	vmul.f32 v6, v6;
	v10 =	vmul.f32 $5.000000000e-01, v51  }
0x1ea: {  	v18 =	vnsel vm8, $0x0, v55;
	v53 =	vshra.s32 v7, $0x1;
	v54 =	vmul.f32 $5.000000000e-01, v7  }
0x1eb: {  	v57 =	vshra.s32 v10, $0x1;
	v28 =	vmul.f32 $5.000000000e-01, v10;
	v21 =	vsub.s32 $0x5F3759DF, v53  }
0x1ec: {  	v29 =	vand.u32 $0x7FFFFFFF, v18;
	v27 =	vsub.s32 $0x5F3759DF, v57;
	v56 =	vmul.f32 v21, v54  }
0x1ed: {  	v30 =	vshrl.u32 v29, $0x1;
	v29 =	vmul.f32 $5.000000000e-01, v29;
	v31 =	vmul.f32 v27, v28  }
0x1ee: {  	v6 =	vmul.f32 v34, v6;
	v30 =	vsub.s32 $0x5F3759DF, v30;
	v17 =	vmul.f32 v21, v56  }
0x1ef: {  	v2 =	vadd.f32 v2, v3;
	v32 =	vmul.f32 v30, v29;
	v31 =	vmul.f32 v27, v31  }
0x1f0: {  	v44 =	vmul.f32 $-1.000000010e-01, v42;
	v6 =	vmul.f32 v6, v36;
	v17 =	vsub.f32 $1.500000000e+00, v17  }
0x1f1: {  	v41 =	vmul.f32 v1, v5;
	v58 =	vmul.f32 v30, v32;
	v31 =	vsub.f32 $1.500000000e+00, v31  }
0x1f2: {  	v16 =	vnsel vm0, $0x0, v16;
	v1 =	vmul.f32 v14, v24;
	v17 =	vmul.f32 v21, v17  }
0x1f3: {  	v14 =	vmul.f32 v44, v5;
	v21 =	vsub.f32 $1.500000000e+00, v58;
	v62 =	vmul.f32 v27, v31  }
0x1f4: {  	v44 =	vld [tilespmem:s18+$0xFFFFFFE0];
	v45 =	vadd.f32 v41, v41;
	v26 =	vmul.f32 v41, v16;
	v60 =	vmul.f32 v17, v54  }
0x1f5: {  	v59 =	vand.u32 $0xFFFF0000, v9;
	v21 =	vmul.f32 v30, v21;
	v63 =	vmul.f32 v62, v28;
	v28 =	vld [tilespmem:s13+$0x0]  }
0x1f6: {  	vm9 =	vgt.f32 v25, $0.0e+00;
	v4 =	vmul.f32 v45, v5;
	v15 =	vmul.f32 v60, v17  }
0x1f7: {  	v20 =	vld.idx.msk [tilespmem:v20+s9+$0x0], $0xffff;
	v61 =	vadd.f32 $2.000000000e+00, v14;
	v5 =	vmul.f32 v14, v5;
	v33 =	vmul.f32 v21, v29  }
0x1f8: {  	vm10 =	vgt.f32 v26, $0.0e+00;
	v24 =	vmul.f32 v63, v62;
	v29 =	vld [tilespmem:s15+$0x0];
	v15 =	vsub.f32 $1.500000000e+00, v15  }
0x1f9: {  	v35 =	vld.idx.msk [tilespmem:v23+s9+$0x0], $0xffff;
	vm0 =	vmor vm9, vm10;
	v22 =	vsub.f32 v22, v44;
	v37 =	vmul.f32 v33, v21  }
0x1fa: {  	v14 =	vsel vm0, v61, v14;
	v27 =	vld [tilespmem:s17+$0xFFFFFFE0];
	v24 =	vsub.f32 $1.500000000e+00, v24;
	v15 =	vmul.f32 v15, v17  }
0x1fb: {  	v14 =	vmul.f32 $-3.165000080e-01, v14;
	v57 =	vmul.f32 v22, v19;
	v38 =	vsub.f32 $1.500000000e+00, v37  }
0x1fc: {  	v48 =	vand.u32 $0xFFFF0000, v8;
	v39 =	vmul.f32 v24, v62;
	v15 =	vmul.f32 v15, v7  }
0x1fd: {  	v22 =	vadd.f32 v59, v48;
	v7 =	vmul.f32 v14, v16;
	v14 =	vmul.f32 v38, v21;
	v21 =	vld.idx.msk [tilespmem:v28+s22+$0x0], $0xffff  }
0x1fe: {  	v23 =	vsub.f32 v20, v35;
	v17 =	vor.u32 v20, v35;
	v40 =	vmul.f32 v39, v10;
	v38 =	vld [tilespmem:s16+$0x0]  }
0x1ff: {  	v22 =	vmul.f32 $5.000000000e-01, v22;
	v41 =	vmul.f32 v27, v27;
	v17 =	vand.u32 $0x1, v17  }
0x200: {  	v24 =	vpop (erf);
	v11 =	vmul.f32 v15, v11;
	v42 =	vshra.s32 v40, $0x1;
	v43 =	vmul.f32 $5.000000000e-01, v40;
	v20 =	vld.idx.msk [tilespmem:v29+s22+$0x0], $0xffff  }
0x201: {  	v16 =	vmul.f32 v41, v27;
	v45 =	vmul.f32 v24, v23;
	v46 =	vsub.s32 $0x5F3759DF, v42  }
0x202: {  	vm11 =	veq.s32 v17, $0x0;
	v11 =	vmul.f32 $-9.999999770e-03, v11;
	v47 =	vmul.f32 v46, v43  }
0x203: {  	v50 =	vmul.f32 $-1.000000010e-01, v16;
	v34 =	vshll.u32 v21, $0x10;
	(erf) = vrcp.f32 v38  }
0x204: {  	v49 =	vmul.f32 v11, v14;
	v14 =	vnsel vm11, $0x0, v45;
	v17 =	vmul.f32 v46, v47  }
0x205: {  	v11 =	vmul.f32 v50, v18;
	v51 =	vand.u32 $0x7FFFFFFF, v14;
	v35 =	vshll.u32 v20, $0x10  }
0x206: {  	v52 =	vmul.f32 v49, v18;
	v53 =	vshrl.u32 v51, $0x1;
	v16 =	vmul.f32 $5.000000000e-01, v51  }
0x207: {  	v54 =	vsub.f32 $1.500000000e+00, v17;
	v58 =	vadd.f32 v35, v34;
	v33 =	vsub.s32 $0x5F3759DF, v53  }
0x208: {  	vm12 =	vgt.f32 v27, $0.0e+00;
	v9 =	vmul.f32 v11, v18;
	v56 =	vmul.f32 v33, v16  }
0x209: {  	v17 =	vnsel vm8, $0x0, v57;
	v31 =	vmul.f32 v46, v54;
	v19 =	vmul.f32 $5.000000000e-01, v58  }
0x20a: {  	v37 =	vadd.f32 $2.000000000e+00, v11;
	v61 =	vmul.f32 v52, v17;
	v26 =	vmul.f32 v33, v56  }
0x20b: {  	v25 =	vmul.f32 v31, v43;
	v62 =	vshra.s32 v19, $0x1;
	v63 =	vmul.f32 $5.000000000e-01, v19  }
0x20c: {  	v47 =	vld.idx.msk [tilespmem:v29+s9+$0x0], $0xffff;
	v55 =	vadd.f32 v52, v52;
	v30 =	vsub.s32 $0x5F3759DF, v62;
	v60 =	vsub.f32 $1.500000000e+00, v26  }
0x20d: {  	v46 =	vld.idx.msk [tilespmem:v28+s9+$0x0], $0xffff;
	vm13 =	vgt.f32 v61, $0.0e+00;
	v25 =	vmul.f32 v25, v31;
	v36 =	vmul.f32 v30, v63  }
0x20e: {  	v8 =	vmul.f32 v55, v18;
	vm1 =	vmor vm12, vm13;
	v18 =	vmul.f32 v33, v60  }
0x20f: {  	v11 =	vsel vm1, v37, v11;
	v25 =	vsub.f32 $1.500000000e+00, v25;
	v26 =	vmul.f32 v30, v36  }
0x210: {  	v4 =	vand.u32 $0x7FFFFFFF, v4;
	v39 =	vld [tilespmem:s18+$0xFFFFFFF0];
	v11 =	vmul.f32 $-3.165000080e-01, v11;
	v16 =	vmul.f32 v18, v16  }
0x211: {  	v27 =	vmul.f32 $5.000000100e-25, v27;
	v25 =	vmul.f32 v25, v31;
	v31 =	vld [tilespmem:s17+$0xFFFFFFF0];
	v26 =	vsub.f32 $1.500000000e+00, v26  }
0x212: {  	v28 =	vsub.f32 v46, v47;
	v33 =	vld [tilespmem:s15+$0x10];
	v11 =	vmul.f32 v11, v17;
	v16 =	vmul.f32 v16, v18  }
0x213: {  	v22 =	vmax.f32 v22, $0.0e+00;
	v29 =	vpop (erf);
	v15 =	vmul.f32 v25, v40;
	v26 =	vmul.f32 v30, v26;
	v30 =	vld [tilespmem:s13+$0x10]  }
0x214: {  	v56 =	vmul.f32 v29, v28;
	v40 =	vmul.f32 v22, v22;
	v16 =	vsub.f32 $1.500000000e+00, v16  }
0x215: {  	v5 =	vand.u32 $0x7FFFFFFF, v5;
	v10 =	vmul.f32 v15, v10;
	v34 =	vmul.f32 v26, v63  }
0x216: {  	v43 =	vsub.f32 v23, v39;
	v41 =	vmul.f32 v31, v31;
	v16 =	vmul.f32 v16, v18  }
0x217: {  	v50 =	vand.u32 $0xFFFF0000, v12;
	v10 =	vmul.f32 $-9.999999770e-03, v10;
	v44 =	vmul.f32 v34, v26  }
0x218: {  	v52 =	vand.u32 $0xFFFF0000, v13;
	v18 =	vmul.f32 v43, v24;
	v42 =	vmul.f32 v41, v31  }
0x219: {  	v15 =	vmul.f32 v40, v22;
	v22 =	vadd.f32 v52, v50;
	v10 =	vmul.f32 v10, v16  }
0x21a: {  	v23 =	vsub.f32 $1.500000000e+00, v44;
	v49 =	vnsel vm11, $0x0, v18;
	v18 =	vld.idx.msk [tilespmem:v33+s22+$0x0], $0xffff;
	v16 =	vmul.f32 $-1.000000010e-01, v42  }
0x21b: {  	v4 =	vadd.f32 v4, v5;
	v22 =	vmul.f32 $5.000000000e-01, v22;
	v45 =	vmul.f32 v10, v14;
	v17 =	vld.idx.msk [tilespmem:v30+s22+$0x0], $0xffff  }
0x21c: {  	v53 =	vor.u32 v46, v47;
	v23 =	vmul.f32 v23, v26;
	v16 =	vmul.f32 v16, v14  }
0x21d: {  	v10 =	vmul.f32 v15, v27;
	v48 =	vadd.f32 v45, v45;
	v51 =	vmul.f32 v45, v49  }
0x21e: {  	vm14 =	vgt.f32 v31, $0.0e+00;
	v23 =	vmul.f32 v23, v19;
	v13 =	vmul.f32 v16, v14  }
0x21f: {  	v36 =	vshll.u32 v18, $0x10;
	v38 =	vadd.f32 $2.000000000e+00, v16;
	v12 =	vmul.f32 v48, v14  }
0x220: {  	vm15 =	vgt.f32 v51, $0.0e+00;
	v54 =	vshra.s32 v23, $0x1;
	v58 =	vshll.u32 v17, $0x10  }
0x221: {  	v34 =	vld [tilespmem:s13+$0x20];
	v55 =	vmul.f32 $5.000000000e-01, v23;
	v14 =	vand.u32 $0x1, v53;
	v59 =	vadd.f32 v36, v58  }
0x222: {  	v37 =	vld [tilespmem:s15+$0x20];
	v15 =	vsub.s32 $0x5F3759DF, v54;
	vm4 =	veq.s32 v14, $0x0;
	vm1 =	vmor vm14, vm15  }
0x223: {  	v57 =	vmul.f32 v15, v55;
	v24 =	vnsel vm4, $0x0, v56;
	v25 =	vmul.f32 $5.000000000e-01, v59  }
0x224: {  	v31 =	vmul.f32 $5.000000100e-25, v31;
	v16 =	vsel vm1, v38, v16;
	v61 =	vand.u32 $0x7FFFFFFF, v24  }
0x225: {  	v60 =	vmul.f32 v15, v57;
	v44 =	vshra.s32 v25, $0x1;
	v39 =	vmul.f32 $5.000000000e-01, v25  }
0x226: {  	v42 =	vld [tilespmem:s16+$0x10];
	v62 =	vshrl.u32 v61, $0x1;
	v36 =	vmul.f32 $5.000000000e-01, v61;
	v41 =	vsub.s32 $0x5F3759DF, v44  }
0x227: {  	v63 =	vsub.s32 $0x5F3759DF, v62;
	v35 =	vsub.f32 $1.500000000e+00, v60;
	v46 =	vmul.f32 v41, v39  }
0x228: {  	v21 =	vand.u32 $0xFFFF0000, v21;
	v45 =	vmul.f32 $-3.165000080e-01, v16;
	v40 =	vmul.f32 v63, v36  }
0x229: {  	v22 =	vmax.f32 v22, $0.0e+00;
	v16 =	vld.idx.msk [tilespmem:v34+s22+$0x0], $0xffff;
	v35 =	vmul.f32 v15, v35;
	v26 =	vmul.f32 v41, v46  }
0x22a: {  	v18 =	vand.u32 $0xFFFF0000, v18;
	v48 =	vmul.f32 v22, v22;
	v40 =	vmul.f32 v63, v40;
	v15 =	vld.idx.msk [tilespmem:v37+s22+$0x0], $0xffff  }
0x22b: {  	(erf) = vrcp.f32 v42;
	v32 =	vmul.f32 v35, v55;
	v26 =	vsub.f32 $1.500000000e+00, v26  }
0x22c: {  	v17 =	vand.u32 $0xFFFF0000, v17;
	v22 =	vmul.f32 v48, v22;
	v48 =	vld [tilespmem:s18+$0x0];
	v47 =	vsub.f32 $1.500000000e+00, v40  }
0x22d: {  	v17 =	vadd.f32 v18, v17;
	v32 =	vmul.f32 v32, v35;
	v26 =	vmul.f32 v41, v26  }
0x22e: {  	v14 =	vmul.f32 v45, v49;
	v50 =	vshll.u32 v16, $0x10;
	v38 =	vmul.f32 v63, v47  }
0x22f: {  	v51 =	vshll.u32 v15, $0x10;
	v49 =	vsub.f32 $1.500000000e+00, v32;
	v39 =	vmul.f32 v26, v39  }
0x230: {  	v52 =	vld.idx.msk [tilespmem:v33+s9+$0x0], $0xffff;
	v17 =	vmul.f32 $5.000000000e-01, v17;
	v36 =	vmul.f32 v38, v36;
	v32 =	vadd.f32 v51, v50  }
0x231: {  	v30 =	vld.idx.msk [tilespmem:v30+s9+$0x0], $0xffff;
	v28 =	vsub.f32 v28, v48;
	v35 =	vmul.f32 v49, v35;
	v53 =	vmul.f32 v39, v26  }
0x232: {  	v9 =	vand.u32 $0x7FFFFFFF, v9;
	v36 =	vmul.f32 v36, v38;
	v27 =	vmul.f32 $5.000000000e-01, v32  }
0x233: {  	v28 =	vmul.f32 v28, v29;
	v23 =	vmul.f32 v35, v23;
	v57 =	vsub.f32 $1.500000000e+00, v53  }
0x234: {  	v54 =	vsub.f32 $1.500000000e+00, v36;
	v55 =	vshra.s32 v27, $0x1;
	v56 =	vmul.f32 $5.000000000e-01, v27  }
0x235: {  	v58 =	vsub.s32 $0x5F3759DF, v55;
	v19 =	vmul.f32 v23, v19;
	v23 =	vmul.f32 v57, v26  }
0x236: {  	v45 =	vld [tilespmem:s16+$0x20];
	v35 =	vmul.f32 v54, v38;
	v36 =	vmul.f32 v58, v56;
	v38 =	vsub.f32 v30, v52  }
0x237: {  	v59 =	vor.u32 v30, v52;
	v30 =	vpop (erf);
	v19 =	vmul.f32 $-9.999999770e-03, v19;
	v32 =	vmul.f32 v23, v25  }
0x238: {  	v8 =	vand.u32 $0x7FFFFFFF, v8;
	v26 =	vld [tilespmem:s17+$0x0];
	v36 =	vmul.f32 v58, v36;
	v60 =	vmul.f32 v30, v38  }
0x239: {  	v35 =	vmul.f32 v19, v35;
	v61 =	vshra.s32 v32, $0x1;
	v62 =	vmul.f32 $5.000000000e-01, v32  }
0x23a: {  	v19 =	vand.u32 $0x1, v59;
	v36 =	vsub.f32 $1.500000000e+00, v36;
	v63 =	vsub.s32 $0x5F3759DF, v61  }
0x23b: {  	(erf) = vrcp.f32 v45;
	vm5 =	veq.s32 v19, $0x0;
	v43 =	vmul.f32 v63, v62  }
0x23c: {  	v34 =	vld.idx.msk [tilespmem:v34+s9+$0x0], $0xffff;
	v19 =	vmul.f32 v22, v31;
	v23 =	vnsel vm5, $0x0, v60;
	v33 =	vmul.f32 v58, v36  }
0x23d: {  	v37 =	vld.idx.msk [tilespmem:v37+s9+$0x0], $0xffff;
	v49 =	vmul.f32 v26, v26;
	v50 =	vand.u32 $0x7FFFFFFF, v23;
	v43 =	vmul.f32 v63, v43  }
0x23e: {  	v51 =	vmul.f32 v35, v24;
	v44 =	vshrl.u32 v50, $0x1;
	v42 =	vmul.f32 $5.000000000e-01, v50  }
0x23f: {  	v46 =	vmul.f32 v49, v26;
	v44 =	vsub.s32 $0x5F3759DF, v44;
	v52 =	vsub.f32 $1.500000000e+00, v43  }
0x240: {  	v17 =	vmax.f32 v17, $0.0e+00;
	v41 =	vld [tilespmem:s15+$0x30];
	v39 =	vmul.f32 v33, v56;
	v47 =	vmul.f32 v44, v42  }
0x241: {  	v48 =	vand.u32 $0xFFFF0000, v20;
	v53 =	vmul.f32 $-1.000000010e-01, v46;
	v46 =	vld [tilespmem:s13+$0x30];
	v55 =	vmul.f32 v63, v52  }
0x242: {  	v36 =	vsub.f32 v34, v37;
	v34 =	vor.u32 v34, v37;
	v39 =	vmul.f32 v39, v33  }
0x243: {  	v57 =	vadd.f32 v51, v51;
	v54 =	vmul.f32 v44, v47;
	v58 =	vmul.f32 v55, v62  }
0x244: {  	vm8 =	vgt.f32 v26, $0.0e+00;
	v26 =	vmul.f32 $5.000000100e-25, v26;
	v39 =	vsub.f32 $1.500000000e+00, v39  }
0x245: {  	v22 =	vmul.f32 v57, v24;
	v47 =	vld [tilespmem:s17+$0x10];
	v56 =	vsub.f32 $1.500000000e+00, v54;
	v60 =	vmul.f32 v58, v55  }
0x246: {  	v35 =	vmul.f32 v53, v24;
	v33 =	vmul.f32 v39, v33;
	v39 =	vnsel vm4, $0x0, v28  }
0x247: {  	v37 =	vpop (erf);
	v31 =	vmul.f32 v51, v39;
	v59 =	vmul.f32 v44, v56;
	v28 =	vsub.f32 $1.500000000e+00, v60  }
0x248: {  	v51 =	vmul.f32 v37, v36;
	v24 =	vmul.f32 v35, v24;
	v44 =	vadd.f32 v48, v21;
	v21 =	vld.idx.msk [tilespmem:v41+s22+$0x0], $0xffff  }
0x249: {  	v50 =	vand.u32 $0x1, v34;
	v61 =	vmul.f32 v59, v42;
	v20 =	vld.idx.msk [tilespmem:v46+s22+$0x0], $0xffff;
	v28 =	vmul.f32 v28, v55  }
0x24a: {  	vm6 =	veq.s32 v50, $0x0;
	v33 =	vmul.f32 v33, v27;
	v50 =	vmul.f32 v47, v47  }
0x24b: {  	v53 =	vld [tilespmem:s18+$0x10];
	vm7 =	vgt.f32 v31, $0.0e+00;
	v29 =	vmul.f32 v61, v59;
	v28 =	vmul.f32 v28, v32  }
0x24c: {  	v62 =	vshra.s32 v33, $0x1;
	v63 =	vmul.f32 $5.000000000e-01, v33;
	v44 =	vmul.f32 $5.000000000e-01, v44  }
0x24d: {  	v48 =	vld [tilespmem:s16+$0x30];
	v42 =	vsub.s32 $0x5F3759DF, v62;
	v29 =	vsub.f32 $1.500000000e+00, v29;
	v28 =	vmul.f32 v28, v25  }
0x24e: {  	v49 =	vmul.f32 v42, v63;
	v55 =	vshll.u32 v21, $0x10;
	v54 =	vshll.u32 v20, $0x10  }
0x24f: {  	v29 =	vmul.f32 v29, v59;
	v40 =	vadd.f32 v55, v54;
	v28 =	vmul.f32 $-9.999999770e-03, v28  }
0x250: {  	v34 =	vsub.f32 v38, v53;
	vm1 =	vmor vm8, vm7;
	v45 =	vmul.f32 v42, v49  }
0x251: {  	v49 =	vadd.f32 $2.000000000e+00, v35;
	v29 =	vmul.f32 v28, v29;
	v28 =	vmul.f32 $5.000000000e-01, v40  }
0x252: {  	v30 =	vmul.f32 v34, v30;
	(erf) = vrcp.f32 v48;
	v52 =	vsub.f32 $1.500000000e+00, v45  }
0x253: {  	v35 =	vsel vm1, v49, v35;
	v60 =	vshra.s32 v28, $0x1;
	v61 =	vmul.f32 $5.000000000e-01, v28  }
0x254: {  	v54 =	vmul.f32 v50, v47;
	v25 =	vnsel vm6, $0x0, v51;
	v38 =	vsub.s32 $0x5F3759DF, v60  }
0x255: {  	v32 =	vmul.f32 v42, v52;
	v52 =	vld [tilespmem:s18+$0x20];
	v56 =	vand.u32 $0x7FFFFFFF, v25;
	v62 =	vmul.f32 v38, v61  }
0x256: {  	v55 =	vmul.f32 $-3.165000080e-01, v35;
	v57 =	vshrl.u32 v56, $0x1;
	v45 =	vmul.f32 $5.000000000e-01, v56  }
0x257: {  	v43 =	vmul.f32 v32, v63;
	v42 =	vsub.s32 $0x5F3759DF, v57;
	v34 =	vmul.f32 v38, v62  }
0x258: {  	v44 =	vmax.f32 v44, $0.0e+00;
	v56 =	vmul.f32 $-1.000000010e-01, v54;
	v58 =	vmul.f32 v42, v45  }
0x259: {  	v63 =	vmul.f32 v44, v44;
	v59 =	vmul.f32 v43, v32;
	v34 =	vsub.f32 $1.500000000e+00, v34  }
0x25a: {  	v35 =	vmul.f32 v56, v23;
	v36 =	vsub.f32 v36, v52;
	v31 =	vmul.f32 v42, v58  }
0x25b: {  	v56 =	vmul.f32 $5.000000100e-25, v47;
	v40 =	vsub.f32 $1.500000000e+00, v59;
	v34 =	vmul.f32 v38, v34  }
0x25c: {  	v29 =	vmul.f32 v29, v23;
	v36 =	vmul.f32 v36, v37;
	v31 =	vsub.f32 $1.500000000e+00, v31  }
0x25d: {  	vm10 =	vgt.f32 v47, $0.0e+00;
	v32 =	vmul.f32 v40, v32;
	v43 =	vmul.f32 v34, v61  }
0x25e: {  	v30 =	vnsel vm5, $0x0, v30;
	v40 =	vmul.f32 v63, v44;
	v31 =	vmul.f32 v42, v31  }
0x25f: {  	v60 =	vadd.f32 $2.000000000e+00, v35;
	v51 =	vmul.f32 v29, v30;
	v57 =	vmul.f32 v43, v34  }
0x260: {  	v58 =	vld.idx.msk [tilespmem:v46+s9+$0x0], $0xffff;
	v29 =	vadd.f32 v29, v29;
	v32 =	vmul.f32 v32, v33;
	v45 =	vmul.f32 v31, v45  }
0x261: {  	v59 =	vld.idx.msk [tilespmem:v41+s9+$0x0], $0xffff;
	v33 =	vmul.f32 v55, v39;
	v26 =	vmul.f32 v40, v26;
	v38 =	vsub.f32 $1.500000000e+00, v57  }
0x262: {  	vm9 =	vgt.f32 v51, $0.0e+00;
	v29 =	vmul.f32 v29, v23;
	v53 =	vmul.f32 v45, v31  }
0x263: {  	v23 =	vmul.f32 v35, v23;
	vm1 =	vmor vm10, vm9;
	v34 =	vmul.f32 v38, v34  }
0x264: {  	v32 =	vmul.f32 v32, v27;
	v37 =	vsel vm1, v60, v35;
	v27 =	vsub.f32 $1.500000000e+00, v53  }
0x265: {  	v16 =	vand.u32 $0xFFFF0000, v16;
	v37 =	vmul.f32 $-3.165000080e-01, v37;
	v34 =	vmul.f32 v34, v28  }
0x266: {  	v39 =	vsub.f32 v58, v59;
	v32 =	vmul.f32 $-9.999999770e-03, v32;
	v31 =	vmul.f32 v27, v31  }
0x267: {  	v53 =	vmul.f32 v17, v17;
	v62 =	vshra.s32 v34, $0x1;
	v63 =	vmul.f32 $5.000000000e-01, v34  }
0x268: {  	v31 =	vmul.f32 v32, v31;
	v32 =	vor.u32 v58, v59;
	v38 =	vpop (erf);
	v40 =	vsub.s32 $0x5F3759DF, v62  }
0x269: {  	v27 =	vld [tilespmem:s17+$0x20];
	v32 =	vand.u32 $0x1, v32;
	v45 =	vmul.f32 v38, v39;
	v46 =	vmul.f32 v40, v63  }
0x26a: {  	v5 =	vmul.f32 v37, v30;
	v17 =	vmul.f32 v53, v17;
	vm13 =	veq.s32 v32, $0x0  }
0x26b: {  	v59 =	vand.u32 $0xFFFF0000, v15;
	v32 =	vnsel vm13, $0x0, v45;
	v48 =	vmul.f32 v40, v46  }
0x26c: {  	[tilespmem:s19+$0xFFFFFFC0] =	vst v2;
	v17 =	vmul.f32 v17, v56;
	v2 =	vadd.f32 v59, v16;
	v49 =	vand.u32 $0x7FFFFFFF, v32  }
0x26d: {  	v50 =	vshrl.u32 v49, $0x1;
	v18 =	vmul.f32 $5.000000000e-01, v49;
	v42 =	vsub.f32 $1.500000000e+00, v48  }
0x26e: {  	v31 =	vmul.f32 v31, v25;
	v52 =	vmul.f32 v27, v27;
	v43 =	vsub.s32 $0x5F3759DF, v50  }
0x26f: {  	v36 =	vnsel vm6, $0x0, v36;
	v51 =	vmul.f32 v43, v18;
	v40 =	vmul.f32 v40, v42  }
0x270: {  	v8 =	vadd.f32 v8, v9;
	v2 =	vmul.f32 $5.000000000e-01, v2;
	v61 =	vmul.f32 v31, v36  }
0x271: {  	vm11 =	vgt.f32 v27, $0.0e+00;
	v3 =	vmul.f32 v43, v51;
	v41 =	vmul.f32 v40, v63  }
0x272: {  	v31 =	vadd.f32 v31, v31;
	v35 =	vmul.f32 v52, v27;
	v2 =	vmax.f32 v2, $0.0e+00  }
0x273: {  	vm12 =	vgt.f32 v61, $0.0e+00;
	v3 =	vsub.f32 $1.500000000e+00, v3;
	v41 =	vmul.f32 v41, v40  }
0x274: {  	v60 =	vmul.f32 v31, v25;
	vm1 =	vmor vm11, vm12;
	v54 =	vmul.f32 $-1.000000010e-01, v35  }
0x275: {  	v35 =	vand.u32 $0x7FFFFFFF, v13;
	v3 =	vmul.f32 v43, v3;
	v55 =	vsub.f32 $1.500000000e+00, v41  }
0x276: {  	v45 =	vand.u32 $0x7FFFFFFF, v29;
	v30 =	vmul.f32 v54, v25;
	v49 =	vand.u32 $0xFFFF0000, v20  }
0x277: {  	[tilespmem:s19+$0xFFFFFFE0] =	vst v8;
	v31 =	vld [tilespmem:s17+$0x30];
	v46 =	vand.u32 $0x7FFFFFFF, v23;
	v18 =	vmul.f32 v3, v18;
	v57 =	vmul.f32 v55, v40  }
0x278: {  	[tilespmem:s20+$0xFFFFFFE0] =	vst v11;
	v50 =	vand.u32 $0xFFFF0000, v21;
	v58 =	vadd.f32 $2.000000000e+00, v30;
	v61 =	vmul.f32 v30, v25  }
0x279: {  	[tilespmem:s21+$0xFFFFFFE0] =	vst v10;
	v10 =	vadd.f32 v50, v49;
	v63 =	vld [tilespmem:s18+$0x30];
	v18 =	vmul.f32 v18, v3;
	v9 =	vmul.f32 v57, v34  }
0x27a: {  	[tilespmem:s20+$0xFFFFFFC0] =	vst v1;
	v47 =	vadd.f32 v45, v46;
	v62 =	vsel vm1, v58, v30;
	v51 =	vmul.f32 $5.000000100e-25, v27  }
0x27b: {  	[tilespmem:s21+$0xFFFFFFC0] =	vst v0;
	v10 =	vmul.f32 $5.000000000e-01, v10;
	v18 =	vsub.f32 $1.500000000e+00, v18;
	v9 =	vmul.f32 v9, v28  }
0x27c: {  	[tilespmem:s19+$0xFFFFFFD0] =	vst v4;
	v48 =	vand.u32 $0x7FFFFFFF, v60;
	v30 =	vmul.f32 $-3.165000080e-01, v62;
	v43 =	vmul.f32 v31, v31  }
0x27d: {  	[tilespmem:s20+$0xFFFFFFD0] =	vst v7;
	v1 =	vand.u32 $0x7FFFFFFF, v61;
	v3 =	vmul.f32 v18, v3;
	v37 =	vmul.f32 $-9.999999770e-03, v9  }
0x27e: {  	[tilespmem:s21+$0xFFFFFFD0] =	vst v6;
	v42 =	vmul.f32 v2, v2;
	v0 =	vmul.f32 v30, v36;
	v41 =	vsub.f32 v39, v63  }
0x27f: {  	[tilespmem:s19+$0x10] =	vst v47;
	v1 =	vadd.f32 v48, v1;
	v7 =	vmul.f32 v43, v31;
	v3 =	vmul.f32 v37, v3  }
0x280: {  	[tilespmem:s20+$0x10] =	vst v5;
	v36 =	vand.u32 $0x7FFFFFFF, v22;
	v2 =	vmul.f32 v42, v2;
	v44 =	vmul.f32 v41, v38  }
0x281: {  	[tilespmem:s21+$0x10] =	vst v17;
	v7 =	vmul.f32 $-1.000000010e-01, v7;
	v40 =	vand.u32 $0x7FFFFFFF, v24;
	v3 =	vmul.f32 v3, v32  }
0x282: {  	[tilespmem:s19+$0x20] =	vst v1;
	v2 =	vmul.f32 v2, v51;
	v6 =	vadd.f32 v36, v40;
	v8 =	vnsel vm13, $0x0, v44  }
0x283: {  	[tilespmem:s20+$0x20] =	vst v0;
	v7 =	vmul.f32 v7, v32;
	v52 =	vadd.f32 v3, v3;
	v3 =	vmul.f32 v3, v8  }
0x284: {  	vm14 =	vgt.f32 v31, $0.0e+00;
	v56 =	vmax.f32 v10, $0.0e+00;
	[tilespmem:s21+$0x20] =	vst v2;
	v34 =	vand.u32 $0x7FFFFFFF, v12  }
0x285: {  	v4 =	vadd.f32 v34, v35;
	[tilespmem:s19+$0x0] =	vst v6;
	v54 =	vadd.f32 $2.000000000e+00, v7;
	vm15 =	vgt.f32 v3, $0.0e+00  }
0x286: {  	s12 =	sadd.s32 $0x80, s12;
	v55 =	vmul.f32 v7, v32;
	[tilespmem:s20+$0x0] =	vst v33;
	v53 =	vmul.f32 v52, v32;
	vm0 =	vmor vm14, vm15  }
0x287: {  	s26 =	simm.s32 $0x5F0;
	s0 =	simm.s32 $0x1EF80;
	s1 =	simm.s32 $0x1E900;
	v57 =	vmul.f32 v56, v56;
	[tilespmem:s19+$0xFFFFFFF0] =	vst v4;
	v3 =	vsel vm0, v54, v7  }
0x288: {  	s3 =	simm.s32 $0x1E280;
	p0 =	slt.u32 s12, $0x580;
	[tilespmem:s21+$0x0] =	vst v26;
	v4 =	vand.u32 $0x7FFFFFFF, v55;
	v58 =	vand.u32 $0x7FFFFFFF, v53;
	v3 =	vmul.f32 $-3.165000080e-01, v3  }
.Ltmp9:
0x289: {  	s4 =	simm.s32 $0x1DC00;
	v60 =	vmul.f32 $5.000000100e-25, v31;
	v61 =	vmul.f32 v57, v56;
	[tilespmem:s20+$0xFFFFFFF0] =	vst v14;
	v59 =	vadd.f32 v58, v4;
	(pc) =	sbr.rel @p0 .LBB2_4-.Ltmp9, $4  }
0x28a: {  	s30 =	simm.s32 $0x1CF00;
	s31 =	simm.s32 $0x1D580;
	s2 =	simm.s32 $0x1C880;
	[tilespmem:s21+$0xFFFFFFF0] =	vst v19;
	v62 =	vmul.f32 v3, v8  }
0x28b: {  	s23 =	simm.s32 $0x1C200;
	s15 =	sadd.s32 $0x80, s15;
	s13 =	sadd.s32 $0x80, s13;
	v63 =	vmul.f32 v61, v60;
	[tilespmem:s19+$0x30] =	vst v59  }
0x28c: {  	s16 =	sadd.s32 $0x80, s16;
	s17 =	sadd.s32 $0x80, s17;
	s18 =	sadd.s32 $0x80, s18;
	[tilespmem:s20+$0x30] =	vst v62  }
0x28d: {  	s19 =	sadd.s32 $0x80, s19;
	s20 =	sadd.s32 $0x80, s20;
	[tilespmem:s21+$0x30] =	vst v63;
	s21 =	sadd.s32 $0x80, s21  }
.LBB2_5:
0x28e: {  	v0 =	vld [tilespmem:s23+$0x0]  }
0x28f: {  	v1 =	vld [tilespmem:s2+$0x0];
	_ =	sdelay $0x6  }
0x290: {  	v2 =	vld.idx.msk [tilespmem:v0+s22+$0x0], $0xffff  }
0x291: {  	v3 =	vld.idx.msk [tilespmem:v1+s22+$0x0], $0xffff;
	_ =	sdelay $0x4  }
0x292: {  	v4 =	vshll.u32 v2, $0x10;
	v5 =	vshll.u32 v3, $0x10  }
0x293: {  	v4 =	vadd.f32 v5, v4;
	_ =	sdelay $0x1  }
0x294: {  	v4 =	vmul.f32 $5.000000000e-01, v4;
	_ =	sdelay $0x1  }
0x295: {  	v42 =	vshra.s32 v4, $0x1;
	v6 =	vmul.f32 $5.000000000e-01, v4  }
0x296: {  	v5 =	vsub.s32 $0x5F3759DF, v42  }
0x297: {  	v7 =	vmul.f32 v5, v6;
	_ =	sdelay $0x1  }
0x298: {  	v7 =	vmul.f32 v5, v7;
	_ =	sdelay $0x1  }
0x299: {  	v7 =	vsub.f32 $1.500000000e+00, v7  }
0x29a: {  	v8 =	vld [tilespmem:s31+$0x0]  }
0x29b: {  	v5 =	vmul.f32 v5, v7;
	_ =	sdelay $0x1  }
0x29c: {  	v6 =	vmul.f32 v5, v6;
	_ =	sdelay $0x1  }
0x29d: {  	(erf) = vrcp.f32 v8;
	v6 =	vmul.f32 v6, v5;
	_ =	sdelay $0x1  }
0x29e: {  	v0 =	vld.idx.msk [tilespmem:v0+s9+$0x0], $0xffff;
	v6 =	vsub.f32 $1.500000000e+00, v6  }
0x29f: {  	v1 =	vld.idx.msk [tilespmem:v1+s9+$0x0], $0xffff  }
0x2a0: {  	v5 =	vmul.f32 v6, v5;
	_ =	sdelay $0x1  }
0x2a1: {  	v5 =	vmul.f32 v5, v4;
	_ =	sdelay $0x1  }
0x2a2: {  	v43 =	vsub.f32 v0, v1;
	v44 =	vshra.s32 v5, $0x1;
	v45 =	vmul.f32 $5.000000000e-01, v5  }
0x2a3: {  	v0 =	vor.u32 v0, v1;
	v46 =	vpop (erf);
	v7 =	vsub.s32 $0x5F3759DF, v44  }
0x2a4: {  	v0 =	vand.u32 $0x1, v0;
	v9 =	vmul.f32 v46, v43;
	v10 =	vmul.f32 v7, v45  }
0x2a5: {  	vm0 =	veq.s32 v0, $0x0  }
0x2a6: {  	v0 =	vnsel vm0, $0x0, v9;
	v47 =	vmul.f32 v7, v10  }
0x2a7: {  	v48 =	vand.u32 $0x7FFFFFFF, v0  }
0x2a8: {  	v11 =	vshrl.u32 v48, $0x1;
	v10 =	vmul.f32 $5.000000000e-01, v48;
	v9 =	vsub.f32 $1.500000000e+00, v47  }
0x2a9: {  	v11 =	vsub.s32 $0x5F3759DF, v11  }
0x2aa: {  	v12 =	vmul.f32 v11, v10;
	v7 =	vmul.f32 v7, v9;
	_ =	sdelay $0x1  }
0x2ab: {  	v49 =	vmul.f32 v11, v12;
	v8 =	vmul.f32 v7, v45;
	_ =	sdelay $0x1  }
0x2ac: {  	v9 =	vsub.f32 $1.500000000e+00, v49;
	v8 =	vmul.f32 v8, v7;
	_ =	sdelay $0x1  }
0x2ad: {  	v9 =	vmul.f32 v11, v9;
	v8 =	vsub.f32 $1.500000000e+00, v8;
	_ =	sdelay $0x1  }
0x2ae: {  	v50 =	vld [tilespmem:s30+$0x0];
	v10 =	vmul.f32 v9, v10;
	v7 =	vmul.f32 v8, v7;
	_ =	sdelay $0x1  }
0x2af: {  	v51 =	vld [tilespmem:s4+$0x0];
	v10 =	vmul.f32 v10, v9;
	v5 =	vmul.f32 v7, v5;
	_ =	sdelay $0x1  }
0x2b0: {  	v10 =	vsub.f32 $1.500000000e+00, v10;
	v4 =	vmul.f32 v5, v4  }
0x2b1: {  	v53 =	vmul.f32 v50, v50  }
0x2b2: {  	v52 =	vmul.f32 v10, v9;
	v4 =	vmul.f32 $-9.999999770e-03, v4  }
0x2b3: {  	v55 =	vmul.f32 v53, v50;
	v54 =	vsub.f32 v43, v51  }
0x2b4: {  	v2 =	vand.u32 $0xFFFF0000, v2;
	v3 =	vand.u32 $0xFFFF0000, v3;
	v4 =	vmul.f32 v4, v52  }
0x2b5: {  	v2 =	vadd.f32 v3, v2;
	v1 =	vmul.f32 v54, v46  }
0x2b6: {  	v56 =	vmul.f32 $-1.000000010e-01, v55;
	v4 =	vmul.f32 v4, v0  }
0x2b7: {  	v2 =	vmul.f32 $5.000000000e-01, v2;
	v1 =	vnsel vm0, $0x0, v1  }
0x2b8: {  	v58 =	vmul.f32 v56, v0;
	v57 =	vadd.f32 v4, v4;
	v4 =	vmul.f32 v4, v1  }
0x2b9: {  	vm15 =	vgt.f32 v50, $0.0e+00  }
0x2ba: {  	v2 =	vmax.f32 v2, $0.0e+00;
	v60 =	vadd.f32 $2.000000000e+00, v58;
	vm1 =	vgt.f32 v4, $0.0e+00  }
0x2bb: {  	v59 =	vmul.f32 v57, v0;
	v0 =	vmul.f32 v58, v0;
	vm0 =	vmor vm15, vm1  }
0x2bc: {  	s26 =	sadd.s32 $0x10, s26;
	v61 =	vmul.f32 v2, v2;
	v3 =	vsel vm0, v60, v58  }
0x2bd: {  	p0 =	slt.u32 s26, $0x630;
	v5 =	vand.u32 $0x7FFFFFFF, v59;
	v0 =	vand.u32 $0x7FFFFFFF, v0;
	v3 =	vmul.f32 $-3.165000080e-01, v3  }
.Ltmp10:
0x2be: {  	v62 =	vmul.f32 $5.000000100e-25, v50;
	v2 =	vmul.f32 v61, v2;
	v0 =	vadd.f32 v5, v0;
	(pc) =	sbr.rel @p0 .LBB2_5-.Ltmp10, $4  }
0x2bf: {  	v1 =	vmul.f32 v3, v1  }
0x2c0: {  	s4 =	sadd.s32 $0x10, s4;
	s30 =	sadd.s32 $0x10, s30;
	v63 =	vmul.f32 v2, v62;
	[tilespmem:s3+$0x0] =	vst v0  }
0x2c1: {  	s31 =	sadd.s32 $0x10, s31;
	s2 =	sadd.s32 $0x10, s2;
	s23 =	sadd.s32 $0x10, s23;
	[tilespmem:s1+$0x0] =	vst v1  }
0x2c2: {  	s3 =	sadd.s32 $0x10, s3;
	s1 =	sadd.s32 $0x10, s1;
	[tilespmem:s0+$0x0] =	vst v63;
	s0 =	sadd.s32 $0x10, s0  }
0x2c3: {  	_ =	swait.ge [sflag:s7], $0x640  }
0x2c4: {  	[sflag:s7] =	ssyncset.done $0x0  }
0x2c5: {  	[sflag:s7] =	ssyncadd.s32 $0xFFFFF9C0  }
0x2c6: {  	s0 =	sshll.u32 s28, $0x5;
	_ =	swait.ge [sflag:s7], $0x640  }
0x2c7: {  	s0 =	sor.u32 s11, s0;
	[sflag:s7] =	ssyncset.done $0x0  }
0x2c8: {  	s0 =	smul.u32 $0x640, s0;
	[sflag:s7] =	ssyncadd.s32 $0xFFFFF9C0  }
0x2c9: {  	_ =	swait.ge [sflag:s7], $0x640  }
0x2ca: {  	s0 =	sshrl.u32 s0, $0x3;
	[sflag:s7] =	ssyncset.done $0x0  }
0x2cb: {  	s2 =	simm.s32 $0x1DC80;
	s1 =	sadd.s32 s5, s0;
	[sflag:s7] =	ssyncadd.s32 $0xFFFFF9C0  }
0x2cc: {  	[hbm4b:s1+s9] =	stream.linear.scatter [tilespmem:s2], [sflag:$0x2], $0x640, $0x38;
	[tilespmem:$0x1F000] =	vst v63  }
0x2cd: {  	s1 =	sadd.s32 $0x1, s28  }
0x2ce: {  	p0 =	sge.u32 s1, s14  }
.Ltmp11:
0x2cf: {  	_ = 	snop;
	(pc) =	sbr.rel @p0 .LBB2_14-.Ltmp11, $4  }
0x2d0: {  	s30 =	simm.s32 $0x1E300;
	s26 =	sadd.s32 s6, s0  }
0x2d1: {  	[hbm4b:s26+s9] =	stream.linear.scatter [tilespmem:s30], [sflag:$0x2], $0x640, $0x38;
	[tilespmem:$0x1F000] =	vst v63  }
0x2d2: {  	s31 =	simm.s32 $0x1E980;
	s0 =	sadd.s32 s8, s0  }
0x2d3: {  	[hbm4b:s0+s9] =	stream.linear.scatter [tilespmem:s31], [sflag:$0x2], $0x640, $0x38;
	[tilespmem:$0x1F000] =	vst v63  }
.Ltmp12:
0x2d4: {  	(pc) =	sbr.rel .LBB2_13-.Ltmp12, $3  }
0x2d5: {  	_ =	sdelay $0x1  }
0x2d6: {  	s0 =	simm.s32 $0x1A200;
	s2 =	simm.s32 $0x19B80  }
0x2d7: {  	s3 =	simm.s32 $0x19500;
	s4 =	simm.s32 $0x18E80;
	s12 =	simm.s32 $0x18800  }
.LBB2_16:
0x2d8: {  	_ =	sfence.sel $0x180000  }
0x2d9: {  	[bflag:$0x0] =	sbarrier.arrive $0xFFFF  }
0x2da: {  	_ =	strace $0x9000004A  }
0x2db: {  	s0 =	stileid.u32;
	[bflag:$0x2] =	sbarrier.arrive $0xFFFF  }
0x2dc: {  	p0 =	sne.s32 s0, $0x0;
	s0 =	rddreg [dreg:$0x8]  }
0x2dd: {  	s0 =	sadd.s32 @!p0 $0x100000, s0  }
0x2de: {  	[sflag:s0] =	ssyncadd.tile.s32 @!p0 $0x1;
	_ =	shalt  }
.Lfunc_end2:
_tile_overlayer_lowered:
.L_overlay_start_2:
0x2df: {  	(tag) =	ssettag $0x2  }
0x2e0: {  	s0 =	rddreg [dreg:$0x0];
	s2 =	stileid.u32  }
0x2e1: {  	s1 =	rddreg [dreg:$0x1];
	p0 =	sne.s32 s2, $0x0  }
0x2e2: {  	s3 =	rddreg [dreg:$0x2];
	[bflag:$0x3] =	sbarrier.arrive $0xFFFF;
	s2 =	simm.s32 @!p0 $0x1C03  }
0x2e3: {  	[timem:s3], [sflag:s2] =	dma.local @!p0 [hbm:s0], s1  }
0x2e4: {  	s0 =	simm.s32 @!p0 $0x3  }
0x2e5: {  	_ =	swait.ge @!p0 [sflag:s0], s1  }
0x2e6: {  	s1 =	ssub.s32 @!p0 $0x0, s1;
	[sflag:s0] =	ssyncset.done @!p0 $0x0  }
0x2e7: {  	[sflag:s0] =	ssyncadd.s32 @!p0 s1  }
0x2e8: {  	[bflag:$0x3] =	sbarrier.arrive $0xFFFF  }
0x2e9: {  	_ =	shalt  }

</sc_bundles>
